<compile_context>
chip_gen: v7x
topology: tpu7x:2x2x1
jax: 0.10.2.dev20260603
libtpu: 0.0.44.dev20260713+nightly
codegen_flags: <defaults>
</compile_context>

<pallas_src>
import functools

import jax
import jax.numpy as jnp
from jax import lax
from jax.experimental import pallas as pl
from jax.experimental.pallas import tpu as pltpu
from jax.experimental.pallas import tpu_sc as plsc

N = 10000
E = 320000
G = 64
NPAD = 10240
EPAD = 327680
NC = 2
NS = 16
CH = 128
CPW = EPAD // (NC * NS * CH)
ROWS_PER_SUB = NPAD // NS

SCH = 64
NSLOT = 4
KG = 3
IRING = 8

NTOT = EPAD // NS // SCH
N0 = (NTOT * 4) // 5 // 8 * 8
N1 = NTOT - N0

_MESH = dict(core_axis_name="c", subcore_axis_name="s")



def _sc_degree(dst2d, ones128, zeros128):

    @functools.partial(
        pl.kernel,
        out_type=jax.ShapeDtypeStruct((NC * NPAD, 128), jnp.float32),
        mesh=plsc.VectorSubcoreMesh(**_MESH),
        scratch_types=[
            pltpu.VMEM_SHARED((NPAD, 128), jnp.float32),
            pltpu.VMEM((CPW, CH), jnp.int32),
            pltpu.VMEM((CH, 128), jnp.float32),
            pltpu.SemaphoreType.DMA,
        ],
    )
    def k(dst_hbm, ones_hbm, zero_hbm, out_hbm, acc, idst, ones_v, sem):
        cid = lax.axis_index("c")
        sid = lax.axis_index("s")
        w = cid * NS + sid
        pltpu.sync_copy(ones_hbm, ones_v)
        pltpu.sync_copy(dst_hbm.at[pl.ds(w * CPW, CPW)], idst)
        pltpu.sync_copy(zero_hbm.at[pl.ds(sid * ROWS_PER_SUB, ROWS_PER_SUB)],
                        acc.at[pl.ds(sid * ROWS_PER_SUB, ROWS_PER_SUB)])
        plsc.subcore_barrier()

        def body(i, _):
            pltpu.async_copy(ones_v, acc.at[idst.at[i]], sem, add=True).wait()
            return ()

        lax.fori_loop(0, CPW, body, ())
        plsc.subcore_barrier()
        pltpu.sync_copy(
            acc.at[pl.ds(sid * ROWS_PER_SUB, ROWS_PER_SUB)],
            out_hbm.at[pl.ds(cid * NPAD + sid * ROWS_PER_SUB, ROWS_PER_SUB)])

    return k(dst2d, ones128, zeros128).reshape(NC, NPAD, 128)


def _sc_scatter(g, src_flat, dst_flat, zeros, d):

    @functools.partial(
        pl.kernel,
        out_type=jax.ShapeDtypeStruct((NC * NPAD, d), jnp.float32),
        mesh=plsc.VectorSubcoreMesh(**_MESH),
        scratch_types=[
            pltpu.VMEM_SHARED((NPAD, d), jnp.float32),
            pltpu.VMEM((IRING, SCH), jnp.int32),
            pltpu.VMEM((IRING, SCH), jnp.int32),
            pltpu.VMEM((NSLOT, SCH, d), jnp.float32),
            pltpu.SemaphoreType.DMA,
            pltpu.SemaphoreType.DMA,
            pltpu.SemaphoreType.DMA,
        ],
    )
    def k(g_hbm, src_hbm, dst_hbm, zero_hbm, out_hbm,
          acc, isrc, idst, rows, isem, gsem, ssem):
        cid = lax.axis_index("c")
        sid = lax.axis_index("s")
        ncnt = jnp.where(cid == 0, N0, N1)
        ebase = jnp.where(cid == 0, sid * N0, NS * N0 + sid * N1) * SCH

        def idx_copy(i, wait):
            slot = lax.rem(i, IRING)
            srcs = src_hbm.at[pl.ds(ebase + i * SCH, SCH)]
            dsts = dst_hbm.at[pl.ds(ebase + i * SCH, SCH)]
            if wait:
                pltpu.make_async_copy(srcs, isrc.at[slot], isem).wait()
                pltpu.make_async_copy(dsts, idst.at[slot], isem).wait()
            else:
                pltpu.async_copy(srcs, isrc.at[slot], isem)
                pltpu.async_copy(dsts, idst.at[slot], isem)

        def gather(i, wait):
            cp = pltpu.make_async_copy(g_hbm.at[isrc.at[lax.rem(i, IRING)]],
                                       rows.at[lax.rem(i, NSLOT)], gsem)
            cp.wait() if wait else cp.start()

        def scatter(i, wait):
            cp = pltpu.make_async_copy(rows.at[lax.rem(i, NSLOT)],
                                       acc.at[idst.at[lax.rem(i, IRING)]],
                                       ssem)
            cp.wait() if wait else cp.start(add=True)

        for j in range(KG + 2):
            idx_copy(j, False)
        pltpu.sync_copy(zero_hbm.at[pl.ds(sid * ROWS_PER_SUB, ROWS_PER_SUB)],
                        acc.at[pl.ds(sid * ROWS_PER_SUB, ROWS_PER_SUB)])
        plsc.subcore_barrier()
        for j in range(KG):
            idx_copy(j, True)
            gather(j, False)

        def body(i, _):
            gather(i, True)

            @pl.when(i >= 1)
            def _():
                scatter(i - 1, True)

            @pl.when(i <= ncnt - KG - 3)
            def _():
                idx_copy(i + KG + 2, False)

            @pl.when(i <= ncnt - KG - 1)
            def _():
                idx_copy(i + KG, True)
                gather(i + KG, False)

            scatter(i, False)
            return ()

        lax.fori_loop(0, ncnt, body, ())
        scatter(ncnt - 1, True)
        plsc.subcore_barrier()
        pltpu.sync_copy(
            acc.at[pl.ds(sid * ROWS_PER_SUB, ROWS_PER_SUB)],
            out_hbm.at[pl.ds(cid * NPAD + sid * ROWS_PER_SUB, ROWS_PER_SUB)])

    return k(g, src_flat, dst_flat, zeros).reshape(NC, NPAD, d)



_BLK = 512
_GRID = NPAD // _BLK


def _tc_first(xp, p0, p1, maskc, W1):

    def body(x_ref, p0_ref, p1_ref, m_ref, w_ref, g_ref, dinv_ref):
        cnt = p0_ref[:, 0:1] + p1_ref[:, 0:1]
        dinv = m_ref[...] * lax.rsqrt(cnt + 1.0)
        dinv_ref[...] = dinv
        g_ref[...] = dinv * jnp.dot(x_ref[...], w_ref[...],
                                    preferred_element_type=jnp.float32)

    return pl.pallas_call(
        body,
        grid=(_GRID,),
        in_specs=[
            pl.BlockSpec((_BLK, 128), lambda i: (i, 0)),
            pl.BlockSpec((_BLK, 128), lambda i: (i, 0)),
            pl.BlockSpec((_BLK, 128), lambda i: (i, 0)),
            pl.BlockSpec((_BLK, 1), lambda i: (i, 0)),
            pl.BlockSpec((128, 128), lambda i: (0, 0)),
        ],
        out_specs=[
            pl.BlockSpec((_BLK, 128), lambda i: (i, 0)),
            pl.BlockSpec((_BLK, 1), lambda i: (i, 0)),
        ],
        out_shape=[
            jax.ShapeDtypeStruct((NPAD, 128), jnp.float32),
            jax.ShapeDtypeStruct((NPAD, 1), jnp.float32),
        ],
    )(xp, p0, p1, maskc, W1)


def _tc_mid(p0, p1, g_prev, dinv, b_prev, W, dp, dn):

    def body(p0_ref, p1_ref, g_ref, d_ref, b_ref, w_ref, o_ref):
        dinv = d_ref[...]
        h = dinv * (p0_ref[...] + p1_ref[...] + g_ref[...]) + b_ref[...]
        h = jnp.maximum(h, 0.0)
        o_ref[...] = dinv * jnp.dot(h, w_ref[...],
                                    preferred_element_type=jnp.float32)

    return pl.pallas_call(
        body,
        grid=(_GRID,),
        in_specs=[
            pl.BlockSpec((_BLK, dp), lambda i: (i, 0)),
            pl.BlockSpec((_BLK, dp), lambda i: (i, 0)),
            pl.BlockSpec((_BLK, dp), lambda i: (i, 0)),
            pl.BlockSpec((_BLK, 1), lambda i: (i, 0)),
            pl.BlockSpec((1, dp), lambda i: (0, 0)),
            pl.BlockSpec((dp, dn), lambda i: (0, 0)),
        ],
        out_specs=pl.BlockSpec((_BLK, dn), lambda i: (i, 0)),
        out_shape=jax.ShapeDtypeStruct((NPAD, dn), jnp.float32),
    )(p0, p1, g_prev, dinv, b_prev, W)


def _tc_final(p0, p1, g3, dinv, b3, batchf, Wfc, bfc):

    def body(p0_ref, p1_ref, g_ref, d_ref, b_ref, bat_ref, wfc_ref, bfc_ref,
             o_ref, sums, cnts):
        i = pl.program_id(0)

        @pl.when(i == 0)
        def _():
            sums[...] = jnp.zeros_like(sums)
            cnts[...] = jnp.zeros_like(cnts)

        h = d_ref[...] * (p0_ref[...] + p1_ref[...] + g_ref[...]) \
            + b_ref[...]
        seg = lax.broadcasted_iota(jnp.int32, (_BLK, G), 1).astype(jnp.float32)
        pt = (bat_ref[...] == seg).astype(jnp.float32)
        sums[...] += lax.dot_general(pt, h, (((0,), (0,)), ((), ())),
                                     preferred_element_type=jnp.float32)
        cnts[...] += jnp.sum(pt, axis=0).reshape(G, 1)

        @pl.when(i == _GRID - 1)
        def _():
            pooled = sums[...] / jnp.maximum(cnts[...], 1.0)
            o_ref[...] = jnp.dot(pooled, wfc_ref[...],
                                 preferred_element_type=jnp.float32) \
                + bfc_ref[...]

    return pl.pallas_call(
        body,
        grid=(_GRID,),
        in_specs=[
            pl.BlockSpec((_BLK, 128), lambda i: (i, 0)),
            pl.BlockSpec((_BLK, 128), lambda i: (i, 0)),
            pl.BlockSpec((_BLK, 128), lambda i: (i, 0)),
            pl.BlockSpec((_BLK, 1), lambda i: (i, 0)),
            pl.BlockSpec((1, 128), lambda i: (0, 0)),
            pl.BlockSpec((_BLK, 1), lambda i: (i, 0)),
            pl.BlockSpec((128, 12), lambda i: (0, 0)),
            pl.BlockSpec((1, 12), lambda i: (0, 0)),
        ],
        out_specs=pl.BlockSpec((G, 12), lambda i: (0, 0)),
        out_shape=jax.ShapeDtypeStruct((G, 12), jnp.float32),
        scratch_shapes=[
            pltpu.VMEM((G, 128), jnp.float32),
            pltpu.VMEM((G, 1), jnp.float32),
        ],
    )(p0, p1, g3, dinv, b3, batchf, Wfc, bfc)



def kernel(x, edge_index, batch, W1, b1, W2, b2, W3, b3, Wfc, bfc):
    pad_e = EPAD - E
    src = jnp.concatenate(
        [edge_index[0].astype(jnp.int32), jnp.full((pad_e,), N, jnp.int32)])
    dst = jnp.concatenate(
        [edge_index[1].astype(jnp.int32), jnp.full((pad_e,), N, jnp.int32)])
    dst2d = dst.reshape(EPAD // CH, CH)

    xp = jnp.pad(x, ((0, NPAD - N), (0, 0)))
    maskc = (jnp.arange(NPAD, dtype=jnp.int32) < N)[:, None] \
        .astype(jnp.float32)
    batchf = jnp.pad(batch.astype(jnp.float32), (0, NPAD - N),
                     constant_values=-1.0)[:, None]
    ones128 = jnp.ones((CH, 128), jnp.float32)
    z128 = jnp.zeros((NPAD, 128), jnp.float32)

    W1p = jnp.pad(W1, ((0, 0), (0, 64)))
    b1p = jnp.pad(b1, (0, 64))
    W2p = jnp.pad(W2, ((0, 64), (0, 0)))

    degp = _sc_degree(dst2d, ones128, z128)
    g1, dinv = _tc_first(xp, degp[0], degp[1], maskc, W1p)

    s1 = _sc_scatter(g1, src, dst, z128, 128)
    g2 = _tc_mid(s1[0], s1[1], g1, dinv, b1p[None, :], W2p, 128, 128)

    s2 = _sc_scatter(g2, src, dst, z128, 128)
    g3 = _tc_mid(s2[0], s2[1], g2, dinv, b2[None, :], W3, 128, 128)

    s3 = _sc_scatter(g3, src, dst, z128, 128)
    return _tc_final(s3[0], s3[1], g3, dinv, b3[None, :], batchf,
                     Wfc, bfc[None, :])

# --- scband reference (transcript-rebuilt; emitter-appended) ---
"""Pipeline reference for scband-gnnmolecule-model-2345052143765 (READ-ONLY COPY).

The authoritative reference and input builder live on the scoring server;
editing this copy changes nothing except your own understanding.
"""

import jax, jax.numpy as jnp
import numpy as np

N_NODES = 10000
N_EDGES = 320000
NUM_GRAPHS = 64
D_IN = 128
NUM_TARGETS = 12


def setup_inputs(seed: int = 0) -> dict:
    key = jax.random.key(seed)
    ks = jax.random.split(key, 12)
    x = jax.random.normal(ks[0], (N_NODES, D_IN), dtype=jnp.float32)
    edge_index = jax.random.randint(ks[1], (2, N_EDGES), 0, N_NODES, dtype=jnp.int64)
    batch = jnp.sort(jax.random.randint(ks[2], (N_NODES,), 0, NUM_GRAPHS, dtype=jnp.int64))
    def glorot(k, shape):
        lim = jnp.sqrt(6.0 / (shape[0] + shape[1]))
        return jax.random.uniform(k, shape, dtype=jnp.float32, minval=-lim, maxval=lim)
    W1 = glorot(ks[3], (D_IN, 64)); b1 = jnp.zeros((64,), dtype=jnp.float32)
    W2 = glorot(ks[4], (64, 128)); b2 = jnp.zeros((128,), dtype=jnp.float32)
    W3 = glorot(ks[5], (128, 128)); b3 = jnp.zeros((128,), dtype=jnp.float32)
    Wfc = glorot(ks[6], (128, NUM_TARGETS)); bfc = jnp.zeros((NUM_TARGETS,), dtype=jnp.float32)
    return {"x": x, "edge_index": edge_index, "batch": batch,
            "W1": W1, "b1": b1, "W2": W2, "b2": b2, "W3": W3, "b3": b3,
            "Wfc": Wfc, "bfc": bfc}


def gcn_conv(x, src, dst, norm, W, b, num_nodes):
    # GCNConv: x' = D^{-1/2} (A + I) D^{-1/2} (x W) + b
    h = x @ W
    msg = h[src] * norm[:, None]
    agg = jnp.zeros((num_nodes, h.shape[1]), dtype=h.dtype).at[dst].add(msg)
    return agg + b


def reference(x, edge_index, batch, W1, b1, W2, b2, W3, b3, Wfc, bfc):
    num_nodes = x.shape[0]
    loop = jnp.arange(num_nodes, dtype=edge_index.dtype)
    src = jnp.concatenate([edge_index[0], loop])
    dst = jnp.concatenate([edge_index[1], loop])
    deg = jnp.zeros((num_nodes,), dtype=jnp.float32).at[dst].add(1.0)
    dinv = jnp.where(deg > 0, 1.0 / jnp.sqrt(deg), 0.0)
    norm = dinv[src] * dinv[dst]
    h = jax.nn.relu(gcn_conv(x, src, dst, norm, W1, b1, num_nodes))
    h = jax.nn.relu(gcn_conv(h, src, dst, norm, W2, b2, num_nodes))
    h = gcn_conv(h, src, dst, norm, W3, b3, num_nodes)
    # global_mean_pool over graph batch ids
    sums = jax.ops.segment_sum(h, batch, num_segments=NUM_GRAPHS)
    counts = jax.ops.segment_sum(jnp.ones((num_nodes,), dtype=jnp.float32), batch, num_segments=NUM_GRAPHS)
    pooled = sums / jnp.clip(counts, 1.0)[:, None]
    out = pooled @ Wfc + bfc
    return out

if __name__ == "__main__":
    import jax
    _d = setup_inputs()
    print(jax.jit(kernel)(*tuple(_d.values())))

</pallas_src>

<mosaic_0001>
#map = affine_map<(d0, d1) -> (0, 0)>
#map1 = affine_map<(d0, d1) -> (0)>
module attributes {stable_mosaic.version = 14 : i64} {
  func.func @k(%arg0: i32, %arg1: i32, %arg2: memref<10240x128xf32, #tpu.memory_space<hbm>>, %arg3: memref<327680xi32, #tpu.memory_space<hbm>>, %arg4: memref<327680xi32, #tpu.memory_space<hbm>>, %arg5: memref<10240x128xf32, #tpu.memory_space<hbm>>, %arg6: memref<20480x128xf32, #tpu.memory_space<hbm>>, %arg7: memref<10240x128xf32, #tpu.memory_space<vmem_shared>>, %arg8: memref<8x64xi32, #tpu.memory_space<vmem>>, %arg9: memref<8x64xi32, #tpu.memory_space<vmem>>, %arg10: memref<4x64x128xf32, #tpu.memory_space<vmem>>, %arg11: memref<!tpu.dma_semaphore, #tpu.memory_space<semaphore_mem>>, %arg12: memref<!tpu.dma_semaphore, #tpu.memory_space<semaphore_mem>>, %arg13: memref<!tpu.dma_semaphore, #tpu.memory_space<semaphore_mem>>) attributes {dimension_semantics = [#tpu.dimension_semantics<core_parallel>, #tpu.dimension_semantics<subcore_parallel>], iteration_bounds = array<i64: 2, 16>, scalar_prefetch = 0 : i64, scratch_operands = 7 : i64, tpu.core_type = #tpu.core_type<sc_vector_subcore>, window_params = [{transform_indices = #map}, {transform_indices = #map1}, {transform_indices = #map1}, {transform_indices = #map}, {transform_indices = #map}]} {
    %eq3A = arith.constant 0 : i32
    %eq3A_0 = arith.cmpi eq, %arg0, %eq3A : i32
    %jit3A = arith.constant 256 : i32
    %jit3A_1 = arith.constant 64 : i32
    %select_n3A = arith.select %eq3A_0, %jit3A, %jit3A_1 : i32
    %eq3A_2 = arith.constant 0 : i32
    %eq3A_3 = arith.cmpi eq, %arg0, %eq3A_2 : i32
    %mul3A = arith.constant 256 : i32
    %mul3A_4 = arith.muli %arg1, %mul3A : i32
    %mul3A_5 = arith.constant 64 : i32
    %mul3A_6 = arith.muli %arg1, %mul3A_5 : i32
    %add3A = arith.constant 4096 : i32
    %add3A_7 = arith.addi %add3A, %mul3A_6 : i32
    %select_n3A_8 = arith.select %eq3A_3, %mul3A_4, %add3A_7 : i32
    %mul3A_9 = arith.constant 64 : i32
    %mul3A_10 = arith.muli %select_n3A_8, %mul3A_9 : i32
    %rem3A = arith.constant 0 : i32
    %rem3A_11 = arith.constant 8 : i32
    %rem3A_12 = arith.remsi %rem3A, %rem3A_11 : i32
    %add3A_13 = arith.constant 0 : i32
    %add3A_14 = arith.addi %mul3A_10, %add3A_13 : i32
    %add3A_15 = arith.constant 0 : i32
    %add3A_16 = arith.addi %mul3A_10, %add3A_15 : i32
    %dma_start3A = arith.constant 0 : i32
    %dma_start3A_17 = tpu.memref_slice %arg8[%rem3A_12, %dma_start3A] : memref<8x64xi32, #tpu.memory_space<vmem>> -> memref<1x64xi32, #tpu.memory_space<vmem>>
    %dma_start3A_18 = tpu.memref_squeeze %dma_start3A_17 : memref<1x64xi32, #tpu.memory_space<vmem>> -> memref<64xi32, #tpu.memory_space<vmem>>
    %dma_start3A_19 = tpu.memref_slice %arg3[%add3A_14] : memref<327680xi32, #tpu.memory_space<hbm>> -> memref<64xi32, #tpu.memory_space<hbm>>
    %dma_start3A_20 = arith.constant 0 : i32
    %dma_start3A_21 = tpu.memref_slice %arg8[%rem3A_12, %dma_start3A_20] : memref<8x64xi32, #tpu.memory_space<vmem>> -> memref<1x64xi32, #tpu.memory_space<vmem>>
    %dma_start3A_22 = tpu.memref_squeeze %dma_start3A_21 : memref<1x64xi32, #tpu.memory_space<vmem>> -> memref<64xi32, #tpu.memory_space<vmem>>
    %dma_start3A_23 = tpu.memref_slice %arg3[%add3A_14] : memref<327680xi32, #tpu.memory_space<hbm>> -> memref<64xi32, #tpu.memory_space<hbm>>
    tpu.enqueue_dma source(%dma_start3A_23 : memref<64xi32, #tpu.memory_space<hbm>>) target(%dma_start3A_22 : memref<64xi32, #tpu.memory_space<vmem>>) target_semaphore(%arg11 : memref<!tpu.dma_semaphore, #tpu.memory_space<semaphore_mem>>)
    %dma_start3A_24 = arith.constant 0 : i32
    %dma_start3A_25 = tpu.memref_slice %arg9[%rem3A_12, %dma_start3A_24] : memref<8x64xi32, #tpu.memory_space<vmem>> -> memref<1x64xi32, #tpu.memory_space<vmem>>
    %dma_start3A_26 = tpu.memref_squeeze %dma_start3A_25 : memref<1x64xi32, #tpu.memory_space<vmem>> -> memref<64xi32, #tpu.memory_space<vmem>>
    %dma_start3A_27 = tpu.memref_slice %arg4[%add3A_16] : memref<327680xi32, #tpu.memory_space<hbm>> -> memref<64xi32, #tpu.memory_space<hbm>>
    %dma_start3A_28 = arith.constant 0 : i32
    %dma_start3A_29 = tpu.memref_slice %arg9[%rem3A_12, %dma_start3A_28] : memref<8x64xi32, #tpu.memory_space<vmem>> -> memref<1x64xi32, #tpu.memory_space<vmem>>
    %dma_start3A_30 = tpu.memref_squeeze %dma_start3A_29 : memref<1x64xi32, #tpu.memory_space<vmem>> -> memref<64xi32, #tpu.memory_space<vmem>>
    %dma_start3A_31 = tpu.memref_slice %arg4[%add3A_16] : memref<327680xi32, #tpu.memory_space<hbm>> -> memref<64xi32, #tpu.memory_space<hbm>>
    tpu.enqueue_dma source(%dma_start3A_31 : memref<64xi32, #tpu.memory_space<hbm>>) target(%dma_start3A_30 : memref<64xi32, #tpu.memory_space<vmem>>) target_semaphore(%arg11 : memref<!tpu.dma_semaphore, #tpu.memory_space<semaphore_mem>>)
    %rem3A_32 = arith.constant 1 : i32
    %rem3A_33 = arith.constant 8 : i32
    %rem3A_34 = arith.remsi %rem3A_32, %rem3A_33 : i32
    %add3A_35 = arith.constant 64 : i32
    %add3A_36 = arith.addi %mul3A_10, %add3A_35 : i32
    %add3A_37 = arith.constant 64 : i32
    %add3A_38 = arith.addi %mul3A_10, %add3A_37 : i32
    %dma_start3A_39 = arith.constant 0 : i32
    %dma_start3A_40 = tpu.memref_slice %arg8[%rem3A_34, %dma_start3A_39] : memref<8x64xi32, #tpu.memory_space<vmem>> -> memref<1x64xi32, #tpu.memory_space<vmem>>
    %dma_start3A_41 = tpu.memref_squeeze %dma_start3A_40 : memref<1x64xi32, #tpu.memory_space<vmem>> -> memref<64xi32, #tpu.memory_space<vmem>>
    %dma_start3A_42 = tpu.memref_slice %arg3[%add3A_36] : memref<327680xi32, #tpu.memory_space<hbm>> -> memref<64xi32, #tpu.memory_space<hbm>>
    %dma_start3A_43 = arith.constant 0 : i32
    %dma_start3A_44 = tpu.memref_slice %arg8[%rem3A_34, %dma_start3A_43] : memref<8x64xi32, #tpu.memory_space<vmem>> -> memref<1x64xi32, #tpu.memory_space<vmem>>
    %dma_start3A_45 = tpu.memref_squeeze %dma_start3A_44 : memref<1x64xi32, #tpu.memory_space<vmem>> -> memref<64xi32, #tpu.memory_space<vmem>>
    %dma_start3A_46 = tpu.memref_slice %arg3[%add3A_36] : memref<327680xi32, #tpu.memory_space<hbm>> -> memref<64xi32, #tpu.memory_space<hbm>>
    tpu.enqueue_dma source(%dma_start3A_46 : memref<64xi32, #tpu.memory_space<hbm>>) target(%dma_start3A_45 : memref<64xi32, #tpu.memory_space<vmem>>) target_semaphore(%arg11 : memref<!tpu.dma_semaphore, #tpu.memory_space<semaphore_mem>>)
    %dma_start3A_47 = arith.constant 0 : i32
    %dma_start3A_48 = tpu.memref_slice %arg9[%rem3A_34, %dma_start3A_47] : memref<8x64xi32, #tpu.memory_space<vmem>> -> memref<1x64xi32, #tpu.memory_space<vmem>>
    %dma_start3A_49 = tpu.memref_squeeze %dma_start3A_48 : memref<1x64xi32, #tpu.memory_space<vmem>> -> memref<64xi32, #tpu.memory_space<vmem>>
    %dma_start3A_50 = tpu.memref_slice %arg4[%add3A_38] : memref<327680xi32, #tpu.memory_space<hbm>> -> memref<64xi32, #tpu.memory_space<hbm>>
    %dma_start3A_51 = arith.constant 0 : i32
    %dma_start3A_52 = tpu.memref_slice %arg9[%rem3A_34, %dma_start3A_51] : memref<8x64xi32, #tpu.memory_space<vmem>> -> memref<1x64xi32, #tpu.memory_space<vmem>>
    %dma_start3A_53 = tpu.memref_squeeze %dma_start3A_52 : memref<1x64xi32, #tpu.memory_space<vmem>> -> memref<64xi32, #tpu.memory_space<vmem>>
    %dma_start3A_54 = tpu.memref_slice %arg4[%add3A_38] : memref<327680xi32, #tpu.memory_space<hbm>> -> memref<64xi32, #tpu.memory_space<hbm>>
    tpu.enqueue_dma source(%dma_start3A_54 : memref<64xi32, #tpu.memory_space<hbm>>) target(%dma_start3A_53 : memref<64xi32, #tpu.memory_space<vmem>>) target_semaphore(%arg11 : memref<!tpu.dma_semaphore, #tpu.memory_space<semaphore_mem>>)
    %rem3A_55 = arith.constant 2 : i32
    %rem3A_56 = arith.constant 8 : i32
    %rem3A_57 = arith.remsi %rem3A_55, %rem3A_56 : i32
    %add3A_58 = arith.constant 128 : i32
    %add3A_59 = arith.addi %mul3A_10, %add3A_58 : i32
    %add3A_60 = arith.constant 128 : i32
    %add3A_61 = arith.addi %mul3A_10, %add3A_60 : i32
    %dma_start3A_62 = arith.constant 0 : i32
    %dma_start3A_63 = tpu.memref_slice %arg8[%rem3A_57, %dma_start3A_62] : memref<8x64xi32, #tpu.memory_space<vmem>> -> memref<1x64xi32, #tpu.memory_space<vmem>>
    %dma_start3A_64 = tpu.memref_squeeze %dma_start3A_63 : memref<1x64xi32, #tpu.memory_space<vmem>> -> memref<64xi32, #tpu.memory_space<vmem>>
    %dma_start3A_65 = tpu.memref_slice %arg3[%add3A_59] : memref<327680xi32, #tpu.memory_space<hbm>> -> memref<64xi32, #tpu.memory_space<hbm>>
    %dma_start3A_66 = arith.constant 0 : i32
    %dma_start3A_67 = tpu.memref_slice %arg8[%rem3A_57, %dma_start3A_66] : memref<8x64xi32, #tpu.memory_space<vmem>> -> memref<1x64xi32, #tpu.memory_space<vmem>>
    %dma_start3A_68 = tpu.memref_squeeze %dma_start3A_67 : memref<1x64xi32, #tpu.memory_space<vmem>> -> memref<64xi32, #tpu.memory_space<vmem>>
    %dma_start3A_69 = tpu.memref_slice %arg3[%add3A_59] : memref<327680xi32, #tpu.memory_space<hbm>> -> memref<64xi32, #tpu.memory_space<hbm>>
    tpu.enqueue_dma source(%dma_start3A_69 : memref<64xi32, #tpu.memory_space<hbm>>) target(%dma_start3A_68 : memref<64xi32, #tpu.memory_space<vmem>>) target_semaphore(%arg11 : memref<!tpu.dma_semaphore, #tpu.memory_space<semaphore_mem>>)
    %dma_start3A_70 = arith.constant 0 : i32
    %dma_start3A_71 = tpu.memref_slice %arg9[%rem3A_57, %dma_start3A_70] : memref<8x64xi32, #tpu.memory_space<vmem>> -> memref<1x64xi32, #tpu.memory_space<vmem>>
    %dma_start3A_72 = tpu.memref_squeeze %dma_start3A_71 : memref<1x64xi32, #tpu.memory_space<vmem>> -> memref<64xi32, #tpu.memory_space<vmem>>
    %dma_start3A_73 = tpu.memref_slice %arg4[%add3A_61] : memref<327680xi32, #tpu.memory_space<hbm>> -> memref<64xi32, #tpu.memory_space<hbm>>
    %dma_start3A_74 = arith.constant 0 : i32
    %dma_start3A_75 = tpu.memref_slice %arg9[%rem3A_57, %dma_start3A_74] : memref<8x64xi32, #tpu.memory_space<vmem>> -> memref<1x64xi32, #tpu.memory_space<vmem>>
    %dma_start3A_76 = tpu.memref_squeeze %dma_start3A_75 : memref<1x64xi32, #tpu.memory_space<vmem>> -> memref<64xi32, #tpu.memory_space<vmem>>
    %dma_start3A_77 = tpu.memref_slice %arg4[%add3A_61] : memref<327680xi32, #tpu.memory_space<hbm>> -> memref<64xi32, #tpu.memory_space<hbm>>
    tpu.enqueue_dma source(%dma_start3A_77 : memref<64xi32, #tpu.memory_space<hbm>>) target(%dma_start3A_76 : memref<64xi32, #tpu.memory_space<vmem>>) target_semaphore(%arg11 : memref<!tpu.dma_semaphore, #tpu.memory_space<semaphore_mem>>)
    %rem3A_78 = arith.constant 3 : i32
    %rem3A_79 = arith.constant 8 : i32
    %rem3A_80 = arith.remsi %rem3A_78, %rem3A_79 : i32
    %add3A_81 = arith.constant 192 : i32
    %add3A_82 = arith.addi %mul3A_10, %add3A_81 : i32
    %add3A_83 = arith.constant 192 : i32
    %add3A_84 = arith.addi %mul3A_10, %add3A_83 : i32
    %dma_start3A_85 = arith.constant 0 : i32
    %dma_start3A_86 = tpu.memref_slice %arg8[%rem3A_80, %dma_start3A_85] : memref<8x64xi32, #tpu.memory_space<vmem>> -> memref<1x64xi32, #tpu.memory_space<vmem>>
    %dma_start3A_87 = tpu.memref_squeeze %dma_start3A_86 : memref<1x64xi32, #tpu.memory_space<vmem>> -> memref<64xi32, #tpu.memory_space<vmem>>
    %dma_start3A_88 = tpu.memref_slice %arg3[%add3A_82] : memref<327680xi32, #tpu.memory_space<hbm>> -> memref<64xi32, #tpu.memory_space<hbm>>
    %dma_start3A_89 = arith.constant 0 : i32
    %dma_start3A_90 = tpu.memref_slice %arg8[%rem3A_80, %dma_start3A_89] : memref<8x64xi32, #tpu.memory_space<vmem>> -> memref<1x64xi32, #tpu.memory_space<vmem>>
    %dma_start3A_91 = tpu.memref_squeeze %dma_start3A_90 : memref<1x64xi32, #tpu.memory_space<vmem>> -> memref<64xi32, #tpu.memory_space<vmem>>
    %dma_start3A_92 = tpu.memref_slice %arg3[%add3A_82] : memref<327680xi32, #tpu.memory_space<hbm>> -> memref<64xi32, #tpu.memory_space<hbm>>
    tpu.enqueue_dma source(%dma_start3A_92 : memref<64xi32, #tpu.memory_space<hbm>>) target(%dma_start3A_91 : memref<64xi32, #tpu.memory_space<vmem>>) target_semaphore(%arg11 : memref<!tpu.dma_semaphore, #tpu.memory_space<semaphore_mem>>)
    %dma_start3A_93 = arith.constant 0 : i32
    %dma_start3A_94 = tpu.memref_slice %arg9[%rem3A_80, %dma_start3A_93] : memref<8x64xi32, #tpu.memory_space<vmem>> -> memref<1x64xi32, #tpu.memory_space<vmem>>
    %dma_start3A_95 = tpu.memref_squeeze %dma_start3A_94 : memref<1x64xi32, #tpu.memory_space<vmem>> -> memref<64xi32, #tpu.memory_space<vmem>>
    %dma_start3A_96 = tpu.memref_slice %arg4[%add3A_84] : memref<327680xi32, #tpu.memory_space<hbm>> -> memref<64xi32, #tpu.memory_space<hbm>>
    %dma_start3A_97 = arith.constant 0 : i32
    %dma_start3A_98 = tpu.memref_slice %arg9[%rem3A_80, %dma_start3A_97] : memref<8x64xi32, #tpu.memory_space<vmem>> -> memref<1x64xi32, #tpu.memory_space<vmem>>
    %dma_start3A_99 = tpu.memref_squeeze %dma_start3A_98 : memref<1x64xi32, #tpu.memory_space<vmem>> -> memref<64xi32, #tpu.memory_space<vmem>>
    %dma_start3A_100 = tpu.memref_slice %arg4[%add3A_84] : memref<327680xi32, #tpu.memory_space<hbm>> -> memref<64xi32, #tpu.memory_space<hbm>>
    tpu.enqueue_dma source(%dma_start3A_100 : memref<64xi32, #tpu.memory_space<hbm>>) target(%dma_start3A_99 : memref<64xi32, #tpu.memory_space<vmem>>) target_semaphore(%arg11 : memref<!tpu.dma_semaphore, #tpu.memory_space<semaphore_mem>>)
    %rem3A_101 = arith.constant 4 : i32
    %rem3A_102 = arith.constant 8 : i32
    %rem3A_103 = arith.remsi %rem3A_101, %rem3A_102 : i32
    %add3A_104 = arith.constant 256 : i32
    %add3A_105 = arith.addi %mul3A_10, %add3A_104 : i32
    %add3A_106 = arith.constant 256 : i32
    %add3A_107 = arith.addi %mul3A_10, %add3A_106 : i32
    %dma_start3A_108 = arith.constant 0 : i32
    %dma_start3A_109 = tpu.memref_slice %arg8[%rem3A_103, %dma_start3A_108] : memref<8x64xi32, #tpu.memory_space<vmem>> -> memref<1x64xi32, #tpu.memory_space<vmem>>
    %dma_start3A_110 = tpu.memref_squeeze %dma_start3A_109 : memref<1x64xi32, #tpu.memory_space<vmem>> -> memref<64xi32, #tpu.memory_space<vmem>>
    %dma_start3A_111 = tpu.memref_slice %arg3[%add3A_105] : memref<327680xi32, #tpu.memory_space<hbm>> -> memref<64xi32, #tpu.memory_space<hbm>>
    %dma_start3A_112 = arith.constant 0 : i32
    %dma_start3A_113 = tpu.memref_slice %arg8[%rem3A_103, %dma_start3A_112] : memref<8x64xi32, #tpu.memory_space<vmem>> -> memref<1x64xi32, #tpu.memory_space<vmem>>
    %dma_start3A_114 = tpu.memref_squeeze %dma_start3A_113 : memref<1x64xi32, #tpu.memory_space<vmem>> -> memref<64xi32, #tpu.memory_space<vmem>>
    %dma_start3A_115 = tpu.memref_slice %arg3[%add3A_105] : memref<327680xi32, #tpu.memory_space<hbm>> -> memref<64xi32, #tpu.memory_space<hbm>>
    tpu.enqueue_dma source(%dma_start3A_115 : memref<64xi32, #tpu.memory_space<hbm>>) target(%dma_start3A_114 : memref<64xi32, #tpu.memory_space<vmem>>) target_semaphore(%arg11 : memref<!tpu.dma_semaphore, #tpu.memory_space<semaphore_mem>>)
    %dma_start3A_116 = arith.constant 0 : i32
    %dma_start3A_117 = tpu.memref_slice %arg9[%rem3A_103, %dma_start3A_116] : memref<8x64xi32, #tpu.memory_space<vmem>> -> memref<1x64xi32, #tpu.memory_space<vmem>>
    %dma_start3A_118 = tpu.memref_squeeze %dma_start3A_117 : memref<1x64xi32, #tpu.memory_space<vmem>> -> memref<64xi32, #tpu.memory_space<vmem>>
    %dma_start3A_119 = tpu.memref_slice %arg4[%add3A_107] : memref<327680xi32, #tpu.memory_space<hbm>> -> memref<64xi32, #tpu.memory_space<hbm>>
    %dma_start3A_120 = arith.constant 0 : i32
    %dma_start3A_121 = tpu.memref_slice %arg9[%rem3A_103, %dma_start3A_120] : memref<8x64xi32, #tpu.memory_space<vmem>> -> memref<1x64xi32, #tpu.memory_space<vmem>>
    %dma_start3A_122 = tpu.memref_squeeze %dma_start3A_121 : memref<1x64xi32, #tpu.memory_space<vmem>> -> memref<64xi32, #tpu.memory_space<vmem>>
    %dma_start3A_123 = tpu.memref_slice %arg4[%add3A_107] : memref<327680xi32, #tpu.memory_space<hbm>> -> memref<64xi32, #tpu.memory_space<hbm>>
    tpu.enqueue_dma source(%dma_start3A_123 : memref<64xi32, #tpu.memory_space<hbm>>) target(%dma_start3A_122 : memref<64xi32, #tpu.memory_space<vmem>>) target_semaphore(%arg11 : memref<!tpu.dma_semaphore, #tpu.memory_space<semaphore_mem>>)
    %mul3A_124 = arith.constant 640 : i32
    %mul3A_125 = arith.muli %arg1, %mul3A_124 : i32
    %mul3A_126 = arith.constant 640 : i32
    %mul3A_127 = arith.muli %arg1, %mul3A_126 : i32
    "tpu.region"() ({
      %run_scoped3A = tpu.sem_alloc : memref<!tpu.dma_semaphore, #tpu.memory_space<semaphore_mem>>
      %dma_start3A_275 = arith.constant 0 : i32
      %dma_start3A_276 = tpu.memref_slice %arg7[%mul3A_127, %dma_start3A_275] : memref<10240x128xf32, #tpu.memory_space<vmem_shared>> -> memref<640x128xf32, #tpu.memory_space<vmem_shared>>
      %dma_start3A_277 = arith.constant 0 : i32
      %dma_start3A_278 = tpu.memref_slice %arg5[%mul3A_125, %dma_start3A_277] : memref<10240x128xf32, #tpu.memory_space<hbm>> -> memref<640x128xf32, #tpu.memory_space<hbm>>
      tpu.enqueue_dma source(%dma_start3A_278 : memref<640x128xf32, #tpu.memory_space<hbm>>) target(%dma_start3A_276 : memref<640x128xf32, #tpu.memory_space<vmem_shared>>) target_semaphore(%run_scoped3A : memref<!tpu.dma_semaphore, #tpu.memory_space<semaphore_mem>>)
      %dma_wait3A_279 = arith.constant 0 : i32
      %dma_wait3A_280 = tpu.memref_slice %arg7[%mul3A_127, %dma_wait3A_279] : memref<10240x128xf32, #tpu.memory_space<vmem_shared>> -> memref<640x128xf32, #tpu.memory_space<vmem_shared>>
      %dma_wait3A_281 = arith.constant 0 : i32
      %dma_wait3A_282 = tpu.memref_slice %arg5[%mul3A_125, %dma_wait3A_281] : memref<10240x128xf32, #tpu.memory_space<hbm>> -> memref<640x128xf32, #tpu.memory_space<hbm>>
      tpu.wait_dma2 semaphore(%run_scoped3A : memref<!tpu.dma_semaphore, #tpu.memory_space<semaphore_mem>>) src(%dma_wait3A_282 : memref<640x128xf32, #tpu.memory_space<hbm>>) dst(%dma_wait3A_280 : memref<640x128xf32, #tpu.memory_space<vmem_shared>>)
      tpu.yield
    }) : () -> ()
    %barrier3A = arith.constant 0 : index
    tpu.barrier barrier_id(%barrier3A)
    %rem3A_128 = arith.constant 0 : i32
    %rem3A_129 = arith.constant 8 : i32
    %rem3A_130 = arith.remsi %rem3A_128, %rem3A_129 : i32
    %add3A_131 = arith.constant 0 : i32
    %add3A_132 = arith.addi %mul3A_10, %add3A_131 : i32
    %add3A_133 = arith.constant 0 : i32
    %add3A_134 = arith.addi %mul3A_10, %add3A_133 : i32
    %dma_wait3A = arith.constant 0 : i32
    %dma_wait3A_135 = tpu.memref_slice %arg8[%rem3A_130, %dma_wait3A] : memref<8x64xi32, #tpu.memory_space<vmem>> -> memref<1x64xi32, #tpu.memory_space<vmem>>
    %dma_wait3A_136 = tpu.memref_squeeze %dma_wait3A_135 : memref<1x64xi32, #tpu.memory_space<vmem>> -> memref<64xi32, #tpu.memory_space<vmem>>
    %dma_wait3A_137 = tpu.memref_slice %arg3[%add3A_132] : memref<327680xi32, #tpu.memory_space<hbm>> -> memref<64xi32, #tpu.memory_space<hbm>>
    %dma_wait3A_138 = arith.constant 0 : i32
    %dma_wait3A_139 = tpu.memref_slice %arg8[%rem3A_130, %dma_wait3A_138] : memref<8x64xi32, #tpu.memory_space<vmem>> -> memref<1x64xi32, #tpu.memory_space<vmem>>
    %dma_wait3A_140 = tpu.memref_squeeze %dma_wait3A_139 : memref<1x64xi32, #tpu.memory_space<vmem>> -> memref<64xi32, #tpu.memory_space<vmem>>
    %dma_wait3A_141 = tpu.memref_slice %arg3[%add3A_132] : memref<327680xi32, #tpu.memory_space<hbm>> -> memref<64xi32, #tpu.memory_space<hbm>>
    tpu.wait_dma2 semaphore(%arg11 : memref<!tpu.dma_semaphore, #tpu.memory_space<semaphore_mem>>) src(%dma_wait3A_141 : memref<64xi32, #tpu.memory_space<hbm>>) dst(%dma_wait3A_140 : memref<64xi32, #tpu.memory_space<vmem>>)
    %dma_wait3A_142 = arith.constant 0 : i32
    %dma_wait3A_143 = tpu.memref_slice %arg9[%rem3A_130, %dma_wait3A_142] : memref<8x64xi32, #tpu.memory_space<vmem>> -> memref<1x64xi32, #tpu.memory_space<vmem>>
    %dma_wait3A_144 = tpu.memref_squeeze %dma_wait3A_143 : memref<1x64xi32, #tpu.memory_space<vmem>> -> memref<64xi32, #tpu.memory_space<vmem>>
    %dma_wait3A_145 = tpu.memref_slice %arg4[%add3A_134] : memref<327680xi32, #tpu.memory_space<hbm>> -> memref<64xi32, #tpu.memory_space<hbm>>
    %dma_wait3A_146 = arith.constant 0 : i32
    %dma_wait3A_147 = tpu.memref_slice %arg9[%rem3A_130, %dma_wait3A_146] : memref<8x64xi32, #tpu.memory_space<vmem>> -> memref<1x64xi32, #tpu.memory_space<vmem>>
    %dma_wait3A_148 = tpu.memref_squeeze %dma_wait3A_147 : memref<1x64xi32, #tpu.memory_space<vmem>> -> memref<64xi32, #tpu.memory_space<vmem>>
    %dma_wait3A_149 = tpu.memref_slice %arg4[%add3A_134] : memref<327680xi32, #tpu.memory_space<hbm>> -> memref<64xi32, #tpu.memory_space<hbm>>
    tpu.wait_dma2 semaphore(%arg11 : memref<!tpu.dma_semaphore, #tpu.memory_space<semaphore_mem>>) src(%dma_wait3A_149 : memref<64xi32, #tpu.memory_space<hbm>>) dst(%dma_wait3A_148 : memref<64xi32, #tpu.memory_space<vmem>>)
    %rem3A_150 = arith.constant 0 : i32
    %rem3A_151 = arith.constant 8 : i32
    %rem3A_152 = arith.remsi %rem3A_150, %rem3A_151 : i32
    %rem3A_153 = arith.constant 0 : i32
    %rem3A_154 = arith.constant 4 : i32
    %rem3A_155 = arith.remsi %rem3A_153, %rem3A_154 : i32
    %dma_start3A_156 = arith.constant 0 : i32
    %dma_start3A_157 = arith.constant 0 : i32
    %dma_start3A_158 = tpu.memref_slice %arg10[%rem3A_155, %dma_start3A_156, %dma_start3A_157] : memref<4x64x128xf32, #tpu.memory_space<vmem>> -> memref<1x64x128xf32, #tpu.memory_space<vmem>>
    %dma_start3A_159 = tpu.memref_squeeze %dma_start3A_158 : memref<1x64x128xf32, #tpu.memory_space<vmem>> -> memref<64x128xf32, #tpu.memory_space<vmem>>
    %dma_start3A_160 = arith.constant 0 : i32
    %dma_start3A_161 = tpu.memref_slice %arg8[%rem3A_152, %dma_start3A_160] : memref<8x64xi32, #tpu.memory_space<vmem>> -> memref<1x64xi32, #tpu.memory_space<vmem>>
    %dma_start3A_162 = tpu.memref_squeeze %dma_start3A_161 : memref<1x64xi32, #tpu.memory_space<vmem>> -> memref<64xi32, #tpu.memory_space<vmem>>
    %dma_start3A_163 = arith.constant 0 : i32
    %dma_start3A_164 = arith.constant 0 : i32
    %dma_start3A_165 = tpu.memref_slice %arg2[%dma_start3A_163, %dma_start3A_164] : memref<10240x128xf32, #tpu.memory_space<hbm>> -> memref<10240x128xf32, #tpu.memory_space<hbm>>
    tpu.enqueue_indirect_dma source(%dma_start3A_165 : memref<10240x128xf32, #tpu.memory_space<hbm>>) target(%dma_start3A_159 : memref<64x128xf32, #tpu.memory_space<vmem>>) offsets(%dma_start3A_162 : memref<64xi32, #tpu.memory_space<vmem>>) semaphore(%arg12 : memref<!tpu.dma_semaphore, #tpu.memory_space<semaphore_mem>>)
    %rem3A_166 = arith.constant 1 : i32
    %rem3A_167 = arith.constant 8 : i32
    %rem3A_168 = arith.remsi %rem3A_166, %rem3A_167 : i32
    %add3A_169 = arith.constant 64 : i32
    %add3A_170 = arith.addi %mul3A_10, %add3A_169 : i32
    %add3A_171 = arith.constant 64 : i32
    %add3A_172 = arith.addi %mul3A_10, %add3A_171 : i32
    %dma_wait3A_173 = arith.constant 0 : i32
    %dma_wait3A_174 = tpu.memref_slice %arg8[%rem3A_168, %dma_wait3A_173] : memref<8x64xi32, #tpu.memory_space<vmem>> -> memref<1x64xi32, #tpu.memory_space<vmem>>
    %dma_wait3A_175 = tpu.memref_squeeze %dma_wait3A_174 : memref<1x64xi32, #tpu.memory_space<vmem>> -> memref<64xi32, #tpu.memory_space<vmem>>
    %dma_wait3A_176 = tpu.memref_slice %arg3[%add3A_170] : memref<327680xi32, #tpu.memory_space<hbm>> -> memref<64xi32, #tpu.memory_space<hbm>>
    %dma_wait3A_177 = arith.constant 0 : i32
    %dma_wait3A_178 = tpu.memref_slice %arg8[%rem3A_168, %dma_wait3A_177] : memref<8x64xi32, #tpu.memory_space<vmem>> -> memref<1x64xi32, #tpu.memory_space<vmem>>
    %dma_wait3A_179 = tpu.memref_squeeze %dma_wait3A_178 : memref<1x64xi32, #tpu.memory_space<vmem>> -> memref<64xi32, #tpu.memory_space<vmem>>
    %dma_wait3A_180 = tpu.memref_slice %arg3[%add3A_170] : memref<327680xi32, #tpu.memory_space<hbm>> -> memref<64xi32, #tpu.memory_space<hbm>>
    tpu.wait_dma2 semaphore(%arg11 : memref<!tpu.dma_semaphore, #tpu.memory_space<semaphore_mem>>) src(%dma_wait3A_180 : memref<64xi32, #tpu.memory_space<hbm>>) dst(%dma_wait3A_179 : memref<64xi32, #tpu.memory_space<vmem>>)
    %dma_wait3A_181 = arith.constant 0 : i32
    %dma_wait3A_182 = tpu.memref_slice %arg9[%rem3A_168, %dma_wait3A_181] : memref<8x64xi32, #tpu.memory_space<vmem>> -> memref<1x64xi32, #tpu.memory_space<vmem>>
    %dma_wait3A_183 = tpu.memref_squeeze %dma_wait3A_182 : memref<1x64xi32, #tpu.memory_space<vmem>> -> memref<64xi32, #tpu.memory_space<vmem>>
    %dma_wait3A_184 = tpu.memref_slice %arg4[%add3A_172] : memref<327680xi32, #tpu.memory_space<hbm>> -> memref<64xi32, #tpu.memory_space<hbm>>
    %dma_wait3A_185 = arith.constant 0 : i32
    %dma_wait3A_186 = tpu.memref_slice %arg9[%rem3A_168, %dma_wait3A_185] : memref<8x64xi32, #tpu.memory_space<vmem>> -> memref<1x64xi32, #tpu.memory_space<vmem>>
    %dma_wait3A_187 = tpu.memref_squeeze %dma_wait3A_186 : memref<1x64xi32, #tpu.memory_space<vmem>> -> memref<64xi32, #tpu.memory_space<vmem>>
    %dma_wait3A_188 = tpu.memref_slice %arg4[%add3A_172] : memref<327680xi32, #tpu.memory_space<hbm>> -> memref<64xi32, #tpu.memory_space<hbm>>
    tpu.wait_dma2 semaphore(%arg11 : memref<!tpu.dma_semaphore, #tpu.memory_space<semaphore_mem>>) src(%dma_wait3A_188 : memref<64xi32, #tpu.memory_space<hbm>>) dst(%dma_wait3A_187 : memref<64xi32, #tpu.memory_space<vmem>>)
    %rem3A_189 = arith.constant 1 : i32
    %rem3A_190 = arith.constant 8 : i32
    %rem3A_191 = arith.remsi %rem3A_189, %rem3A_190 : i32
    %rem3A_192 = arith.constant 1 : i32
    %rem3A_193 = arith.constant 4 : i32
    %rem3A_194 = arith.remsi %rem3A_192, %rem3A_193 : i32
    %dma_start3A_195 = arith.constant 0 : i32
    %dma_start3A_196 = arith.constant 0 : i32
    %dma_start3A_197 = tpu.memref_slice %arg10[%rem3A_194, %dma_start3A_195, %dma_start3A_196] : memref<4x64x128xf32, #tpu.memory_space<vmem>> -> memref<1x64x128xf32, #tpu.memory_space<vmem>>
    %dma_start3A_198 = tpu.memref_squeeze %dma_start3A_197 : memref<1x64x128xf32, #tpu.memory_space<vmem>> -> memref<64x128xf32, #tpu.memory_space<vmem>>
    %dma_start3A_199 = arith.constant 0 : i32
    %dma_start3A_200 = tpu.memref_slice %arg8[%rem3A_191, %dma_start3A_199] : memref<8x64xi32, #tpu.memory_space<vmem>> -> memref<1x64xi32, #tpu.memory_space<vmem>>
    %dma_start3A_201 = tpu.memref_squeeze %dma_start3A_200 : memref<1x64xi32, #tpu.memory_space<vmem>> -> memref<64xi32, #tpu.memory_space<vmem>>
    %dma_start3A_202 = arith.constant 0 : i32
    %dma_start3A_203 = arith.constant 0 : i32
    %dma_start3A_204 = tpu.memref_slice %arg2[%dma_start3A_202, %dma_start3A_203] : memref<10240x128xf32, #tpu.memory_space<hbm>> -> memref<10240x128xf32, #tpu.memory_space<hbm>>
    tpu.enqueue_indirect_dma source(%dma_start3A_204 : memref<10240x128xf32, #tpu.memory_space<hbm>>) target(%dma_start3A_198 : memref<64x128xf32, #tpu.memory_space<vmem>>) offsets(%dma_start3A_201 : memref<64xi32, #tpu.memory_space<vmem>>) semaphore(%arg12 : memref<!tpu.dma_semaphore, #tpu.memory_space<semaphore_mem>>)
    %rem3A_205 = arith.constant 2 : i32
    %rem3A_206 = arith.constant 8 : i32
    %rem3A_207 = arith.remsi %rem3A_205, %rem3A_206 : i32
    %add3A_208 = arith.constant 128 : i32
    %add3A_209 = arith.addi %mul3A_10, %add3A_208 : i32
    %add3A_210 = arith.constant 128 : i32
    %add3A_211 = arith.addi %mul3A_10, %add3A_210 : i32
    %dma_wait3A_212 = arith.constant 0 : i32
    %dma_wait3A_213 = tpu.memref_slice %arg8[%rem3A_207, %dma_wait3A_212] : memref<8x64xi32, #tpu.memory_space<vmem>> -> memref<1x64xi32, #tpu.memory_space<vmem>>
    %dma_wait3A_214 = tpu.memref_squeeze %dma_wait3A_213 : memref<1x64xi32, #tpu.memory_space<vmem>> -> memref<64xi32, #tpu.memory_space<vmem>>
    %dma_wait3A_215 = tpu.memref_slice %arg3[%add3A_209] : memref<327680xi32, #tpu.memory_space<hbm>> -> memref<64xi32, #tpu.memory_space<hbm>>
    %dma_wait3A_216 = arith.constant 0 : i32
    %dma_wait3A_217 = tpu.memref_slice %arg8[%rem3A_207, %dma_wait3A_216] : memref<8x64xi32, #tpu.memory_space<vmem>> -> memref<1x64xi32, #tpu.memory_space<vmem>>
    %dma_wait3A_218 = tpu.memref_squeeze %dma_wait3A_217 : memref<1x64xi32, #tpu.memory_space<vmem>> -> memref<64xi32, #tpu.memory_space<vmem>>
    %dma_wait3A_219 = tpu.memref_slice %arg3[%add3A_209] : memref<327680xi32, #tpu.memory_space<hbm>> -> memref<64xi32, #tpu.memory_space<hbm>>
    tpu.wait_dma2 semaphore(%arg11 : memref<!tpu.dma_semaphore, #tpu.memory_space<semaphore_mem>>) src(%dma_wait3A_219 : memref<64xi32, #tpu.memory_space<hbm>>) dst(%dma_wait3A_218 : memref<64xi32, #tpu.memory_space<vmem>>)
    %dma_wait3A_220 = arith.constant 0 : i32
    %dma_wait3A_221 = tpu.memref_slice %arg9[%rem3A_207, %dma_wait3A_220] : memref<8x64xi32, #tpu.memory_space<vmem>> -> memref<1x64xi32, #tpu.memory_space<vmem>>
    %dma_wait3A_222 = tpu.memref_squeeze %dma_wait3A_221 : memref<1x64xi32, #tpu.memory_space<vmem>> -> memref<64xi32, #tpu.memory_space<vmem>>
    %dma_wait3A_223 = tpu.memref_slice %arg4[%add3A_211] : memref<327680xi32, #tpu.memory_space<hbm>> -> memref<64xi32, #tpu.memory_space<hbm>>
    %dma_wait3A_224 = arith.constant 0 : i32
    %dma_wait3A_225 = tpu.memref_slice %arg9[%rem3A_207, %dma_wait3A_224] : memref<8x64xi32, #tpu.memory_space<vmem>> -> memref<1x64xi32, #tpu.memory_space<vmem>>
    %dma_wait3A_226 = tpu.memref_squeeze %dma_wait3A_225 : memref<1x64xi32, #tpu.memory_space<vmem>> -> memref<64xi32, #tpu.memory_space<vmem>>
    %dma_wait3A_227 = tpu.memref_slice %arg4[%add3A_211] : memref<327680xi32, #tpu.memory_space<hbm>> -> memref<64xi32, #tpu.memory_space<hbm>>
    tpu.wait_dma2 semaphore(%arg11 : memref<!tpu.dma_semaphore, #tpu.memory_space<semaphore_mem>>) src(%dma_wait3A_227 : memref<64xi32, #tpu.memory_space<hbm>>) dst(%dma_wait3A_226 : memref<64xi32, #tpu.memory_space<vmem>>)
    %rem3A_228 = arith.constant 2 : i32
    %rem3A_229 = arith.constant 8 : i32
    %rem3A_230 = arith.remsi %rem3A_228, %rem3A_229 : i32
    %rem3A_231 = arith.constant 2 : i32
    %rem3A_232 = arith.constant 4 : i32
    %rem3A_233 = arith.remsi %rem3A_231, %rem3A_232 : i32
    %dma_start3A_234 = arith.constant 0 : i32
    %dma_start3A_235 = arith.constant 0 : i32
    %dma_start3A_236 = tpu.memref_slice %arg10[%rem3A_233, %dma_start3A_234, %dma_start3A_235] : memref<4x64x128xf32, #tpu.memory_space<vmem>> -> memref<1x64x128xf32, #tpu.memory_space<vmem>>
    %dma_start3A_237 = tpu.memref_squeeze %dma_start3A_236 : memref<1x64x128xf32, #tpu.memory_space<vmem>> -> memref<64x128xf32, #tpu.memory_space<vmem>>
    %dma_start3A_238 = arith.constant 0 : i32
    %dma_start3A_239 = tpu.memref_slice %arg8[%rem3A_230, %dma_start3A_238] : memref<8x64xi32, #tpu.memory_space<vmem>> -> memref<1x64xi32, #tpu.memory_space<vmem>>
    %dma_start3A_240 = tpu.memref_squeeze %dma_start3A_239 : memref<1x64xi32, #tpu.memory_space<vmem>> -> memref<64xi32, #tpu.memory_space<vmem>>
    %dma_start3A_241 = arith.constant 0 : i32
    %dma_start3A_242 = arith.constant 0 : i32
    %dma_start3A_243 = tpu.memref_slice %arg2[%dma_start3A_241, %dma_start3A_242] : memref<10240x128xf32, #tpu.memory_space<hbm>> -> memref<10240x128xf32, #tpu.memory_space<hbm>>
    tpu.enqueue_indirect_dma source(%dma_start3A_243 : memref<10240x128xf32, #tpu.memory_space<hbm>>) target(%dma_start3A_237 : memref<64x128xf32, #tpu.memory_space<vmem>>) offsets(%dma_start3A_240 : memref<64xi32, #tpu.memory_space<vmem>>) semaphore(%arg12 : memref<!tpu.dma_semaphore, #tpu.memory_space<semaphore_mem>>)
    %while3A = arith.constant 0 : i32
    %while3A_244 = arith.subi %select_n3A, %while3A : i32
    %while3A_245 = arith.addi %while3A, %while3A_244 : i32
    %while3A_246 = arith.constant 1 : i32
    %while3A_247 = arith.divsi %while3A_244, %while3A_246 : i32
    %while3A_248 = arith.muli %while3A_247, %while3A_246 : i32
    %while3A_249 = arith.addi %while3A, %while3A_248 : i32
    %while3A_250 = arith.constant 1 : i32
    scf.for %while3A_275 = %while3A to %while3A_249 step %while3A_250  : i32 {
      %rem3A_276 = arith.constant 8 : i32
      %rem3A_277 = arith.remsi %while3A_275, %rem3A_276 : i32
      %rem3A_278 = arith.constant 4 : i32
      %rem3A_279 = arith.remsi %while3A_275, %rem3A_278 : i32
      %dma_wait3A_280 = arith.constant 0 : i32
      %dma_wait3A_281 = arith.constant 0 : i32
      %dma_wait3A_282 = tpu.memref_slice %arg10[%rem3A_279, %dma_wait3A_280, %dma_wait3A_281] : memref<4x64x128xf32, #tpu.memory_space<vmem>> -> memref<1x64x128xf32, #tpu.memory_space<vmem>>
      %dma_wait3A_283 = tpu.memref_squeeze %dma_wait3A_282 : memref<1x64x128xf32, #tpu.memory_space<vmem>> -> memref<64x128xf32, #tpu.memory_space<vmem>>
      %dma_wait3A_284 = arith.constant 0 : i32
      %dma_wait3A_285 = tpu.memref_slice %arg8[%rem3A_277, %dma_wait3A_284] : memref<8x64xi32, #tpu.memory_space<vmem>> -> memref<1x64xi32, #tpu.memory_space<vmem>>
      %dma_wait3A_286 = tpu.memref_squeeze %dma_wait3A_285 : memref<1x64xi32, #tpu.memory_space<vmem>> -> memref<64xi32, #tpu.memory_space<vmem>>
      %dma_wait3A_287 = arith.constant 0 : i32
      %dma_wait3A_288 = arith.constant 0 : i32
      %dma_wait3A_289 = tpu.memref_slice %arg2[%dma_wait3A_287, %dma_wait3A_288] : memref<10240x128xf32, #tpu.memory_space<hbm>> -> memref<10240x128xf32, #tpu.memory_space<hbm>>
      tpu.wait_indirect_dma semaphore(%arg12 : memref<!tpu.dma_semaphore, #tpu.memory_space<semaphore_mem>>) src(%dma_wait3A_289 : memref<10240x128xf32, #tpu.memory_space<hbm>>) dst(%dma_wait3A_283 : memref<64x128xf32, #tpu.memory_space<vmem>>)
      %ge3A = arith.constant 1 : i32
      %ge3A_290 = arith.cmpi sge, %while3A_275, %ge3A : i32
      %convert_element_type3A = arith.extui %ge3A_290 : i1 to i32
      %cond3A = arith.constant 0 : i32
      %cond3A_291 = arith.cmpi ne, %convert_element_type3A, %cond3A : i32
      scf.if %cond3A_291 {
        %sub3A_321 = arith.constant 1 : i32
        %sub3A_322 = arith.subi %while3A_275, %sub3A_321 : i32
        %rem3A_323 = arith.constant 4 : i32
        %rem3A_324 = arith.remsi %sub3A_322, %rem3A_323 : i32
        %rem3A_325 = arith.constant 8 : i32
        %rem3A_326 = arith.remsi %sub3A_322, %rem3A_325 : i32
        %dma_wait3A_327 = arith.constant 0 : i32
        %dma_wait3A_328 = arith.constant 0 : i32
        %dma_wait3A_329 = tpu.memref_slice %arg10[%rem3A_324, %dma_wait3A_327, %dma_wait3A_328] : memref<4x64x128xf32, #tpu.memory_space<vmem>> -> memref<1x64x128xf32, #tpu.memory_space<vmem>>
        %dma_wait3A_330 = tpu.memref_squeeze %dma_wait3A_329 : memref<1x64x128xf32, #tpu.memory_space<vmem>> -> memref<64x128xf32, #tpu.memory_space<vmem>>
        %dma_wait3A_331 = arith.constant 0 : i32
        %dma_wait3A_332 = tpu.memref_slice %arg9[%rem3A_326, %dma_wait3A_331] : memref<8x64xi32, #tpu.memory_space<vmem>> -> memref<1x64xi32, #tpu.memory_space<vmem>>
        %dma_wait3A_333 = tpu.memref_squeeze %dma_wait3A_332 : memref<1x64xi32, #tpu.memory_space<vmem>> -> memref<64xi32, #tpu.memory_space<vmem>>
        %dma_wait3A_334 = arith.constant 0 : i32
        %dma_wait3A_335 = arith.constant 0 : i32
        %dma_wait3A_336 = tpu.memref_slice %arg7[%dma_wait3A_334, %dma_wait3A_335] : memref<10240x128xf32, #tpu.memory_space<vmem_shared>> -> memref<10240x128xf32, #tpu.memory_space<vmem_shared>>
        tpu.wait_indirect_dma semaphore(%arg13 : memref<!tpu.dma_semaphore, #tpu.memory_space<semaphore_mem>>) src(%dma_wait3A_330 : memref<64x128xf32, #tpu.memory_space<vmem>>) dst(%dma_wait3A_336 : memref<10240x128xf32, #tpu.memory_space<vmem_shared>>)
      } else {
      }
      %sub3A_292 = arith.constant 3 : i32
      %sub3A_293 = arith.subi %select_n3A, %sub3A_292 : i32
      %sub3A_294 = arith.constant 3 : i32
      %sub3A_295 = arith.subi %sub3A_293, %sub3A_294 : i32
      %le3A = arith.cmpi sle, %while3A_275, %sub3A_295 : i32
      %convert_element_type3A_296 = arith.extui %le3A : i1 to i32
      %cond3A_297 = arith.constant 0 : i32
      %cond3A_298 = arith.cmpi ne, %convert_element_type3A_296, %cond3A_297 : i32
      scf.if %cond3A_298 {
        %add3A_321 = arith.constant 3 : i32
        %add3A_322 = arith.addi %while3A_275, %add3A_321 : i32
        %add3A_323 = arith.constant 2 : i32
        %add3A_324 = arith.addi %add3A_322, %add3A_323 : i32
        %rem3A_325 = arith.constant 8 : i32
        %rem3A_326 = arith.remsi %add3A_324, %rem3A_325 : i32
        %mul3A_327 = arith.constant 64 : i32
        %mul3A_328 = arith.muli %add3A_324, %mul3A_327 : i32
        %add3A_329 = arith.addi %mul3A_10, %mul3A_328 : i32
        %mul3A_330 = arith.constant 64 : i32
        %mul3A_331 = arith.muli %add3A_324, %mul3A_330 : i32
        %add3A_332 = arith.addi %mul3A_10, %mul3A_331 : i32
        %dma_start3A_333 = arith.constant 0 : i32
        %dma_start3A_334 = tpu.memref_slice %arg8[%rem3A_326, %dma_start3A_333] : memref<8x64xi32, #tpu.memory_space<vmem>> -> memref<1x64xi32, #tpu.memory_space<vmem>>
        %dma_start3A_335 = tpu.memref_squeeze %dma_start3A_334 : memref<1x64xi32, #tpu.memory_space<vmem>> -> memref<64xi32, #tpu.memory_space<vmem>>
        %dma_start3A_336 = tpu.memref_slice %arg3[%add3A_329] : memref<327680xi32, #tpu.memory_space<hbm>> -> memref<64xi32, #tpu.memory_space<hbm>>
        %dma_start3A_337 = arith.constant 0 : i32
        %dma_start3A_338 = tpu.memref_slice %arg8[%rem3A_326, %dma_start3A_337] : memref<8x64xi32, #tpu.memory_space<vmem>> -> memref<1x64xi32, #tpu.memory_space<vmem>>
        %dma_start3A_339 = tpu.memref_squeeze %dma_start3A_338 : memref<1x64xi32, #tpu.memory_space<vmem>> -> memref<64xi32, #tpu.memory_space<vmem>>
        %dma_start3A_340 = tpu.memref_slice %arg3[%add3A_329] : memref<327680xi32, #tpu.memory_space<hbm>> -> memref<64xi32, #tpu.memory_space<hbm>>
        tpu.enqueue_dma source(%dma_start3A_340 : memref<64xi32, #tpu.memory_space<hbm>>) target(%dma_start3A_339 : memref<64xi32, #tpu.memory_space<vmem>>) target_semaphore(%arg11 : memref<!tpu.dma_semaphore, #tpu.memory_space<semaphore_mem>>)
        %dma_start3A_341 = arith.constant 0 : i32
        %dma_start3A_342 = tpu.memref_slice %arg9[%rem3A_326, %dma_start3A_341] : memref<8x64xi32, #tpu.memory_space<vmem>> -> memref<1x64xi32, #tpu.memory_space<vmem>>
        %dma_start3A_343 = tpu.memref_squeeze %dma_start3A_342 : memref<1x64xi32, #tpu.memory_space<vmem>> -> memref<64xi32, #tpu.memory_space<vmem>>
        %dma_start3A_344 = tpu.memref_slice %arg4[%add3A_332] : memref<327680xi32, #tpu.memory_space<hbm>> -> memref<64xi32, #tpu.memory_space<hbm>>
        %dma_start3A_345 = arith.constant 0 : i32
        %dma_start3A_346 = tpu.memref_slice %arg9[%rem3A_326, %dma_start3A_345] : memref<8x64xi32, #tpu.memory_space<vmem>> -> memref<1x64xi32, #tpu.memory_space<vmem>>
        %dma_start3A_347 = tpu.memref_squeeze %dma_start3A_346 : memref<1x64xi32, #tpu.memory_space<vmem>> -> memref<64xi32, #tpu.memory_space<vmem>>
        %dma_start3A_348 = tpu.memref_slice %arg4[%add3A_332] : memref<327680xi32, #tpu.memory_space<hbm>> -> memref<64xi32, #tpu.memory_space<hbm>>
        tpu.enqueue_dma source(%dma_start3A_348 : memref<64xi32, #tpu.memory_space<hbm>>) target(%dma_start3A_347 : memref<64xi32, #tpu.memory_space<vmem>>) target_semaphore(%arg11 : memref<!tpu.dma_semaphore, #tpu.memory_space<semaphore_mem>>)
      } else {
      }
      %sub3A_299 = arith.constant 3 : i32
      %sub3A_300 = arith.subi %select_n3A, %sub3A_299 : i32
      %sub3A_301 = arith.constant 1 : i32
      %sub3A_302 = arith.subi %sub3A_300, %sub3A_301 : i32
      %le3A_303 = arith.cmpi sle, %while3A_275, %sub3A_302 : i32
      %convert_element_type3A_304 = arith.extui %le3A_303 : i1 to i32
      %cond3A_305 = arith.constant 0 : i32
      %cond3A_306 = arith.cmpi ne, %convert_element_type3A_304, %cond3A_305 : i32
      scf.if %cond3A_306 {
        %add3A_321 = arith.constant 3 : i32
        %add3A_322 = arith.addi %while3A_275, %add3A_321 : i32
        %rem3A_323 = arith.constant 8 : i32
        %rem3A_324 = arith.remsi %add3A_322, %rem3A_323 : i32
        %mul3A_325 = arith.constant 64 : i32
        %mul3A_326 = arith.muli %add3A_322, %mul3A_325 : i32
        %add3A_327 = arith.addi %mul3A_10, %mul3A_326 : i32
        %mul3A_328 = arith.constant 64 : i32
        %mul3A_329 = arith.muli %add3A_322, %mul3A_328 : i32
        %add3A_330 = arith.addi %mul3A_10, %mul3A_329 : i32
        %dma_wait3A_331 = arith.constant 0 : i32
        %dma_wait3A_332 = tpu.memref_slice %arg8[%rem3A_324, %dma_wait3A_331] : memref<8x64xi32, #tpu.memory_space<vmem>> -> memref<1x64xi32, #tpu.memory_space<vmem>>
        %dma_wait3A_333 = tpu.memref_squeeze %dma_wait3A_332 : memref<1x64xi32, #tpu.memory_space<vmem>> -> memref<64xi32, #tpu.memory_space<vmem>>
        %dma_wait3A_334 = tpu.memref_slice %arg3[%add3A_327] : memref<327680xi32, #tpu.memory_space<hbm>> -> memref<64xi32, #tpu.memory_space<hbm>>
        %dma_wait3A_335 = arith.constant 0 : i32
        %dma_wait3A_336 = tpu.memref_slice %arg8[%rem3A_324, %dma_wait3A_335] : memref<8x64xi32, #tpu.memory_space<vmem>> -> memref<1x64xi32, #tpu.memory_space<vmem>>
        %dma_wait3A_337 = tpu.memref_squeeze %dma_wait3A_336 : memref<1x64xi32, #tpu.memory_space<vmem>> -> memref<64xi32, #tpu.memory_space<vmem>>
        %dma_wait3A_338 = tpu.memref_slice %arg3[%add3A_327] : memref<327680xi32, #tpu.memory_space<hbm>> -> memref<64xi32, #tpu.memory_space<hbm>>
        tpu.wait_dma2 semaphore(%arg11 : memref<!tpu.dma_semaphore, #tpu.memory_space<semaphore_mem>>) src(%dma_wait3A_338 : memref<64xi32, #tpu.memory_space<hbm>>) dst(%dma_wait3A_337 : memref<64xi32, #tpu.memory_space<vmem>>)
        %dma_wait3A_339 = arith.constant 0 : i32
        %dma_wait3A_340 = tpu.memref_slice %arg9[%rem3A_324, %dma_wait3A_339] : memref<8x64xi32, #tpu.memory_space<vmem>> -> memref<1x64xi32, #tpu.memory_space<vmem>>
        %dma_wait3A_341 = tpu.memref_squeeze %dma_wait3A_340 : memref<1x64xi32, #tpu.memory_space<vmem>> -> memref<64xi32, #tpu.memory_space<vmem>>
        %dma_wait3A_342 = tpu.memref_slice %arg4[%add3A_330] : memref<327680xi32, #tpu.memory_space<hbm>> -> memref<64xi32, #tpu.memory_space<hbm>>
        %dma_wait3A_343 = arith.constant 0 : i32
        %dma_wait3A_344 = tpu.memref_slice %arg9[%rem3A_324, %dma_wait3A_343] : memref<8x64xi32, #tpu.memory_space<vmem>> -> memref<1x64xi32, #tpu.memory_space<vmem>>
        %dma_wait3A_345 = tpu.memref_squeeze %dma_wait3A_344 : memref<1x64xi32, #tpu.memory_space<vmem>> -> memref<64xi32, #tpu.memory_space<vmem>>
        %dma_wait3A_346 = tpu.memref_slice %arg4[%add3A_330] : memref<327680xi32, #tpu.memory_space<hbm>> -> memref<64xi32, #tpu.memory_space<hbm>>
        tpu.wait_dma2 semaphore(%arg11 : memref<!tpu.dma_semaphore, #tpu.memory_space<semaphore_mem>>) src(%dma_wait3A_346 : memref<64xi32, #tpu.memory_space<hbm>>) dst(%dma_wait3A_345 : memref<64xi32, #tpu.memory_space<vmem>>)
        %add3A_347 = arith.constant 3 : i32
        %add3A_348 = arith.addi %while3A_275, %add3A_347 : i32
        %rem3A_349 = arith.constant 8 : i32
        %rem3A_350 = arith.remsi %add3A_348, %rem3A_349 : i32
        %rem3A_351 = arith.constant 4 : i32
        %rem3A_352 = arith.remsi %add3A_348, %rem3A_351 : i32
        %dma_start3A_353 = arith.constant 0 : i32
        %dma_start3A_354 = arith.constant 0 : i32
        %dma_start3A_355 = tpu.memref_slice %arg10[%rem3A_352, %dma_start3A_353, %dma_start3A_354] : memref<4x64x128xf32, #tpu.memory_space<vmem>> -> memref<1x64x128xf32, #tpu.memory_space<vmem>>
        %dma_start3A_356 = tpu.memref_squeeze %dma_start3A_355 : memref<1x64x128xf32, #tpu.memory_space<vmem>> -> memref<64x128xf32, #tpu.memory_space<vmem>>
        %dma_start3A_357 = arith.constant 0 : i32
        %dma_start3A_358 = tpu.memref_slice %arg8[%rem3A_350, %dma_start3A_357] : memref<8x64xi32, #tpu.memory_space<vmem>> -> memref<1x64xi32, #tpu.memory_space<vmem>>
        %dma_start3A_359 = tpu.memref_squeeze %dma_start3A_358 : memref<1x64xi32, #tpu.memory_space<vmem>> -> memref<64xi32, #tpu.memory_space<vmem>>
        %dma_start3A_360 = arith.constant 0 : i32
        %dma_start3A_361 = arith.constant 0 : i32
        %dma_start3A_362 = tpu.memref_slice %arg2[%dma_start3A_360, %dma_start3A_361] : memref<10240x128xf32, #tpu.memory_space<hbm>> -> memref<10240x128xf32, #tpu.memory_space<hbm>>
        tpu.enqueue_indirect_dma source(%dma_start3A_362 : memref<10240x128xf32, #tpu.memory_space<hbm>>) target(%dma_start3A_356 : memref<64x128xf32, #tpu.memory_space<vmem>>) offsets(%dma_start3A_359 : memref<64xi32, #tpu.memory_space<vmem>>) semaphore(%arg12 : memref<!tpu.dma_semaphore, #tpu.memory_space<semaphore_mem>>)
      } else {
      }
      %rem3A_307 = arith.constant 4 : i32
      %rem3A_308 = arith.remsi %while3A_275, %rem3A_307 : i32
      %rem3A_309 = arith.constant 8 : i32
      %rem3A_310 = arith.remsi %while3A_275, %rem3A_309 : i32
      %dma_start3A_311 = arith.constant 0 : i32
      %dma_start3A_312 = arith.constant 0 : i32
      %dma_start3A_313 = tpu.memref_slice %arg10[%rem3A_308, %dma_start3A_311, %dma_start3A_312] : memref<4x64x128xf32, #tpu.memory_space<vmem>> -> memref<1x64x128xf32, #tpu.memory_space<vmem>>
      %dma_start3A_314 = tpu.memref_squeeze %dma_start3A_313 : memref<1x64x128xf32, #tpu.memory_space<vmem>> -> memref<64x128xf32, #tpu.memory_space<vmem>>
      %dma_start3A_315 = arith.constant 0 : i32
      %dma_start3A_316 = tpu.memref_slice %arg9[%rem3A_310, %dma_start3A_315] : memref<8x64xi32, #tpu.memory_space<vmem>> -> memref<1x64xi32, #tpu.memory_space<vmem>>
      %dma_start3A_317 = tpu.memref_squeeze %dma_start3A_316 : memref<1x64xi32, #tpu.memory_space<vmem>> -> memref<64xi32, #tpu.memory_space<vmem>>
      %dma_start3A_318 = arith.constant 0 : i32
      %dma_start3A_319 = arith.constant 0 : i32
      %dma_start3A_320 = tpu.memref_slice %arg7[%dma_start3A_318, %dma_start3A_319] : memref<10240x128xf32, #tpu.memory_space<vmem_shared>> -> memref<10240x128xf32, #tpu.memory_space<vmem_shared>>
      tpu.enqueue_indirect_dma source(%dma_start3A_314 : memref<64x128xf32, #tpu.memory_space<vmem>>) target(%dma_start3A_320 : memref<10240x128xf32, #tpu.memory_space<vmem_shared>>) offsets(%dma_start3A_317 : memref<64xi32, #tpu.memory_space<vmem>>) semaphore(%arg13 : memref<!tpu.dma_semaphore, #tpu.memory_space<semaphore_mem>>) {add = true}
    }
    %while3A_251 = arith.constant 1 : i32
    scf.for %while3A_275 = %while3A_249 to %while3A_245 step %while3A_251  : i32 {
      %rem3A_276 = arith.constant 8 : i32
      %rem3A_277 = arith.remsi %while3A_275, %rem3A_276 : i32
      %rem3A_278 = arith.constant 4 : i32
      %rem3A_279 = arith.remsi %while3A_275, %rem3A_278 : i32
      %dma_wait3A_280 = arith.constant 0 : i32
      %dma_wait3A_281 = arith.constant 0 : i32
      %dma_wait3A_282 = tpu.memref_slice %arg10[%rem3A_279, %dma_wait3A_280, %dma_wait3A_281] : memref<4x64x128xf32, #tpu.memory_space<vmem>> -> memref<1x64x128xf32, #tpu.memory_space<vmem>>
      %dma_wait3A_283 = tpu.memref_squeeze %dma_wait3A_282 : memref<1x64x128xf32, #tpu.memory_space<vmem>> -> memref<64x128xf32, #tpu.memory_space<vmem>>
      %dma_wait3A_284 = arith.constant 0 : i32
      %dma_wait3A_285 = tpu.memref_slice %arg8[%rem3A_277, %dma_wait3A_284] : memref<8x64xi32, #tpu.memory_space<vmem>> -> memref<1x64xi32, #tpu.memory_space<vmem>>
      %dma_wait3A_286 = tpu.memref_squeeze %dma_wait3A_285 : memref<1x64xi32, #tpu.memory_space<vmem>> -> memref<64xi32, #tpu.memory_space<vmem>>
      %dma_wait3A_287 = arith.constant 0 : i32
      %dma_wait3A_288 = arith.constant 0 : i32
      %dma_wait3A_289 = tpu.memref_slice %arg2[%dma_wait3A_287, %dma_wait3A_288] : memref<10240x128xf32, #tpu.memory_space<hbm>> -> memref<10240x128xf32, #tpu.memory_space<hbm>>
      tpu.wait_indirect_dma semaphore(%arg12 : memref<!tpu.dma_semaphore, #tpu.memory_space<semaphore_mem>>) src(%dma_wait3A_289 : memref<10240x128xf32, #tpu.memory_space<hbm>>) dst(%dma_wait3A_283 : memref<64x128xf32, #tpu.memory_space<vmem>>)
      %ge3A = arith.constant 1 : i32
      %ge3A_290 = arith.cmpi sge, %while3A_275, %ge3A : i32
      %convert_element_type3A = arith.extui %ge3A_290 : i1 to i32
      %cond3A = arith.constant 0 : i32
      %cond3A_291 = arith.cmpi ne, %convert_element_type3A, %cond3A : i32
      scf.if %cond3A_291 {
        %sub3A_321 = arith.constant 1 : i32
        %sub3A_322 = arith.subi %while3A_275, %sub3A_321 : i32
        %rem3A_323 = arith.constant 4 : i32
        %rem3A_324 = arith.remsi %sub3A_322, %rem3A_323 : i32
        %rem3A_325 = arith.constant 8 : i32
        %rem3A_326 = arith.remsi %sub3A_322, %rem3A_325 : i32
        %dma_wait3A_327 = arith.constant 0 : i32
        %dma_wait3A_328 = arith.constant 0 : i32
        %dma_wait3A_329 = tpu.memref_slice %arg10[%rem3A_324, %dma_wait3A_327, %dma_wait3A_328] : memref<4x64x128xf32, #tpu.memory_space<vmem>> -> memref<1x64x128xf32, #tpu.memory_space<vmem>>
        %dma_wait3A_330 = tpu.memref_squeeze %dma_wait3A_329 : memref<1x64x128xf32, #tpu.memory_space<vmem>> -> memref<64x128xf32, #tpu.memory_space<vmem>>
        %dma_wait3A_331 = arith.constant 0 : i32
        %dma_wait3A_332 = tpu.memref_slice %arg9[%rem3A_326, %dma_wait3A_331] : memref<8x64xi32, #tpu.memory_space<vmem>> -> memref<1x64xi32, #tpu.memory_space<vmem>>
        %dma_wait3A_333 = tpu.memref_squeeze %dma_wait3A_332 : memref<1x64xi32, #tpu.memory_space<vmem>> -> memref<64xi32, #tpu.memory_space<vmem>>
        %dma_wait3A_334 = arith.constant 0 : i32
        %dma_wait3A_335 = arith.constant 0 : i32
        %dma_wait3A_336 = tpu.memref_slice %arg7[%dma_wait3A_334, %dma_wait3A_335] : memref<10240x128xf32, #tpu.memory_space<vmem_shared>> -> memref<10240x128xf32, #tpu.memory_space<vmem_shared>>
        tpu.wait_indirect_dma semaphore(%arg13 : memref<!tpu.dma_semaphore, #tpu.memory_space<semaphore_mem>>) src(%dma_wait3A_330 : memref<64x128xf32, #tpu.memory_space<vmem>>) dst(%dma_wait3A_336 : memref<10240x128xf32, #tpu.memory_space<vmem_shared>>)
      } else {
      }
      %sub3A_292 = arith.constant 3 : i32
      %sub3A_293 = arith.subi %select_n3A, %sub3A_292 : i32
      %sub3A_294 = arith.constant 3 : i32
      %sub3A_295 = arith.subi %sub3A_293, %sub3A_294 : i32
      %le3A = arith.cmpi sle, %while3A_275, %sub3A_295 : i32
      %convert_element_type3A_296 = arith.extui %le3A : i1 to i32
      %cond3A_297 = arith.constant 0 : i32
      %cond3A_298 = arith.cmpi ne, %convert_element_type3A_296, %cond3A_297 : i32
      scf.if %cond3A_298 {
        %add3A_321 = arith.constant 3 : i32
        %add3A_322 = arith.addi %while3A_275, %add3A_321 : i32
        %add3A_323 = arith.constant 2 : i32
        %add3A_324 = arith.addi %add3A_322, %add3A_323 : i32
        %rem3A_325 = arith.constant 8 : i32
        %rem3A_326 = arith.remsi %add3A_324, %rem3A_325 : i32
        %mul3A_327 = arith.constant 64 : i32
        %mul3A_328 = arith.muli %add3A_324, %mul3A_327 : i32
        %add3A_329 = arith.addi %mul3A_10, %mul3A_328 : i32
        %mul3A_330 = arith.constant 64 : i32
        %mul3A_331 = arith.muli %add3A_324, %mul3A_330 : i32
        %add3A_332 = arith.addi %mul3A_10, %mul3A_331 : i32
        %dma_start3A_333 = arith.constant 0 : i32
        %dma_start3A_334 = tpu.memref_slice %arg8[%rem3A_326, %dma_start3A_333] : memref<8x64xi32, #tpu.memory_space<vmem>> -> memref<1x64xi32, #tpu.memory_space<vmem>>
        %dma_start3A_335 = tpu.memref_squeeze %dma_start3A_334 : memref<1x64xi32, #tpu.memory_space<vmem>> -> memref<64xi32, #tpu.memory_space<vmem>>
        %dma_start3A_336 = tpu.memref_slice %arg3[%add3A_329] : memref<327680xi32, #tpu.memory_space<hbm>> -> memref<64xi32, #tpu.memory_space<hbm>>
        %dma_start3A_337 = arith.constant 0 : i32
        %dma_start3A_338 = tpu.memref_slice %arg8[%rem3A_326, %dma_start3A_337] : memref<8x64xi32, #tpu.memory_space<vmem>> -> memref<1x64xi32, #tpu.memory_space<vmem>>
        %dma_start3A_339 = tpu.memref_squeeze %dma_start3A_338 : memref<1x64xi32, #tpu.memory_space<vmem>> -> memref<64xi32, #tpu.memory_space<vmem>>
        %dma_start3A_340 = tpu.memref_slice %arg3[%add3A_329] : memref<327680xi32, #tpu.memory_space<hbm>> -> memref<64xi32, #tpu.memory_space<hbm>>
        tpu.enqueue_dma source(%dma_start3A_340 : memref<64xi32, #tpu.memory_space<hbm>>) target(%dma_start3A_339 : memref<64xi32, #tpu.memory_space<vmem>>) target_semaphore(%arg11 : memref<!tpu.dma_semaphore, #tpu.memory_space<semaphore_mem>>)
        %dma_start3A_341 = arith.constant 0 : i32
        %dma_start3A_342 = tpu.memref_slice %arg9[%rem3A_326, %dma_start3A_341] : memref<8x64xi32, #tpu.memory_space<vmem>> -> memref<1x64xi32, #tpu.memory_space<vmem>>
        %dma_start3A_343 = tpu.memref_squeeze %dma_start3A_342 : memref<1x64xi32, #tpu.memory_space<vmem>> -> memref<64xi32, #tpu.memory_space<vmem>>
        %dma_start3A_344 = tpu.memref_slice %arg4[%add3A_332] : memref<327680xi32, #tpu.memory_space<hbm>> -> memref<64xi32, #tpu.memory_space<hbm>>
        %dma_start3A_345 = arith.constant 0 : i32
        %dma_start3A_346 = tpu.memref_slice %arg9[%rem3A_326, %dma_start3A_345] : memref<8x64xi32, #tpu.memory_space<vmem>> -> memref<1x64xi32, #tpu.memory_space<vmem>>
        %dma_start3A_347 = tpu.memref_squeeze %dma_start3A_346 : memref<1x64xi32, #tpu.memory_space<vmem>> -> memref<64xi32, #tpu.memory_space<vmem>>
        %dma_start3A_348 = tpu.memref_slice %arg4[%add3A_332] : memref<327680xi32, #tpu.memory_space<hbm>> -> memref<64xi32, #tpu.memory_space<hbm>>
        tpu.enqueue_dma source(%dma_start3A_348 : memref<64xi32, #tpu.memory_space<hbm>>) target(%dma_start3A_347 : memref<64xi32, #tpu.memory_space<vmem>>) target_semaphore(%arg11 : memref<!tpu.dma_semaphore, #tpu.memory_space<semaphore_mem>>)
      } else {
      }
      %sub3A_299 = arith.constant 3 : i32
      %sub3A_300 = arith.subi %select_n3A, %sub3A_299 : i32
      %sub3A_301 = arith.constant 1 : i32
      %sub3A_302 = arith.subi %sub3A_300, %sub3A_301 : i32
      %le3A_303 = arith.cmpi sle, %while3A_275, %sub3A_302 : i32
      %convert_element_type3A_304 = arith.extui %le3A_303 : i1 to i32
      %cond3A_305 = arith.constant 0 : i32
      %cond3A_306 = arith.cmpi ne, %convert_element_type3A_304, %cond3A_305 : i32
      scf.if %cond3A_306 {
        %add3A_321 = arith.constant 3 : i32
        %add3A_322 = arith.addi %while3A_275, %add3A_321 : i32
        %rem3A_323 = arith.constant 8 : i32
        %rem3A_324 = arith.remsi %add3A_322, %rem3A_323 : i32
        %mul3A_325 = arith.constant 64 : i32
        %mul3A_326 = arith.muli %add3A_322, %mul3A_325 : i32
        %add3A_327 = arith.addi %mul3A_10, %mul3A_326 : i32
        %mul3A_328 = arith.constant 64 : i32
        %mul3A_329 = arith.muli %add3A_322, %mul3A_328 : i32
        %add3A_330 = arith.addi %mul3A_10, %mul3A_329 : i32
        %dma_wait3A_331 = arith.constant 0 : i32
        %dma_wait3A_332 = tpu.memref_slice %arg8[%rem3A_324, %dma_wait3A_331] : memref<8x64xi32, #tpu.memory_space<vmem>> -> memref<1x64xi32, #tpu.memory_space<vmem>>
        %dma_wait3A_333 = tpu.memref_squeeze %dma_wait3A_332 : memref<1x64xi32, #tpu.memory_space<vmem>> -> memref<64xi32, #tpu.memory_space<vmem>>
        %dma_wait3A_334 = tpu.memref_slice %arg3[%add3A_327] : memref<327680xi32, #tpu.memory_space<hbm>> -> memref<64xi32, #tpu.memory_space<hbm>>
        %dma_wait3A_335 = arith.constant 0 : i32
        %dma_wait3A_336 = tpu.memref_slice %arg8[%rem3A_324, %dma_wait3A_335] : memref<8x64xi32, #tpu.memory_space<vmem>> -> memref<1x64xi32, #tpu.memory_space<vmem>>
        %dma_wait3A_337 = tpu.memref_squeeze %dma_wait3A_336 : memref<1x64xi32, #tpu.memory_space<vmem>> -> memref<64xi32, #tpu.memory_space<vmem>>
        %dma_wait3A_338 = tpu.memref_slice %arg3[%add3A_327] : memref<327680xi32, #tpu.memory_space<hbm>> -> memref<64xi32, #tpu.memory_space<hbm>>
        tpu.wait_dma2 semaphore(%arg11 : memref<!tpu.dma_semaphore, #tpu.memory_space<semaphore_mem>>) src(%dma_wait3A_338 : memref<64xi32, #tpu.memory_space<hbm>>) dst(%dma_wait3A_337 : memref<64xi32, #tpu.memory_space<vmem>>)
        %dma_wait3A_339 = arith.constant 0 : i32
        %dma_wait3A_340 = tpu.memref_slice %arg9[%rem3A_324, %dma_wait3A_339] : memref<8x64xi32, #tpu.memory_space<vmem>> -> memref<1x64xi32, #tpu.memory_space<vmem>>
        %dma_wait3A_341 = tpu.memref_squeeze %dma_wait3A_340 : memref<1x64xi32, #tpu.memory_space<vmem>> -> memref<64xi32, #tpu.memory_space<vmem>>
        %dma_wait3A_342 = tpu.memref_slice %arg4[%add3A_330] : memref<327680xi32, #tpu.memory_space<hbm>> -> memref<64xi32, #tpu.memory_space<hbm>>
        %dma_wait3A_343 = arith.constant 0 : i32
        %dma_wait3A_344 = tpu.memref_slice %arg9[%rem3A_324, %dma_wait3A_343] : memref<8x64xi32, #tpu.memory_space<vmem>> -> memref<1x64xi32, #tpu.memory_space<vmem>>
        %dma_wait3A_345 = tpu.memref_squeeze %dma_wait3A_344 : memref<1x64xi32, #tpu.memory_space<vmem>> -> memref<64xi32, #tpu.memory_space<vmem>>
        %dma_wait3A_346 = tpu.memref_slice %arg4[%add3A_330] : memref<327680xi32, #tpu.memory_space<hbm>> -> memref<64xi32, #tpu.memory_space<hbm>>
        tpu.wait_dma2 semaphore(%arg11 : memref<!tpu.dma_semaphore, #tpu.memory_space<semaphore_mem>>) src(%dma_wait3A_346 : memref<64xi32, #tpu.memory_space<hbm>>) dst(%dma_wait3A_345 : memref<64xi32, #tpu.memory_space<vmem>>)
        %add3A_347 = arith.constant 3 : i32
        %add3A_348 = arith.addi %while3A_275, %add3A_347 : i32
        %rem3A_349 = arith.constant 8 : i32
        %rem3A_350 = arith.remsi %add3A_348, %rem3A_349 : i32
        %rem3A_351 = arith.constant 4 : i32
        %rem3A_352 = arith.remsi %add3A_348, %rem3A_351 : i32
        %dma_start3A_353 = arith.constant 0 : i32
        %dma_start3A_354 = arith.constant 0 : i32
        %dma_start3A_355 = tpu.memref_slice %arg10[%rem3A_352, %dma_start3A_353, %dma_start3A_354] : memref<4x64x128xf32, #tpu.memory_space<vmem>> -> memref<1x64x128xf32, #tpu.memory_space<vmem>>
        %dma_start3A_356 = tpu.memref_squeeze %dma_start3A_355 : memref<1x64x128xf32, #tpu.memory_space<vmem>> -> memref<64x128xf32, #tpu.memory_space<vmem>>
        %dma_start3A_357 = arith.constant 0 : i32
        %dma_start3A_358 = tpu.memref_slice %arg8[%rem3A_350, %dma_start3A_357] : memref<8x64xi32, #tpu.memory_space<vmem>> -> memref<1x64xi32, #tpu.memory_space<vmem>>
        %dma_start3A_359 = tpu.memref_squeeze %dma_start3A_358 : memref<1x64xi32, #tpu.memory_space<vmem>> -> memref<64xi32, #tpu.memory_space<vmem>>
        %dma_start3A_360 = arith.constant 0 : i32
        %dma_start3A_361 = arith.constant 0 : i32
        %dma_start3A_362 = tpu.memref_slice %arg2[%dma_start3A_360, %dma_start3A_361] : memref<10240x128xf32, #tpu.memory_space<hbm>> -> memref<10240x128xf32, #tpu.memory_space<hbm>>
        tpu.enqueue_indirect_dma source(%dma_start3A_362 : memref<10240x128xf32, #tpu.memory_space<hbm>>) target(%dma_start3A_356 : memref<64x128xf32, #tpu.memory_space<vmem>>) offsets(%dma_start3A_359 : memref<64xi32, #tpu.memory_space<vmem>>) semaphore(%arg12 : memref<!tpu.dma_semaphore, #tpu.memory_space<semaphore_mem>>)
      } else {
      }
      %rem3A_307 = arith.constant 4 : i32
      %rem3A_308 = arith.remsi %while3A_275, %rem3A_307 : i32
      %rem3A_309 = arith.constant 8 : i32
      %rem3A_310 = arith.remsi %while3A_275, %rem3A_309 : i32
      %dma_start3A_311 = arith.constant 0 : i32
      %dma_start3A_312 = arith.constant 0 : i32
      %dma_start3A_313 = tpu.memref_slice %arg10[%rem3A_308, %dma_start3A_311, %dma_start3A_312] : memref<4x64x128xf32, #tpu.memory_space<vmem>> -> memref<1x64x128xf32, #tpu.memory_space<vmem>>
      %dma_start3A_314 = tpu.memref_squeeze %dma_start3A_313 : memref<1x64x128xf32, #tpu.memory_space<vmem>> -> memref<64x128xf32, #tpu.memory_space<vmem>>
      %dma_start3A_315 = arith.constant 0 : i32
      %dma_start3A_316 = tpu.memref_slice %arg9[%rem3A_310, %dma_start3A_315] : memref<8x64xi32, #tpu.memory_space<vmem>> -> memref<1x64xi32, #tpu.memory_space<vmem>>
      %dma_start3A_317 = tpu.memref_squeeze %dma_start3A_316 : memref<1x64xi32, #tpu.memory_space<vmem>> -> memref<64xi32, #tpu.memory_space<vmem>>
      %dma_start3A_318 = arith.constant 0 : i32
      %dma_start3A_319 = arith.constant 0 : i32
      %dma_start3A_320 = tpu.memref_slice %arg7[%dma_start3A_318, %dma_start3A_319] : memref<10240x128xf32, #tpu.memory_space<vmem_shared>> -> memref<10240x128xf32, #tpu.memory_space<vmem_shared>>
      tpu.enqueue_indirect_dma source(%dma_start3A_314 : memref<64x128xf32, #tpu.memory_space<vmem>>) target(%dma_start3A_320 : memref<10240x128xf32, #tpu.memory_space<vmem_shared>>) offsets(%dma_start3A_317 : memref<64xi32, #tpu.memory_space<vmem>>) semaphore(%arg13 : memref<!tpu.dma_semaphore, #tpu.memory_space<semaphore_mem>>) {add = true}
    }
    %sub3A = arith.constant 1 : i32
    %sub3A_252 = arith.subi %select_n3A, %sub3A : i32
    %rem3A_253 = arith.constant 4 : i32
    %rem3A_254 = arith.remsi %sub3A_252, %rem3A_253 : i32
    %rem3A_255 = arith.constant 8 : i32
    %rem3A_256 = arith.remsi %sub3A_252, %rem3A_255 : i32
    %dma_wait3A_257 = arith.constant 0 : i32
    %dma_wait3A_258 = arith.constant 0 : i32
    %dma_wait3A_259 = tpu.memref_slice %arg10[%rem3A_254, %dma_wait3A_257, %dma_wait3A_258] : memref<4x64x128xf32, #tpu.memory_space<vmem>> -> memref<1x64x128xf32, #tpu.memory_space<vmem>>
    %dma_wait3A_260 = tpu.memref_squeeze %dma_wait3A_259 : memref<1x64x128xf32, #tpu.memory_space<vmem>> -> memref<64x128xf32, #tpu.memory_space<vmem>>
    %dma_wait3A_261 = arith.constant 0 : i32
    %dma_wait3A_262 = tpu.memref_slice %arg9[%rem3A_256, %dma_wait3A_261] : memref<8x64xi32, #tpu.memory_space<vmem>> -> memref<1x64xi32, #tpu.memory_space<vmem>>
    %dma_wait3A_263 = tpu.memref_squeeze %dma_wait3A_262 : memref<1x64xi32, #tpu.memory_space<vmem>> -> memref<64xi32, #tpu.memory_space<vmem>>
    %dma_wait3A_264 = arith.constant 0 : i32
    %dma_wait3A_265 = arith.constant 0 : i32
    %dma_wait3A_266 = tpu.memref_slice %arg7[%dma_wait3A_264, %dma_wait3A_265] : memref<10240x128xf32, #tpu.memory_space<vmem_shared>> -> memref<10240x128xf32, #tpu.memory_space<vmem_shared>>
    tpu.wait_indirect_dma semaphore(%arg13 : memref<!tpu.dma_semaphore, #tpu.memory_space<semaphore_mem>>) src(%dma_wait3A_260 : memref<64x128xf32, #tpu.memory_space<vmem>>) dst(%dma_wait3A_266 : memref<10240x128xf32, #tpu.memory_space<vmem_shared>>)
    %barrier3A_267 = arith.constant 0 : index
    tpu.barrier barrier_id(%barrier3A_267)
    %mul3A_268 = arith.constant 640 : i32
    %mul3A_269 = arith.muli %arg1, %mul3A_268 : i32
    %mul3A_270 = arith.constant 10240 : i32
    %mul3A_271 = arith.muli %arg0, %mul3A_270 : i32
    %mul3A_272 = arith.constant 640 : i32
    %mul3A_273 = arith.muli %arg1, %mul3A_272 : i32
    %add3A_274 = arith.addi %mul3A_271, %mul3A_273 : i32
    "tpu.region"() ({
      %run_scoped3A = tpu.sem_alloc : memref<!tpu.dma_semaphore, #tpu.memory_space<semaphore_mem>>
      %dma_start3A_275 = arith.constant 0 : i32
      %dma_start3A_276 = tpu.memref_slice %arg6[%add3A_274, %dma_start3A_275] : memref<20480x128xf32, #tpu.memory_space<hbm>> -> memref<640x128xf32, #tpu.memory_space<hbm>>
      %dma_start3A_277 = arith.constant 0 : i32
      %dma_start3A_278 = tpu.memref_slice %arg7[%mul3A_269, %dma_start3A_277] : memref<10240x128xf32, #tpu.memory_space<vmem_shared>> -> memref<640x128xf32, #tpu.memory_space<vmem_shared>>
      tpu.enqueue_dma source(%dma_start3A_278 : memref<640x128xf32, #tpu.memory_space<vmem_shared>>) target(%dma_start3A_276 : memref<640x128xf32, #tpu.memory_space<hbm>>) target_semaphore(%run_scoped3A : memref<!tpu.dma_semaphore, #tpu.memory_space<semaphore_mem>>)
      %dma_wait3A_279 = arith.constant 0 : i32
      %dma_wait3A_280 = tpu.memref_slice %arg6[%add3A_274, %dma_wait3A_279] : memref<20480x128xf32, #tpu.memory_space<hbm>> -> memref<640x128xf32, #tpu.memory_space<hbm>>
      %dma_wait3A_281 = arith.constant 0 : i32
      %dma_wait3A_282 = tpu.memref_slice %arg7[%mul3A_269, %dma_wait3A_281] : memref<10240x128xf32, #tpu.memory_space<vmem_shared>> -> memref<640x128xf32, #tpu.memory_space<vmem_shared>>
      tpu.wait_dma2 semaphore(%run_scoped3A : memref<!tpu.dma_semaphore, #tpu.memory_space<semaphore_mem>>) src(%dma_wait3A_282 : memref<640x128xf32, #tpu.memory_space<vmem_shared>>) dst(%dma_wait3A_280 : memref<640x128xf32, #tpu.memory_space<hbm>>)
      tpu.yield
    }) : () -> ()
    return
  }
}

#map = affine_map<(d0, d1) -> (0, 0)>
module attributes {stable_mosaic.version = 14 : i64} {
  func.func @k(%arg0: i32, %arg1: i32, %arg2: memref<2560x128xi32, #tpu.memory_space<hbm>>, %arg3: memref<128x128xf32, #tpu.memory_space<hbm>>, %arg4: memref<10240x128xf32, #tpu.memory_space<hbm>>, %arg5: memref<20480x128xf32, #tpu.memory_space<hbm>>, %arg6: memref<10240x128xf32, #tpu.memory_space<vmem_shared>>, %arg7: memref<80x128xi32, #tpu.memory_space<vmem>>, %arg8: memref<128x128xf32, #tpu.memory_space<vmem>>, %arg9: memref<!tpu.dma_semaphore, #tpu.memory_space<semaphore_mem>>) attributes {dimension_semantics = [#tpu.dimension_semantics<core_parallel>, #tpu.dimension_semantics<subcore_parallel>], iteration_bounds = array<i64: 2, 16>, scalar_prefetch = 0 : i64, scratch_operands = 4 : i64, tpu.core_type = #tpu.core_type<sc_vector_subcore>, window_params = [{transform_indices = #map}, {transform_indices = #map}, {transform_indices = #map}, {transform_indices = #map}]} {
    %mul3A = arith.constant 16 : i32
    %mul3A_0 = arith.muli %arg0, %mul3A : i32
    %add3A = arith.addi %mul3A_0, %arg1 : i32
    "tpu.region"() ({
      %run_scoped3A = tpu.sem_alloc : memref<!tpu.dma_semaphore, #tpu.memory_space<semaphore_mem>>
      tpu.enqueue_dma source(%arg3 : memref<128x128xf32, #tpu.memory_space<hbm>>) target(%arg8 : memref<128x128xf32, #tpu.memory_space<vmem>>) target_semaphore(%run_scoped3A : memref<!tpu.dma_semaphore, #tpu.memory_space<semaphore_mem>>)
      tpu.wait_dma2 semaphore(%run_scoped3A : memref<!tpu.dma_semaphore, #tpu.memory_space<semaphore_mem>>) src(%arg3 : memref<128x128xf32, #tpu.memory_space<hbm>>) dst(%arg8 : memref<128x128xf32, #tpu.memory_space<vmem>>)
      tpu.yield
    }) : () -> ()
    %mul3A_1 = arith.constant 80 : i32
    %mul3A_2 = arith.muli %add3A, %mul3A_1 : i32
    "tpu.region"() ({
      %run_scoped3A = tpu.sem_alloc : memref<!tpu.dma_semaphore, #tpu.memory_space<semaphore_mem>>
      %dma_start3A = arith.constant 0 : i32
      %dma_start3A_19 = tpu.memref_slice %arg2[%mul3A_2, %dma_start3A] : memref<2560x128xi32, #tpu.memory_space<hbm>> -> memref<80x128xi32, #tpu.memory_space<hbm>>
      %dma_start3A_20 = arith.constant 0 : i32
      %dma_start3A_21 = tpu.memref_slice %arg2[%mul3A_2, %dma_start3A_20] : memref<2560x128xi32, #tpu.memory_space<hbm>> -> memref<80x128xi32, #tpu.memory_space<hbm>>
      tpu.enqueue_dma source(%dma_start3A_21 : memref<80x128xi32, #tpu.memory_space<hbm>>) target(%arg7 : memref<80x128xi32, #tpu.memory_space<vmem>>) target_semaphore(%run_scoped3A : memref<!tpu.dma_semaphore, #tpu.memory_space<semaphore_mem>>)
      %dma_wait3A = arith.constant 0 : i32
      %dma_wait3A_22 = tpu.memref_slice %arg2[%mul3A_2, %dma_wait3A] : memref<2560x128xi32, #tpu.memory_space<hbm>> -> memref<80x128xi32, #tpu.memory_space<hbm>>
      %dma_wait3A_23 = arith.constant 0 : i32
      %dma_wait3A_24 = tpu.memref_slice %arg2[%mul3A_2, %dma_wait3A_23] : memref<2560x128xi32, #tpu.memory_space<hbm>> -> memref<80x128xi32, #tpu.memory_space<hbm>>
      tpu.wait_dma2 semaphore(%run_scoped3A : memref<!tpu.dma_semaphore, #tpu.memory_space<semaphore_mem>>) src(%dma_wait3A_24 : memref<80x128xi32, #tpu.memory_space<hbm>>) dst(%arg7 : memref<80x128xi32, #tpu.memory_space<vmem>>)
      tpu.yield
    }) : () -> ()
    %mul3A_3 = arith.constant 640 : i32
    %mul3A_4 = arith.muli %arg1, %mul3A_3 : i32
    %mul3A_5 = arith.constant 640 : i32
    %mul3A_6 = arith.muli %arg1, %mul3A_5 : i32
    "tpu.region"() ({
      %run_scoped3A = tpu.sem_alloc : memref<!tpu.dma_semaphore, #tpu.memory_space<semaphore_mem>>
      %dma_start3A = arith.constant 0 : i32
      %dma_start3A_19 = tpu.memref_slice %arg6[%mul3A_6, %dma_start3A] : memref<10240x128xf32, #tpu.memory_space<vmem_shared>> -> memref<640x128xf32, #tpu.memory_space<vmem_shared>>
      %dma_start3A_20 = arith.constant 0 : i32
      %dma_start3A_21 = tpu.memref_slice %arg4[%mul3A_4, %dma_start3A_20] : memref<10240x128xf32, #tpu.memory_space<hbm>> -> memref<640x128xf32, #tpu.memory_space<hbm>>
      tpu.enqueue_dma source(%dma_start3A_21 : memref<640x128xf32, #tpu.memory_space<hbm>>) target(%dma_start3A_19 : memref<640x128xf32, #tpu.memory_space<vmem_shared>>) target_semaphore(%run_scoped3A : memref<!tpu.dma_semaphore, #tpu.memory_space<semaphore_mem>>)
      %dma_wait3A = arith.constant 0 : i32
      %dma_wait3A_22 = tpu.memref_slice %arg6[%mul3A_6, %dma_wait3A] : memref<10240x128xf32, #tpu.memory_space<vmem_shared>> -> memref<640x128xf32, #tpu.memory_space<vmem_shared>>
      %dma_wait3A_23 = arith.constant 0 : i32
      %dma_wait3A_24 = tpu.memref_slice %arg4[%mul3A_4, %dma_wait3A_23] : memref<10240x128xf32, #tpu.memory_space<hbm>> -> memref<640x128xf32, #tpu.memory_space<hbm>>
      tpu.wait_dma2 semaphore(%run_scoped3A : memref<!tpu.dma_semaphore, #tpu.memory_space<semaphore_mem>>) src(%dma_wait3A_24 : memref<640x128xf32, #tpu.memory_space<hbm>>) dst(%dma_wait3A_22 : memref<640x128xf32, #tpu.memory_space<vmem_shared>>)
      tpu.yield
    }) : () -> ()
    %barrier3A = arith.constant 0 : index
    tpu.barrier barrier_id(%barrier3A)
    %scan3A = arith.constant 0 : i32
    %scan3A_7 = arith.constant 80 : i32
    %scan3A_8 = arith.addi %scan3A, %scan3A_7 : i32
    %scan3A_9 = arith.constant 1 : i32
    scf.for %scan3A_19 = %scan3A to %scan3A_8 step %scan3A_9  : i32 {
      %dma_start3A = arith.constant 0 : i32
      %dma_start3A_20 = tpu.memref_slice %arg7[%scan3A_19, %dma_start3A] : memref<80x128xi32, #tpu.memory_space<vmem>> -> memref<1x128xi32, #tpu.memory_space<vmem>>
      %dma_start3A_21 = tpu.memref_squeeze %dma_start3A_20 : memref<1x128xi32, #tpu.memory_space<vmem>> -> memref<128xi32, #tpu.memory_space<vmem>>
      %dma_start3A_22 = arith.constant 0 : i32
      %dma_start3A_23 = arith.constant 0 : i32
      %dma_start3A_24 = tpu.memref_slice %arg6[%dma_start3A_22, %dma_start3A_23] : memref<10240x128xf32, #tpu.memory_space<vmem_shared>> -> memref<10240x128xf32, #tpu.memory_space<vmem_shared>>
      tpu.enqueue_indirect_dma source(%arg8 : memref<128x128xf32, #tpu.memory_space<vmem>>) target(%dma_start3A_24 : memref<10240x128xf32, #tpu.memory_space<vmem_shared>>) offsets(%dma_start3A_21 : memref<128xi32, #tpu.memory_space<vmem>>) semaphore(%arg9 : memref<!tpu.dma_semaphore, #tpu.memory_space<semaphore_mem>>) {add = true}
      %dma_wait3A = arith.constant 0 : i32
      %dma_wait3A_25 = tpu.memref_slice %arg7[%scan3A_19, %dma_wait3A] : memref<80x128xi32, #tpu.memory_space<vmem>> -> memref<1x128xi32, #tpu.memory_space<vmem>>
      %dma_wait3A_26 = tpu.memref_squeeze %dma_wait3A_25 : memref<1x128xi32, #tpu.memory_space<vmem>> -> memref<128xi32, #tpu.memory_space<vmem>>
      %dma_wait3A_27 = arith.constant 0 : i32
      %dma_wait3A_28 = arith.constant 0 : i32
      %dma_wait3A_29 = tpu.memref_slice %arg6[%dma_wait3A_27, %dma_wait3A_28] : memref<10240x128xf32, #tpu.memory_space<vmem_shared>> -> memref<10240x128xf32, #tpu.memory_space<vmem_shared>>
      tpu.wait_indirect_dma semaphore(%arg9 : memref<!tpu.dma_semaphore, #tpu.memory_space<semaphore_mem>>) src(%arg8 : memref<128x128xf32, #tpu.memory_space<vmem>>) dst(%dma_wait3A_29 : memref<10240x128xf32, #tpu.memory_space<vmem_shared>>)
    }
    %scan3A_10 = arith.constant 80 : i32
    %barrier3A_11 = arith.constant 0 : index
    tpu.barrier barrier_id(%barrier3A_11)
    %mul3A_12 = arith.constant 640 : i32
    %mul3A_13 = arith.muli %arg1, %mul3A_12 : i32
    %mul3A_14 = arith.constant 10240 : i32
    %mul3A_15 = arith.muli %arg0, %mul3A_14 : i32
    %mul3A_16 = arith.constant 640 : i32
    %mul3A_17 = arith.muli %arg1, %mul3A_16 : i32
    %add3A_18 = arith.addi %mul3A_15, %mul3A_17 : i32
    "tpu.region"() ({
      %run_scoped3A = tpu.sem_alloc : memref<!tpu.dma_semaphore, #tpu.memory_space<semaphore_mem>>
      %dma_start3A = arith.constant 0 : i32
      %dma_start3A_19 = tpu.memref_slice %arg5[%add3A_18, %dma_start3A] : memref<20480x128xf32, #tpu.memory_space<hbm>> -> memref<640x128xf32, #tpu.memory_space<hbm>>
      %dma_start3A_20 = arith.constant 0 : i32
      %dma_start3A_21 = tpu.memref_slice %arg6[%mul3A_13, %dma_start3A_20] : memref<10240x128xf32, #tpu.memory_space<vmem_shared>> -> memref<640x128xf32, #tpu.memory_space<vmem_shared>>
      tpu.enqueue_dma source(%dma_start3A_21 : memref<640x128xf32, #tpu.memory_space<vmem_shared>>) target(%dma_start3A_19 : memref<640x128xf32, #tpu.memory_space<hbm>>) target_semaphore(%run_scoped3A : memref<!tpu.dma_semaphore, #tpu.memory_space<semaphore_mem>>)
      %dma_wait3A = arith.constant 0 : i32
      %dma_wait3A_22 = tpu.memref_slice %arg5[%add3A_18, %dma_wait3A] : memref<20480x128xf32, #tpu.memory_space<hbm>> -> memref<640x128xf32, #tpu.memory_space<hbm>>
      %dma_wait3A_23 = arith.constant 0 : i32
      %dma_wait3A_24 = tpu.memref_slice %arg6[%mul3A_13, %dma_wait3A_23] : memref<10240x128xf32, #tpu.memory_space<vmem_shared>> -> memref<640x128xf32, #tpu.memory_space<vmem_shared>>
      tpu.wait_dma2 semaphore(%run_scoped3A : memref<!tpu.dma_semaphore, #tpu.memory_space<semaphore_mem>>) src(%dma_wait3A_24 : memref<640x128xf32, #tpu.memory_space<vmem_shared>>) dst(%dma_wait3A_22 : memref<640x128xf32, #tpu.memory_space<hbm>>)
      tpu.yield
    }) : () -> ()
    return
  }
}

#map = affine_map<(d0, d1) -> (0, 0)>
#map1 = affine_map<(d0, d1) -> (0)>
module attributes {stable_mosaic.version = 14 : i64} {
  func.func @k(%arg0: i32, %arg1: i32, %arg2: memref<10240x128xf32, #tpu.memory_space<hbm>>, %arg3: memref<327680xi32, #tpu.memory_space<hbm>>, %arg4: memref<327680xi32, #tpu.memory_space<hbm>>, %arg5: memref<10240x128xf32, #tpu.memory_space<hbm>>, %arg6: memref<20480x128xf32, #tpu.memory_space<hbm>>, %arg7: memref<10240x128xf32, #tpu.memory_space<vmem_shared>>, %arg8: memref<8x64xi32, #tpu.memory_space<vmem>>, %arg9: memref<8x64xi32, #tpu.memory_space<vmem>>, %arg10: memref<4x64x128xf32, #tpu.memory_space<vmem>>, %arg11: memref<!tpu.dma_semaphore, #tpu.memory_space<semaphore_mem>>, %arg12: memref<!tpu.dma_semaphore, #tpu.memory_space<semaphore_mem>>, %arg13: memref<!tpu.dma_semaphore, #tpu.memory_space<semaphore_mem>>) attributes {dimension_semantics = [#tpu.dimension_semantics<core_parallel>, #tpu.dimension_semantics<subcore_parallel>], iteration_bounds = array<i64: 2, 16>, scalar_prefetch = 0 : i64, scratch_operands = 7 : i64, tpu.core_type = #tpu.core_type<sc_vector_subcore>, window_params = [{transform_indices = #map}, {transform_indices = #map1}, {transform_indices = #map1}, {transform_indices = #map}, {transform_indices = #map}]} {
    %eq3A = arith.constant 0 : i32
    %eq3A_0 = arith.cmpi eq, %arg0, %eq3A : i32
    %jit3A = arith.constant 256 : i32
    %jit3A_1 = arith.constant 64 : i32
    %select_n3A = arith.select %eq3A_0, %jit3A, %jit3A_1 : i32
    %eq3A_2 = arith.constant 0 : i32
    %eq3A_3 = arith.cmpi eq, %arg0, %eq3A_2 : i32
    %mul3A = arith.constant 256 : i32
    %mul3A_4 = arith.muli %arg1, %mul3A : i32
    %mul3A_5 = arith.constant 64 : i32
    %mul3A_6 = arith.muli %arg1, %mul3A_5 : i32
    %add3A = arith.constant 4096 : i32
    %add3A_7 = arith.addi %add3A, %mul3A_6 : i32
    %select_n3A_8 = arith.select %eq3A_3, %mul3A_4, %add3A_7 : i32
    %mul3A_9 = arith.constant 64 : i32
    %mul3A_10 = arith.muli %select_n3A_8, %mul3A_9 : i32
    %rem3A = arith.constant 0 : i32
    %rem3A_11 = arith.constant 8 : i32
    %rem3A_12 = arith.remsi %rem3A, %rem3A_11 : i32
    %add3A_13 = arith.constant 0 : i32
    %add3A_14 = arith.addi %mul3A_10, %add3A_13 : i32
    %add3A_15 = arith.constant 0 : i32
    %add3A_16 = arith.addi %mul3A_10, %add3A_15 : i32
    %dma_start3A = arith.constant 0 : i32
    %dma_start3A_17 = tpu.memref_slice %arg8[%rem3A_12, %dma_start3A] : memref<8x64xi32, #tpu.memory_space<vmem>> -> memref<1x64xi32, #tpu.memory_space<vmem>>
    %dma_start3A_18 = tpu.memref_squeeze %dma_start3A_17 : memref<1x64xi32, #tpu.memory_space<vmem>> -> memref<64xi32, #tpu.memory_space<vmem>>
    %dma_start3A_19 = tpu.memref_slice %arg3[%add3A_14] : memref<327680xi32, #tpu.memory_space<hbm>> -> memref<64xi32, #tpu.memory_space<hbm>>
    %dma_start3A_20 = arith.constant 0 : i32
    %dma_start3A_21 = tpu.memref_slice %arg8[%rem3A_12, %dma_start3A_20] : memref<8x64xi32, #tpu.memory_space<vmem>> -> memref<1x64xi32, #tpu.memory_space<vmem>>
    %dma_start3A_22 = tpu.memref_squeeze %dma_start3A_21 : memref<1x64xi32, #tpu.memory_space<vmem>> -> memref<64xi32, #tpu.memory_space<vmem>>
    %dma_start3A_23 = tpu.memref_slice %arg3[%add3A_14] : memref<327680xi32, #tpu.memory_space<hbm>> -> memref<64xi32, #tpu.memory_space<hbm>>
    tpu.enqueue_dma source(%dma_start3A_23 : memref<64xi32, #tpu.memory_space<hbm>>) target(%dma_start3A_22 : memref<64xi32, #tpu.memory_space<vmem>>) target_semaphore(%arg11 : memref<!tpu.dma_semaphore, #tpu.memory_space<semaphore_mem>>)
    %dma_start3A_24 = arith.constant 0 : i32
    %dma_start3A_25 = tpu.memref_slice %arg9[%rem3A_12, %dma_start3A_24] : memref<8x64xi32, #tpu.memory_space<vmem>> -> memref<1x64xi32, #tpu.memory_space<vmem>>
    %dma_start3A_26 = tpu.memref_squeeze %dma_start3A_25 : memref<1x64xi32, #tpu.memory_space<vmem>> -> memref<64xi32, #tpu.memory_space<vmem>>
    %dma_start3A_27 = tpu.memref_slice %arg4[%add3A_16] : memref<327680xi32, #tpu.memory_space<hbm>> -> memref<64xi32, #tpu.memory_space<hbm>>
    %dma_start3A_28 = arith.constant 0 : i32
    %dma_start3A_29 = tpu.memref_slice %arg9[%rem3A_12, %dma_start3A_28] : memref<8x64xi32, #tpu.memory_space<vmem>> -> memref<1x64xi32, #tpu.memory_space<vmem>>
    %dma_start3A_30 = tpu.memref_squeeze %dma_start3A_29 : memref<1x64xi32, #tpu.memory_space<vmem>> -> memref<64xi32, #tpu.memory_space<vmem>>
    %dma_start3A_31 = tpu.memref_slice %arg4[%add3A_16] : memref<327680xi32, #tpu.memory_space<hbm>> -> memref<64xi32, #tpu.memory_space<hbm>>
    tpu.enqueue_dma source(%dma_start3A_31 : memref<64xi32, #tpu.memory_space<hbm>>) target(%dma_start3A_30 : memref<64xi32, #tpu.memory_space<vmem>>) target_semaphore(%arg11 : memref<!tpu.dma_semaphore, #tpu.memory_space<semaphore_mem>>)
    %rem3A_32 = arith.constant 1 : i32
    %rem3A_33 = arith.constant 8 : i32
    %rem3A_34 = arith.remsi %rem3A_32, %rem3A_33 : i32
    %add3A_35 = arith.constant 64 : i32
    %add3A_36 = arith.addi %mul3A_10, %add3A_35 : i32
    %add3A_37 = arith.constant 64 : i32
    %add3A_38 = arith.addi %mul3A_10, %add3A_37 : i32
    %dma_start3A_39 = arith.constant 0 : i32
    %dma_start3A_40 = tpu.memref_slice %arg8[%rem3A_34, %dma_start3A_39] : memref<8x64xi32, #tpu.memory_space<vmem>> -> memref<1x64xi32, #tpu.memory_space<vmem>>
    %dma_start3A_41 = tpu.memref_squeeze %dma_start3A_40 : memref<1x64xi32, #tpu.memory_space<vmem>> -> memref<64xi32, #tpu.memory_space<vmem>>
    %dma_start3A_42 = tpu.memref_slice %arg3[%add3A_36] : memref<327680xi32, #tpu.memory_space<hbm>> -> memref<64xi32, #tpu.memory_space<hbm>>
    %dma_start3A_43 = arith.constant 0 : i32
    %dma_start3A_44 = tpu.memref_slice %arg8[%rem3A_34, %dma_start3A_43] : memref<8x64xi32, #tpu.memory_space<vmem>> -> memref<1x64xi32, #tpu.memory_space<vmem>>
    %dma_start3A_45 = tpu.memref_squeeze %dma_start3A_44 : memref<1x64xi32, #tpu.memory_space<vmem>> -> memref<64xi32, #tpu.memory_space<vmem>>
    %dma_start3A_46 = tpu.memref_slice %arg3[%add3A_36] : memref<327680xi32, #tpu.memory_space<hbm>> -> memref<64xi32, #tpu.memory_space<hbm>>
    tpu.enqueue_dma source(%dma_start3A_46 : memref<64xi32, #tpu.memory_space<hbm>>) target(%dma_start3A_45 : memref<64xi32, #tpu.memory_space<vmem>>) target_semaphore(%arg11 : memref<!tpu.dma_semaphore, #tpu.memory_space<semaphore_mem>>)
    %dma_start3A_47 = arith.constant 0 : i32
    %dma_start3A_48 = tpu.memref_slice %arg9[%rem3A_34, %dma_start3A_47] : memref<8x64xi32, #tpu.memory_space<vmem>> -> memref<1x64xi32, #tpu.memory_space<vmem>>
    %dma_start3A_49 = tpu.memref_squeeze %dma_start3A_48 : memref<1x64xi32, #tpu.memory_space<vmem>> -> memref<64xi32, #tpu.memory_space<vmem>>
    %dma_start3A_50 = tpu.memref_slice %arg4[%add3A_38] : memref<327680xi32, #tpu.memory_space<hbm>> -> memref<64xi32, #tpu.memory_space<hbm>>
    %dma_start3A_51 = arith.constant 0 : i32
    %dma_start3A_52 = tpu.memref_slice %arg9[%rem3A_34, %dma_start3A_51] : memref<8x64xi32, #tpu.memory_space<vmem>> -> memref<1x64xi32, #tpu.memory_space<vmem>>
    %dma_start3A_53 = tpu.memref_squeeze %dma_start3A_52 : memref<1x64xi32, #tpu.memory_space<vmem>> -> memref<64xi32, #tpu.memory_space<vmem>>
    %dma_start3A_54 = tpu.memref_slice %arg4[%add3A_38] : memref<327680xi32, #tpu.memory_space<hbm>> -> memref<64xi32, #tpu.memory_space<hbm>>
    tpu.enqueue_dma source(%dma_start3A_54 : memref<64xi32, #tpu.memory_space<hbm>>) target(%dma_start3A_53 : memref<64xi32, #tpu.memory_space<vmem>>) target_semaphore(%arg11 : memref<!tpu.dma_semaphore, #tpu.memory_space<semaphore_mem>>)
    %rem3A_55 = arith.constant 2 : i32
    %rem3A_56 = arith.constant 8 : i32
    %rem3A_57 = arith.remsi %rem3A_55, %rem3A_56 : i32
    %add3A_58 = arith.constant 128 : i32
    %add3A_59 = arith.addi %mul3A_10, %add3A_58 : i32
    %add3A_60 = arith.constant 128 : i32
    %add3A_61 = arith.addi %mul3A_10, %add3A_60 : i32
    %dma_start3A_62 = arith.constant 0 : i32
    %dma_start3A_63 = tpu.memref_slice %arg8[%rem3A_57, %dma_start3A_62] : memref<8x64xi32, #tpu.memory_space<vmem>> -> memref<1x64xi32, #tpu.memory_space<vmem>>
    %dma_start3A_64 = tpu.memref_squeeze %dma_start3A_63 : memref<1x64xi32, #tpu.memory_space<vmem>> -> memref<64xi32, #tpu.memory_space<vmem>>
    %dma_start3A_65 = tpu.memref_slice %arg3[%add3A_59] : memref<327680xi32, #tpu.memory_space<hbm>> -> memref<64xi32, #tpu.memory_space<hbm>>
    %dma_start3A_66 = arith.constant 0 : i32
    %dma_start3A_67 = tpu.memref_slice %arg8[%rem3A_57, %dma_start3A_66] : memref<8x64xi32, #tpu.memory_space<vmem>> -> memref<1x64xi32, #tpu.memory_space<vmem>>
    %dma_start3A_68 = tpu.memref_squeeze %dma_start3A_67 : memref<1x64xi32, #tpu.memory_space<vmem>> -> memref<64xi32, #tpu.memory_space<vmem>>
    %dma_start3A_69 = tpu.memref_slice %arg3[%add3A_59] : memref<327680xi32, #tpu.memory_space<hbm>> -> memref<64xi32, #tpu.memory_space<hbm>>
    tpu.enqueue_dma source(%dma_start3A_69 : memref<64xi32, #tpu.memory_space<hbm>>) target(%dma_start3A_68 : memref<64xi32, #tpu.memory_space<vmem>>) target_semaphore(%arg11 : memref<!tpu.dma_semaphore, #tpu.memory_space<semaphore_mem>>)
    %dma_start3A_70 = arith.constant 0 : i32
    %dma_start3A_71 = tpu.memref_slice %arg9[%rem3A_57, %dma_start3A_70] : memref<8x64xi32, #tpu.memory_space<vmem>> -> memref<1x64xi32, #tpu.memory_space<vmem>>
    %dma_start3A_72 = tpu.memref_squeeze %dma_start3A_71 : memref<1x64xi32, #tpu.memory_space<vmem>> -> memref<64xi32, #tpu.memory_space<vmem>>
    %dma_start3A_73 = tpu.memref_slice %arg4[%add3A_61] : memref<327680xi32, #tpu.memory_space<hbm>> -> memref<64xi32, #tpu.memory_space<hbm>>
    %dma_start3A_74 = arith.constant 0 : i32
    %dma_start3A_75 = tpu.memref_slice %arg9[%rem3A_57, %dma_start3A_74] : memref<8x64xi32, #tpu.memory_space<vmem>> -> memref<1x64xi32, #tpu.memory_space<vmem>>
    %dma_start3A_76 = tpu.memref_squeeze %dma_start3A_75 : memref<1x64xi32, #tpu.memory_space<vmem>> -> memref<64xi32, #tpu.memory_space<vmem>>
    %dma_start3A_77 = tpu.memref_slice %arg4[%add3A_61] : memref<327680xi32, #tpu.memory_space<hbm>> -> memref<64xi32, #tpu.memory_space<hbm>>
    tpu.enqueue_dma source(%dma_start3A_77 : memref<64xi32, #tpu.memory_space<hbm>>) target(%dma_start3A_76 : memref<64xi32, #tpu.memory_space<vmem>>) target_semaphore(%arg11 : memref<!tpu.dma_semaphore, #tpu.memory_space<semaphore_mem>>)
    %rem3A_78 = arith.constant 3 : i32
    %rem3A_79 = arith.constant 8 : i32
    %rem3A_80 = arith.remsi %rem3A_78, %rem3A_79 : i32
    %add3A_81 = arith.constant 192 : i32
    %add3A_82 = arith.addi %mul3A_10, %add3A_81 : i32
    %add3A_83 = arith.constant 192 : i32
    %add3A_84 = arith.addi %mul3A_10, %add3A_83 : i32
    %dma_start3A_85 = arith.constant 0 : i32
    %dma_start3A_86 = tpu.memref_slice %arg8[%rem3A_80, %dma_start3A_85] : memref<8x64xi32, #tpu.memory_space<vmem>> -> memref<1x64xi32, #tpu.memory_space<vmem>>
    %dma_start3A_87 = tpu.memref_squeeze %dma_start3A_86 : memref<1x64xi32, #tpu.memory_space<vmem>> -> memref<64xi32, #tpu.memory_space<vmem>>
    %dma_start3A_88 = tpu.memref_slice %arg3[%add3A_82] : memref<327680xi32, #tpu.memory_space<hbm>> -> memref<64xi32, #tpu.memory_space<hbm>>
    %dma_start3A_89 = arith.constant 0 : i32
    %dma_start3A_90 = tpu.memref_slice %arg8[%rem3A_80, %dma_start3A_89] : memref<8x64xi32, #tpu.memory_space<vmem>> -> memref<1x64xi32, #tpu.memory_space<vmem>>
    %dma_start3A_91 = tpu.memref_squeeze %dma_start3A_90 : memref<1x64xi32, #tpu.memory_space<vmem>> -> memref<64xi32, #tpu.memory_space<vmem>>
    %dma_start3A_92 = tpu.memref_slice %arg3[%add3A_82] : memref<327680xi32, #tpu.memory_space<hbm>> -> memref<64xi32, #tpu.memory_space<hbm>>
    tpu.enqueue_dma source(%dma_start3A_92 : memref<64xi32, #tpu.memory_space<hbm>>) target(%dma_start3A_91 : memref<64xi32, #tpu.memory_space<vmem>>) target_semaphore(%arg11 : memref<!tpu.dma_semaphore, #tpu.memory_space<semaphore_mem>>)
    %dma_start3A_93 = arith.constant 0 : i32
    %dma_start3A_94 = tpu.memref_slice %arg9[%rem3A_80, %dma_start3A_93] : memref<8x64xi32, #tpu.memory_space<vmem>> -> memref<1x64xi32, #tpu.memory_space<vmem>>
    %dma_start3A_95 = tpu.memref_squeeze %dma_start3A_94 : memref<1x64xi32, #tpu.memory_space<vmem>> -> memref<64xi32, #tpu.memory_space<vmem>>
    %dma_start3A_96 = tpu.memref_slice %arg4[%add3A_84] : memref<327680xi32, #tpu.memory_space<hbm>> -> memref<64xi32, #tpu.memory_space<hbm>>
    %dma_start3A_97 = arith.constant 0 : i32
    %dma_start3A_98 = tpu.memref_slice %arg9[%rem3A_80, %dma_start3A_97] : memref<8x64xi32, #tpu.memory_space<vmem>> -> memref<1x64xi32, #tpu.memory_space<vmem>>
    %dma_start3A_99 = tpu.memref_squeeze %dma_start3A_98 : memref<1x64xi32, #tpu.memory_space<vmem>> -> memref<64xi32, #tpu.memory_space<vmem>>
    %dma_start3A_100 = tpu.memref_slice %arg4[%add3A_84] : memref<327680xi32, #tpu.memory_space<hbm>> -> memref<64xi32, #tpu.memory_space<hbm>>
    tpu.enqueue_dma source(%dma_start3A_100 : memref<64xi32, #tpu.memory_space<hbm>>) target(%dma_start3A_99 : memref<64xi32, #tpu.memory_space<vmem>>) target_semaphore(%arg11 : memref<!tpu.dma_semaphore, #tpu.memory_space<semaphore_mem>>)
    %rem3A_101 = arith.constant 4 : i32
    %rem3A_102 = arith.constant 8 : i32
    %rem3A_103 = arith.remsi %rem3A_101, %rem3A_102 : i32
    %add3A_104 = arith.constant 256 : i32
    %add3A_105 = arith.addi %mul3A_10, %add3A_104 : i32
    %add3A_106 = arith.constant 256 : i32
    %add3A_107 = arith.addi %mul3A_10, %add3A_106 : i32
    %dma_start3A_108 = arith.constant 0 : i32
    %dma_start3A_109 = tpu.memref_slice %arg8[%rem3A_103, %dma_start3A_108] : memref<8x64xi32, #tpu.memory_space<vmem>> -> memref<1x64xi32, #tpu.memory_space<vmem>>
    %dma_start3A_110 = tpu.memref_squeeze %dma_start3A_109 : memref<1x64xi32, #tpu.memory_space<vmem>> -> memref<64xi32, #tpu.memory_space<vmem>>
    %dma_start3A_111 = tpu.memref_slice %arg3[%add3A_105] : memref<327680xi32, #tpu.memory_space<hbm>> -> memref<64xi32, #tpu.memory_space<hbm>>
    %dma_start3A_112 = arith.constant 0 : i32
    %dma_start3A_113 = tpu.memref_slice %arg8[%rem3A_103, %dma_start3A_112] : memref<8x64xi32, #tpu.memory_space<vmem>> -> memref<1x64xi32, #tpu.memory_space<vmem>>
    %dma_start3A_114 = tpu.memref_squeeze %dma_start3A_113 : memref<1x64xi32, #tpu.memory_space<vmem>> -> memref<64xi32, #tpu.memory_space<vmem>>
    %dma_start3A_115 = tpu.memref_slice %arg3[%add3A_105] : memref<327680xi32, #tpu.memory_space<hbm>> -> memref<64xi32, #tpu.memory_space<hbm>>
    tpu.enqueue_dma source(%dma_start3A_115 : memref<64xi32, #tpu.memory_space<hbm>>) target(%dma_start3A_114 : memref<64xi32, #tpu.memory_space<vmem>>) target_semaphore(%arg11 : memref<!tpu.dma_semaphore, #tpu.memory_space<semaphore_mem>>)
    %dma_start3A_116 = arith.constant 0 : i32
    %dma_start3A_117 = tpu.memref_slice %arg9[%rem3A_103, %dma_start3A_116] : memref<8x64xi32, #tpu.memory_space<vmem>> -> memref<1x64xi32, #tpu.memory_space<vmem>>
    %dma_start3A_118 = tpu.memref_squeeze %dma_start3A_117 : memref<1x64xi32, #tpu.memory_space<vmem>> -> memref<64xi32, #tpu.memory_space<vmem>>
    %dma_start3A_119 = tpu.memref_slice %arg4[%add3A_107] : memref<327680xi32, #tpu.memory_space<hbm>> -> memref<64xi32, #tpu.memory_space<hbm>>
    %dma_start3A_120 = arith.constant 0 : i32
    %dma_start3A_121 = tpu.memref_slice %arg9[%rem3A_103, %dma_start3A_120] : memref<8x64xi32, #tpu.memory_space<vmem>> -> memref<1x64xi32, #tpu.memory_space<vmem>>
    %dma_start3A_122 = tpu.memref_squeeze %dma_start3A_121 : memref<1x64xi32, #tpu.memory_space<vmem>> -> memref<64xi32, #tpu.memory_space<vmem>>
    %dma_start3A_123 = tpu.memref_slice %arg4[%add3A_107] : memref<327680xi32, #tpu.memory_space<hbm>> -> memref<64xi32, #tpu.memory_space<hbm>>
    tpu.enqueue_dma source(%dma_start3A_123 : memref<64xi32, #tpu.memory_space<hbm>>) target(%dma_start3A_122 : memref<64xi32, #tpu.memory_space<vmem>>) target_semaphore(%arg11 : memref<!tpu.dma_semaphore, #tpu.memory_space<semaphore_mem>>)
    %mul3A_124 = arith.constant 640 : i32
    %mul3A_125 = arith.muli %arg1, %mul3A_124 : i32
    %mul3A_126 = arith.constant 640 : i32
    %mul3A_127 = arith.muli %arg1, %mul3A_126 : i32
    "tpu.region"() ({
      %run_scoped3A = tpu.sem_alloc : memref<!tpu.dma_semaphore, #tpu.memory_space<semaphore_mem>>
      %dma_start3A_275 = arith.constant 0 : i32
      %dma_start3A_276 = tpu.memref_slice %arg7[%mul3A_127, %dma_start3A_275] : memref<10240x128xf32, #tpu.memory_space<vmem_shared>> -> memref<640x128xf32, #tpu.memory_space<vmem_shared>>
      %dma_start3A_277 = arith.constant 0 : i32
      %dma_start3A_278 = tpu.memref_slice %arg5[%mul3A_125, %dma_start3A_277] : memref<10240x128xf32, #tpu.memory_space<hbm>> -> memref<640x128xf32, #tpu.memory_space<hbm>>
      tpu.enqueue_dma source(%dma_start3A_278 : memref<640x128xf32, #tpu.memory_space<hbm>>) target(%dma_start3A_276 : memref<640x128xf32, #tpu.memory_space<vmem_shared>>) target_semaphore(%run_scoped3A : memref<!tpu.dma_semaphore, #tpu.memory_space<semaphore_mem>>)
      %dma_wait3A_279 = arith.constant 0 : i32
      %dma_wait3A_280 = tpu.memref_slice %arg7[%mul3A_127, %dma_wait3A_279] : memref<10240x128xf32, #tpu.memory_space<vmem_shared>> -> memref<640x128xf32, #tpu.memory_space<vmem_shared>>
      %dma_wait3A_281 = arith.constant 0 : i32
      %dma_wait3A_282 = tpu.memref_slice %arg5[%mul3A_125, %dma_wait3A_281] : memref<10240x128xf32, #tpu.memory_space<hbm>> -> memref<640x128xf32, #tpu.memory_space<hbm>>
      tpu.wait_dma2 semaphore(%run_scoped3A : memref<!tpu.dma_semaphore, #tpu.memory_space<semaphore_mem>>) src(%dma_wait3A_282 : memref<640x128xf32, #tpu.memory_space<hbm>>) dst(%dma_wait3A_280 : memref<640x128xf32, #tpu.memory_space<vmem_shared>>)
      tpu.yield
    }) : () -> ()
    %barrier3A = arith.constant 0 : index
    tpu.barrier barrier_id(%barrier3A)
    %rem3A_128 = arith.constant 0 : i32
    %rem3A_129 = arith.constant 8 : i32
    %rem3A_130 = arith.remsi %rem3A_128, %rem3A_129 : i32
    %add3A_131 = arith.constant 0 : i32
    %add3A_132 = arith.addi %mul3A_10, %add3A_131 : i32
    %add3A_133 = arith.constant 0 : i32
    %add3A_134 = arith.addi %mul3A_10, %add3A_133 : i32
    %dma_wait3A = arith.constant 0 : i32
    %dma_wait3A_135 = tpu.memref_slice %arg8[%rem3A_130, %dma_wait3A] : memref<8x64xi32, #tpu.memory_space<vmem>> -> memref<1x64xi32, #tpu.memory_space<vmem>>
    %dma_wait3A_136 = tpu.memref_squeeze %dma_wait3A_135 : memref<1x64xi32, #tpu.memory_space<vmem>> -> memref<64xi32, #tpu.memory_space<vmem>>
    %dma_wait3A_137 = tpu.memref_slice %arg3[%add3A_132] : memref<327680xi32, #tpu.memory_space<hbm>> -> memref<64xi32, #tpu.memory_space<hbm>>
    %dma_wait3A_138 = arith.constant 0 : i32
    %dma_wait3A_139 = tpu.memref_slice %arg8[%rem3A_130, %dma_wait3A_138] : memref<8x64xi32, #tpu.memory_space<vmem>> -> memref<1x64xi32, #tpu.memory_space<vmem>>
    %dma_wait3A_140 = tpu.memref_squeeze %dma_wait3A_139 : memref<1x64xi32, #tpu.memory_space<vmem>> -> memref<64xi32, #tpu.memory_space<vmem>>
    %dma_wait3A_141 = tpu.memref_slice %arg3[%add3A_132] : memref<327680xi32, #tpu.memory_space<hbm>> -> memref<64xi32, #tpu.memory_space<hbm>>
    tpu.wait_dma2 semaphore(%arg11 : memref<!tpu.dma_semaphore, #tpu.memory_space<semaphore_mem>>) src(%dma_wait3A_141 : memref<64xi32, #tpu.memory_space<hbm>>) dst(%dma_wait3A_140 : memref<64xi32, #tpu.memory_space<vmem>>)
    %dma_wait3A_142 = arith.constant 0 : i32
    %dma_wait3A_143 = tpu.memref_slice %arg9[%rem3A_130, %dma_wait3A_142] : memref<8x64xi32, #tpu.memory_space<vmem>> -> memref<1x64xi32, #tpu.memory_space<vmem>>
    %dma_wait3A_144 = tpu.memref_squeeze %dma_wait3A_143 : memref<1x64xi32, #tpu.memory_space<vmem>> -> memref<64xi32, #tpu.memory_space<vmem>>
    %dma_wait3A_145 = tpu.memref_slice %arg4[%add3A_134] : memref<327680xi32, #tpu.memory_space<hbm>> -> memref<64xi32, #tpu.memory_space<hbm>>
    %dma_wait3A_146 = arith.constant 0 : i32
    %dma_wait3A_147 = tpu.memref_slice %arg9[%rem3A_130, %dma_wait3A_146] : memref<8x64xi32, #tpu.memory_space<vmem>> -> memref<1x64xi32, #tpu.memory_space<vmem>>
    %dma_wait3A_148 = tpu.memref_squeeze %dma_wait3A_147 : memref<1x64xi32, #tpu.memory_space<vmem>> -> memref<64xi32, #tpu.memory_space<vmem>>
    %dma_wait3A_149 = tpu.memref_slice %arg4[%add3A_134] : memref<327680xi32, #tpu.memory_space<hbm>> -> memref<64xi32, #tpu.memory_space<hbm>>
    tpu.wait_dma2 semaphore(%arg11 : memref<!tpu.dma_semaphore, #tpu.memory_space<semaphore_mem>>) src(%dma_wait3A_149 : memref<64xi32, #tpu.memory_space<hbm>>) dst(%dma_wait3A_148 : memref<64xi32, #tpu.memory_space<vmem>>)
    %rem3A_150 = arith.constant 0 : i32
    %rem3A_151 = arith.constant 8 : i32
    %rem3A_152 = arith.remsi %rem3A_150, %rem3A_151 : i32
    %rem3A_153 = arith.constant 0 : i32
    %rem3A_154 = arith.constant 4 : i32
    %rem3A_155 = arith.remsi %rem3A_153, %rem3A_154 : i32
    %dma_start3A_156 = arith.constant 0 : i32
    %dma_start3A_157 = arith.constant 0 : i32
    %dma_start3A_158 = tpu.memref_slice %arg10[%rem3A_155, %dma_start3A_156, %dma_start3A_157] : memref<4x64x128xf32, #tpu.memory_space<vmem>> -> memref<1x64x128xf32, #tpu.memory_space<vmem>>
    %dma_start3A_159 = tpu.memref_squeeze %dma_start3A_158 : memref<1x64x128xf32, #tpu.memory_space<vmem>> -> memref<64x128xf32, #tpu.memory_space<vmem>>
    %dma_start3A_160 = arith.constant 0 : i32
    %dma_start3A_161 = tpu.memref_slice %arg8[%rem3A_152, %dma_start3A_160] : memref<8x64xi32, #tpu.memory_space<vmem>> -> memref<1x64xi32, #tpu.memory_space<vmem>>
    %dma_start3A_162 = tpu.memref_squeeze %dma_start3A_161 : memref<1x64xi32, #tpu.memory_space<vmem>> -> memref<64xi32, #tpu.memory_space<vmem>>
    %dma_start3A_163 = arith.constant 0 : i32
    %dma_start3A_164 = arith.constant 0 : i32
    %dma_start3A_165 = tpu.memref_slice %arg2[%dma_start3A_163, %dma_start3A_164] : memref<10240x128xf32, #tpu.memory_space<hbm>> -> memref<10240x128xf32, #tpu.memory_space<hbm>>
    tpu.enqueue_indirect_dma source(%dma_start3A_165 : memref<10240x128xf32, #tpu.memory_space<hbm>>) target(%dma_start3A_159 : memref<64x128xf32, #tpu.memory_space<vmem>>) offsets(%dma_start3A_162 : memref<64xi32, #tpu.memory_space<vmem>>) semaphore(%arg12 : memref<!tpu.dma_semaphore, #tpu.memory_space<semaphore_mem>>)
    %rem3A_166 = arith.constant 1 : i32
    %rem3A_167 = arith.constant 8 : i32
    %rem3A_168 = arith.remsi %rem3A_166, %rem3A_167 : i32
    %add3A_169 = arith.constant 64 : i32
    %add3A_170 = arith.addi %mul3A_10, %add3A_169 : i32
    %add3A_171 = arith.constant 64 : i32
    %add3A_172 = arith.addi %mul3A_10, %add3A_171 : i32
    %dma_wait3A_173 = arith.constant 0 : i32
    %dma_wait3A_174 = tpu.memref_slice %arg8[%rem3A_168, %dma_wait3A_173] : memref<8x64xi32, #tpu.memory_space<vmem>> -> memref<1x64xi32, #tpu.memory_space<vmem>>
    %dma_wait3A_175 = tpu.memref_squeeze %dma_wait3A_174 : memref<1x64xi32, #tpu.memory_space<vmem>> -> memref<64xi32, #tpu.memory_space<vmem>>
    %dma_wait3A_176 = tpu.memref_slice %arg3[%add3A_170] : memref<327680xi32, #tpu.memory_space<hbm>> -> memref<64xi32, #tpu.memory_space<hbm>>
    %dma_wait3A_177 = arith.constant 0 : i32
    %dma_wait3A_178 = tpu.memref_slice %arg8[%rem3A_168, %dma_wait3A_177] : memref<8x64xi32, #tpu.memory_space<vmem>> -> memref<1x64xi32, #tpu.memory_space<vmem>>
    %dma_wait3A_179 = tpu.memref_squeeze %dma_wait3A_178 : memref<1x64xi32, #tpu.memory_space<vmem>> -> memref<64xi32, #tpu.memory_space<vmem>>
    %dma_wait3A_180 = tpu.memref_slice %arg3[%add3A_170] : memref<327680xi32, #tpu.memory_space<hbm>> -> memref<64xi32, #tpu.memory_space<hbm>>
    tpu.wait_dma2 semaphore(%arg11 : memref<!tpu.dma_semaphore, #tpu.memory_space<semaphore_mem>>) src(%dma_wait3A_180 : memref<64xi32, #tpu.memory_space<hbm>>) dst(%dma_wait3A_179 : memref<64xi32, #tpu.memory_space<vmem>>)
    %dma_wait3A_181 = arith.constant 0 : i32
    %dma_wait3A_182 = tpu.memref_slice %arg9[%rem3A_168, %dma_wait3A_181] : memref<8x64xi32, #tpu.memory_space<vmem>> -> memref<1x64xi32, #tpu.memory_space<vmem>>
    %dma_wait3A_183 = tpu.memref_squeeze %dma_wait3A_182 : memref<1x64xi32, #tpu.memory_space<vmem>> -> memref<64xi32, #tpu.memory_space<vmem>>
    %dma_wait3A_184 = tpu.memref_slice %arg4[%add3A_172] : memref<327680xi32, #tpu.memory_space<hbm>> -> memref<64xi32, #tpu.memory_space<hbm>>
    %dma_wait3A_185 = arith.constant 0 : i32
    %dma_wait3A_186 = tpu.memref_slice %arg9[%rem3A_168, %dma_wait3A_185] : memref<8x64xi32, #tpu.memory_space<vmem>> -> memref<1x64xi32, #tpu.memory_space<vmem>>
    %dma_wait3A_187 = tpu.memref_squeeze %dma_wait3A_186 : memref<1x64xi32, #tpu.memory_space<vmem>> -> memref<64xi32, #tpu.memory_space<vmem>>
    %dma_wait3A_188 = tpu.memref_slice %arg4[%add3A_172] : memref<327680xi32, #tpu.memory_space<hbm>> -> memref<64xi32, #tpu.memory_space<hbm>>
    tpu.wait_dma2 semaphore(%arg11 : memref<!tpu.dma_semaphore, #tpu.memory_space<semaphore_mem>>) src(%dma_wait3A_188 : memref<64xi32, #tpu.memory_space<hbm>>) dst(%dma_wait3A_187 : memref<64xi32, #tpu.memory_space<vmem>>)
    %rem3A_189 = arith.constant 1 : i32
    %rem3A_190 = arith.constant 8 : i32
    %rem3A_191 = arith.remsi %rem3A_189, %rem3A_190 : i32
    %rem3A_192 = arith.constant 1 : i32
    %rem3A_193 = arith.constant 4 : i32
    %rem3A_194 = arith.remsi %rem3A_192, %rem3A_193 : i32
    %dma_start3A_195 = arith.constant 0 : i32
    %dma_start3A_196 = arith.constant 0 : i32
    %dma_start3A_197 = tpu.memref_slice %arg10[%rem3A_194, %dma_start3A_195, %dma_start3A_196] : memref<4x64x128xf32, #tpu.memory_space<vmem>> -> memref<1x64x128xf32, #tpu.memory_space<vmem>>
    %dma_start3A_198 = tpu.memref_squeeze %dma_start3A_197 : memref<1x64x128xf32, #tpu.memory_space<vmem>> -> memref<64x128xf32, #tpu.memory_space<vmem>>
    %dma_start3A_199 = arith.constant 0 : i32
    %dma_start3A_200 = tpu.memref_slice %arg8[%rem3A_191, %dma_start3A_199] : memref<8x64xi32, #tpu.memory_space<vmem>> -> memref<1x64xi32, #tpu.memory_space<vmem>>
    %dma_start3A_201 = tpu.memref_squeeze %dma_start3A_200 : memref<1x64xi32, #tpu.memory_space<vmem>> -> memref<64xi32, #tpu.memory_space<vmem>>
    %dma_start3A_202 = arith.constant 0 : i32
    %dma_start3A_203 = arith.constant 0 : i32
    %dma_start3A_204 = tpu.memref_slice %arg2[%dma_start3A_202, %dma_start3A_203] : memref<10240x128xf32, #tpu.memory_space<hbm>> -> memref<10240x128xf32, #tpu.memory_space<hbm>>
    tpu.enqueue_indirect_dma source(%dma_start3A_204 : memref<10240x128xf32, #tpu.memory_space<hbm>>) target(%dma_start3A_198 : memref<64x128xf32, #tpu.memory_space<vmem>>) offsets(%dma_start3A_201 : memref<64xi32, #tpu.memory_space<vmem>>) semaphore(%arg12 : memref<!tpu.dma_semaphore, #tpu.memory_space<semaphore_mem>>)
    %rem3A_205 = arith.constant 2 : i32
    %rem3A_206 = arith.constant 8 : i32
    %rem3A_207 = arith.remsi %rem3A_205, %rem3A_206 : i32
    %add3A_208 = arith.constant 128 : i32
    %add3A_209 = arith.addi %mul3A_10, %add3A_208 : i32
    %add3A_210 = arith.constant 128 : i32
    %add3A_211 = arith.addi %mul3A_10, %add3A_210 : i32
    %dma_wait3A_212 = arith.constant 0 : i32
    %dma_wait3A_213 = tpu.memref_slice %arg8[%rem3A_207, %dma_wait3A_212] : memref<8x64xi32, #tpu.memory_space<vmem>> -> memref<1x64xi32, #tpu.memory_space<vmem>>
    %dma_wait3A_214 = tpu.memref_squeeze %dma_wait3A_213 : memref<1x64xi32, #tpu.memory_space<vmem>> -> memref<64xi32, #tpu.memory_space<vmem>>
    %dma_wait3A_215 = tpu.memref_slice %arg3[%add3A_209] : memref<327680xi32, #tpu.memory_space<hbm>> -> memref<64xi32, #tpu.memory_space<hbm>>
    %dma_wait3A_216 = arith.constant 0 : i32
    %dma_wait3A_217 = tpu.memref_slice %arg8[%rem3A_207, %dma_wait3A_216] : memref<8x64xi32, #tpu.memory_space<vmem>> -> memref<1x64xi32, #tpu.memory_space<vmem>>
    %dma_wait3A_218 = tpu.memref_squeeze %dma_wait3A_217 : memref<1x64xi32, #tpu.memory_space<vmem>> -> memref<64xi32, #tpu.memory_space<vmem>>
    %dma_wait3A_219 = tpu.memref_slice %arg3[%add3A_209] : memref<327680xi32, #tpu.memory_space<hbm>> -> memref<64xi32, #tpu.memory_space<hbm>>
    tpu.wait_dma2 semaphore(%arg11 : memref<!tpu.dma_semaphore, #tpu.memory_space<semaphore_mem>>) src(%dma_wait3A_219 : memref<64xi32, #tpu.memory_space<hbm>>) dst(%dma_wait3A_218 : memref<64xi32, #tpu.memory_space<vmem>>)
    %dma_wait3A_220 = arith.constant 0 : i32
    %dma_wait3A_221 = tpu.memref_slice %arg9[%rem3A_207, %dma_wait3A_220] : memref<8x64xi32, #tpu.memory_space<vmem>> -> memref<1x64xi32, #tpu.memory_space<vmem>>
    %dma_wait3A_222 = tpu.memref_squeeze %dma_wait3A_221 : memref<1x64xi32, #tpu.memory_space<vmem>> -> memref<64xi32, #tpu.memory_space<vmem>>
    %dma_wait3A_223 = tpu.memref_slice %arg4[%add3A_211] : memref<327680xi32, #tpu.memory_space<hbm>> -> memref<64xi32, #tpu.memory_space<hbm>>
    %dma_wait3A_224 = arith.constant 0 : i32
    %dma_wait3A_225 = tpu.memref_slice %arg9[%rem3A_207, %dma_wait3A_224] : memref<8x64xi32, #tpu.memory_space<vmem>> -> memref<1x64xi32, #tpu.memory_space<vmem>>
    %dma_wait3A_226 = tpu.memref_squeeze %dma_wait3A_225 : memref<1x64xi32, #tpu.memory_space<vmem>> -> memref<64xi32, #tpu.memory_space<vmem>>
    %dma_wait3A_227 = tpu.memref_slice %arg4[%add3A_211] : memref<327680xi32, #tpu.memory_space<hbm>> -> memref<64xi32, #tpu.memory_space<hbm>>
    tpu.wait_dma2 semaphore(%arg11 : memref<!tpu.dma_semaphore, #tpu.memory_space<semaphore_mem>>) src(%dma_wait3A_227 : memref<64xi32, #tpu.memory_space<hbm>>) dst(%dma_wait3A_226 : memref<64xi32, #tpu.memory_space<vmem>>)
    %rem3A_228 = arith.constant 2 : i32
    %rem3A_229 = arith.constant 8 : i32
    %rem3A_230 = arith.remsi %rem3A_228, %rem3A_229 : i32
    %rem3A_231 = arith.constant 2 : i32
    %rem3A_232 = arith.constant 4 : i32
    %rem3A_233 = arith.remsi %rem3A_231, %rem3A_232 : i32
    %dma_start3A_234 = arith.constant 0 : i32
    %dma_start3A_235 = arith.constant 0 : i32
    %dma_start3A_236 = tpu.memref_slice %arg10[%rem3A_233, %dma_start3A_234, %dma_start3A_235] : memref<4x64x128xf32, #tpu.memory_space<vmem>> -> memref<1x64x128xf32, #tpu.memory_space<vmem>>
    %dma_start3A_237 = tpu.memref_squeeze %dma_start3A_236 : memref<1x64x128xf32, #tpu.memory_space<vmem>> -> memref<64x128xf32, #tpu.memory_space<vmem>>
    %dma_start3A_238 = arith.constant 0 : i32
    %dma_start3A_239 = tpu.memref_slice %arg8[%rem3A_230, %dma_start3A_238] : memref<8x64xi32, #tpu.memory_space<vmem>> -> memref<1x64xi32, #tpu.memory_space<vmem>>
    %dma_start3A_240 = tpu.memref_squeeze %dma_start3A_239 : memref<1x64xi32, #tpu.memory_space<vmem>> -> memref<64xi32, #tpu.memory_space<vmem>>
    %dma_start3A_241 = arith.constant 0 : i32
    %dma_start3A_242 = arith.constant 0 : i32
    %dma_start3A_243 = tpu.memref_slice %arg2[%dma_start3A_241, %dma_start3A_242] : memref<10240x128xf32, #tpu.memory_space<hbm>> -> memref<10240x128xf32, #tpu.memory_space<hbm>>
    tpu.enqueue_indirect_dma source(%dma_start3A_243 : memref<10240x128xf32, #tpu.memory_space<hbm>>) target(%dma_start3A_237 : memref<64x128xf32, #tpu.memory_space<vmem>>) offsets(%dma_start3A_240 : memref<64xi32, #tpu.memory_space<vmem>>) semaphore(%arg12 : memref<!tpu.dma_semaphore, #tpu.memory_space<semaphore_mem>>)
    %while3A = arith.constant 0 : i32
    %while3A_244 = arith.subi %select_n3A, %while3A : i32
    %while3A_245 = arith.addi %while3A, %while3A_244 : i32
    %while3A_246 = arith.constant 1 : i32
    %while3A_247 = arith.divsi %while3A_244, %while3A_246 : i32
    %while3A_248 = arith.muli %while3A_247, %while3A_246 : i32
    %while3A_249 = arith.addi %while3A, %while3A_248 : i32
    %while3A_250 = arith.constant 1 : i32
    scf.for %while3A_275 = %while3A to %while3A_249 step %while3A_250  : i32 {
      %rem3A_276 = arith.constant 8 : i32
      %rem3A_277 = arith.remsi %while3A_275, %rem3A_276 : i32
      %rem3A_278 = arith.constant 4 : i32
      %rem3A_279 = arith.remsi %while3A_275, %rem3A_278 : i32
      %dma_wait3A_280 = arith.constant 0 : i32
      %dma_wait3A_281 = arith.constant 0 : i32
      %dma_wait3A_282 = tpu.memref_slice %arg10[%rem3A_279, %dma_wait3A_280, %dma_wait3A_281] : memref<4x64x128xf32, #tpu.memory_space<vmem>> -> memref<1x64x128xf32, #tpu.memory_space<vmem>>
      %dma_wait3A_283 = tpu.memref_squeeze %dma_wait3A_282 : memref<1x64x128xf32, #tpu.memory_space<vmem>> -> memref<64x128xf32, #tpu.memory_space<vmem>>
      %dma_wait3A_284 = arith.constant 0 : i32
      %dma_wait3A_285 = tpu.memref_slice %arg8[%rem3A_277, %dma_wait3A_284] : memref<8x64xi32, #tpu.memory_space<vmem>> -> memref<1x64xi32, #tpu.memory_space<vmem>>
      %dma_wait3A_286 = tpu.memref_squeeze %dma_wait3A_285 : memref<1x64xi32, #tpu.memory_space<vmem>> -> memref<64xi32, #tpu.memory_space<vmem>>
      %dma_wait3A_287 = arith.constant 0 : i32
      %dma_wait3A_288 = arith.constant 0 : i32
      %dma_wait3A_289 = tpu.memref_slice %arg2[%dma_wait3A_287, %dma_wait3A_288] : memref<10240x128xf32, #tpu.memory_space<hbm>> -> memref<10240x128xf32, #tpu.memory_space<hbm>>
      tpu.wait_indirect_dma semaphore(%arg12 : memref<!tpu.dma_semaphore, #tpu.memory_space<semaphore_mem>>) src(%dma_wait3A_289 : memref<10240x128xf32, #tpu.memory_space<hbm>>) dst(%dma_wait3A_283 : memref<64x128xf32, #tpu.memory_space<vmem>>)
      %ge3A = arith.constant 1 : i32
      %ge3A_290 = arith.cmpi sge, %while3A_275, %ge3A : i32
      %convert_element_type3A = arith.extui %ge3A_290 : i1 to i32
      %cond3A = arith.constant 0 : i32
      %cond3A_291 = arith.cmpi ne, %convert_element_type3A, %cond3A : i32
      scf.if %cond3A_291 {
        %sub3A_321 = arith.constant 1 : i32
        %sub3A_322 = arith.subi %while3A_275, %sub3A_321 : i32
        %rem3A_323 = arith.constant 4 : i32
        %rem3A_324 = arith.remsi %sub3A_322, %rem3A_323 : i32
        %rem3A_325 = arith.constant 8 : i32
        %rem3A_326 = arith.remsi %sub3A_322, %rem3A_325 : i32
        %dma_wait3A_327 = arith.constant 0 : i32
        %dma_wait3A_328 = arith.constant 0 : i32
        %dma_wait3A_329 = tpu.memref_slice %arg10[%rem3A_324, %dma_wait3A_327, %dma_wait3A_328] : memref<4x64x128xf32, #tpu.memory_space<vmem>> -> memref<1x64x128xf32, #tpu.memory_space<vmem>>
        %dma_wait3A_330 = tpu.memref_squeeze %dma_wait3A_329 : memref<1x64x128xf32, #tpu.memory_space<vmem>> -> memref<64x128xf32, #tpu.memory_space<vmem>>
        %dma_wait3A_331 = arith.constant 0 : i32
        %dma_wait3A_332 = tpu.memref_slice %arg9[%rem3A_326, %dma_wait3A_331] : memref<8x64xi32, #tpu.memory_space<vmem>> -> memref<1x64xi32, #tpu.memory_space<vmem>>
        %dma_wait3A_333 = tpu.memref_squeeze %dma_wait3A_332 : memref<1x64xi32, #tpu.memory_space<vmem>> -> memref<64xi32, #tpu.memory_space<vmem>>
        %dma_wait3A_334 = arith.constant 0 : i32
        %dma_wait3A_335 = arith.constant 0 : i32
        %dma_wait3A_336 = tpu.memref_slice %arg7[%dma_wait3A_334, %dma_wait3A_335] : memref<10240x128xf32, #tpu.memory_space<vmem_shared>> -> memref<10240x128xf32, #tpu.memory_space<vmem_shared>>
        tpu.wait_indirect_dma semaphore(%arg13 : memref<!tpu.dma_semaphore, #tpu.memory_space<semaphore_mem>>) src(%dma_wait3A_330 : memref<64x128xf32, #tpu.memory_space<vmem>>) dst(%dma_wait3A_336 : memref<10240x128xf32, #tpu.memory_space<vmem_shared>>)
      } else {
      }
      %sub3A_292 = arith.constant 3 : i32
      %sub3A_293 = arith.subi %select_n3A, %sub3A_292 : i32
      %sub3A_294 = arith.constant 3 : i32
      %sub3A_295 = arith.subi %sub3A_293, %sub3A_294 : i32
      %le3A = arith.cmpi sle, %while3A_275, %sub3A_295 : i32
      %convert_element_type3A_296 = arith.extui %le3A : i1 to i32
      %cond3A_297 = arith.constant 0 : i32
      %cond3A_298 = arith.cmpi ne, %convert_element_type3A_296, %cond3A_297 : i32
      scf.if %cond3A_298 {
        %add3A_321 = arith.constant 3 : i32
        %add3A_322 = arith.addi %while3A_275, %add3A_321 : i32
        %add3A_323 = arith.constant 2 : i32
        %add3A_324 = arith.addi %add3A_322, %add3A_323 : i32
        %rem3A_325 = arith.constant 8 : i32
        %rem3A_326 = arith.remsi %add3A_324, %rem3A_325 : i32
        %mul3A_327 = arith.constant 64 : i32
        %mul3A_328 = arith.muli %add3A_324, %mul3A_327 : i32
        %add3A_329 = arith.addi %mul3A_10, %mul3A_328 : i32
        %mul3A_330 = arith.constant 64 : i32
        %mul3A_331 = arith.muli %add3A_324, %mul3A_330 : i32
        %add3A_332 = arith.addi %mul3A_10, %mul3A_331 : i32
        %dma_start3A_333 = arith.constant 0 : i32
        %dma_start3A_334 = tpu.memref_slice %arg8[%rem3A_326, %dma_start3A_333] : memref<8x64xi32, #tpu.memory_space<vmem>> -> memref<1x64xi32, #tpu.memory_space<vmem>>
        %dma_start3A_335 = tpu.memref_squeeze %dma_start3A_334 : memref<1x64xi32, #tpu.memory_space<vmem>> -> memref<64xi32, #tpu.memory_space<vmem>>
        %dma_start3A_336 = tpu.memref_slice %arg3[%add3A_329] : memref<327680xi32, #tpu.memory_space<hbm>> -> memref<64xi32, #tpu.memory_space<hbm>>
        %dma_start3A_337 = arith.constant 0 : i32
        %dma_start3A_338 = tpu.memref_slice %arg8[%rem3A_326, %dma_start3A_337] : memref<8x64xi32, #tpu.memory_space<vmem>> -> memref<1x64xi32, #tpu.memory_space<vmem>>
        %dma_start3A_339 = tpu.memref_squeeze %dma_start3A_338 : memref<1x64xi32, #tpu.memory_space<vmem>> -> memref<64xi32, #tpu.memory_space<vmem>>
        %dma_start3A_340 = tpu.memref_slice %arg3[%add3A_329] : memref<327680xi32, #tpu.memory_space<hbm>> -> memref<64xi32, #tpu.memory_space<hbm>>
        tpu.enqueue_dma source(%dma_start3A_340 : memref<64xi32, #tpu.memory_space<hbm>>) target(%dma_start3A_339 : memref<64xi32, #tpu.memory_space<vmem>>) target_semaphore(%arg11 : memref<!tpu.dma_semaphore, #tpu.memory_space<semaphore_mem>>)
        %dma_start3A_341 = arith.constant 0 : i32
        %dma_start3A_342 = tpu.memref_slice %arg9[%rem3A_326, %dma_start3A_341] : memref<8x64xi32, #tpu.memory_space<vmem>> -> memref<1x64xi32, #tpu.memory_space<vmem>>
        %dma_start3A_343 = tpu.memref_squeeze %dma_start3A_342 : memref<1x64xi32, #tpu.memory_space<vmem>> -> memref<64xi32, #tpu.memory_space<vmem>>
        %dma_start3A_344 = tpu.memref_slice %arg4[%add3A_332] : memref<327680xi32, #tpu.memory_space<hbm>> -> memref<64xi32, #tpu.memory_space<hbm>>
        %dma_start3A_345 = arith.constant 0 : i32
        %dma_start3A_346 = tpu.memref_slice %arg9[%rem3A_326, %dma_start3A_345] : memref<8x64xi32, #tpu.memory_space<vmem>> -> memref<1x64xi32, #tpu.memory_space<vmem>>
        %dma_start3A_347 = tpu.memref_squeeze %dma_start3A_346 : memref<1x64xi32, #tpu.memory_space<vmem>> -> memref<64xi32, #tpu.memory_space<vmem>>
        %dma_start3A_348 = tpu.memref_slice %arg4[%add3A_332] : memref<327680xi32, #tpu.memory_space<hbm>> -> memref<64xi32, #tpu.memory_space<hbm>>
        tpu.enqueue_dma source(%dma_start3A_348 : memref<64xi32, #tpu.memory_space<hbm>>) target(%dma_start3A_347 : memref<64xi32, #tpu.memory_space<vmem>>) target_semaphore(%arg11 : memref<!tpu.dma_semaphore, #tpu.memory_space<semaphore_mem>>)
      } else {
      }
      %sub3A_299 = arith.constant 3 : i32
      %sub3A_300 = arith.subi %select_n3A, %sub3A_299 : i32
      %sub3A_301 = arith.constant 1 : i32
      %sub3A_302 = arith.subi %sub3A_300, %sub3A_301 : i32
      %le3A_303 = arith.cmpi sle, %while3A_275, %sub3A_302 : i32
      %convert_element_type3A_304 = arith.extui %le3A_303 : i1 to i32
      %cond3A_305 = arith.constant 0 : i32
      %cond3A_306 = arith.cmpi ne, %convert_element_type3A_304, %cond3A_305 : i32
      scf.if %cond3A_306 {
        %add3A_321 = arith.constant 3 : i32
        %add3A_322 = arith.addi %while3A_275, %add3A_321 : i32
        %rem3A_323 = arith.constant 8 : i32
        %rem3A_324 = arith.remsi %add3A_322, %rem3A_323 : i32
        %mul3A_325 = arith.constant 64 : i32
        %mul3A_326 = arith.muli %add3A_322, %mul3A_325 : i32
        %add3A_327 = arith.addi %mul3A_10, %mul3A_326 : i32
        %mul3A_328 = arith.constant 64 : i32
        %mul3A_329 = arith.muli %add3A_322, %mul3A_328 : i32
        %add3A_330 = arith.addi %mul3A_10, %mul3A_329 : i32
        %dma_wait3A_331 = arith.constant 0 : i32
        %dma_wait3A_332 = tpu.memref_slice %arg8[%rem3A_324, %dma_wait3A_331] : memref<8x64xi32, #tpu.memory_space<vmem>> -> memref<1x64xi32, #tpu.memory_space<vmem>>
        %dma_wait3A_333 = tpu.memref_squeeze %dma_wait3A_332 : memref<1x64xi32, #tpu.memory_space<vmem>> -> memref<64xi32, #tpu.memory_space<vmem>>
        %dma_wait3A_334 = tpu.memref_slice %arg3[%add3A_327] : memref<327680xi32, #tpu.memory_space<hbm>> -> memref<64xi32, #tpu.memory_space<hbm>>
        %dma_wait3A_335 = arith.constant 0 : i32
        %dma_wait3A_336 = tpu.memref_slice %arg8[%rem3A_324, %dma_wait3A_335] : memref<8x64xi32, #tpu.memory_space<vmem>> -> memref<1x64xi32, #tpu.memory_space<vmem>>
        %dma_wait3A_337 = tpu.memref_squeeze %dma_wait3A_336 : memref<1x64xi32, #tpu.memory_space<vmem>> -> memref<64xi32, #tpu.memory_space<vmem>>
        %dma_wait3A_338 = tpu.memref_slice %arg3[%add3A_327] : memref<327680xi32, #tpu.memory_space<hbm>> -> memref<64xi32, #tpu.memory_space<hbm>>
        tpu.wait_dma2 semaphore(%arg11 : memref<!tpu.dma_semaphore, #tpu.memory_space<semaphore_mem>>) src(%dma_wait3A_338 : memref<64xi32, #tpu.memory_space<hbm>>) dst(%dma_wait3A_337 : memref<64xi32, #tpu.memory_space<vmem>>)
        %dma_wait3A_339 = arith.constant 0 : i32
        %dma_wait3A_340 = tpu.memref_slice %arg9[%rem3A_324, %dma_wait3A_339] : memref<8x64xi32, #tpu.memory_space<vmem>> -> memref<1x64xi32, #tpu.memory_space<vmem>>
        %dma_wait3A_341 = tpu.memref_squeeze %dma_wait3A_340 : memref<1x64xi32, #tpu.memory_space<vmem>> -> memref<64xi32, #tpu.memory_space<vmem>>
        %dma_wait3A_342 = tpu.memref_slice %arg4[%add3A_330] : memref<327680xi32, #tpu.memory_space<hbm>> -> memref<64xi32, #tpu.memory_space<hbm>>
        %dma_wait3A_343 = arith.constant 0 : i32
        %dma_wait3A_344 = tpu.memref_slice %arg9[%rem3A_324, %dma_wait3A_343] : memref<8x64xi32, #tpu.memory_space<vmem>> -> memref<1x64xi32, #tpu.memory_space<vmem>>
        %dma_wait3A_345 = tpu.memref_squeeze %dma_wait3A_344 : memref<1x64xi32, #tpu.memory_space<vmem>> -> memref<64xi32, #tpu.memory_space<vmem>>
        %dma_wait3A_346 = tpu.memref_slice %arg4[%add3A_330] : memref<327680xi32, #tpu.memory_space<hbm>> -> memref<64xi32, #tpu.memory_space<hbm>>
        tpu.wait_dma2 semaphore(%arg11 : memref<!tpu.dma_semaphore, #tpu.memory_space<semaphore_mem>>) src(%dma_wait3A_346 : memref<64xi32, #tpu.memory_space<hbm>>) dst(%dma_wait3A_345 : memref<64xi32, #tpu.memory_space<vmem>>)
        %add3A_347 = arith.constant 3 : i32
        %add3A_348 = arith.addi %while3A_275, %add3A_347 : i32
        %rem3A_349 = arith.constant 8 : i32
        %rem3A_350 = arith.remsi %add3A_348, %rem3A_349 : i32
        %rem3A_351 = arith.constant 4 : i32
        %rem3A_352 = arith.remsi %add3A_348, %rem3A_351 : i32
        %dma_start3A_353 = arith.constant 0 : i32
        %dma_start3A_354 = arith.constant 0 : i32
        %dma_start3A_355 = tpu.memref_slice %arg10[%rem3A_352, %dma_start3A_353, %dma_start3A_354] : memref<4x64x128xf32, #tpu.memory_space<vmem>> -> memref<1x64x128xf32, #tpu.memory_space<vmem>>
        %dma_start3A_356 = tpu.memref_squeeze %dma_start3A_355 : memref<1x64x128xf32, #tpu.memory_space<vmem>> -> memref<64x128xf32, #tpu.memory_space<vmem>>
        %dma_start3A_357 = arith.constant 0 : i32
        %dma_start3A_358 = tpu.memref_slice %arg8[%rem3A_350, %dma_start3A_357] : memref<8x64xi32, #tpu.memory_space<vmem>> -> memref<1x64xi32, #tpu.memory_space<vmem>>
        %dma_start3A_359 = tpu.memref_squeeze %dma_start3A_358 : memref<1x64xi32, #tpu.memory_space<vmem>> -> memref<64xi32, #tpu.memory_space<vmem>>
        %dma_start3A_360 = arith.constant 0 : i32
        %dma_start3A_361 = arith.constant 0 : i32
        %dma_start3A_362 = tpu.memref_slice %arg2[%dma_start3A_360, %dma_start3A_361] : memref<10240x128xf32, #tpu.memory_space<hbm>> -> memref<10240x128xf32, #tpu.memory_space<hbm>>
        tpu.enqueue_indirect_dma source(%dma_start3A_362 : memref<10240x128xf32, #tpu.memory_space<hbm>>) target(%dma_start3A_356 : memref<64x128xf32, #tpu.memory_space<vmem>>) offsets(%dma_start3A_359 : memref<64xi32, #tpu.memory_space<vmem>>) semaphore(%arg12 : memref<!tpu.dma_semaphore, #tpu.memory_space<semaphore_mem>>)
      } else {
      }
      %rem3A_307 = arith.constant 4 : i32
      %rem3A_308 = arith.remsi %while3A_275, %rem3A_307 : i32
      %rem3A_309 = arith.constant 8 : i32
      %rem3A_310 = arith.remsi %while3A_275, %rem3A_309 : i32
      %dma_start3A_311 = arith.constant 0 : i32
      %dma_start3A_312 = arith.constant 0 : i32
      %dma_start3A_313 = tpu.memref_slice %arg10[%rem3A_308, %dma_start3A_311, %dma_start3A_312] : memref<4x64x128xf32, #tpu.memory_space<vmem>> -> memref<1x64x128xf32, #tpu.memory_space<vmem>>
      %dma_start3A_314 = tpu.memref_squeeze %dma_start3A_313 : memref<1x64x128xf32, #tpu.memory_space<vmem>> -> memref<64x128xf32, #tpu.memory_space<vmem>>
      %dma_start3A_315 = arith.constant 0 : i32
      %dma_start3A_316 = tpu.memref_slice %arg9[%rem3A_310, %dma_start3A_315] : memref<8x64xi32, #tpu.memory_space<vmem>> -> memref<1x64xi32, #tpu.memory_space<vmem>>
      %dma_start3A_317 = tpu.memref_squeeze %dma_start3A_316 : memref<1x64xi32, #tpu.memory_space<vmem>> -> memref<64xi32, #tpu.memory_space<vmem>>
      %dma_start3A_318 = arith.constant 0 : i32
      %dma_start3A_319 = arith.constant 0 : i32
      %dma_start3A_320 = tpu.memref_slice %arg7[%dma_start3A_318, %dma_start3A_319] : memref<10240x128xf32, #tpu.memory_space<vmem_shared>> -> memref<10240x128xf32, #tpu.memory_space<vmem_shared>>
      tpu.enqueue_indirect_dma source(%dma_start3A_314 : memref<64x128xf32, #tpu.memory_space<vmem>>) target(%dma_start3A_320 : memref<10240x128xf32, #tpu.memory_space<vmem_shared>>) offsets(%dma_start3A_317 : memref<64xi32, #tpu.memory_space<vmem>>) semaphore(%arg13 : memref<!tpu.dma_semaphore, #tpu.memory_space<semaphore_mem>>) {add = true}
    }
    %while3A_251 = arith.constant 1 : i32
    scf.for %while3A_275 = %while3A_249 to %while3A_245 step %while3A_251  : i32 {
      %rem3A_276 = arith.constant 8 : i32
      %rem3A_277 = arith.remsi %while3A_275, %rem3A_276 : i32
      %rem3A_278 = arith.constant 4 : i32
      %rem3A_279 = arith.remsi %while3A_275, %rem3A_278 : i32
      %dma_wait3A_280 = arith.constant 0 : i32
      %dma_wait3A_281 = arith.constant 0 : i32
      %dma_wait3A_282 = tpu.memref_slice %arg10[%rem3A_279, %dma_wait3A_280, %dma_wait3A_281] : memref<4x64x128xf32, #tpu.memory_space<vmem>> -> memref<1x64x128xf32, #tpu.memory_space<vmem>>
      %dma_wait3A_283 = tpu.memref_squeeze %dma_wait3A_282 : memref<1x64x128xf32, #tpu.memory_space<vmem>> -> memref<64x128xf32, #tpu.memory_space<vmem>>
      %dma_wait3A_284 = arith.constant 0 : i32
      %dma_wait3A_285 = tpu.memref_slice %arg8[%rem3A_277, %dma_wait3A_284] : memref<8x64xi32, #tpu.memory_space<vmem>> -> memref<1x64xi32, #tpu.memory_space<vmem>>
      %dma_wait3A_286 = tpu.memref_squeeze %dma_wait3A_285 : memref<1x64xi32, #tpu.memory_space<vmem>> -> memref<64xi32, #tpu.memory_space<vmem>>
      %dma_wait3A_287 = arith.constant 0 : i32
      %dma_wait3A_288 = arith.constant 0 : i32
      %dma_wait3A_289 = tpu.memref_slice %arg2[%dma_wait3A_287, %dma_wait3A_288] : memref<10240x128xf32, #tpu.memory_space<hbm>> -> memref<10240x128xf32, #tpu.memory_space<hbm>>
      tpu.wait_indirect_dma semaphore(%arg12 : memref<!tpu.dma_semaphore, #tpu.memory_space<semaphore_mem>>) src(%dma_wait3A_289 : memref<10240x128xf32, #tpu.memory_space<hbm>>) dst(%dma_wait3A_283 : memref<64x128xf32, #tpu.memory_space<vmem>>)
      %ge3A = arith.constant 1 : i32
      %ge3A_290 = arith.cmpi sge, %while3A_275, %ge3A : i32
      %convert_element_type3A = arith.extui %ge3A_290 : i1 to i32
      %cond3A = arith.constant 0 : i32
      %cond3A_291 = arith.cmpi ne, %convert_element_type3A, %cond3A : i32
      scf.if %cond3A_291 {
        %sub3A_321 = arith.constant 1 : i32
        %sub3A_322 = arith.subi %while3A_275, %sub3A_321 : i32
        %rem3A_323 = arith.constant 4 : i32
        %rem3A_324 = arith.remsi %sub3A_322, %rem3A_323 : i32
        %rem3A_325 = arith.constant 8 : i32
        %rem3A_326 = arith.remsi %sub3A_322, %rem3A_325 : i32
        %dma_wait3A_327 = arith.constant 0 : i32
        %dma_wait3A_328 = arith.constant 0 : i32
        %dma_wait3A_329 = tpu.memref_slice %arg10[%rem3A_324, %dma_wait3A_327, %dma_wait3A_328] : memref<4x64x128xf32, #tpu.memory_space<vmem>> -> memref<1x64x128xf32, #tpu.memory_space<vmem>>
        %dma_wait3A_330 = tpu.memref_squeeze %dma_wait3A_329 : memref<1x64x128xf32, #tpu.memory_space<vmem>> -> memref<64x128xf32, #tpu.memory_space<vmem>>
        %dma_wait3A_331 = arith.constant 0 : i32
        %dma_wait3A_332 = tpu.memref_slice %arg9[%rem3A_326, %dma_wait3A_331] : memref<8x64xi32, #tpu.memory_space<vmem>> -> memref<1x64xi32, #tpu.memory_space<vmem>>
        %dma_wait3A_333 = tpu.memref_squeeze %dma_wait3A_332 : memref<1x64xi32, #tpu.memory_space<vmem>> -> memref<64xi32, #tpu.memory_space<vmem>>
        %dma_wait3A_334 = arith.constant 0 : i32
        %dma_wait3A_335 = arith.constant 0 : i32
        %dma_wait3A_336 = tpu.memref_slice %arg7[%dma_wait3A_334, %dma_wait3A_335] : memref<10240x128xf32, #tpu.memory_space<vmem_shared>> -> memref<10240x128xf32, #tpu.memory_space<vmem_shared>>
        tpu.wait_indirect_dma semaphore(%arg13 : memref<!tpu.dma_semaphore, #tpu.memory_space<semaphore_mem>>) src(%dma_wait3A_330 : memref<64x128xf32, #tpu.memory_space<vmem>>) dst(%dma_wait3A_336 : memref<10240x128xf32, #tpu.memory_space<vmem_shared>>)
      } else {
      }
      %sub3A_292 = arith.constant 3 : i32
      %sub3A_293 = arith.subi %select_n3A, %sub3A_292 : i32
      %sub3A_294 = arith.constant 3 : i32
      %sub3A_295 = arith.subi %sub3A_293, %sub3A_294 : i32
      %le3A = arith.cmpi sle, %while3A_275, %sub3A_295 : i32
      %convert_element_type3A_296 = arith.extui %le3A : i1 to i32
      %cond3A_297 = arith.constant 0 : i32
      %cond3A_298 = arith.cmpi ne, %convert_element_type3A_296, %cond3A_297 : i32
      scf.if %cond3A_298 {
        %add3A_321 = arith.constant 3 : i32
        %add3A_322 = arith.addi %while3A_275, %add3A_321 : i32
        %add3A_323 = arith.constant 2 : i32
        %add3A_324 = arith.addi %add3A_322, %add3A_323 : i32
        %rem3A_325 = arith.constant 8 : i32
        %rem3A_326 = arith.remsi %add3A_324, %rem3A_325 : i32
        %mul3A_327 = arith.constant 64 : i32
        %mul3A_328 = arith.muli %add3A_324, %mul3A_327 : i32
        %add3A_329 = arith.addi %mul3A_10, %mul3A_328 : i32
        %mul3A_330 = arith.constant 64 : i32
        %mul3A_331 = arith.muli %add3A_324, %mul3A_330 : i32
        %add3A_332 = arith.addi %mul3A_10, %mul3A_331 : i32
        %dma_start3A_333 = arith.constant 0 : i32
        %dma_start3A_334 = tpu.memref_slice %arg8[%rem3A_326, %dma_start3A_333] : memref<8x64xi32, #tpu.memory_space<vmem>> -> memref<1x64xi32, #tpu.memory_space<vmem>>
        %dma_start3A_335 = tpu.memref_squeeze %dma_start3A_334 : memref<1x64xi32, #tpu.memory_space<vmem>> -> memref<64xi32, #tpu.memory_space<vmem>>
        %dma_start3A_336 = tpu.memref_slice %arg3[%add3A_329] : memref<327680xi32, #tpu.memory_space<hbm>> -> memref<64xi32, #tpu.memory_space<hbm>>
        %dma_start3A_337 = arith.constant 0 : i32
        %dma_start3A_338 = tpu.memref_slice %arg8[%rem3A_326, %dma_start3A_337] : memref<8x64xi32, #tpu.memory_space<vmem>> -> memref<1x64xi32, #tpu.memory_space<vmem>>
        %dma_start3A_339 = tpu.memref_squeeze %dma_start3A_338 : memref<1x64xi32, #tpu.memory_space<vmem>> -> memref<64xi32, #tpu.memory_space<vmem>>
        %dma_start3A_340 = tpu.memref_slice %arg3[%add3A_329] : memref<327680xi32, #tpu.memory_space<hbm>> -> memref<64xi32, #tpu.memory_space<hbm>>
        tpu.enqueue_dma source(%dma_start3A_340 : memref<64xi32, #tpu.memory_space<hbm>>) target(%dma_start3A_339 : memref<64xi32, #tpu.memory_space<vmem>>) target_semaphore(%arg11 : memref<!tpu.dma_semaphore, #tpu.memory_space<semaphore_mem>>)
        %dma_start3A_341 = arith.constant 0 : i32
        %dma_start3A_342 = tpu.memref_slice %arg9[%rem3A_326, %dma_start3A_341] : memref<8x64xi32, #tpu.memory_space<vmem>> -> memref<1x64xi32, #tpu.memory_space<vmem>>
        %dma_start3A_343 = tpu.memref_squeeze %dma_start3A_342 : memref<1x64xi32, #tpu.memory_space<vmem>> -> memref<64xi32, #tpu.memory_space<vmem>>
        %dma_start3A_344 = tpu.memref_slice %arg4[%add3A_332] : memref<327680xi32, #tpu.memory_space<hbm>> -> memref<64xi32, #tpu.memory_space<hbm>>
        %dma_start3A_345 = arith.constant 0 : i32
        %dma_start3A_346 = tpu.memref_slice %arg9[%rem3A_326, %dma_start3A_345] : memref<8x64xi32, #tpu.memory_space<vmem>> -> memref<1x64xi32, #tpu.memory_space<vmem>>
        %dma_start3A_347 = tpu.memref_squeeze %dma_start3A_346 : memref<1x64xi32, #tpu.memory_space<vmem>> -> memref<64xi32, #tpu.memory_space<vmem>>
        %dma_start3A_348 = tpu.memref_slice %arg4[%add3A_332] : memref<327680xi32, #tpu.memory_space<hbm>> -> memref<64xi32, #tpu.memory_space<hbm>>
        tpu.enqueue_dma source(%dma_start3A_348 : memref<64xi32, #tpu.memory_space<hbm>>) target(%dma_start3A_347 : memref<64xi32, #tpu.memory_space<vmem>>) target_semaphore(%arg11 : memref<!tpu.dma_semaphore, #tpu.memory_space<semaphore_mem>>)
      } else {
      }
      %sub3A_299 = arith.constant 3 : i32
      %sub3A_300 = arith.subi %select_n3A, %sub3A_299 : i32
      %sub3A_301 = arith.constant 1 : i32
      %sub3A_302 = arith.subi %sub3A_300, %sub3A_301 : i32
      %le3A_303 = arith.cmpi sle, %while3A_275, %sub3A_302 : i32
      %convert_element_type3A_304 = arith.extui %le3A_303 : i1 to i32
      %cond3A_305 = arith.constant 0 : i32
      %cond3A_306 = arith.cmpi ne, %convert_element_type3A_304, %cond3A_305 : i32
      scf.if %cond3A_306 {
        %add3A_321 = arith.constant 3 : i32
        %add3A_322 = arith.addi %while3A_275, %add3A_321 : i32
        %rem3A_323 = arith.constant 8 : i32
        %rem3A_324 = arith.remsi %add3A_322, %rem3A_323 : i32
        %mul3A_325 = arith.constant 64 : i32
        %mul3A_326 = arith.muli %add3A_322, %mul3A_325 : i32
        %add3A_327 = arith.addi %mul3A_10, %mul3A_326 : i32
        %mul3A_328 = arith.constant 64 : i32
        %mul3A_329 = arith.muli %add3A_322, %mul3A_328 : i32
        %add3A_330 = arith.addi %mul3A_10, %mul3A_329 : i32
        %dma_wait3A_331 = arith.constant 0 : i32
        %dma_wait3A_332 = tpu.memref_slice %arg8[%rem3A_324, %dma_wait3A_331] : memref<8x64xi32, #tpu.memory_space<vmem>> -> memref<1x64xi32, #tpu.memory_space<vmem>>
        %dma_wait3A_333 = tpu.memref_squeeze %dma_wait3A_332 : memref<1x64xi32, #tpu.memory_space<vmem>> -> memref<64xi32, #tpu.memory_space<vmem>>
        %dma_wait3A_334 = tpu.memref_slice %arg3[%add3A_327] : memref<327680xi32, #tpu.memory_space<hbm>> -> memref<64xi32, #tpu.memory_space<hbm>>
        %dma_wait3A_335 = arith.constant 0 : i32
        %dma_wait3A_336 = tpu.memref_slice %arg8[%rem3A_324, %dma_wait3A_335] : memref<8x64xi32, #tpu.memory_space<vmem>> -> memref<1x64xi32, #tpu.memory_space<vmem>>
        %dma_wait3A_337 = tpu.memref_squeeze %dma_wait3A_336 : memref<1x64xi32, #tpu.memory_space<vmem>> -> memref<64xi32, #tpu.memory_space<vmem>>
        %dma_wait3A_338 = tpu.memref_slice %arg3[%add3A_327] : memref<327680xi32, #tpu.memory_space<hbm>> -> memref<64xi32, #tpu.memory_space<hbm>>
        tpu.wait_dma2 semaphore(%arg11 : memref<!tpu.dma_semaphore, #tpu.memory_space<semaphore_mem>>) src(%dma_wait3A_338 : memref<64xi32, #tpu.memory_space<hbm>>) dst(%dma_wait3A_337 : memref<64xi32, #tpu.memory_space<vmem>>)
        %dma_wait3A_339 = arith.constant 0 : i32
        %dma_wait3A_340 = tpu.memref_slice %arg9[%rem3A_324, %dma_wait3A_339] : memref<8x64xi32, #tpu.memory_space<vmem>> -> memref<1x64xi32, #tpu.memory_space<vmem>>
        %dma_wait3A_341 = tpu.memref_squeeze %dma_wait3A_340 : memref<1x64xi32, #tpu.memory_space<vmem>> -> memref<64xi32, #tpu.memory_space<vmem>>
        %dma_wait3A_342 = tpu.memref_slice %arg4[%add3A_330] : memref<327680xi32, #tpu.memory_space<hbm>> -> memref<64xi32, #tpu.memory_space<hbm>>
        %dma_wait3A_343 = arith.constant 0 : i32
        %dma_wait3A_344 = tpu.memref_slice %arg9[%rem3A_324, %dma_wait3A_343] : memref<8x64xi32, #tpu.memory_space<vmem>> -> memref<1x64xi32, #tpu.memory_space<vmem>>
        %dma_wait3A_345 = tpu.memref_squeeze %dma_wait3A_344 : memref<1x64xi32, #tpu.memory_space<vmem>> -> memref<64xi32, #tpu.memory_space<vmem>>
        %dma_wait3A_346 = tpu.memref_slice %arg4[%add3A_330] : memref<327680xi32, #tpu.memory_space<hbm>> -> memref<64xi32, #tpu.memory_space<hbm>>
        tpu.wait_dma2 semaphore(%arg11 : memref<!tpu.dma_semaphore, #tpu.memory_space<semaphore_mem>>) src(%dma_wait3A_346 : memref<64xi32, #tpu.memory_space<hbm>>) dst(%dma_wait3A_345 : memref<64xi32, #tpu.memory_space<vmem>>)
        %add3A_347 = arith.constant 3 : i32
        %add3A_348 = arith.addi %while3A_275, %add3A_347 : i32
        %rem3A_349 = arith.constant 8 : i32
        %rem3A_350 = arith.remsi %add3A_348, %rem3A_349 : i32
        %rem3A_351 = arith.constant 4 : i32
        %rem3A_352 = arith.remsi %add3A_348, %rem3A_351 : i32
        %dma_start3A_353 = arith.constant 0 : i32
        %dma_start3A_354 = arith.constant 0 : i32
        %dma_start3A_355 = tpu.memref_slice %arg10[%rem3A_352, %dma_start3A_353, %dma_start3A_354] : memref<4x64x128xf32, #tpu.memory_space<vmem>> -> memref<1x64x128xf32, #tpu.memory_space<vmem>>
        %dma_start3A_356 = tpu.memref_squeeze %dma_start3A_355 : memref<1x64x128xf32, #tpu.memory_space<vmem>> -> memref<64x128xf32, #tpu.memory_space<vmem>>
        %dma_start3A_357 = arith.constant 0 : i32
        %dma_start3A_358 = tpu.memref_slice %arg8[%rem3A_350, %dma_start3A_357] : memref<8x64xi32, #tpu.memory_space<vmem>> -> memref<1x64xi32, #tpu.memory_space<vmem>>
        %dma_start3A_359 = tpu.memref_squeeze %dma_start3A_358 : memref<1x64xi32, #tpu.memory_space<vmem>> -> memref<64xi32, #tpu.memory_space<vmem>>
        %dma_start3A_360 = arith.constant 0 : i32
        %dma_start3A_361 = arith.constant 0 : i32
        %dma_start3A_362 = tpu.memref_slice %arg2[%dma_start3A_360, %dma_start3A_361] : memref<10240x128xf32, #tpu.memory_space<hbm>> -> memref<10240x128xf32, #tpu.memory_space<hbm>>
        tpu.enqueue_indirect_dma source(%dma_start3A_362 : memref<10240x128xf32, #tpu.memory_space<hbm>>) target(%dma_start3A_356 : memref<64x128xf32, #tpu.memory_space<vmem>>) offsets(%dma_start3A_359 : memref<64xi32, #tpu.memory_space<vmem>>) semaphore(%arg12 : memref<!tpu.dma_semaphore, #tpu.memory_space<semaphore_mem>>)
      } else {
      }
      %rem3A_307 = arith.constant 4 : i32
      %rem3A_308 = arith.remsi %while3A_275, %rem3A_307 : i32
      %rem3A_309 = arith.constant 8 : i32
      %rem3A_310 = arith.remsi %while3A_275, %rem3A_309 : i32
      %dma_start3A_311 = arith.constant 0 : i32
      %dma_start3A_312 = arith.constant 0 : i32
      %dma_start3A_313 = tpu.memref_slice %arg10[%rem3A_308, %dma_start3A_311, %dma_start3A_312] : memref<4x64x128xf32, #tpu.memory_space<vmem>> -> memref<1x64x128xf32, #tpu.memory_space<vmem>>
      %dma_start3A_314 = tpu.memref_squeeze %dma_start3A_313 : memref<1x64x128xf32, #tpu.memory_space<vmem>> -> memref<64x128xf32, #tpu.memory_space<vmem>>
      %dma_start3A_315 = arith.constant 0 : i32
      %dma_start3A_316 = tpu.memref_slice %arg9[%rem3A_310, %dma_start3A_315] : memref<8x64xi32, #tpu.memory_space<vmem>> -> memref<1x64xi32, #tpu.memory_space<vmem>>
      %dma_start3A_317 = tpu.memref_squeeze %dma_start3A_316 : memref<1x64xi32, #tpu.memory_space<vmem>> -> memref<64xi32, #tpu.memory_space<vmem>>
      %dma_start3A_318 = arith.constant 0 : i32
      %dma_start3A_319 = arith.constant 0 : i32
      %dma_start3A_320 = tpu.memref_slice %arg7[%dma_start3A_318, %dma_start3A_319] : memref<10240x128xf32, #tpu.memory_space<vmem_shared>> -> memref<10240x128xf32, #tpu.memory_space<vmem_shared>>
      tpu.enqueue_indirect_dma source(%dma_start3A_314 : memref<64x128xf32, #tpu.memory_space<vmem>>) target(%dma_start3A_320 : memref<10240x128xf32, #tpu.memory_space<vmem_shared>>) offsets(%dma_start3A_317 : memref<64xi32, #tpu.memory_space<vmem>>) semaphore(%arg13 : memref<!tpu.dma_semaphore, #tpu.memory_space<semaphore_mem>>) {add = true}
    }
    %sub3A = arith.constant 1 : i32
    %sub3A_252 = arith.subi %select_n3A, %sub3A : i32
    %rem3A_253 = arith.constant 4 : i32
    %rem3A_254 = arith.remsi %sub3A_252, %rem3A_253 : i32
    %rem3A_255 = arith.constant 8 : i32
    %rem3A_256 = arith.remsi %sub3A_252, %rem3A_255 : i32
    %dma_wait3A_257 = arith.constant 0 : i32
    %dma_wait3A_258 = arith.constant 0 : i32
    %dma_wait3A_259 = tpu.memref_slice %arg10[%rem3A_254, %dma_wait3A_257, %dma_wait3A_258] : memref<4x64x128xf32, #tpu.memory_space<vmem>> -> memref<1x64x128xf32, #tpu.memory_space<vmem>>
    %dma_wait3A_260 = tpu.memref_squeeze %dma_wait3A_259 : memref<1x64x128xf32, #tpu.memory_space<vmem>> -> memref<64x128xf32, #tpu.memory_space<vmem>>
    %dma_wait3A_261 = arith.constant 0 : i32
    %dma_wait3A_262 = tpu.memref_slice %arg9[%rem3A_256, %dma_wait3A_261] : memref<8x64xi32, #tpu.memory_space<vmem>> -> memref<1x64xi32, #tpu.memory_space<vmem>>
    %dma_wait3A_263 = tpu.memref_squeeze %dma_wait3A_262 : memref<1x64xi32, #tpu.memory_space<vmem>> -> memref<64xi32, #tpu.memory_space<vmem>>
    %dma_wait3A_264 = arith.constant 0 : i32
    %dma_wait3A_265 = arith.constant 0 : i32
    %dma_wait3A_266 = tpu.memref_slice %arg7[%dma_wait3A_264, %dma_wait3A_265] : memref<10240x128xf32, #tpu.memory_space<vmem_shared>> -> memref<10240x128xf32, #tpu.memory_space<vmem_shared>>
    tpu.wait_indirect_dma semaphore(%arg13 : memref<!tpu.dma_semaphore, #tpu.memory_space<semaphore_mem>>) src(%dma_wait3A_260 : memref<64x128xf32, #tpu.memory_space<vmem>>) dst(%dma_wait3A_266 : memref<10240x128xf32, #tpu.memory_space<vmem_shared>>)
    %barrier3A_267 = arith.constant 0 : index
    tpu.barrier barrier_id(%barrier3A_267)
    %mul3A_268 = arith.constant 640 : i32
    %mul3A_269 = arith.muli %arg1, %mul3A_268 : i32
    %mul3A_270 = arith.constant 10240 : i32
    %mul3A_271 = arith.muli %arg0, %mul3A_270 : i32
    %mul3A_272 = arith.constant 640 : i32
    %mul3A_273 = arith.muli %arg1, %mul3A_272 : i32
    %add3A_274 = arith.addi %mul3A_271, %mul3A_273 : i32
    "tpu.region"() ({
      %run_scoped3A = tpu.sem_alloc : memref<!tpu.dma_semaphore, #tpu.memory_space<semaphore_mem>>
      %dma_start3A_275 = arith.constant 0 : i32
      %dma_start3A_276 = tpu.memref_slice %arg6[%add3A_274, %dma_start3A_275] : memref<20480x128xf32, #tpu.memory_space<hbm>> -> memref<640x128xf32, #tpu.memory_space<hbm>>
      %dma_start3A_277 = arith.constant 0 : i32
      %dma_start3A_278 = tpu.memref_slice %arg7[%mul3A_269, %dma_start3A_277] : memref<10240x128xf32, #tpu.memory_space<vmem_shared>> -> memref<640x128xf32, #tpu.memory_space<vmem_shared>>
      tpu.enqueue_dma source(%dma_start3A_278 : memref<640x128xf32, #tpu.memory_space<vmem_shared>>) target(%dma_start3A_276 : memref<640x128xf32, #tpu.memory_space<hbm>>) target_semaphore(%run_scoped3A : memref<!tpu.dma_semaphore, #tpu.memory_space<semaphore_mem>>)
      %dma_wait3A_279 = arith.constant 0 : i32
      %dma_wait3A_280 = tpu.memref_slice %arg6[%add3A_274, %dma_wait3A_279] : memref<20480x128xf32, #tpu.memory_space<hbm>> -> memref<640x128xf32, #tpu.memory_space<hbm>>
      %dma_wait3A_281 = arith.constant 0 : i32
      %dma_wait3A_282 = tpu.memref_slice %arg7[%mul3A_269, %dma_wait3A_281] : memref<10240x128xf32, #tpu.memory_space<vmem_shared>> -> memref<640x128xf32, #tpu.memory_space<vmem_shared>>
      tpu.wait_dma2 semaphore(%run_scoped3A : memref<!tpu.dma_semaphore, #tpu.memory_space<semaphore_mem>>) src(%dma_wait3A_282 : memref<640x128xf32, #tpu.memory_space<vmem_shared>>) dst(%dma_wait3A_280 : memref<640x128xf32, #tpu.memory_space<hbm>>)
      tpu.yield
    }) : () -> ()
    return
  }
}

#map = affine_map<(d0, d1) -> (0, 0)>
#map1 = affine_map<(d0, d1) -> (0)>
module attributes {stable_mosaic.version = 14 : i64} {
  func.func @k(%arg0: i32, %arg1: i32, %arg2: memref<10240x128xf32, #tpu.memory_space<hbm>>, %arg3: memref<327680xi32, #tpu.memory_space<hbm>>, %arg4: memref<327680xi32, #tpu.memory_space<hbm>>, %arg5: memref<10240x128xf32, #tpu.memory_space<hbm>>, %arg6: memref<20480x128xf32, #tpu.memory_space<hbm>>, %arg7: memref<10240x128xf32, #tpu.memory_space<vmem_shared>>, %arg8: memref<8x64xi32, #tpu.memory_space<vmem>>, %arg9: memref<8x64xi32, #tpu.memory_space<vmem>>, %arg10: memref<4x64x128xf32, #tpu.memory_space<vmem>>, %arg11: memref<!tpu.dma_semaphore, #tpu.memory_space<semaphore_mem>>, %arg12: memref<!tpu.dma_semaphore, #tpu.memory_space<semaphore_mem>>, %arg13: memref<!tpu.dma_semaphore, #tpu.memory_space<semaphore_mem>>) attributes {dimension_semantics = [#tpu.dimension_semantics<core_parallel>, #tpu.dimension_semantics<subcore_parallel>], iteration_bounds = array<i64: 2, 16>, scalar_prefetch = 0 : i64, scratch_operands = 7 : i64, tpu.core_type = #tpu.core_type<sc_vector_subcore>, window_params = [{transform_indices = #map}, {transform_indices = #map1}, {transform_indices = #map1}, {transform_indices = #map}, {transform_indices = #map}]} {
    %eq3A = arith.constant 0 : i32
    %eq3A_0 = arith.cmpi eq, %arg0, %eq3A : i32
    %jit3A = arith.constant 256 : i32
    %jit3A_1 = arith.constant 64 : i32
    %select_n3A = arith.select %eq3A_0, %jit3A, %jit3A_1 : i32
    %eq3A_2 = arith.constant 0 : i32
    %eq3A_3 = arith.cmpi eq, %arg0, %eq3A_2 : i32
    %mul3A = arith.constant 256 : i32
    %mul3A_4 = arith.muli %arg1, %mul3A : i32
    %mul3A_5 = arith.constant 64 : i32
    %mul3A_6 = arith.muli %arg1, %mul3A_5 : i32
    %add3A = arith.constant 4096 : i32
    %add3A_7 = arith.addi %add3A, %mul3A_6 : i32
    %select_n3A_8 = arith.select %eq3A_3, %mul3A_4, %add3A_7 : i32
    %mul3A_9 = arith.constant 64 : i32
    %mul3A_10 = arith.muli %select_n3A_8, %mul3A_9 : i32
    %rem3A = arith.constant 0 : i32
    %rem3A_11 = arith.constant 8 : i32
    %rem3A_12 = arith.remsi %rem3A, %rem3A_11 : i32
    %add3A_13 = arith.constant 0 : i32
    %add3A_14 = arith.addi %mul3A_10, %add3A_13 : i32
    %add3A_15 = arith.constant 0 : i32
    %add3A_16 = arith.addi %mul3A_10, %add3A_15 : i32
    %dma_start3A = arith.constant 0 : i32
    %dma_start3A_17 = tpu.memref_slice %arg8[%rem3A_12, %dma_start3A] : memref<8x64xi32, #tpu.memory_space<vmem>> -> memref<1x64xi32, #tpu.memory_space<vmem>>
    %dma_start3A_18 = tpu.memref_squeeze %dma_start3A_17 : memref<1x64xi32, #tpu.memory_space<vmem>> -> memref<64xi32, #tpu.memory_space<vmem>>
    %dma_start3A_19 = tpu.memref_slice %arg3[%add3A_14] : memref<327680xi32, #tpu.memory_space<hbm>> -> memref<64xi32, #tpu.memory_space<hbm>>
    %dma_start3A_20 = arith.constant 0 : i32
    %dma_start3A_21 = tpu.memref_slice %arg8[%rem3A_12, %dma_start3A_20] : memref<8x64xi32, #tpu.memory_space<vmem>> -> memref<1x64xi32, #tpu.memory_space<vmem>>
    %dma_start3A_22 = tpu.memref_squeeze %dma_start3A_21 : memref<1x64xi32, #tpu.memory_space<vmem>> -> memref<64xi32, #tpu.memory_space<vmem>>
    %dma_start3A_23 = tpu.memref_slice %arg3[%add3A_14] : memref<327680xi32, #tpu.memory_space<hbm>> -> memref<64xi32, #tpu.memory_space<hbm>>
    tpu.enqueue_dma source(%dma_start3A_23 : memref<64xi32, #tpu.memory_space<hbm>>) target(%dma_start3A_22 : memref<64xi32, #tpu.memory_space<vmem>>) target_semaphore(%arg11 : memref<!tpu.dma_semaphore, #tpu.memory_space<semaphore_mem>>)
    %dma_start3A_24 = arith.constant 0 : i32
    %dma_start3A_25 = tpu.memref_slice %arg9[%rem3A_12, %dma_start3A_24] : memref<8x64xi32, #tpu.memory_space<vmem>> -> memref<1x64xi32, #tpu.memory_space<vmem>>
    %dma_start3A_26 = tpu.memref_squeeze %dma_start3A_25 : memref<1x64xi32, #tpu.memory_space<vmem>> -> memref<64xi32, #tpu.memory_space<vmem>>
    %dma_start3A_27 = tpu.memref_slice %arg4[%add3A_16] : memref<327680xi32, #tpu.memory_space<hbm>> -> memref<64xi32, #tpu.memory_space<hbm>>
    %dma_start3A_28 = arith.constant 0 : i32
    %dma_start3A_29 = tpu.memref_slice %arg9[%rem3A_12, %dma_start3A_28] : memref<8x64xi32, #tpu.memory_space<vmem>> -> memref<1x64xi32, #tpu.memory_space<vmem>>
    %dma_start3A_30 = tpu.memref_squeeze %dma_start3A_29 : memref<1x64xi32, #tpu.memory_space<vmem>> -> memref<64xi32, #tpu.memory_space<vmem>>
    %dma_start3A_31 = tpu.memref_slice %arg4[%add3A_16] : memref<327680xi32, #tpu.memory_space<hbm>> -> memref<64xi32, #tpu.memory_space<hbm>>
    tpu.enqueue_dma source(%dma_start3A_31 : memref<64xi32, #tpu.memory_space<hbm>>) target(%dma_start3A_30 : memref<64xi32, #tpu.memory_space<vmem>>) target_semaphore(%arg11 : memref<!tpu.dma_semaphore, #tpu.memory_space<semaphore_mem>>)
    %rem3A_32 = arith.constant 1 : i32
    %rem3A_33 = arith.constant 8 : i32
    %rem3A_34 = arith.remsi %rem3A_32, %rem3A_33 : i32
    %add3A_35 = arith.constant 64 : i32
    %add3A_36 = arith.addi %mul3A_10, %add3A_35 : i32
    %add3A_37 = arith.constant 64 : i32
    %add3A_38 = arith.addi %mul3A_10, %add3A_37 : i32
    %dma_start3A_39 = arith.constant 0 : i32
    %dma_start3A_40 = tpu.memref_slice %arg8[%rem3A_34, %dma_start3A_39] : memref<8x64xi32, #tpu.memory_space<vmem>> -> memref<1x64xi32, #tpu.memory_space<vmem>>
    %dma_start3A_41 = tpu.memref_squeeze %dma_start3A_40 : memref<1x64xi32, #tpu.memory_space<vmem>> -> memref<64xi32, #tpu.memory_space<vmem>>
    %dma_start3A_42 = tpu.memref_slice %arg3[%add3A_36] : memref<327680xi32, #tpu.memory_space<hbm>> -> memref<64xi32, #tpu.memory_space<hbm>>
    %dma_start3A_43 = arith.constant 0 : i32
    %dma_start3A_44 = tpu.memref_slice %arg8[%rem3A_34, %dma_start3A_43] : memref<8x64xi32, #tpu.memory_space<vmem>> -> memref<1x64xi32, #tpu.memory_space<vmem>>
    %dma_start3A_45 = tpu.memref_squeeze %dma_start3A_44 : memref<1x64xi32, #tpu.memory_space<vmem>> -> memref<64xi32, #tpu.memory_space<vmem>>
    %dma_start3A_46 = tpu.memref_slice %arg3[%add3A_36] : memref<327680xi32, #tpu.memory_space<hbm>> -> memref<64xi32, #tpu.memory_space<hbm>>
    tpu.enqueue_dma source(%dma_start3A_46 : memref<64xi32, #tpu.memory_space<hbm>>) target(%dma_start3A_45 : memref<64xi32, #tpu.memory_space<vmem>>) target_semaphore(%arg11 : memref<!tpu.dma_semaphore, #tpu.memory_space<semaphore_mem>>)
    %dma_start3A_47 = arith.constant 0 : i32
    %dma_start3A_48 = tpu.memref_slice %arg9[%rem3A_34, %dma_start3A_47] : memref<8x64xi32, #tpu.memory_space<vmem>> -> memref<1x64xi32, #tpu.memory_space<vmem>>
    %dma_start3A_49 = tpu.memref_squeeze %dma_start3A_48 : memref<1x64xi32, #tpu.memory_space<vmem>> -> memref<64xi32, #tpu.memory_space<vmem>>
    %dma_start3A_50 = tpu.memref_slice %arg4[%add3A_38] : memref<327680xi32, #tpu.memory_space<hbm>> -> memref<64xi32, #tpu.memory_space<hbm>>
    %dma_start3A_51 = arith.constant 0 : i32
    %dma_start3A_52 = tpu.memref_slice %arg9[%rem3A_34, %dma_start3A_51] : memref<8x64xi32, #tpu.memory_space<vmem>> -> memref<1x64xi32, #tpu.memory_space<vmem>>
    %dma_start3A_53 = tpu.memref_squeeze %dma_start3A_52 : memref<1x64xi32, #tpu.memory_space<vmem>> -> memref<64xi32, #tpu.memory_space<vmem>>
    %dma_start3A_54 = tpu.memref_slice %arg4[%add3A_38] : memref<327680xi32, #tpu.memory_space<hbm>> -> memref<64xi32, #tpu.memory_space<hbm>>
    tpu.enqueue_dma source(%dma_start3A_54 : memref<64xi32, #tpu.memory_space<hbm>>) target(%dma_start3A_53 : memref<64xi32, #tpu.memory_space<vmem>>) target_semaphore(%arg11 : memref<!tpu.dma_semaphore, #tpu.memory_space<semaphore_mem>>)
    %rem3A_55 = arith.constant 2 : i32
    %rem3A_56 = arith.constant 8 : i32
    %rem3A_57 = arith.remsi %rem3A_55, %rem3A_56 : i32
    %add3A_58 = arith.constant 128 : i32
    %add3A_59 = arith.addi %mul3A_10, %add3A_58 : i32
    %add3A_60 = arith.constant 128 : i32
    %add3A_61 = arith.addi %mul3A_10, %add3A_60 : i32
    %dma_start3A_62 = arith.constant 0 : i32
    %dma_start3A_63 = tpu.memref_slice %arg8[%rem3A_57, %dma_start3A_62] : memref<8x64xi32, #tpu.memory_space<vmem>> -> memref<1x64xi32, #tpu.memory_space<vmem>>
    %dma_start3A_64 = tpu.memref_squeeze %dma_start3A_63 : memref<1x64xi32, #tpu.memory_space<vmem>> -> memref<64xi32, #tpu.memory_space<vmem>>
    %dma_start3A_65 = tpu.memref_slice %arg3[%add3A_59] : memref<327680xi32, #tpu.memory_space<hbm>> -> memref<64xi32, #tpu.memory_space<hbm>>
    %dma_start3A_66 = arith.constant 0 : i32
    %dma_start3A_67 = tpu.memref_slice %arg8[%rem3A_57, %dma_start3A_66] : memref<8x64xi32, #tpu.memory_space<vmem>> -> memref<1x64xi32, #tpu.memory_space<vmem>>
    %dma_start3A_68 = tpu.memref_squeeze %dma_start3A_67 : memref<1x64xi32, #tpu.memory_space<vmem>> -> memref<64xi32, #tpu.memory_space<vmem>>
    %dma_start3A_69 = tpu.memref_slice %arg3[%add3A_59] : memref<327680xi32, #tpu.memory_space<hbm>> -> memref<64xi32, #tpu.memory_space<hbm>>
    tpu.enqueue_dma source(%dma_start3A_69 : memref<64xi32, #tpu.memory_space<hbm>>) target(%dma_start3A_68 : memref<64xi32, #tpu.memory_space<vmem>>) target_semaphore(%arg11 : memref<!tpu.dma_semaphore, #tpu.memory_space<semaphore_mem>>)
    %dma_start3A_70 = arith.constant 0 : i32
    %dma_start3A_71 = tpu.memref_slice %arg9[%rem3A_57, %dma_start3A_70] : memref<8x64xi32, #tpu.memory_space<vmem>> -> memref<1x64xi32, #tpu.memory_space<vmem>>
    %dma_start3A_72 = tpu.memref_squeeze %dma_start3A_71 : memref<1x64xi32, #tpu.memory_space<vmem>> -> memref<64xi32, #tpu.memory_space<vmem>>
    %dma_start3A_73 = tpu.memref_slice %arg4[%add3A_61] : memref<327680xi32, #tpu.memory_space<hbm>> -> memref<64xi32, #tpu.memory_space<hbm>>
    %dma_start3A_74 = arith.constant 0 : i32
    %dma_start3A_75 = tpu.memref_slice %arg9[%rem3A_57, %dma_start3A_74] : memref<8x64xi32, #tpu.memory_space<vmem>> -> memref<1x64xi32, #tpu.memory_space<vmem>>
    %dma_start3A_76 = tpu.memref_squeeze %dma_start3A_75 : memref<1x64xi32, #tpu.memory_space<vmem>> -> memref<64xi32, #tpu.memory_space<vmem>>
    %dma_start3A_77 = tpu.memref_slice %arg4[%add3A_61] : memref<327680xi32, #tpu.memory_space<hbm>> -> memref<64xi32, #tpu.memory_space<hbm>>
    tpu.enqueue_dma source(%dma_start3A_77 : memref<64xi32, #tpu.memory_space<hbm>>) target(%dma_start3A_76 : memref<64xi32, #tpu.memory_space<vmem>>) target_semaphore(%arg11 : memref<!tpu.dma_semaphore, #tpu.memory_space<semaphore_mem>>)
    %rem3A_78 = arith.constant 3 : i32
    %rem3A_79 = arith.constant 8 : i32
    %rem3A_80 = arith.remsi %rem3A_78, %rem3A_79 : i32
    %add3A_81 = arith.constant 192 : i32
    %add3A_82 = arith.addi %mul3A_10, %add3A_81 : i32
    %add3A_83 = arith.constant 192 : i32
    %add3A_84 = arith.addi %mul3A_10, %add3A_83 : i32
    %dma_start3A_85 = arith.constant 0 : i32
    %dma_start3A_86 = tpu.memref_slice %arg8[%rem3A_80, %dma_start3A_85] : memref<8x64xi32, #tpu.memory_space<vmem>> -> memref<1x64xi32, #tpu.memory_space<vmem>>
    %dma_start3A_87 = tpu.memref_squeeze %dma_start3A_86 : memref<1x64xi32, #tpu.memory_space<vmem>> -> memref<64xi32, #tpu.memory_space<vmem>>
    %dma_start3A_88 = tpu.memref_slice %arg3[%add3A_82] : memref<327680xi32, #tpu.memory_space<hbm>> -> memref<64xi32, #tpu.memory_space<hbm>>
    %dma_start3A_89 = arith.constant 0 : i32
    %dma_start3A_90 = tpu.memref_slice %arg8[%rem3A_80, %dma_start3A_89] : memref<8x64xi32, #tpu.memory_space<vmem>> -> memref<1x64xi32, #tpu.memory_space<vmem>>
    %dma_start3A_91 = tpu.memref_squeeze %dma_start3A_90 : memref<1x64xi32, #tpu.memory_space<vmem>> -> memref<64xi32, #tpu.memory_space<vmem>>
    %dma_start3A_92 = tpu.memref_slice %arg3[%add3A_82] : memref<327680xi32, #tpu.memory_space<hbm>> -> memref<64xi32, #tpu.memory_space<hbm>>
    tpu.enqueue_dma source(%dma_start3A_92 : memref<64xi32, #tpu.memory_space<hbm>>) target(%dma_start3A_91 : memref<64xi32, #tpu.memory_space<vmem>>) target_semaphore(%arg11 : memref<!tpu.dma_semaphore, #tpu.memory_space<semaphore_mem>>)
    %dma_start3A_93 = arith.constant 0 : i32
    %dma_start3A_94 = tpu.memref_slice %arg9[%rem3A_80, %dma_start3A_93] : memref<8x64xi32, #tpu.memory_space<vmem>> -> memref<1x64xi32, #tpu.memory_space<vmem>>
    %dma_start3A_95 = tpu.memref_squeeze %dma_start3A_94 : memref<1x64xi32, #tpu.memory_space<vmem>> -> memref<64xi32, #tpu.memory_space<vmem>>
    %dma_start3A_96 = tpu.memref_slice %arg4[%add3A_84] : memref<327680xi32, #tpu.memory_space<hbm>> -> memref<64xi32, #tpu.memory_space<hbm>>
    %dma_start3A_97 = arith.constant 0 : i32
    %dma_start3A_98 = tpu.memref_slice %arg9[%rem3A_80, %dma_start3A_97] : memref<8x64xi32, #tpu.memory_space<vmem>> -> memref<1x64xi32, #tpu.memory_space<vmem>>
    %dma_start3A_99 = tpu.memref_squeeze %dma_start3A_98 : memref<1x64xi32, #tpu.memory_space<vmem>> -> memref<64xi32, #tpu.memory_space<vmem>>
    %dma_start3A_100 = tpu.memref_slice %arg4[%add3A_84] : memref<327680xi32, #tpu.memory_space<hbm>> -> memref<64xi32, #tpu.memory_space<hbm>>
    tpu.enqueue_dma source(%dma_start3A_100 : memref<64xi32, #tpu.memory_space<hbm>>) target(%dma_start3A_99 : memref<64xi32, #tpu.memory_space<vmem>>) target_semaphore(%arg11 : memref<!tpu.dma_semaphore, #tpu.memory_space<semaphore_mem>>)
    %rem3A_101 = arith.constant 4 : i32
    %rem3A_102 = arith.constant 8 : i32
    %rem3A_103 = arith.remsi %rem3A_101, %rem3A_102 : i32
    %add3A_104 = arith.constant 256 : i32
    %add3A_105 = arith.addi %mul3A_10, %add3A_104 : i32
    %add3A_106 = arith.constant 256 : i32
    %add3A_107 = arith.addi %mul3A_10, %add3A_106 : i32
    %dma_start3A_108 = arith.constant 0 : i32
    %dma_start3A_109 = tpu.memref_slice %arg8[%rem3A_103, %dma_start3A_108] : memref<8x64xi32, #tpu.memory_space<vmem>> -> memref<1x64xi32, #tpu.memory_space<vmem>>
    %dma_start3A_110 = tpu.memref_squeeze %dma_start3A_109 : memref<1x64xi32, #tpu.memory_space<vmem>> -> memref<64xi32, #tpu.memory_space<vmem>>
    %dma_start3A_111 = tpu.memref_slice %arg3[%add3A_105] : memref<327680xi32, #tpu.memory_space<hbm>> -> memref<64xi32, #tpu.memory_space<hbm>>
    %dma_start3A_112 = arith.constant 0 : i32
    %dma_start3A_113 = tpu.memref_slice %arg8[%rem3A_103, %dma_start3A_112] : memref<8x64xi32, #tpu.memory_space<vmem>> -> memref<1x64xi32, #tpu.memory_space<vmem>>
    %dma_start3A_114 = tpu.memref_squeeze %dma_start3A_113 : memref<1x64xi32, #tpu.memory_space<vmem>> -> memref<64xi32, #tpu.memory_space<vmem>>
    %dma_start3A_115 = tpu.memref_slice %arg3[%add3A_105] : memref<327680xi32, #tpu.memory_space<hbm>> -> memref<64xi32, #tpu.memory_space<hbm>>
    tpu.enqueue_dma source(%dma_start3A_115 : memref<64xi32, #tpu.memory_space<hbm>>) target(%dma_start3A_114 : memref<64xi32, #tpu.memory_space<vmem>>) target_semaphore(%arg11 : memref<!tpu.dma_semaphore, #tpu.memory_space<semaphore_mem>>)
    %dma_start3A_116 = arith.constant 0 : i32
    %dma_start3A_117 = tpu.memref_slice %arg9[%rem3A_103, %dma_start3A_116] : memref<8x64xi32, #tpu.memory_space<vmem>> -> memref<1x64xi32, #tpu.memory_space<vmem>>
    %dma_start3A_118 = tpu.memref_squeeze %dma_start3A_117 : memref<1x64xi32, #tpu.memory_space<vmem>> -> memref<64xi32, #tpu.memory_space<vmem>>
    %dma_start3A_119 = tpu.memref_slice %arg4[%add3A_107] : memref<327680xi32, #tpu.memory_space<hbm>> -> memref<64xi32, #tpu.memory_space<hbm>>
    %dma_start3A_120 = arith.constant 0 : i32
    %dma_start3A_121 = tpu.memref_slice %arg9[%rem3A_103, %dma_start3A_120] : memref<8x64xi32, #tpu.memory_space<vmem>> -> memref<1x64xi32, #tpu.memory_space<vmem>>
    %dma_start3A_122 = tpu.memref_squeeze %dma_start3A_121 : memref<1x64xi32, #tpu.memory_space<vmem>> -> memref<64xi32, #tpu.memory_space<vmem>>
    %dma_start3A_123 = tpu.memref_slice %arg4[%add3A_107] : memref<327680xi32, #tpu.memory_space<hbm>> -> memref<64xi32, #tpu.memory_space<hbm>>
    tpu.enqueue_dma source(%dma_start3A_123 : memref<64xi32, #tpu.memory_space<hbm>>) target(%dma_start3A_122 : memref<64xi32, #tpu.memory_space<vmem>>) target_semaphore(%arg11 : memref<!tpu.dma_semaphore, #tpu.memory_space<semaphore_mem>>)
    %mul3A_124 = arith.constant 640 : i32
    %mul3A_125 = arith.muli %arg1, %mul3A_124 : i32
    %mul3A_126 = arith.constant 640 : i32
    %mul3A_127 = arith.muli %arg1, %mul3A_126 : i32
    "tpu.region"() ({
      %run_scoped3A = tpu.sem_alloc : memref<!tpu.dma_semaphore, #tpu.memory_space<semaphore_mem>>
      %dma_start3A_275 = arith.constant 0 : i32
      %dma_start3A_276 = tpu.memref_slice %arg7[%mul3A_127, %dma_start3A_275] : memref<10240x128xf32, #tpu.memory_space<vmem_shared>> -> memref<640x128xf32, #tpu.memory_space<vmem_shared>>
      %dma_start3A_277 = arith.constant 0 : i32
      %dma_start3A_278 = tpu.memref_slice %arg5[%mul3A_125, %dma_start3A_277] : memref<10240x128xf32, #tpu.memory_space<hbm>> -> memref<640x128xf32, #tpu.memory_space<hbm>>
      tpu.enqueue_dma source(%dma_start3A_278 : memref<640x128xf32, #tpu.memory_space<hbm>>) target(%dma_start3A_276 : memref<640x128xf32, #tpu.memory_space<vmem_shared>>) target_semaphore(%run_scoped3A : memref<!tpu.dma_semaphore, #tpu.memory_space<semaphore_mem>>)
      %dma_wait3A_279 = arith.constant 0 : i32
      %dma_wait3A_280 = tpu.memref_slice %arg7[%mul3A_127, %dma_wait3A_279] : memref<10240x128xf32, #tpu.memory_space<vmem_shared>> -> memref<640x128xf32, #tpu.memory_space<vmem_shared>>
      %dma_wait3A_281 = arith.constant 0 : i32
      %dma_wait3A_282 = tpu.memref_slice %arg5[%mul3A_125, %dma_wait3A_281] : memref<10240x128xf32, #tpu.memory_space<hbm>> -> memref<640x128xf32, #tpu.memory_space<hbm>>
      tpu.wait_dma2 semaphore(%run_scoped3A : memref<!tpu.dma_semaphore, #tpu.memory_space<semaphore_mem>>) src(%dma_wait3A_282 : memref<640x128xf32, #tpu.memory_space<hbm>>) dst(%dma_wait3A_280 : memref<640x128xf32, #tpu.memory_space<vmem_shared>>)
      tpu.yield
    }) : () -> ()
    %barrier3A = arith.constant 0 : index
    tpu.barrier barrier_id(%barrier3A)
    %rem3A_128 = arith.constant 0 : i32
    %rem3A_129 = arith.constant 8 : i32
    %rem3A_130 = arith.remsi %rem3A_128, %rem3A_129 : i32
    %add3A_131 = arith.constant 0 : i32
    %add3A_132 = arith.addi %mul3A_10, %add3A_131 : i32
    %add3A_133 = arith.constant 0 : i32
    %add3A_134 = arith.addi %mul3A_10, %add3A_133 : i32
    %dma_wait3A = arith.constant 0 : i32
    %dma_wait3A_135 = tpu.memref_slice %arg8[%rem3A_130, %dma_wait3A] : memref<8x64xi32, #tpu.memory_space<vmem>> -> memref<1x64xi32, #tpu.memory_space<vmem>>
    %dma_wait3A_136 = tpu.memref_squeeze %dma_wait3A_135 : memref<1x64xi32, #tpu.memory_space<vmem>> -> memref<64xi32, #tpu.memory_space<vmem>>
    %dma_wait3A_137 = tpu.memref_slice %arg3[%add3A_132] : memref<327680xi32, #tpu.memory_space<hbm>> -> memref<64xi32, #tpu.memory_space<hbm>>
    %dma_wait3A_138 = arith.constant 0 : i32
    %dma_wait3A_139 = tpu.memref_slice %arg8[%rem3A_130, %dma_wait3A_138] : memref<8x64xi32, #tpu.memory_space<vmem>> -> memref<1x64xi32, #tpu.memory_space<vmem>>
    %dma_wait3A_140 = tpu.memref_squeeze %dma_wait3A_139 : memref<1x64xi32, #tpu.memory_space<vmem>> -> memref<64xi32, #tpu.memory_space<vmem>>
    %dma_wait3A_141 = tpu.memref_slice %arg3[%add3A_132] : memref<327680xi32, #tpu.memory_space<hbm>> -> memref<64xi32, #tpu.memory_space<hbm>>
    tpu.wait_dma2 semaphore(%arg11 : memref<!tpu.dma_semaphore, #tpu.memory_space<semaphore_mem>>) src(%dma_wait3A_141 : memref<64xi32, #tpu.memory_space<hbm>>) dst(%dma_wait3A_140 : memref<64xi32, #tpu.memory_space<vmem>>)
    %dma_wait3A_142 = arith.constant 0 : i32
    %dma_wait3A_143 = tpu.memref_slice %arg9[%rem3A_130, %dma_wait3A_142] : memref<8x64xi32, #tpu.memory_space<vmem>> -> memref<1x64xi32, #tpu.memory_space<vmem>>
    %dma_wait3A_144 = tpu.memref_squeeze %dma_wait3A_143 : memref<1x64xi32, #tpu.memory_space<vmem>> -> memref<64xi32, #tpu.memory_space<vmem>>
    %dma_wait3A_145 = tpu.memref_slice %arg4[%add3A_134] : memref<327680xi32, #tpu.memory_space<hbm>> -> memref<64xi32, #tpu.memory_space<hbm>>
    %dma_wait3A_146 = arith.constant 0 : i32
    %dma_wait3A_147 = tpu.memref_slice %arg9[%rem3A_130, %dma_wait3A_146] : memref<8x64xi32, #tpu.memory_space<vmem>> -> memref<1x64xi32, #tpu.memory_space<vmem>>
    %dma_wait3A_148 = tpu.memref_squeeze %dma_wait3A_147 : memref<1x64xi32, #tpu.memory_space<vmem>> -> memref<64xi32, #tpu.memory_space<vmem>>
    %dma_wait3A_149 = tpu.memref_slice %arg4[%add3A_134] : memref<327680xi32, #tpu.memory_space<hbm>> -> memref<64xi32, #tpu.memory_space<hbm>>
    tpu.wait_dma2 semaphore(%arg11 : memref<!tpu.dma_semaphore, #tpu.memory_space<semaphore_mem>>) src(%dma_wait3A_149 : memref<64xi32, #tpu.memory_space<hbm>>) dst(%dma_wait3A_148 : memref<64xi32, #tpu.memory_space<vmem>>)
    %rem3A_150 = arith.constant 0 : i32
    %rem3A_151 = arith.constant 8 : i32
    %rem3A_152 = arith.remsi %rem3A_150, %rem3A_151 : i32
    %rem3A_153 = arith.constant 0 : i32
    %rem3A_154 = arith.constant 4 : i32
    %rem3A_155 = arith.remsi %rem3A_153, %rem3A_154 : i32
    %dma_start3A_156 = arith.constant 0 : i32
    %dma_start3A_157 = arith.constant 0 : i32
    %dma_start3A_158 = tpu.memref_slice %arg10[%rem3A_155, %dma_start3A_156, %dma_start3A_157] : memref<4x64x128xf32, #tpu.memory_space<vmem>> -> memref<1x64x128xf32, #tpu.memory_space<vmem>>
    %dma_start3A_159 = tpu.memref_squeeze %dma_start3A_158 : memref<1x64x128xf32, #tpu.memory_space<vmem>> -> memref<64x128xf32, #tpu.memory_space<vmem>>
    %dma_start3A_160 = arith.constant 0 : i32
    %dma_start3A_161 = tpu.memref_slice %arg8[%rem3A_152, %dma_start3A_160] : memref<8x64xi32, #tpu.memory_space<vmem>> -> memref<1x64xi32, #tpu.memory_space<vmem>>
    %dma_start3A_162 = tpu.memref_squeeze %dma_start3A_161 : memref<1x64xi32, #tpu.memory_space<vmem>> -> memref<64xi32, #tpu.memory_space<vmem>>
    %dma_start3A_163 = arith.constant 0 : i32
    %dma_start3A_164 = arith.constant 0 : i32
    %dma_start3A_165 = tpu.memref_slice %arg2[%dma_start3A_163, %dma_start3A_164] : memref<10240x128xf32, #tpu.memory_space<hbm>> -> memref<10240x128xf32, #tpu.memory_space<hbm>>
    tpu.enqueue_indirect_dma source(%dma_start3A_165 : memref<10240x128xf32, #tpu.memory_space<hbm>>) target(%dma_start3A_159 : memref<64x128xf32, #tpu.memory_space<vmem>>) offsets(%dma_start3A_162 : memref<64xi32, #tpu.memory_space<vmem>>) semaphore(%arg12 : memref<!tpu.dma_semaphore, #tpu.memory_space<semaphore_mem>>)
    %rem3A_166 = arith.constant 1 : i32
    %rem3A_167 = arith.constant 8 : i32
    %rem3A_168 = arith.remsi %rem3A_166, %rem3A_167 : i32
    %add3A_169 = arith.constant 64 : i32
    %add3A_170 = arith.addi %mul3A_10, %add3A_169 : i32
    %add3A_171 = arith.constant 64 : i32
    %add3A_172 = arith.addi %mul3A_10, %add3A_171 : i32
    %dma_wait3A_173 = arith.constant 0 : i32
    %dma_wait3A_174 = tpu.memref_slice %arg8[%rem3A_168, %dma_wait3A_173] : memref<8x64xi32, #tpu.memory_space<vmem>> -> memref<1x64xi32, #tpu.memory_space<vmem>>
    %dma_wait3A_175 = tpu.memref_squeeze %dma_wait3A_174 : memref<1x64xi32, #tpu.memory_space<vmem>> -> memref<64xi32, #tpu.memory_space<vmem>>
    %dma_wait3A_176 = tpu.memref_slice %arg3[%add3A_170] : memref<327680xi32, #tpu.memory_space<hbm>> -> memref<64xi32, #tpu.memory_space<hbm>>
    %dma_wait3A_177 = arith.constant 0 : i32
    %dma_wait3A_178 = tpu.memref_slice %arg8[%rem3A_168, %dma_wait3A_177] : memref<8x64xi32, #tpu.memory_space<vmem>> -> memref<1x64xi32, #tpu.memory_space<vmem>>
    %dma_wait3A_179 = tpu.memref_squeeze %dma_wait3A_178 : memref<1x64xi32, #tpu.memory_space<vmem>> -> memref<64xi32, #tpu.memory_space<vmem>>
    %dma_wait3A_180 = tpu.memref_slice %arg3[%add3A_170] : memref<327680xi32, #tpu.memory_space<hbm>> -> memref<64xi32, #tpu.memory_space<hbm>>
    tpu.wait_dma2 semaphore(%arg11 : memref<!tpu.dma_semaphore, #tpu.memory_space<semaphore_mem>>) src(%dma_wait3A_180 : memref<64xi32, #tpu.memory_space<hbm>>) dst(%dma_wait3A_179 : memref<64xi32, #tpu.memory_space<vmem>>)
    %dma_wait3A_181 = arith.constant 0 : i32
    %dma_wait3A_182 = tpu.memref_slice %arg9[%rem3A_168, %dma_wait3A_181] : memref<8x64xi32, #tpu.memory_space<vmem>> -> memref<1x64xi32, #tpu.memory_space<vmem>>
    %dma_wait3A_183 = tpu.memref_squeeze %dma_wait3A_182 : memref<1x64xi32, #tpu.memory_space<vmem>> -> memref<64xi32, #tpu.memory_space<vmem>>
    %dma_wait3A_184 = tpu.memref_slice %arg4[%add3A_172] : memref<327680xi32, #tpu.memory_space<hbm>> -> memref<64xi32, #tpu.memory_space<hbm>>
    %dma_wait3A_185 = arith.constant 0 : i32
    %dma_wait3A_186 = tpu.memref_slice %arg9[%rem3A_168, %dma_wait3A_185] : memref<8x64xi32, #tpu.memory_space<vmem>> -> memref<1x64xi32, #tpu.memory_space<vmem>>
    %dma_wait3A_187 = tpu.memref_squeeze %dma_wait3A_186 : memref<1x64xi32, #tpu.memory_space<vmem>> -> memref<64xi32, #tpu.memory_space<vmem>>
    %dma_wait3A_188 = tpu.memref_slice %arg4[%add3A_172] : memref<327680xi32, #tpu.memory_space<hbm>> -> memref<64xi32, #tpu.memory_space<hbm>>
    tpu.wait_dma2 semaphore(%arg11 : memref<!tpu.dma_semaphore, #tpu.memory_space<semaphore_mem>>) src(%dma_wait3A_188 : memref<64xi32, #tpu.memory_space<hbm>>) dst(%dma_wait3A_187 : memref<64xi32, #tpu.memory_space<vmem>>)
    %rem3A_189 = arith.constant 1 : i32
    %rem3A_190 = arith.constant 8 : i32
    %rem3A_191 = arith.remsi %rem3A_189, %rem3A_190 : i32
    %rem3A_192 = arith.constant 1 : i32
    %rem3A_193 = arith.constant 4 : i32
    %rem3A_194 = arith.remsi %rem3A_192, %rem3A_193 : i32
    %dma_start3A_195 = arith.constant 0 : i32
    %dma_start3A_196 = arith.constant 0 : i32
    %dma_start3A_197 = tpu.memref_slice %arg10[%rem3A_194, %dma_start3A_195, %dma_start3A_196] : memref<4x64x128xf32, #tpu.memory_space<vmem>> -> memref<1x64x128xf32, #tpu.memory_space<vmem>>
    %dma_start3A_198 = tpu.memref_squeeze %dma_start3A_197 : memref<1x64x128xf32, #tpu.memory_space<vmem>> -> memref<64x128xf32, #tpu.memory_space<vmem>>
    %dma_start3A_199 = arith.constant 0 : i32
    %dma_start3A_200 = tpu.memref_slice %arg8[%rem3A_191, %dma_start3A_199] : memref<8x64xi32, #tpu.memory_space<vmem>> -> memref<1x64xi32, #tpu.memory_space<vmem>>
    %dma_start3A_201 = tpu.memref_squeeze %dma_start3A_200 : memref<1x64xi32, #tpu.memory_space<vmem>> -> memref<64xi32, #tpu.memory_space<vmem>>
    %dma_start3A_202 = arith.constant 0 : i32
    %dma_start3A_203 = arith.constant 0 : i32
    %dma_start3A_204 = tpu.memref_slice %arg2[%dma_start3A_202, %dma_start3A_203] : memref<10240x128xf32, #tpu.memory_space<hbm>> -> memref<10240x128xf32, #tpu.memory_space<hbm>>
    tpu.enqueue_indirect_dma source(%dma_start3A_204 : memref<10240x128xf32, #tpu.memory_space<hbm>>) target(%dma_start3A_198 : memref<64x128xf32, #tpu.memory_space<vmem>>) offsets(%dma_start3A_201 : memref<64xi32, #tpu.memory_space<vmem>>) semaphore(%arg12 : memref<!tpu.dma_semaphore, #tpu.memory_space<semaphore_mem>>)
    %rem3A_205 = arith.constant 2 : i32
    %rem3A_206 = arith.constant 8 : i32
    %rem3A_207 = arith.remsi %rem3A_205, %rem3A_206 : i32
    %add3A_208 = arith.constant 128 : i32
    %add3A_209 = arith.addi %mul3A_10, %add3A_208 : i32
    %add3A_210 = arith.constant 128 : i32
    %add3A_211 = arith.addi %mul3A_10, %add3A_210 : i32
    %dma_wait3A_212 = arith.constant 0 : i32
    %dma_wait3A_213 = tpu.memref_slice %arg8[%rem3A_207, %dma_wait3A_212] : memref<8x64xi32, #tpu.memory_space<vmem>> -> memref<1x64xi32, #tpu.memory_space<vmem>>
    %dma_wait3A_214 = tpu.memref_squeeze %dma_wait3A_213 : memref<1x64xi32, #tpu.memory_space<vmem>> -> memref<64xi32, #tpu.memory_space<vmem>>
    %dma_wait3A_215 = tpu.memref_slice %arg3[%add3A_209] : memref<327680xi32, #tpu.memory_space<hbm>> -> memref<64xi32, #tpu.memory_space<hbm>>
    %dma_wait3A_216 = arith.constant 0 : i32
    %dma_wait3A_217 = tpu.memref_slice %arg8[%rem3A_207, %dma_wait3A_216] : memref<8x64xi32, #tpu.memory_space<vmem>> -> memref<1x64xi32, #tpu.memory_space<vmem>>
    %dma_wait3A_218 = tpu.memref_squeeze %dma_wait3A_217 : memref<1x64xi32, #tpu.memory_space<vmem>> -> memref<64xi32, #tpu.memory_space<vmem>>
    %dma_wait3A_219 = tpu.memref_slice %arg3[%add3A_209] : memref<327680xi32, #tpu.memory_space<hbm>> -> memref<64xi32, #tpu.memory_space<hbm>>
    tpu.wait_dma2 semaphore(%arg11 : memref<!tpu.dma_semaphore, #tpu.memory_space<semaphore_mem>>) src(%dma_wait3A_219 : memref<64xi32, #tpu.memory_space<hbm>>) dst(%dma_wait3A_218 : memref<64xi32, #tpu.memory_space<vmem>>)
    %dma_wait3A_220 = arith.constant 0 : i32
    %dma_wait3A_221 = tpu.memref_slice %arg9[%rem3A_207, %dma_wait3A_220] : memref<8x64xi32, #tpu.memory_space<vmem>> -> memref<1x64xi32, #tpu.memory_space<vmem>>
    %dma_wait3A_222 = tpu.memref_squeeze %dma_wait3A_221 : memref<1x64xi32, #tpu.memory_space<vmem>> -> memref<64xi32, #tpu.memory_space<vmem>>
    %dma_wait3A_223 = tpu.memref_slice %arg4[%add3A_211] : memref<327680xi32, #tpu.memory_space<hbm>> -> memref<64xi32, #tpu.memory_space<hbm>>
    %dma_wait3A_224 = arith.constant 0 : i32
    %dma_wait3A_225 = tpu.memref_slice %arg9[%rem3A_207, %dma_wait3A_224] : memref<8x64xi32, #tpu.memory_space<vmem>> -> memref<1x64xi32, #tpu.memory_space<vmem>>
    %dma_wait3A_226 = tpu.memref_squeeze %dma_wait3A_225 : memref<1x64xi32, #tpu.memory_space<vmem>> -> memref<64xi32, #tpu.memory_space<vmem>>
    %dma_wait3A_227 = tpu.memref_slice %arg4[%add3A_211] : memref<327680xi32, #tpu.memory_space<hbm>> -> memref<64xi32, #tpu.memory_space<hbm>>
    tpu.wait_dma2 semaphore(%arg11 : memref<!tpu.dma_semaphore, #tpu.memory_space<semaphore_mem>>) src(%dma_wait3A_227 : memref<64xi32, #tpu.memory_space<hbm>>) dst(%dma_wait3A_226 : memref<64xi32, #tpu.memory_space<vmem>>)
    %rem3A_228 = arith.constant 2 : i32
    %rem3A_229 = arith.constant 8 : i32
    %rem3A_230 = arith.remsi %rem3A_228, %rem3A_229 : i32
    %rem3A_231 = arith.constant 2 : i32
    %rem3A_232 = arith.constant 4 : i32
    %rem3A_233 = arith.remsi %rem3A_231, %rem3A_232 : i32
    %dma_start3A_234 = arith.constant 0 : i32
    %dma_start3A_235 = arith.constant 0 : i32
    %dma_start3A_236 = tpu.memref_slice %arg10[%rem3A_233, %dma_start3A_234, %dma_start3A_235] : memref<4x64x128xf32, #tpu.memory_space<vmem>> -> memref<1x64x128xf32, #tpu.memory_space<vmem>>
    %dma_start3A_237 = tpu.memref_squeeze %dma_start3A_236 : memref<1x64x128xf32, #tpu.memory_space<vmem>> -> memref<64x128xf32, #tpu.memory_space<vmem>>
    %dma_start3A_238 = arith.constant 0 : i32
    %dma_start3A_239 = tpu.memref_slice %arg8[%rem3A_230, %dma_start3A_238] : memref<8x64xi32, #tpu.memory_space<vmem>> -> memref<1x64xi32, #tpu.memory_space<vmem>>
    %dma_start3A_240 = tpu.memref_squeeze %dma_start3A_239 : memref<1x64xi32, #tpu.memory_space<vmem>> -> memref<64xi32, #tpu.memory_space<vmem>>
    %dma_start3A_241 = arith.constant 0 : i32
    %dma_start3A_242 = arith.constant 0 : i32
    %dma_start3A_243 = tpu.memref_slice %arg2[%dma_start3A_241, %dma_start3A_242] : memref<10240x128xf32, #tpu.memory_space<hbm>> -> memref<10240x128xf32, #tpu.memory_space<hbm>>
    tpu.enqueue_indirect_dma source(%dma_start3A_243 : memref<10240x128xf32, #tpu.memory_space<hbm>>) target(%dma_start3A_237 : memref<64x128xf32, #tpu.memory_space<vmem>>) offsets(%dma_start3A_240 : memref<64xi32, #tpu.memory_space<vmem>>) semaphore(%arg12 : memref<!tpu.dma_semaphore, #tpu.memory_space<semaphore_mem>>)
    %while3A = arith.constant 0 : i32
    %while3A_244 = arith.subi %select_n3A, %while3A : i32
    %while3A_245 = arith.addi %while3A, %while3A_244 : i32
    %while3A_246 = arith.constant 1 : i32
    %while3A_247 = arith.divsi %while3A_244, %while3A_246 : i32
    %while3A_248 = arith.muli %while3A_247, %while3A_246 : i32
    %while3A_249 = arith.addi %while3A, %while3A_248 : i32
    %while3A_250 = arith.constant 1 : i32
    scf.for %while3A_275 = %while3A to %while3A_249 step %while3A_250  : i32 {
      %rem3A_276 = arith.constant 8 : i32
      %rem3A_277 = arith.remsi %while3A_275, %rem3A_276 : i32
      %rem3A_278 = arith.constant 4 : i32
      %rem3A_279 = arith.remsi %while3A_275, %rem3A_278 : i32
      %dma_wait3A_280 = arith.constant 0 : i32
      %dma_wait3A_281 = arith.constant 0 : i32
      %dma_wait3A_282 = tpu.memref_slice %arg10[%rem3A_279, %dma_wait3A_280, %dma_wait3A_281] : memref<4x64x128xf32, #tpu.memory_space<vmem>> -> memref<1x64x128xf32, #tpu.memory_space<vmem>>
      %dma_wait3A_283 = tpu.memref_squeeze %dma_wait3A_282 : memref<1x64x128xf32, #tpu.memory_space<vmem>> -> memref<64x128xf32, #tpu.memory_space<vmem>>
      %dma_wait3A_284 = arith.constant 0 : i32
      %dma_wait3A_285 = tpu.memref_slice %arg8[%rem3A_277, %dma_wait3A_284] : memref<8x64xi32, #tpu.memory_space<vmem>> -> memref<1x64xi32, #tpu.memory_space<vmem>>
      %dma_wait3A_286 = tpu.memref_squeeze %dma_wait3A_285 : memref<1x64xi32, #tpu.memory_space<vmem>> -> memref<64xi32, #tpu.memory_space<vmem>>
      %dma_wait3A_287 = arith.constant 0 : i32
      %dma_wait3A_288 = arith.constant 0 : i32
      %dma_wait3A_289 = tpu.memref_slice %arg2[%dma_wait3A_287, %dma_wait3A_288] : memref<10240x128xf32, #tpu.memory_space<hbm>> -> memref<10240x128xf32, #tpu.memory_space<hbm>>
      tpu.wait_indirect_dma semaphore(%arg12 : memref<!tpu.dma_semaphore, #tpu.memory_space<semaphore_mem>>) src(%dma_wait3A_289 : memref<10240x128xf32, #tpu.memory_space<hbm>>) dst(%dma_wait3A_283 : memref<64x128xf32, #tpu.memory_space<vmem>>)
      %ge3A = arith.constant 1 : i32
      %ge3A_290 = arith.cmpi sge, %while3A_275, %ge3A : i32
      %convert_element_type3A = arith.extui %ge3A_290 : i1 to i32
      %cond3A = arith.constant 0 : i32
      %cond3A_291 = arith.cmpi ne, %convert_element_type3A, %cond3A : i32
      scf.if %cond3A_291 {
        %sub3A_321 = arith.constant 1 : i32
        %sub3A_322 = arith.subi %while3A_275, %sub3A_321 : i32
        %rem3A_323 = arith.constant 4 : i32
        %rem3A_324 = arith.remsi %sub3A_322, %rem3A_323 : i32
        %rem3A_325 = arith.constant 8 : i32
        %rem3A_326 = arith.remsi %sub3A_322, %rem3A_325 : i32
        %dma_wait3A_327 = arith.constant 0 : i32
        %dma_wait3A_328 = arith.constant 0 : i32
        %dma_wait3A_329 = tpu.memref_slice %arg10[%rem3A_324, %dma_wait3A_327, %dma_wait3A_328] : memref<4x64x128xf32, #tpu.memory_space<vmem>> -> memref<1x64x128xf32, #tpu.memory_space<vmem>>
        %dma_wait3A_330 = tpu.memref_squeeze %dma_wait3A_329 : memref<1x64x128xf32, #tpu.memory_space<vmem>> -> memref<64x128xf32, #tpu.memory_space<vmem>>
        %dma_wait3A_331 = arith.constant 0 : i32
        %dma_wait3A_332 = tpu.memref_slice %arg9[%rem3A_326, %dma_wait3A_331] : memref<8x64xi32, #tpu.memory_space<vmem>> -> memref<1x64xi32, #tpu.memory_space<vmem>>
        %dma_wait3A_333 = tpu.memref_squeeze %dma_wait3A_332 : memref<1x64xi32, #tpu.memory_space<vmem>> -> memref<64xi32, #tpu.memory_space<vmem>>
        %dma_wait3A_334 = arith.constant 0 : i32
        %dma_wait3A_335 = arith.constant 0 : i32
        %dma_wait3A_336 = tpu.memref_slice %arg7[%dma_wait3A_334, %dma_wait3A_335] : memref<10240x128xf32, #tpu.memory_space<vmem_shared>> -> memref<10240x128xf32, #tpu.memory_space<vmem_shared>>
        tpu.wait_indirect_dma semaphore(%arg13 : memref<!tpu.dma_semaphore, #tpu.memory_space<semaphore_mem>>) src(%dma_wait3A_330 : memref<64x128xf32, #tpu.memory_space<vmem>>) dst(%dma_wait3A_336 : memref<10240x128xf32, #tpu.memory_space<vmem_shared>>)
      } else {
      }
      %sub3A_292 = arith.constant 3 : i32
      %sub3A_293 = arith.subi %select_n3A, %sub3A_292 : i32
      %sub3A_294 = arith.constant 3 : i32
      %sub3A_295 = arith.subi %sub3A_293, %sub3A_294 : i32
      %le3A = arith.cmpi sle, %while3A_275, %sub3A_295 : i32
      %convert_element_type3A_296 = arith.extui %le3A : i1 to i32
      %cond3A_297 = arith.constant 0 : i32
      %cond3A_298 = arith.cmpi ne, %convert_element_type3A_296, %cond3A_297 : i32
      scf.if %cond3A_298 {
        %add3A_321 = arith.constant 3 : i32
        %add3A_322 = arith.addi %while3A_275, %add3A_321 : i32
        %add3A_323 = arith.constant 2 : i32
        %add3A_324 = arith.addi %add3A_322, %add3A_323 : i32
        %rem3A_325 = arith.constant 8 : i32
        %rem3A_326 = arith.remsi %add3A_324, %rem3A_325 : i32
        %mul3A_327 = arith.constant 64 : i32
        %mul3A_328 = arith.muli %add3A_324, %mul3A_327 : i32
        %add3A_329 = arith.addi %mul3A_10, %mul3A_328 : i32
        %mul3A_330 = arith.constant 64 : i32
        %mul3A_331 = arith.muli %add3A_324, %mul3A_330 : i32
        %add3A_332 = arith.addi %mul3A_10, %mul3A_331 : i32
        %dma_start3A_333 = arith.constant 0 : i32
        %dma_start3A_334 = tpu.memref_slice %arg8[%rem3A_326, %dma_start3A_333] : memref<8x64xi32, #tpu.memory_space<vmem>> -> memref<1x64xi32, #tpu.memory_space<vmem>>
        %dma_start3A_335 = tpu.memref_squeeze %dma_start3A_334 : memref<1x64xi32, #tpu.memory_space<vmem>> -> memref<64xi32, #tpu.memory_space<vmem>>
        %dma_start3A_336 = tpu.memref_slice %arg3[%add3A_329] : memref<327680xi32, #tpu.memory_space<hbm>> -> memref<64xi32, #tpu.memory_space<hbm>>
        %dma_start3A_337 = arith.constant 0 : i32
        %dma_start3A_338 = tpu.memref_slice %arg8[%rem3A_326, %dma_start3A_337] : memref<8x64xi32, #tpu.memory_space<vmem>> -> memref<1x64xi32, #tpu.memory_space<vmem>>
        %dma_start3A_339 = tpu.memref_squeeze %dma_start3A_338 : memref<1x64xi32, #tpu.memory_space<vmem>> -> memref<64xi32, #tpu.memory_space<vmem>>
        %dma_start3A_340 = tpu.memref_slice %arg3[%add3A_329] : memref<327680xi32, #tpu.memory_space<hbm>> -> memref<64xi32, #tpu.memory_space<hbm>>
        tpu.enqueue_dma source(%dma_start3A_340 : memref<64xi32, #tpu.memory_space<hbm>>) target(%dma_start3A_339 : memref<64xi32, #tpu.memory_space<vmem>>) target_semaphore(%arg11 : memref<!tpu.dma_semaphore, #tpu.memory_space<semaphore_mem>>)
        %dma_start3A_341 = arith.constant 0 : i32
        %dma_start3A_342 = tpu.memref_slice %arg9[%rem3A_326, %dma_start3A_341] : memref<8x64xi32, #tpu.memory_space<vmem>> -> memref<1x64xi32, #tpu.memory_space<vmem>>
        %dma_start3A_343 = tpu.memref_squeeze %dma_start3A_342 : memref<1x64xi32, #tpu.memory_space<vmem>> -> memref<64xi32, #tpu.memory_space<vmem>>
        %dma_start3A_344 = tpu.memref_slice %arg4[%add3A_332] : memref<327680xi32, #tpu.memory_space<hbm>> -> memref<64xi32, #tpu.memory_space<hbm>>
        %dma_start3A_345 = arith.constant 0 : i32
        %dma_start3A_346 = tpu.memref_slice %arg9[%rem3A_326, %dma_start3A_345] : memref<8x64xi32, #tpu.memory_space<vmem>> -> memref<1x64xi32, #tpu.memory_space<vmem>>
        %dma_start3A_347 = tpu.memref_squeeze %dma_start3A_346 : memref<1x64xi32, #tpu.memory_space<vmem>> -> memref<64xi32, #tpu.memory_space<vmem>>
        %dma_start3A_348 = tpu.memref_slice %arg4[%add3A_332] : memref<327680xi32, #tpu.memory_space<hbm>> -> memref<64xi32, #tpu.memory_space<hbm>>
        tpu.enqueue_dma source(%dma_start3A_348 : memref<64xi32, #tpu.memory_space<hbm>>) target(%dma_start3A_347 : memref<64xi32, #tpu.memory_space<vmem>>) target_semaphore(%arg11 : memref<!tpu.dma_semaphore, #tpu.memory_space<semaphore_mem>>)
      } else {
      }
      %sub3A_299 = arith.constant 3 : i32
      %sub3A_300 = arith.subi %select_n3A, %sub3A_299 : i32
      %sub3A_301 = arith.constant 1 : i32
      %sub3A_302 = arith.subi %sub3A_300, %sub3A_301 : i32
      %le3A_303 = arith.cmpi sle, %while3A_275, %sub3A_302 : i32
      %convert_element_type3A_304 = arith.extui %le3A_303 : i1 to i32
      %cond3A_305 = arith.constant 0 : i32
      %cond3A_306 = arith.cmpi ne, %convert_element_type3A_304, %cond3A_305 : i32
      scf.if %cond3A_306 {
        %add3A_321 = arith.constant 3 : i32
        %add3A_322 = arith.addi %while3A_275, %add3A_321 : i32
        %rem3A_323 = arith.constant 8 : i32
        %rem3A_324 = arith.remsi %add3A_322, %rem3A_323 : i32
        %mul3A_325 = arith.constant 64 : i32
        %mul3A_326 = arith.muli %add3A_322, %mul3A_325 : i32
        %add3A_327 = arith.addi %mul3A_10, %mul3A_326 : i32
        %mul3A_328 = arith.constant 64 : i32
        %mul3A_329 = arith.muli %add3A_322, %mul3A_328 : i32
        %add3A_330 = arith.addi %mul3A_10, %mul3A_329 : i32
        %dma_wait3A_331 = arith.constant 0 : i32
        %dma_wait3A_332 = tpu.memref_slice %arg8[%rem3A_324, %dma_wait3A_331] : memref<8x64xi32, #tpu.memory_space<vmem>> -> memref<1x64xi32, #tpu.memory_space<vmem>>
        %dma_wait3A_333 = tpu.memref_squeeze %dma_wait3A_332 : memref<1x64xi32, #tpu.memory_space<vmem>> -> memref<64xi32, #tpu.memory_space<vmem>>
        %dma_wait3A_334 = tpu.memref_slice %arg3[%add3A_327] : memref<327680xi32, #tpu.memory_space<hbm>> -> memref<64xi32, #tpu.memory_space<hbm>>
        %dma_wait3A_335 = arith.constant 0 : i32
        %dma_wait3A_336 = tpu.memref_slice %arg8[%rem3A_324, %dma_wait3A_335] : memref<8x64xi32, #tpu.memory_space<vmem>> -> memref<1x64xi32, #tpu.memory_space<vmem>>
        %dma_wait3A_337 = tpu.memref_squeeze %dma_wait3A_336 : memref<1x64xi32, #tpu.memory_space<vmem>> -> memref<64xi32, #tpu.memory_space<vmem>>
        %dma_wait3A_338 = tpu.memref_slice %arg3[%add3A_327] : memref<327680xi32, #tpu.memory_space<hbm>> -> memref<64xi32, #tpu.memory_space<hbm>>
        tpu.wait_dma2 semaphore(%arg11 : memref<!tpu.dma_semaphore, #tpu.memory_space<semaphore_mem>>) src(%dma_wait3A_338 : memref<64xi32, #tpu.memory_space<hbm>>) dst(%dma_wait3A_337 : memref<64xi32, #tpu.memory_space<vmem>>)
        %dma_wait3A_339 = arith.constant 0 : i32
        %dma_wait3A_340 = tpu.memref_slice %arg9[%rem3A_324, %dma_wait3A_339] : memref<8x64xi32, #tpu.memory_space<vmem>> -> memref<1x64xi32, #tpu.memory_space<vmem>>
        %dma_wait3A_341 = tpu.memref_squeeze %dma_wait3A_340 : memref<1x64xi32, #tpu.memory_space<vmem>> -> memref<64xi32, #tpu.memory_space<vmem>>
        %dma_wait3A_342 = tpu.memref_slice %arg4[%add3A_330] : memref<327680xi32, #tpu.memory_space<hbm>> -> memref<64xi32, #tpu.memory_space<hbm>>
        %dma_wait3A_343 = arith.constant 0 : i32
        %dma_wait3A_344 = tpu.memref_slice %arg9[%rem3A_324, %dma_wait3A_343] : memref<8x64xi32, #tpu.memory_space<vmem>> -> memref<1x64xi32, #tpu.memory_space<vmem>>
        %dma_wait3A_345 = tpu.memref_squeeze %dma_wait3A_344 : memref<1x64xi32, #tpu.memory_space<vmem>> -> memref<64xi32, #tpu.memory_space<vmem>>
        %dma_wait3A_346 = tpu.memref_slice %arg4[%add3A_330] : memref<327680xi32, #tpu.memory_space<hbm>> -> memref<64xi32, #tpu.memory_space<hbm>>
        tpu.wait_dma2 semaphore(%arg11 : memref<!tpu.dma_semaphore, #tpu.memory_space<semaphore_mem>>) src(%dma_wait3A_346 : memref<64xi32, #tpu.memory_space<hbm>>) dst(%dma_wait3A_345 : memref<64xi32, #tpu.memory_space<vmem>>)
        %add3A_347 = arith.constant 3 : i32
        %add3A_348 = arith.addi %while3A_275, %add3A_347 : i32
        %rem3A_349 = arith.constant 8 : i32
        %rem3A_350 = arith.remsi %add3A_348, %rem3A_349 : i32
        %rem3A_351 = arith.constant 4 : i32
        %rem3A_352 = arith.remsi %add3A_348, %rem3A_351 : i32
        %dma_start3A_353 = arith.constant 0 : i32
        %dma_start3A_354 = arith.constant 0 : i32
        %dma_start3A_355 = tpu.memref_slice %arg10[%rem3A_352, %dma_start3A_353, %dma_start3A_354] : memref<4x64x128xf32, #tpu.memory_space<vmem>> -> memref<1x64x128xf32, #tpu.memory_space<vmem>>
        %dma_start3A_356 = tpu.memref_squeeze %dma_start3A_355 : memref<1x64x128xf32, #tpu.memory_space<vmem>> -> memref<64x128xf32, #tpu.memory_space<vmem>>
        %dma_start3A_357 = arith.constant 0 : i32
        %dma_start3A_358 = tpu.memref_slice %arg8[%rem3A_350, %dma_start3A_357] : memref<8x64xi32, #tpu.memory_space<vmem>> -> memref<1x64xi32, #tpu.memory_space<vmem>>
        %dma_start3A_359 = tpu.memref_squeeze %dma_start3A_358 : memref<1x64xi32, #tpu.memory_space<vmem>> -> memref<64xi32, #tpu.memory_space<vmem>>
        %dma_start3A_360 = arith.constant 0 : i32
        %dma_start3A_361 = arith.constant 0 : i32
        %dma_start3A_362 = tpu.memref_slice %arg2[%dma_start3A_360, %dma_start3A_361] : memref<10240x128xf32, #tpu.memory_space<hbm>> -> memref<10240x128xf32, #tpu.memory_space<hbm>>
        tpu.enqueue_indirect_dma source(%dma_start3A_362 : memref<10240x128xf32, #tpu.memory_space<hbm>>) target(%dma_start3A_356 : memref<64x128xf32, #tpu.memory_space<vmem>>) offsets(%dma_start3A_359 : memref<64xi32, #tpu.memory_space<vmem>>) semaphore(%arg12 : memref<!tpu.dma_semaphore, #tpu.memory_space<semaphore_mem>>)
      } else {
      }
      %rem3A_307 = arith.constant 4 : i32
      %rem3A_308 = arith.remsi %while3A_275, %rem3A_307 : i32
      %rem3A_309 = arith.constant 8 : i32
      %rem3A_310 = arith.remsi %while3A_275, %rem3A_309 : i32
      %dma_start3A_311 = arith.constant 0 : i32
      %dma_start3A_312 = arith.constant 0 : i32
      %dma_start3A_313 = tpu.memref_slice %arg10[%rem3A_308, %dma_start3A_311, %dma_start3A_312] : memref<4x64x128xf32, #tpu.memory_space<vmem>> -> memref<1x64x128xf32, #tpu.memory_space<vmem>>
      %dma_start3A_314 = tpu.memref_squeeze %dma_start3A_313 : memref<1x64x128xf32, #tpu.memory_space<vmem>> -> memref<64x128xf32, #tpu.memory_space<vmem>>
      %dma_start3A_315 = arith.constant 0 : i32
      %dma_start3A_316 = tpu.memref_slice %arg9[%rem3A_310, %dma_start3A_315] : memref<8x64xi32, #tpu.memory_space<vmem>> -> memref<1x64xi32, #tpu.memory_space<vmem>>
      %dma_start3A_317 = tpu.memref_squeeze %dma_start3A_316 : memref<1x64xi32, #tpu.memory_space<vmem>> -> memref<64xi32, #tpu.memory_space<vmem>>
      %dma_start3A_318 = arith.constant 0 : i32
      %dma_start3A_319 = arith.constant 0 : i32
      %dma_start3A_320 = tpu.memref_slice %arg7[%dma_start3A_318, %dma_start3A_319] : memref<10240x128xf32, #tpu.memory_space<vmem_shared>> -> memref<10240x128xf32, #tpu.memory_space<vmem_shared>>
      tpu.enqueue_indirect_dma source(%dma_start3A_314 : memref<64x128xf32, #tpu.memory_space<vmem>>) target(%dma_start3A_320 : memref<10240x128xf32, #tpu.memory_space<vmem_shared>>) offsets(%dma_start3A_317 : memref<64xi32, #tpu.memory_space<vmem>>) semaphore(%arg13 : memref<!tpu.dma_semaphore, #tpu.memory_space<semaphore_mem>>) {add = true}
    }
    %while3A_251 = arith.constant 1 : i32
    scf.for %while3A_275 = %while3A_249 to %while3A_245 step %while3A_251  : i32 {
      %rem3A_276 = arith.constant 8 : i32
      %rem3A_277 = arith.remsi %while3A_275, %rem3A_276 : i32
      %rem3A_278 = arith.constant 4 : i32
      %rem3A_279 = arith.remsi %while3A_275, %rem3A_278 : i32
      %dma_wait3A_280 = arith.constant 0 : i32
      %dma_wait3A_281 = arith.constant 0 : i32
      %dma_wait3A_282 = tpu.memref_slice %arg10[%rem3A_279, %dma_wait3A_280, %dma_wait3A_281] : memref<4x64x128xf32, #tpu.memory_space<vmem>> -> memref<1x64x128xf32, #tpu.memory_space<vmem>>
      %dma_wait3A_283 = tpu.memref_squeeze %dma_wait3A_282 : memref<1x64x128xf32, #tpu.memory_space<vmem>> -> memref<64x128xf32, #tpu.memory_space<vmem>>
      %dma_wait3A_284 = arith.constant 0 : i32
      %dma_wait3A_285 = tpu.memref_slice %arg8[%rem3A_277, %dma_wait3A_284] : memref<8x64xi32, #tpu.memory_space<vmem>> -> memref<1x64xi32, #tpu.memory_space<vmem>>
      %dma_wait3A_286 = tpu.memref_squeeze %dma_wait3A_285 : memref<1x64xi32, #tpu.memory_space<vmem>> -> memref<64xi32, #tpu.memory_space<vmem>>
      %dma_wait3A_287 = arith.constant 0 : i32
      %dma_wait3A_288 = arith.constant 0 : i32
      %dma_wait3A_289 = tpu.memref_slice %arg2[%dma_wait3A_287, %dma_wait3A_288] : memref<10240x128xf32, #tpu.memory_space<hbm>> -> memref<10240x128xf32, #tpu.memory_space<hbm>>
      tpu.wait_indirect_dma semaphore(%arg12 : memref<!tpu.dma_semaphore, #tpu.memory_space<semaphore_mem>>) src(%dma_wait3A_289 : memref<10240x128xf32, #tpu.memory_space<hbm>>) dst(%dma_wait3A_283 : memref<64x128xf32, #tpu.memory_space<vmem>>)
      %ge3A = arith.constant 1 : i32
      %ge3A_290 = arith.cmpi sge, %while3A_275, %ge3A : i32
      %convert_element_type3A = arith.extui %ge3A_290 : i1 to i32
      %cond3A = arith.constant 0 : i32
      %cond3A_291 = arith.cmpi ne, %convert_element_type3A, %cond3A : i32
      scf.if %cond3A_291 {
        %sub3A_321 = arith.constant 1 : i32
        %sub3A_322 = arith.subi %while3A_275, %sub3A_321 : i32
        %rem3A_323 = arith.constant 4 : i32
        %rem3A_324 = arith.remsi %sub3A_322, %rem3A_323 : i32
        %rem3A_325 = arith.constant 8 : i32
        %rem3A_326 = arith.remsi %sub3A_322, %rem3A_325 : i32
        %dma_wait3A_327 = arith.constant 0 : i32
        %dma_wait3A_328 = arith.constant 0 : i32
        %dma_wait3A_329 = tpu.memref_slice %arg10[%rem3A_324, %dma_wait3A_327, %dma_wait3A_328] : memref<4x64x128xf32, #tpu.memory_space<vmem>> -> memref<1x64x128xf32, #tpu.memory_space<vmem>>
        %dma_wait3A_330 = tpu.memref_squeeze %dma_wait3A_329 : memref<1x64x128xf32, #tpu.memory_space<vmem>> -> memref<64x128xf32, #tpu.memory_space<vmem>>
        %dma_wait3A_331 = arith.constant 0 : i32
        %dma_wait3A_332 = tpu.memref_slice %arg9[%rem3A_326, %dma_wait3A_331] : memref<8x64xi32, #tpu.memory_space<vmem>> -> memref<1x64xi32, #tpu.memory_space<vmem>>
        %dma_wait3A_333 = tpu.memref_squeeze %dma_wait3A_332 : memref<1x64xi32, #tpu.memory_space<vmem>> -> memref<64xi32, #tpu.memory_space<vmem>>
        %dma_wait3A_334 = arith.constant 0 : i32
        %dma_wait3A_335 = arith.constant 0 : i32
        %dma_wait3A_336 = tpu.memref_slice %arg7[%dma_wait3A_334, %dma_wait3A_335] : memref<10240x128xf32, #tpu.memory_space<vmem_shared>> -> memref<10240x128xf32, #tpu.memory_space<vmem_shared>>
        tpu.wait_indirect_dma semaphore(%arg13 : memref<!tpu.dma_semaphore, #tpu.memory_space<semaphore_mem>>) src(%dma_wait3A_330 : memref<64x128xf32, #tpu.memory_space<vmem>>) dst(%dma_wait3A_336 : memref<10240x128xf32, #tpu.memory_space<vmem_shared>>)
      } else {
      }
      %sub3A_292 = arith.constant 3 : i32
      %sub3A_293 = arith.subi %select_n3A, %sub3A_292 : i32
      %sub3A_294 = arith.constant 3 : i32
      %sub3A_295 = arith.subi %sub3A_293, %sub3A_294 : i32
      %le3A = arith.cmpi sle, %while3A_275, %sub3A_295 : i32
      %convert_element_type3A_296 = arith.extui %le3A : i1 to i32
      %cond3A_297 = arith.constant 0 : i32
      %cond3A_298 = arith.cmpi ne, %convert_element_type3A_296, %cond3A_297 : i32
      scf.if %cond3A_298 {
        %add3A_321 = arith.constant 3 : i32
        %add3A_322 = arith.addi %while3A_275, %add3A_321 : i32
        %add3A_323 = arith.constant 2 : i32
        %add3A_324 = arith.addi %add3A_322, %add3A_323 : i32
        %rem3A_325 = arith.constant 8 : i32
        %rem3A_326 = arith.remsi %add3A_324, %rem3A_325 : i32
        %mul3A_327 = arith.constant 64 : i32
        %mul3A_328 = arith.muli %add3A_324, %mul3A_327 : i32
        %add3A_329 = arith.addi %mul3A_10, %mul3A_328 : i32
        %mul3A_330 = arith.constant 64 : i32
        %mul3A_331 = arith.muli %add3A_324, %mul3A_330 : i32
        %add3A_332 = arith.addi %mul3A_10, %mul3A_331 : i32
        %dma_start3A_333 = arith.constant 0 : i32
        %dma_start3A_334 = tpu.memref_slice %arg8[%rem3A_326, %dma_start3A_333] : memref<8x64xi32, #tpu.memory_space<vmem>> -> memref<1x64xi32, #tpu.memory_space<vmem>>
        %dma_start3A_335 = tpu.memref_squeeze %dma_start3A_334 : memref<1x64xi32, #tpu.memory_space<vmem>> -> memref<64xi32, #tpu.memory_space<vmem>>
        %dma_start3A_336 = tpu.memref_slice %arg3[%add3A_329] : memref<327680xi32, #tpu.memory_space<hbm>> -> memref<64xi32, #tpu.memory_space<hbm>>
        %dma_start3A_337 = arith.constant 0 : i32
        %dma_start3A_338 = tpu.memref_slice %arg8[%rem3A_326, %dma_start3A_337] : memref<8x64xi32, #tpu.memory_space<vmem>> -> memref<1x64xi32, #tpu.memory_space<vmem>>
        %dma_start3A_339 = tpu.memref_squeeze %dma_start3A_338 : memref<1x64xi32, #tpu.memory_space<vmem>> -> memref<64xi32, #tpu.memory_space<vmem>>
        %dma_start3A_340 = tpu.memref_slice %arg3[%add3A_329] : memref<327680xi32, #tpu.memory_space<hbm>> -> memref<64xi32, #tpu.memory_space<hbm>>
        tpu.enqueue_dma source(%dma_start3A_340 : memref<64xi32, #tpu.memory_space<hbm>>) target(%dma_start3A_339 : memref<64xi32, #tpu.memory_space<vmem>>) target_semaphore(%arg11 : memref<!tpu.dma_semaphore, #tpu.memory_space<semaphore_mem>>)
        %dma_start3A_341 = arith.constant 0 : i32
        %dma_start3A_342 = tpu.memref_slice %arg9[%rem3A_326, %dma_start3A_341] : memref<8x64xi32, #tpu.memory_space<vmem>> -> memref<1x64xi32, #tpu.memory_space<vmem>>
        %dma_start3A_343 = tpu.memref_squeeze %dma_start3A_342 : memref<1x64xi32, #tpu.memory_space<vmem>> -> memref<64xi32, #tpu.memory_space<vmem>>
        %dma_start3A_344 = tpu.memref_slice %arg4[%add3A_332] : memref<327680xi32, #tpu.memory_space<hbm>> -> memref<64xi32, #tpu.memory_space<hbm>>
        %dma_start3A_345 = arith.constant 0 : i32
        %dma_start3A_346 = tpu.memref_slice %arg9[%rem3A_326, %dma_start3A_345] : memref<8x64xi32, #tpu.memory_space<vmem>> -> memref<1x64xi32, #tpu.memory_space<vmem>>
        %dma_start3A_347 = tpu.memref_squeeze %dma_start3A_346 : memref<1x64xi32, #tpu.memory_space<vmem>> -> memref<64xi32, #tpu.memory_space<vmem>>
        %dma_start3A_348 = tpu.memref_slice %arg4[%add3A_332] : memref<327680xi32, #tpu.memory_space<hbm>> -> memref<64xi32, #tpu.memory_space<hbm>>
        tpu.enqueue_dma source(%dma_start3A_348 : memref<64xi32, #tpu.memory_space<hbm>>) target(%dma_start3A_347 : memref<64xi32, #tpu.memory_space<vmem>>) target_semaphore(%arg11 : memref<!tpu.dma_semaphore, #tpu.memory_space<semaphore_mem>>)
      } else {
      }
      %sub3A_299 = arith.constant 3 : i32
      %sub3A_300 = arith.subi %select_n3A, %sub3A_299 : i32
      %sub3A_301 = arith.constant 1 : i32
      %sub3A_302 = arith.subi %sub3A_300, %sub3A_301 : i32
      %le3A_303 = arith.cmpi sle, %while3A_275, %sub3A_302 : i32
      %convert_element_type3A_304 = arith.extui %le3A_303 : i1 to i32
      %cond3A_305 = arith.constant 0 : i32
      %cond3A_306 = arith.cmpi ne, %convert_element_type3A_304, %cond3A_305 : i32
      scf.if %cond3A_306 {
        %add3A_321 = arith.constant 3 : i32
        %add3A_322 = arith.addi %while3A_275, %add3A_321 : i32
        %rem3A_323 = arith.constant 8 : i32
        %rem3A_324 = arith.remsi %add3A_322, %rem3A_323 : i32
        %mul3A_325 = arith.constant 64 : i32
        %mul3A_326 = arith.muli %add3A_322, %mul3A_325 : i32
        %add3A_327 = arith.addi %mul3A_10, %mul3A_326 : i32
        %mul3A_328 = arith.constant 64 : i32
        %mul3A_329 = arith.muli %add3A_322, %mul3A_328 : i32
        %add3A_330 = arith.addi %mul3A_10, %mul3A_329 : i32
        %dma_wait3A_331 = arith.constant 0 : i32
        %dma_wait3A_332 = tpu.memref_slice %arg8[%rem3A_324, %dma_wait3A_331] : memref<8x64xi32, #tpu.memory_space<vmem>> -> memref<1x64xi32, #tpu.memory_space<vmem>>
        %dma_wait3A_333 = tpu.memref_squeeze %dma_wait3A_332 : memref<1x64xi32, #tpu.memory_space<vmem>> -> memref<64xi32, #tpu.memory_space<vmem>>
        %dma_wait3A_334 = tpu.memref_slice %arg3[%add3A_327] : memref<327680xi32, #tpu.memory_space<hbm>> -> memref<64xi32, #tpu.memory_space<hbm>>
        %dma_wait3A_335 = arith.constant 0 : i32
        %dma_wait3A_336 = tpu.memref_slice %arg8[%rem3A_324, %dma_wait3A_335] : memref<8x64xi32, #tpu.memory_space<vmem>> -> memref<1x64xi32, #tpu.memory_space<vmem>>
        %dma_wait3A_337 = tpu.memref_squeeze %dma_wait3A_336 : memref<1x64xi32, #tpu.memory_space<vmem>> -> memref<64xi32, #tpu.memory_space<vmem>>
        %dma_wait3A_338 = tpu.memref_slice %arg3[%add3A_327] : memref<327680xi32, #tpu.memory_space<hbm>> -> memref<64xi32, #tpu.memory_space<hbm>>
        tpu.wait_dma2 semaphore(%arg11 : memref<!tpu.dma_semaphore, #tpu.memory_space<semaphore_mem>>) src(%dma_wait3A_338 : memref<64xi32, #tpu.memory_space<hbm>>) dst(%dma_wait3A_337 : memref<64xi32, #tpu.memory_space<vmem>>)
        %dma_wait3A_339 = arith.constant 0 : i32
        %dma_wait3A_340 = tpu.memref_slice %arg9[%rem3A_324, %dma_wait3A_339] : memref<8x64xi32, #tpu.memory_space<vmem>> -> memref<1x64xi32, #tpu.memory_space<vmem>>
        %dma_wait3A_341 = tpu.memref_squeeze %dma_wait3A_340 : memref<1x64xi32, #tpu.memory_space<vmem>> -> memref<64xi32, #tpu.memory_space<vmem>>
        %dma_wait3A_342 = tpu.memref_slice %arg4[%add3A_330] : memref<327680xi32, #tpu.memory_space<hbm>> -> memref<64xi32, #tpu.memory_space<hbm>>
        %dma_wait3A_343 = arith.constant 0 : i32
        %dma_wait3A_344 = tpu.memref_slice %arg9[%rem3A_324, %dma_wait3A_343] : memref<8x64xi32, #tpu.memory_space<vmem>> -> memref<1x64xi32, #tpu.memory_space<vmem>>
        %dma_wait3A_345 = tpu.memref_squeeze %dma_wait3A_344 : memref<1x64xi32, #tpu.memory_space<vmem>> -> memref<64xi32, #tpu.memory_space<vmem>>
        %dma_wait3A_346 = tpu.memref_slice %arg4[%add3A_330] : memref<327680xi32, #tpu.memory_space<hbm>> -> memref<64xi32, #tpu.memory_space<hbm>>
        tpu.wait_dma2 semaphore(%arg11 : memref<!tpu.dma_semaphore, #tpu.memory_space<semaphore_mem>>) src(%dma_wait3A_346 : memref<64xi32, #tpu.memory_space<hbm>>) dst(%dma_wait3A_345 : memref<64xi32, #tpu.memory_space<vmem>>)
        %add3A_347 = arith.constant 3 : i32
        %add3A_348 = arith.addi %while3A_275, %add3A_347 : i32
        %rem3A_349 = arith.constant 8 : i32
        %rem3A_350 = arith.remsi %add3A_348, %rem3A_349 : i32
        %rem3A_351 = arith.constant 4 : i32
        %rem3A_352 = arith.remsi %add3A_348, %rem3A_351 : i32
        %dma_start3A_353 = arith.constant 0 : i32
        %dma_start3A_354 = arith.constant 0 : i32
        %dma_start3A_355 = tpu.memref_slice %arg10[%rem3A_352, %dma_start3A_353, %dma_start3A_354] : memref<4x64x128xf32, #tpu.memory_space<vmem>> -> memref<1x64x128xf32, #tpu.memory_space<vmem>>
        %dma_start3A_356 = tpu.memref_squeeze %dma_start3A_355 : memref<1x64x128xf32, #tpu.memory_space<vmem>> -> memref<64x128xf32, #tpu.memory_space<vmem>>
        %dma_start3A_357 = arith.constant 0 : i32
        %dma_start3A_358 = tpu.memref_slice %arg8[%rem3A_350, %dma_start3A_357] : memref<8x64xi32, #tpu.memory_space<vmem>> -> memref<1x64xi32, #tpu.memory_space<vmem>>
        %dma_start3A_359 = tpu.memref_squeeze %dma_start3A_358 : memref<1x64xi32, #tpu.memory_space<vmem>> -> memref<64xi32, #tpu.memory_space<vmem>>
        %dma_start3A_360 = arith.constant 0 : i32
        %dma_start3A_361 = arith.constant 0 : i32
        %dma_start3A_362 = tpu.memref_slice %arg2[%dma_start3A_360, %dma_start3A_361] : memref<10240x128xf32, #tpu.memory_space<hbm>> -> memref<10240x128xf32, #tpu.memory_space<hbm>>
        tpu.enqueue_indirect_dma source(%dma_start3A_362 : memref<10240x128xf32, #tpu.memory_space<hbm>>) target(%dma_start3A_356 : memref<64x128xf32, #tpu.memory_space<vmem>>) offsets(%dma_start3A_359 : memref<64xi32, #tpu.memory_space<vmem>>) semaphore(%arg12 : memref<!tpu.dma_semaphore, #tpu.memory_space<semaphore_mem>>)
      } else {
      }
      %rem3A_307 = arith.constant 4 : i32
      %rem3A_308 = arith.remsi %while3A_275, %rem3A_307 : i32
      %rem3A_309 = arith.constant 8 : i32
      %rem3A_310 = arith.remsi %while3A_275, %rem3A_309 : i32
      %dma_start3A_311 = arith.constant 0 : i32
      %dma_start3A_312 = arith.constant 0 : i32
      %dma_start3A_313 = tpu.memref_slice %arg10[%rem3A_308, %dma_start3A_311, %dma_start3A_312] : memref<4x64x128xf32, #tpu.memory_space<vmem>> -> memref<1x64x128xf32, #tpu.memory_space<vmem>>
      %dma_start3A_314 = tpu.memref_squeeze %dma_start3A_313 : memref<1x64x128xf32, #tpu.memory_space<vmem>> -> memref<64x128xf32, #tpu.memory_space<vmem>>
      %dma_start3A_315 = arith.constant 0 : i32
      %dma_start3A_316 = tpu.memref_slice %arg9[%rem3A_310, %dma_start3A_315] : memref<8x64xi32, #tpu.memory_space<vmem>> -> memref<1x64xi32, #tpu.memory_space<vmem>>
      %dma_start3A_317 = tpu.memref_squeeze %dma_start3A_316 : memref<1x64xi32, #tpu.memory_space<vmem>> -> memref<64xi32, #tpu.memory_space<vmem>>
      %dma_start3A_318 = arith.constant 0 : i32
      %dma_start3A_319 = arith.constant 0 : i32
      %dma_start3A_320 = tpu.memref_slice %arg7[%dma_start3A_318, %dma_start3A_319] : memref<10240x128xf32, #tpu.memory_space<vmem_shared>> -> memref<10240x128xf32, #tpu.memory_space<vmem_shared>>
      tpu.enqueue_indirect_dma source(%dma_start3A_314 : memref<64x128xf32, #tpu.memory_space<vmem>>) target(%dma_start3A_320 : memref<10240x128xf32, #tpu.memory_space<vmem_shared>>) offsets(%dma_start3A_317 : memref<64xi32, #tpu.memory_space<vmem>>) semaphore(%arg13 : memref<!tpu.dma_semaphore, #tpu.memory_space<semaphore_mem>>) {add = true}
    }
    %sub3A = arith.constant 1 : i32
    %sub3A_252 = arith.subi %select_n3A, %sub3A : i32
    %rem3A_253 = arith.constant 4 : i32
    %rem3A_254 = arith.remsi %sub3A_252, %rem3A_253 : i32
    %rem3A_255 = arith.constant 8 : i32
    %rem3A_256 = arith.remsi %sub3A_252, %rem3A_255 : i32
    %dma_wait3A_257 = arith.constant 0 : i32
    %dma_wait3A_258 = arith.constant 0 : i32
    %dma_wait3A_259 = tpu.memref_slice %arg10[%rem3A_254, %dma_wait3A_257, %dma_wait3A_258] : memref<4x64x128xf32, #tpu.memory_space<vmem>> -> memref<1x64x128xf32, #tpu.memory_space<vmem>>
    %dma_wait3A_260 = tpu.memref_squeeze %dma_wait3A_259 : memref<1x64x128xf32, #tpu.memory_space<vmem>> -> memref<64x128xf32, #tpu.memory_space<vmem>>
    %dma_wait3A_261 = arith.constant 0 : i32
    %dma_wait3A_262 = tpu.memref_slice %arg9[%rem3A_256, %dma_wait3A_261] : memref<8x64xi32, #tpu.memory_space<vmem>> -> memref<1x64xi32, #tpu.memory_space<vmem>>
    %dma_wait3A_263 = tpu.memref_squeeze %dma_wait3A_262 : memref<1x64xi32, #tpu.memory_space<vmem>> -> memref<64xi32, #tpu.memory_space<vmem>>
    %dma_wait3A_264 = arith.constant 0 : i32
    %dma_wait3A_265 = arith.constant 0 : i32
    %dma_wait3A_266 = tpu.memref_slice %arg7[%dma_wait3A_264, %dma_wait3A_265] : memref<10240x128xf32, #tpu.memory_space<vmem_shared>> -> memref<10240x128xf32, #tpu.memory_space<vmem_shared>>
    tpu.wait_indirect_dma semaphore(%arg13 : memref<!tpu.dma_semaphore, #tpu.memory_space<semaphore_mem>>) src(%dma_wait3A_260 : memref<64x128xf32, #tpu.memory_space<vmem>>) dst(%dma_wait3A_266 : memref<10240x128xf32, #tpu.memory_space<vmem_shared>>)
    %barrier3A_267 = arith.constant 0 : index
    tpu.barrier barrier_id(%barrier3A_267)
    %mul3A_268 = arith.constant 640 : i32
    %mul3A_269 = arith.muli %arg1, %mul3A_268 : i32
    %mul3A_270 = arith.constant 10240 : i32
    %mul3A_271 = arith.muli %arg0, %mul3A_270 : i32
    %mul3A_272 = arith.constant 640 : i32
    %mul3A_273 = arith.muli %arg1, %mul3A_272 : i32
    %add3A_274 = arith.addi %mul3A_271, %mul3A_273 : i32
    "tpu.region"() ({
      %run_scoped3A = tpu.sem_alloc : memref<!tpu.dma_semaphore, #tpu.memory_space<semaphore_mem>>
      %dma_start3A_275 = arith.constant 0 : i32
      %dma_start3A_276 = tpu.memref_slice %arg6[%add3A_274, %dma_start3A_275] : memref<20480x128xf32, #tpu.memory_space<hbm>> -> memref<640x128xf32, #tpu.memory_space<hbm>>
      %dma_start3A_277 = arith.constant 0 : i32
      %dma_start3A_278 = tpu.memref_slice %arg7[%mul3A_269, %dma_start3A_277] : memref<10240x128xf32, #tpu.memory_space<vmem_shared>> -> memref<640x128xf32, #tpu.memory_space<vmem_shared>>
      tpu.enqueue_dma source(%dma_start3A_278 : memref<640x128xf32, #tpu.memory_space<vmem_shared>>) target(%dma_start3A_276 : memref<640x128xf32, #tpu.memory_space<hbm>>) target_semaphore(%run_scoped3A : memref<!tpu.dma_semaphore, #tpu.memory_space<semaphore_mem>>)
      %dma_wait3A_279 = arith.constant 0 : i32
      %dma_wait3A_280 = tpu.memref_slice %arg6[%add3A_274, %dma_wait3A_279] : memref<20480x128xf32, #tpu.memory_space<hbm>> -> memref<640x128xf32, #tpu.memory_space<hbm>>
      %dma_wait3A_281 = arith.constant 0 : i32
      %dma_wait3A_282 = tpu.memref_slice %arg7[%mul3A_269, %dma_wait3A_281] : memref<10240x128xf32, #tpu.memory_space<vmem_shared>> -> memref<640x128xf32, #tpu.memory_space<vmem_shared>>
      tpu.wait_dma2 semaphore(%run_scoped3A : memref<!tpu.dma_semaphore, #tpu.memory_space<semaphore_mem>>) src(%dma_wait3A_282 : memref<640x128xf32, #tpu.memory_space<vmem_shared>>) dst(%dma_wait3A_280 : memref<640x128xf32, #tpu.memory_space<hbm>>)
      tpu.yield
    }) : () -> ()
    return
  }
}

module attributes {stable_mosaic.version = 14 : i64} {
  func.func @body(%arg0: i32, %arg1: memref<512x128xf32, #tpu.memory_space<vmem>>, %arg2: memref<512x128xf32, #tpu.memory_space<vmem>>, %arg3: memref<512x128xf32, #tpu.memory_space<vmem>>, %arg4: memref<512x1xf32, #tpu.memory_space<vmem>>, %arg5: memref<128x128xf32, #tpu.memory_space<vmem>>, %arg6: memref<512x128xf32, #tpu.memory_space<vmem>>, %arg7: memref<512x1xf32, #tpu.memory_space<vmem>>) attributes {dimension_semantics = [#tpu.dimension_semantics<arbitrary>], iteration_bounds = array<i64: 20>, scalar_prefetch = 0 : i64, scratch_operands = 0 : i64, tpu.core_type = #tpu.core_type<tc>, window_params = [{transform_indices = @transform_0, window_bounds = array<i64: 512, 128>}, {transform_indices = @transform_1, window_bounds = array<i64: 512, 128>}, {transform_indices = @transform_2, window_bounds = array<i64: 512, 128>}, {transform_indices = @transform_3, window_bounds = array<i64: 512, 1>}, {pipeline_mode = #tpu.pipeline_mode<synchronous>, transform_indices = @transform_4, window_bounds = array<i64: 128, 128>}, {transform_indices = @transform_5, window_bounds = array<i64: 512, 128>}, {transform_indices = @transform_6, window_bounds = array<i64: 512, 1>}]} {
    %get3A = arith.constant 0 : index
    %get3A_0 = arith.constant 0 : index
    %get3A_1 = vector.load %arg2[%get3A, %get3A_0] : memref<512x128xf32, #tpu.memory_space<vmem>>, vector<512x1xf32>
    %get3A_2 = arith.constant 0 : index
    %get3A_3 = arith.constant 0 : index
    %get3A_4 = vector.load %arg3[%get3A_2, %get3A_3] : memref<512x128xf32, #tpu.memory_space<vmem>>, vector<512x1xf32>
    %add3A = arith.addf %get3A_1, %get3A_4 : vector<512x1xf32>
    %get3A_5 = arith.constant 0 : index
    %get3A_6 = arith.constant 0 : index
    %get3A_7 = vector.load %arg4[%get3A_5, %get3A_6] : memref<512x1xf32, #tpu.memory_space<vmem>>, vector<512x1xf32>
    %add3A_8 = arith.constant 1.000000e+00 : f32
    %add3A_9 = vector.broadcast %add3A_8 : f32 to vector<512x1xf32>
    %add3A_10 = arith.addf %add3A, %add3A_9 : vector<512x1xf32>
    %rsqrt3A = math.rsqrt %add3A_10 : vector<512x1xf32>
    %mul3A = arith.mulf %get3A_7, %rsqrt3A : vector<512x1xf32>
    %swap3A = arith.constant 0 : index
    %swap3A_11 = arith.constant 0 : index
    %swap3A_12 = vector.load %arg7[%swap3A, %swap3A_11] : memref<512x1xf32, #tpu.memory_space<vmem>>, vector<512x1xf32>
    tpu.vector_store %arg7[%swap3A, %swap3A_11], %mul3A {strides = array<i32>} : memref<512x1xf32, #tpu.memory_space<vmem>>, vector<512x1xf32>,
    %get3A_13 = arith.constant 0 : index
    %get3A_14 = arith.constant 0 : index
    %get3A_15 = vector.load %arg1[%get3A_13, %get3A_14] : memref<512x128xf32, #tpu.memory_space<vmem>>, vector<512x128xf32>
    %get3A_16 = arith.constant 0 : index
    %get3A_17 = arith.constant 0 : index
    %get3A_18 = vector.load %arg5[%get3A_16, %get3A_17] : memref<128x128xf32, #tpu.memory_space<vmem>>, vector<128x128xf32>
    %dot_general3A = arith.constant dense<0.000000e+00> : vector<512x128xf32>
    %dot_general3A_19 = tpu.matmul %get3A_15, %get3A_18, %dot_general3A {dimension_numbers = #tpu.dot_dimension_numbers<[1], [0], [0], [1], [0, 0, 1, 1], [], []>, transpose_lhs_hint = false} : vector<512x128xf32>, vector<128x128xf32>, vector<512x128xf32> -> vector<512x128xf32>
    %mul3A_20 = vector.broadcast %mul3A : vector<512x1xf32> to vector<512x128xf32>
    %mul3A_21 = arith.mulf %mul3A_20, %dot_general3A_19 : vector<512x128xf32>
    %swap3A_22 = arith.constant 0 : index
    %swap3A_23 = arith.constant 0 : index
    %swap3A_24 = vector.load %arg6[%swap3A_22, %swap3A_23] : memref<512x128xf32, #tpu.memory_space<vmem>>, vector<512x128xf32>
    tpu.vector_store %arg6[%swap3A_22, %swap3A_23], %mul3A_21 {strides = array<i32>} : memref<512x128xf32, #tpu.memory_space<vmem>>, vector<512x128xf32>,
    return
  }
  func.func @transform_0(%arg0: i32) -> (i32, i32) {
    %c0_i32 = arith.constant 0 : i32
    %c0_i32_0 = arith.constant 0 : i32
    return %arg0, %c0_i32 : i32, i32
  }
  func.func @transform_1(%arg0: i32) -> (i32, i32) {
    %c0_i32 = arith.constant 0 : i32
    %c0_i32_0 = arith.constant 0 : i32
    return %arg0, %c0_i32 : i32, i32
  }
  func.func @transform_2(%arg0: i32) -> (i32, i32) {
    %c0_i32 = arith.constant 0 : i32
    %c0_i32_0 = arith.constant 0 : i32
    return %arg0, %c0_i32 : i32, i32
  }
  func.func @transform_3(%arg0: i32) -> (i32, i32) {
    %c0_i32 = arith.constant 0 : i32
    %c0_i32_0 = arith.constant 0 : i32
    return %arg0, %c0_i32 : i32, i32
  }
  func.func @transform_4(%arg0: i32) -> (i32, i32) {
    %c0_i32 = arith.constant 0 : i32
    %c0_i32_0 = arith.constant 0 : i32
    %c0_i32_1 = arith.constant 0 : i32
    return %c0_i32, %c0_i32_0 : i32, i32
  }
  func.func @transform_5(%arg0: i32) -> (i32, i32) {
    %c0_i32 = arith.constant 0 : i32
    %c0_i32_0 = arith.constant 0 : i32
    return %arg0, %c0_i32 : i32, i32
  }
  func.func @transform_6(%arg0: i32) -> (i32, i32) {
    %c0_i32 = arith.constant 0 : i32
    %c0_i32_0 = arith.constant 0 : i32
    return %arg0, %c0_i32 : i32, i32
  }
}

module attributes {stable_mosaic.version = 14 : i64} {
  func.func @body(%arg0: i32, %arg1: memref<512x128xf32, #tpu.memory_space<vmem>>, %arg2: memref<512x128xf32, #tpu.memory_space<vmem>>, %arg3: memref<512x128xf32, #tpu.memory_space<vmem>>, %arg4: memref<512x1xf32, #tpu.memory_space<vmem>>, %arg5: memref<1x128xf32, #tpu.memory_space<vmem>>, %arg6: memref<128x128xf32, #tpu.memory_space<vmem>>, %arg7: memref<512x128xf32, #tpu.memory_space<vmem>>) attributes {dimension_semantics = [#tpu.dimension_semantics<arbitrary>], iteration_bounds = array<i64: 20>, scalar_prefetch = 0 : i64, scratch_operands = 0 : i64, tpu.core_type = #tpu.core_type<tc>, window_params = [{transform_indices = @transform_0, window_bounds = array<i64: 512, 128>}, {transform_indices = @transform_1, window_bounds = array<i64: 512, 128>}, {transform_indices = @transform_2, window_bounds = array<i64: 512, 128>}, {transform_indices = @transform_3, window_bounds = array<i64: 512, 1>}, {pipeline_mode = #tpu.pipeline_mode<synchronous>, transform_indices = @transform_4, window_bounds = array<i64: 1, 128>}, {pipeline_mode = #tpu.pipeline_mode<synchronous>, transform_indices = @transform_5, window_bounds = array<i64: 128, 128>}, {transform_indices = @transform_6, window_bounds = array<i64: 512, 128>}]} {
    %get3A = arith.constant 0 : index
    %get3A_0 = arith.constant 0 : index
    %get3A_1 = vector.load %arg4[%get3A, %get3A_0] : memref<512x1xf32, #tpu.memory_space<vmem>>, vector<512x1xf32>
    %get3A_2 = arith.constant 0 : index
    %get3A_3 = arith.constant 0 : index
    %get3A_4 = vector.load %arg1[%get3A_2, %get3A_3] : memref<512x128xf32, #tpu.memory_space<vmem>>, vector<512x128xf32>
    %get3A_5 = arith.constant 0 : index
    %get3A_6 = arith.constant 0 : index
    %get3A_7 = vector.load %arg2[%get3A_5, %get3A_6] : memref<512x128xf32, #tpu.memory_space<vmem>>, vector<512x128xf32>
    %add3A = arith.addf %get3A_4, %get3A_7 : vector<512x128xf32>
    %get3A_8 = arith.constant 0 : index
    %get3A_9 = arith.constant 0 : index
    %get3A_10 = vector.load %arg3[%get3A_8, %get3A_9] : memref<512x128xf32, #tpu.memory_space<vmem>>, vector<512x128xf32>
    %add3A_11 = arith.addf %add3A, %get3A_10 : vector<512x128xf32>
    %mul3A = vector.broadcast %get3A_1 : vector<512x1xf32> to vector<512x128xf32>
    %mul3A_12 = arith.mulf %mul3A, %add3A_11 : vector<512x128xf32>
    %get3A_13 = arith.constant 0 : index
    %get3A_14 = arith.constant 0 : index
    %get3A_15 = vector.load %arg5[%get3A_13, %get3A_14] : memref<1x128xf32, #tpu.memory_space<vmem>>, vector<1x128xf32>
    %add3A_16 = vector.broadcast %get3A_15 : vector<1x128xf32> to vector<512x128xf32>
    %add3A_17 = arith.addf %mul3A_12, %add3A_16 : vector<512x128xf32>
    %max3A = arith.constant 0.000000e+00 : f32
    %max3A_18 = vector.broadcast %max3A : f32 to vector<512x128xf32>
    %max3A_19 = arith.maximumf %add3A_17, %max3A_18 : vector<512x128xf32>
    %get3A_20 = arith.constant 0 : index
    %get3A_21 = arith.constant 0 : index
    %get3A_22 = vector.load %arg6[%get3A_20, %get3A_21] : memref<128x128xf32, #tpu.memory_space<vmem>>, vector<128x128xf32>
    %dot_general3A = arith.constant dense<0.000000e+00> : vector<512x128xf32>
    %dot_general3A_23 = tpu.matmul %max3A_19, %get3A_22, %dot_general3A {dimension_numbers = #tpu.dot_dimension_numbers<[1], [0], [0], [1], [0, 0, 1, 1], [], []>, transpose_lhs_hint = false} : vector<512x128xf32>, vector<128x128xf32>, vector<512x128xf32> -> vector<512x128xf32>
    %mul3A_24 = vector.broadcast %get3A_1 : vector<512x1xf32> to vector<512x128xf32>
    %mul3A_25 = arith.mulf %mul3A_24, %dot_general3A_23 : vector<512x128xf32>
    %swap3A = arith.constant 0 : index
    %swap3A_26 = arith.constant 0 : index
    %swap3A_27 = vector.load %arg7[%swap3A, %swap3A_26] : memref<512x128xf32, #tpu.memory_space<vmem>>, vector<512x128xf32>
    tpu.vector_store %arg7[%swap3A, %swap3A_26], %mul3A_25 {strides = array<i32>} : memref<512x128xf32, #tpu.memory_space<vmem>>, vector<512x128xf32>,
    return
  }
  func.func @transform_0(%arg0: i32) -> (i32, i32) {
    %c0_i32 = arith.constant 0 : i32
    %c0_i32_0 = arith.constant 0 : i32
    return %arg0, %c0_i32 : i32, i32
  }
  func.func @transform_1(%arg0: i32) -> (i32, i32) {
    %c0_i32 = arith.constant 0 : i32
    %c0_i32_0 = arith.constant 0 : i32
    return %arg0, %c0_i32 : i32, i32
  }
  func.func @transform_2(%arg0: i32) -> (i32, i32) {
    %c0_i32 = arith.constant 0 : i32
    %c0_i32_0 = arith.constant 0 : i32
    return %arg0, %c0_i32 : i32, i32
  }
  func.func @transform_3(%arg0: i32) -> (i32, i32) {
    %c0_i32 = arith.constant 0 : i32
    %c0_i32_0 = arith.constant 0 : i32
    return %arg0, %c0_i32 : i32, i32
  }
  func.func @transform_4(%arg0: i32) -> (i32, i32) {
    %c0_i32 = arith.constant 0 : i32
    %c0_i32_0 = arith.constant 0 : i32
    %c0_i32_1 = arith.constant 0 : i32
    return %c0_i32, %c0_i32_0 : i32, i32
  }
  func.func @transform_5(%arg0: i32) -> (i32, i32) {
    %c0_i32 = arith.constant 0 : i32
    %c0_i32_0 = arith.constant 0 : i32
    %c0_i32_1 = arith.constant 0 : i32
    return %c0_i32, %c0_i32_0 : i32, i32
  }
  func.func @transform_6(%arg0: i32) -> (i32, i32) {
    %c0_i32 = arith.constant 0 : i32
    %c0_i32_0 = arith.constant 0 : i32
    return %arg0, %c0_i32 : i32, i32
  }
}

module attributes {stable_mosaic.version = 14 : i64} {
  func.func @body(%arg0: i32, %arg1: memref<512x128xf32, #tpu.memory_space<vmem>>, %arg2: memref<512x128xf32, #tpu.memory_space<vmem>>, %arg3: memref<512x128xf32, #tpu.memory_space<vmem>>, %arg4: memref<512x1xf32, #tpu.memory_space<vmem>>, %arg5: memref<1x128xf32, #tpu.memory_space<vmem>>, %arg6: memref<512x1xf32, #tpu.memory_space<vmem>>, %arg7: memref<128x12xf32, #tpu.memory_space<vmem>>, %arg8: memref<1x12xf32, #tpu.memory_space<vmem>>, %arg9: memref<64x12xf32, #tpu.memory_space<vmem>>, %arg10: memref<64x128xf32, #tpu.memory_space<vmem>>, %arg11: memref<64x1xf32, #tpu.memory_space<vmem>>) attributes {dimension_semantics = [#tpu.dimension_semantics<arbitrary>], iteration_bounds = array<i64: 20>, scalar_prefetch = 0 : i64, scratch_operands = 2 : i64, tpu.core_type = #tpu.core_type<tc>, window_params = [{transform_indices = @transform_0, window_bounds = array<i64: 512, 128>}, {transform_indices = @transform_1, window_bounds = array<i64: 512, 128>}, {transform_indices = @transform_2, window_bounds = array<i64: 512, 128>}, {transform_indices = @transform_3, window_bounds = array<i64: 512, 1>}, {pipeline_mode = #tpu.pipeline_mode<synchronous>, transform_indices = @transform_4, window_bounds = array<i64: 1, 128>}, {transform_indices = @transform_5, window_bounds = array<i64: 512, 1>}, {pipeline_mode = #tpu.pipeline_mode<synchronous>, transform_indices = @transform_6, window_bounds = array<i64: 128, 12>}, {pipeline_mode = #tpu.pipeline_mode<synchronous>, transform_indices = @transform_7, window_bounds = array<i64: 1, 12>}, {pipeline_mode = #tpu.pipeline_mode<synchronous>, transform_indices = @transform_8, window_bounds = array<i64: 64, 12>}]} {
    %eq3A = arith.constant 0 : i32
    %eq3A_0 = arith.cmpi eq, %arg0, %eq3A : i32
    %convert_element_type3A = arith.extui %eq3A_0 : i1 to i32
    %cond3A = arith.constant 0 : i32
    %cond3A_1 = arith.cmpi ne, %convert_element_type3A, %cond3A : i32
    scf.if %cond3A_1 {
      %broadcast_in_dim3A = arith.constant 0.000000e+00 : f32
      %broadcast_in_dim3A_48 = vector.broadcast %broadcast_in_dim3A : f32 to vector<64x128xf32>
      %swap3A_49 = arith.constant 0 : index
      %swap3A_50 = arith.constant 0 : index
      %swap3A_51 = vector.load %arg10[%swap3A_49, %swap3A_50] : memref<64x128xf32, #tpu.memory_space<vmem>>, vector<64x128xf32>
      tpu.vector_store %arg10[%swap3A_49, %swap3A_50], %broadcast_in_dim3A_48 {strides = array<i32>} : memref<64x128xf32, #tpu.memory_space<vmem>>, vector<64x128xf32>,
      %broadcast_in_dim3A_52 = arith.constant 0.000000e+00 : f32
      %broadcast_in_dim3A_53 = vector.broadcast %broadcast_in_dim3A_52 : f32 to vector<64x1xf32>
      %swap3A_54 = arith.constant 0 : index
      %swap3A_55 = arith.constant 0 : index
      %swap3A_56 = vector.load %arg11[%swap3A_54, %swap3A_55] : memref<64x1xf32, #tpu.memory_space<vmem>>, vector<64x1xf32>
      tpu.vector_store %arg11[%swap3A_54, %swap3A_55], %broadcast_in_dim3A_53 {strides = array<i32>} : memref<64x1xf32, #tpu.memory_space<vmem>>, vector<64x1xf32>,
    } else {
    }
    %get3A = arith.constant 0 : index
    %get3A_2 = arith.constant 0 : index
    %get3A_3 = vector.load %arg4[%get3A, %get3A_2] : memref<512x1xf32, #tpu.memory_space<vmem>>, vector<512x1xf32>
    %get3A_4 = arith.constant 0 : index
    %get3A_5 = arith.constant 0 : index
    %get3A_6 = vector.load %arg1[%get3A_4, %get3A_5] : memref<512x128xf32, #tpu.memory_space<vmem>>, vector<512x128xf32>
    %get3A_7 = arith.constant 0 : index
    %get3A_8 = arith.constant 0 : index
    %get3A_9 = vector.load %arg2[%get3A_7, %get3A_8] : memref<512x128xf32, #tpu.memory_space<vmem>>, vector<512x128xf32>
    %add3A = arith.addf %get3A_6, %get3A_9 : vector<512x128xf32>
    %get3A_10 = arith.constant 0 : index
    %get3A_11 = arith.constant 0 : index
    %get3A_12 = vector.load %arg3[%get3A_10, %get3A_11] : memref<512x128xf32, #tpu.memory_space<vmem>>, vector<512x128xf32>
    %add3A_13 = arith.addf %add3A, %get3A_12 : vector<512x128xf32>
    %mul3A = vector.broadcast %get3A_3 : vector<512x1xf32> to vector<512x128xf32>
    %mul3A_14 = arith.mulf %mul3A, %add3A_13 : vector<512x128xf32>
    %get3A_15 = arith.constant 0 : index
    %get3A_16 = arith.constant 0 : index
    %get3A_17 = vector.load %arg5[%get3A_15, %get3A_16] : memref<1x128xf32, #tpu.memory_space<vmem>>, vector<1x128xf32>
    %add3A_18 = vector.broadcast %get3A_17 : vector<1x128xf32> to vector<512x128xf32>
    %add3A_19 = arith.addf %mul3A_14, %add3A_18 : vector<512x128xf32>
    %iota3A = tpu.iota {dimensions = array<i32: 1>} : vector<512x64xi32>
    %convert_element_type3A_20 = arith.sitofp %iota3A : vector<512x64xi32> to vector<512x64xf32>
    %get3A_21 = arith.constant 0 : index
    %get3A_22 = arith.constant 0 : index
    %get3A_23 = vector.load %arg6[%get3A_21, %get3A_22] : memref<512x1xf32, #tpu.memory_space<vmem>>, vector<512x1xf32>
    %eq3A_24 = vector.broadcast %get3A_23 : vector<512x1xf32> to vector<512x64xf32>
    %eq3A_25 = arith.cmpf oeq, %eq3A_24, %convert_element_type3A_20 : vector<512x64xf32>
    %convert_element_type3A_26 = arith.extui %eq3A_25 : vector<512x64xi1> to vector<512x64xi32>
    %convert_element_type3A_27 = arith.sitofp %convert_element_type3A_26 : vector<512x64xi32> to vector<512x64xf32>
    %get3A_28 = arith.constant 0 : index
    %get3A_29 = arith.constant 0 : index
    %get3A_30 = vector.load %arg10[%get3A_28, %get3A_29] : memref<64x128xf32, #tpu.memory_space<vmem>>, vector<64x128xf32>
    %dot_general3A = arith.constant dense<0.000000e+00> : vector<64x128xf32>
    %dot_general3A_31 = tpu.matmul %convert_element_type3A_27, %add3A_19, %dot_general3A {dimension_numbers = #tpu.dot_dimension_numbers<[0], [0], [1], [1], [0, 1, 1, 1], [], []>, transpose_lhs_hint = false} : vector<512x64xf32>, vector<512x128xf32>, vector<64x128xf32> -> vector<64x128xf32>
    %add3A_32 = arith.addf %get3A_30, %dot_general3A_31 : vector<64x128xf32>
    %swap3A = arith.constant 0 : index
    %swap3A_33 = arith.constant 0 : index
    %swap3A_34 = vector.load %arg10[%swap3A, %swap3A_33] : memref<64x128xf32, #tpu.memory_space<vmem>>, vector<64x128xf32>
    tpu.vector_store %arg10[%swap3A, %swap3A_33], %add3A_32 {strides = array<i32>} : memref<64x128xf32, #tpu.memory_space<vmem>>, vector<64x128xf32>,
    %get3A_35 = arith.constant 0 : index
    %get3A_36 = arith.constant 0 : index
    %get3A_37 = vector.load %arg11[%get3A_35, %get3A_36] : memref<64x1xf32, #tpu.memory_space<vmem>>, vector<64x1xf32>
    %reduce_sum3A = arith.constant dense<0.000000e+00> : vector<64xf32>
    %reduce_sum3A_38 = vector.multi_reduction <add>, %convert_element_type3A_27, %reduce_sum3A [0] : vector<512x64xf32> to vector<64xf32>
    %reshape3A = vector.shape_cast %reduce_sum3A_38 : vector<64xf32> to vector<64x1xf32>
    %add3A_39 = arith.addf %get3A_37, %reshape3A : vector<64x1xf32>
    %swap3A_40 = arith.constant 0 : index
    %swap3A_41 = arith.constant 0 : index
    %swap3A_42 = vector.load %arg11[%swap3A_40, %swap3A_41] : memref<64x1xf32, #tpu.memory_space<vmem>>, vector<64x1xf32>
    tpu.vector_store %arg11[%swap3A_40, %swap3A_41], %add3A_39 {strides = array<i32>} : memref<64x1xf32, #tpu.memory_space<vmem>>, vector<64x1xf32>,
    %eq3A_43 = arith.constant 19 : i32
    %eq3A_44 = arith.cmpi eq, %arg0, %eq3A_43 : i32
    %convert_element_type3A_45 = arith.extui %eq3A_44 : i1 to i32
    %cond3A_46 = arith.constant 0 : i32
    %cond3A_47 = arith.cmpi ne, %convert_element_type3A_45, %cond3A_46 : i32
    scf.if %cond3A_47 {
      %get3A_48 = arith.constant 0 : index
      %get3A_49 = arith.constant 0 : index
      %get3A_50 = vector.load %arg10[%get3A_48, %get3A_49] : memref<64x128xf32, #tpu.memory_space<vmem>>, vector<64x128xf32>
      %get3A_51 = arith.constant 0 : index
      %get3A_52 = arith.constant 0 : index
      %get3A_53 = vector.load %arg11[%get3A_51, %get3A_52] : memref<64x1xf32, #tpu.memory_space<vmem>>, vector<64x1xf32>
      %max3A = arith.constant 1.000000e+00 : f32
      %max3A_54 = vector.broadcast %max3A : f32 to vector<64x1xf32>
      %max3A_55 = arith.maximumf %get3A_53, %max3A_54 : vector<64x1xf32>
      %div3A = vector.broadcast %max3A_55 : vector<64x1xf32> to vector<64x128xf32>
      %div3A_56 = arith.divf %get3A_50, %div3A : vector<64x128xf32>
      %get3A_57 = arith.constant 0 : index
      %get3A_58 = arith.constant 0 : index
      %get3A_59 = vector.load %arg7[%get3A_57, %get3A_58] : memref<128x12xf32, #tpu.memory_space<vmem>>, vector<128x12xf32>
      %dot_general3A_60 = arith.constant dense<0.000000e+00> : vector<64x12xf32>
      %dot_general3A_61 = tpu.matmul %div3A_56, %get3A_59, %dot_general3A_60 {dimension_numbers = #tpu.dot_dimension_numbers<[1], [0], [0], [1], [0, 0, 1, 1], [], []>, transpose_lhs_hint = false} : vector<64x128xf32>, vector<128x12xf32>, vector<64x12xf32> -> vector<64x12xf32>
      %get3A_62 = arith.constant 0 : index
      %get3A_63 = arith.constant 0 : index
      %get3A_64 = vector.load %arg8[%get3A_62, %get3A_63] : memref<1x12xf32, #tpu.memory_space<vmem>>, vector<1x12xf32>
      %add3A_65 = vector.broadcast %get3A_64 : vector<1x12xf32> to vector<64x12xf32>
      %add3A_66 = arith.addf %dot_general3A_61, %add3A_65 : vector<64x12xf32>
      %swap3A_67 = arith.constant 0 : index
      %swap3A_68 = arith.constant 0 : index
      %swap3A_69 = vector.load %arg9[%swap3A_67, %swap3A_68] : memref<64x12xf32, #tpu.memory_space<vmem>>, vector<64x12xf32>
      tpu.vector_store %arg9[%swap3A_67, %swap3A_68], %add3A_66 {strides = array<i32>} : memref<64x12xf32, #tpu.memory_space<vmem>>, vector<64x12xf32>,
    } else {
    }
    return
  }
  func.func @transform_0(%arg0: i32) -> (i32, i32) {
    %c0_i32 = arith.constant 0 : i32
    %c0_i32_0 = arith.constant 0 : i32
    return %arg0, %c0_i32 : i32, i32
  }
  func.func @transform_1(%arg0: i32) -> (i32, i32) {
    %c0_i32 = arith.constant 0 : i32
    %c0_i32_0 = arith.constant 0 : i32
    return %arg0, %c0_i32 : i32, i32
  }
  func.func @transform_2(%arg0: i32) -> (i32, i32) {
    %c0_i32 = arith.constant 0 : i32
    %c0_i32_0 = arith.constant 0 : i32
    return %arg0, %c0_i32 : i32, i32
  }
  func.func @transform_3(%arg0: i32) -> (i32, i32) {
    %c0_i32 = arith.constant 0 : i32
    %c0_i32_0 = arith.constant 0 : i32
    return %arg0, %c0_i32 : i32, i32
  }
  func.func @transform_4(%arg0: i32) -> (i32, i32) {
    %c0_i32 = arith.constant 0 : i32
    %c0_i32_0 = arith.constant 0 : i32
    %c0_i32_1 = arith.constant 0 : i32
    return %c0_i32, %c0_i32_0 : i32, i32
  }
  func.func @transform_5(%arg0: i32) -> (i32, i32) {
    %c0_i32 = arith.constant 0 : i32
    %c0_i32_0 = arith.constant 0 : i32
    return %arg0, %c0_i32 : i32, i32
  }
  func.func @transform_6(%arg0: i32) -> (i32, i32) {
    %c0_i32 = arith.constant 0 : i32
    %c0_i32_0 = arith.constant 0 : i32
    %c0_i32_1 = arith.constant 0 : i32
    return %c0_i32, %c0_i32_0 : i32, i32
  }
  func.func @transform_7(%arg0: i32) -> (i32, i32) {
    %c0_i32 = arith.constant 0 : i32
    %c0_i32_0 = arith.constant 0 : i32
    %c0_i32_1 = arith.constant 0 : i32
    return %c0_i32, %c0_i32_0 : i32, i32
  }
  func.func @transform_8(%arg0: i32) -> (i32, i32) {
    %c0_i32 = arith.constant 0 : i32
    %c0_i32_0 = arith.constant 0 : i32
    %c0_i32_1 = arith.constant 0 : i32
    return %c0_i32, %c0_i32_0 : i32, i32
  }
}

</mosaic_0001>

<sc_bundles>
// kernel: kernel.10.cloned.1.call-start
scs
__scs_entry_jumppad:
0x0: {  	(pc) =	sbr.rel $0x88, $3  }
0x1: {  	(tag) =	ssettag $0x0;
	lr =	simm.s32 $0x1  }
0x2: {  	[smem:$0x3F96] =	sst lr;
	_ =	strace $0xD0000000  }
0x3: {  	_ = 	snop  }
0x4: {  	_ = 	snop  }
0x5: {  	_ = 	snop  }
0x6: {  	_ = 	snop  }
0x7: {  	_ = 	snop  }
__scs_overlays_trampoline_lowered:
0x8: {  	[smem:$0x3FA5] =	sst s0  }
0x9: {  	[smem:$0x3FA6] =	sst s1  }
0xa: {  	[smem:$0x3FA7] =	sst s2  }
0xb: {  	[smem:$0x3FA8] =	sst s3  }
0xc: {  	[smem:$0x3FA9] =	sst s4  }
0xd: {  	[smem:$0x3FAA] =	sst s5  }
0xe: {  	[smem:$0x3FAB] =	sst s6  }
0xf: {  	[smem:$0x3FAC] =	sst s7  }
0x10: {  	[smem:$0x3FAD] =	sst s8  }
0x11: {  	[smem:$0x3FAE] =	sst s9;
	s0 =	simm.s32 @!p0 $0x0  }
0x12: {  	s1 =	sld [smem:$0x3F94];
	s0 =	simm.s32 @p0 $0x1  }
0x13: {  	[smem:$0x3FAF] =	sst s0;
	s0 =	simm.s32 @!p1 $0x0  }
0x14: {  	s2 =	sld [smem:$0x3F93];
	s0 =	simm.s32 @p1 $0x1  }
0x15: {  	[smem:$0x3FB0] =	sst s0;
	s0 =	simm.s32 @!p2 $0x0  }
0x16: {  	s3 =	sld [smem:$0x3FDB];
	s0 =	simm.s32 @p2 $0x1  }
0x17: {  	s4 =	simm.s32 $0x1BF5;
	[smem:$0x3FB2] =	sst s0  }
0x18: {  	s0 =	sld [smem:$0x3F95];
	_ =	swait.ge [sflag:s4], $0x0  }
0x19: {  	s7 =	sld [smem:$0x3F96]  }
0x1a: {  	s8 =	sadd.s32 $0xFFFFE003, lr  }
0x1b: {  	s9 =	sadd.s32 $0xFFFFFEF7, lr;
	s5 =	simm.s32 $0xFFFFFFFF;
	p2 =	slt.u32 s8, $0xFFFFF086  }
0x1c: {  	p1 =	slt.u32 s9, $0xF7A;
	s5 =	simm.s32 @!p2 $0x0  }
0x1d: {  	s5 =	simm.s32 @p1 $0x1;
	p0 =	seq.s32 s7, s2  }
0x1e: {  	s7 =	smul.u32 @!p0 $0xF7A, s2;
	p2 =	seq.s32 @!p0 s5, $0x0  }
0x1f: {  	s9 =	smul.u32 $0xF7A, s1;
	s8 =	simm.s32 @!p0 $0x1BF5;
	p2 =	por !p2, p0  }
0x20: {  	[sflag:s8] =	ssyncset.s32 @!p0 $0xFFFFF086;
	s6 =	sadd.s32 @!p0 s3, s7;
	s7 =	simm.s32 @!p0 $0x108  }
0x21: {  	s3 =	sadd.s32 s3, s9;
	s6 =	sadd.s32 @!p0 $0x88, s6;
	s7 =	simm.s32 @p2 $0x1082  }
0x22: {  	[simem:s7], [sflag:s8] =	dma.local @!p0 [hbm:s6], $0xF7A  }
0x23: {  	s9 =	sor.u32 $0xD0000000, s2;
	s6 =	simm.s32 $0x108;
	_ =	swait.ge @!p0 [sflag:s8], $0x0  }
0x24: {  	s3 =	sadd.s32 $0x88, s3;
	s6 =	simm.s32 @!p1 $0x1082;
	[sflag:s4] =	ssyncset.s32 $0xFFFFF086  }
0x25: {  	[simem:s6], [sflag:s4] =	dma.local [hbm:s3], $0xF7A  }
0x26: {  	[smem:$0x3F96] =	sst s1;
	(tag) =	ssettag s2;
	_ =	strace s9  }
0x27: {  	s1 =	sld [smem:$0x3FA6]  }
0x28: {  	s2 =	sld [smem:$0x3FA7]  }
0x29: {  	s4 =	sld [smem:$0x3FA9]  }
0x2a: {  	p0 =	seq.s32 s5, $0x0;
	s5 =	sld [smem:$0x3FAA]  }
0x2b: {  	s6 =	sld [smem:$0x3FAB]  }
0x2c: {  	s7 =	sld [smem:$0x3FAC]  }
0x2d: {  	s3 =	simm.s32 $0x108;
	s8 =	sld [smem:$0x3FAD]  }
0x2e: {  	s3 =	simm.s32 @!p0 $0x1082;
	s9 =	sld [smem:$0x3FAE]  }
0x2f: {  	lr =	sadd.s32 s0, s3;
	s0 =	sld [smem:$0x3FA5]  }
0x30: {  	s3 =	sld [smem:$0x3FA8]  }
0x31: {  	[smem:$0x3FB1] =	sst s10  }
0x32: {  	s10 =	sld [smem:$0x3FAF];
	_ =	sdelay $0x3  }
0x33: {  	p0 =	seq.s32 s10, $0x1;
	s10 =	sld [smem:$0x3FB1];
	_ =	sdelay $0x3  }
0x34: {  	[smem:$0x3FB1] =	sst s10  }
0x35: {  	s10 =	sld [smem:$0x3FB0];
	_ =	sdelay $0x3  }
0x36: {  	p1 =	seq.s32 s10, $0x1;
	s10 =	sld [smem:$0x3FB1];
	_ =	sdelay $0x3  }
0x37: {  	[smem:$0x3FB1] =	sst s10  }
0x38: {  	s10 =	sld [smem:$0x3FB2]  }
0x39: {  	_ = 	snop;
	(pc) =	sbr.ind lr, $3  }
0x3a: {  	_ = 	snop  }
0x3b: {  	_ = 	snop  }
0x3c: {  	p2 =	seq.s32 s10, $0x1;
	s10 =	sld [smem:$0x3FB1]  }
0x3d: {  	_ =	shalt  }
0x3e: {  	_ =	shalt  }
0x3f: {  	_ =	shalt  }
0x40: {  	_ =	shalt  }
0x41: {  	_ =	shalt  }
0x42: {  	_ =	shalt  }
0x43: {  	_ =	shalt  }
0x44: {  	_ =	shalt  }
0x45: {  	_ =	shalt  }
0x46: {  	_ =	shalt  }
0x47: {  	_ =	shalt  }
0x48: {  	_ =	shalt  }
0x49: {  	_ =	shalt  }
0x4a: {  	_ =	shalt  }
0x4b: {  	_ =	shalt  }
0x4c: {  	_ =	shalt  }
0x4d: {  	_ =	shalt  }
0x4e: {  	_ =	shalt  }
0x4f: {  	_ =	shalt  }
0x50: {  	_ =	shalt  }
0x51: {  	_ =	shalt  }
0x52: {  	_ =	shalt  }
0x53: {  	_ =	shalt  }
0x54: {  	_ =	shalt  }
0x55: {  	_ =	shalt  }
0x56: {  	_ =	shalt  }
0x57: {  	_ =	shalt  }
0x58: {  	_ =	shalt  }
0x59: {  	_ =	shalt  }
0x5a: {  	_ =	shalt  }
0x5b: {  	_ =	shalt  }
0x5c: {  	_ =	shalt  }
0x5d: {  	_ =	shalt  }
0x5e: {  	_ =	shalt  }
0x5f: {  	_ =	shalt  }
0x60: {  	_ =	shalt  }
0x61: {  	_ =	shalt  }
0x62: {  	_ =	shalt  }
0x63: {  	_ =	shalt  }
0x64: {  	_ =	shalt  }
0x65: {  	_ =	shalt  }
0x66: {  	_ =	shalt  }
0x67: {  	_ =	shalt  }
0x68: {  	_ =	shalt  }
0x69: {  	_ =	shalt  }
0x6a: {  	_ =	shalt  }
0x6b: {  	_ =	shalt  }
0x6c: {  	_ =	shalt  }
0x6d: {  	_ =	shalt  }
0x6e: {  	_ =	shalt  }
0x6f: {  	_ =	shalt  }
0x70: {  	_ =	shalt  }
0x71: {  	_ =	shalt  }
0x72: {  	_ =	shalt  }
0x73: {  	_ =	shalt  }
0x74: {  	_ =	shalt  }
0x75: {  	_ =	shalt  }
0x76: {  	_ =	shalt  }
0x77: {  	_ =	shalt  }
0x78: {  	_ =	shalt  }
0x79: {  	_ =	shalt  }
0x7a: {  	_ =	shalt  }
0x7b: {  	_ =	shalt  }
0x7c: {  	_ =	shalt  }
0x7d: {  	_ =	shalt  }
0x7e: {  	_ =	shalt  }
0x7f: {  	_ =	shalt  }
0x80: {  	_ =	shalt  }
0x81: {  	_ =	shalt  }
0x82: {  	_ =	shalt  }
0x83: {  	_ =	shalt  }
0x84: {  	_ =	shalt  }
0x85: {  	_ =	shalt  }
0x86: {  	_ =	shalt  }
0x87: {  	_ =	shalt  }
.Lfunc_end0:
.L_simem_size_0:
called_computation_lowered:
.L_overlay_start_0:
0x88: {  	s2 =	sld [smem:$0x3FD9]  }
0x89: {  	s3 =	sld [smem:$0x3FFE];
	_ =	sdelay $0x1  }
0x8a: {  	s1 =	srdreg.scid  }
0x8b: {  	s0 =	sand.u32 $0x1, s1  }
0x8c: {  	s16 =	sshll.u32 s0, $0xA;
	s2 =	sadd.s32 s3, s2  }
0x8d: {  	s2 =	sadd.s32 s2, s16  }
0x8e: {  	[smem:$0x3FBD] =	sst s2  }
0x8f: {  	_ = 	snop  }
0x90: {  	(tm) =	ssettm $0x1  }
0x91: {  	s17 =	sld [smem:$0x3FFB];
	_ =	sdelay $0x3  }
0x92: {  	_ =	strace s17  }
0x93: {  	s2 =	sld [smem:$0x3FFC];
	_ =	sdelay $0x3  }
0x94: {  	_ =	strace s2  }
0x95: {  	s2 =	sld [smem:$0x3FFD];
	_ =	sdelay $0x3  }
0x96: {  	_ =	strace s2  }
0x97: {  	_ =	strace $0x8FFFFFFF  }
0x98: {  	s18 =	sld [smem:$0x3FDB];
	_ =	sdelay $0x1  }
0x99: {  	s19 =	simm.s32 $_scs_section_size  }
0x9a: {  	s4 =	simm.s32 $_size__tile_overlayer_lowered;
	s5 =	simm.s32 $_tile_overlayer_lowered  }
0x9b: {  	s22 =	simm.s32 $0x1BFF;
	s21 =	sshll.u32 s5, $0x1;
	s2 =	sadd.s32 s19, s18  }
0x9c: {  	s6 =	simm.s32 $0x0;
	s20 =	sshll.u32 s4, $0x1;
	s4 =	sadd.s32 s21, s2  }
0x9d: {  	[timem:s6], [sflag:s22] =	dma.local [hbm:s4], s20  }
0x9e: {  	_ =	swait.ge [sflag:s22], s20  }
0x9f: {  	s3 =	ssub.s32 $0x0, s20;
	[sflag:s22] =	ssyncset.done $0x0  }
0xa0: {  	[sflag:s22] =	ssyncadd.s32 s3;
	_ =	sdelay $0x1  }
0xa1: {  	s23 =	simm.s32 $0x1B8B  }
0xa2: {  	_ =	swait.ge [sflag:s23], $0x1  }
0xa3: {  	[sflag:s23] =	ssyncset.done $0x0  }
0xa4: {  	s25 =	simm.s32 $0x1B8E;
	s24 =	sld [smem:$0x3FFE];
	[sflag:s23] =	ssyncadd.s32 $0xFFFFFFFF  }
0xa5: {  	s26 =	simm.s32 $execute0_lowered;
	[smem:$0x3FD2] =	sst s25  }
0xa6: {  	s4 =	sshll.u32 s26, $0x1;
	_ =	strace $0x80000046;
	[dreg:$0x1] =	wrdreg $0xFFFFFFFF  }
0xa7: {  	s28 =	simm.s32 $_size_execute0_lowered;
	s2 =	sadd.s32 s2, s4;
	[dreg:$0x0] =	wrdreg $0x0  }
0xa8: {  	s4 =	sshll.u32 s28, $0x1;
	[dreg:$0x2] =	wrdreg s2  }
0xa9: {  	[dreg:$0x3] =	wrdreg s4  }
0xaa: {  	[dreg:$0x4] =	wrdreg $0xC0  }
0xab: {  	_ =	task [dreg:s6], $0x5FFFF  }
0xac: {  	[dreg:$0x1] =	wrdreg $0xFFFFFFFF  }
0xad: {  	[dreg:$0x0] =	wrdreg $0x60  }
0xae: {  	[dreg:$0x2] =	wrdreg s24  }
0xaf: {  	[dreg:$0x3] =	wrdreg $0x0  }
0xb0: {  	[dreg:$0x4] =	wrdreg $0x9  }
0xb1: {  	_ =	task.clear_ibuf [dreg:s6], $0x5FFFF;
	_ =	strace $0x90000046  }
0xb2: {  	s29 =	simm.s32 $0x9;
	_ =	strace $0x80000048  }
0xb3: {  	_ =	swait.ge [sflag:s29], $0x1  }
0xb4: {  	[sflag:s29] =	ssyncadd.s32 $0xFFFFFFFF  }
0xb5: {  	_ =	strace $0x90000048  }
0xb6: {  	_ =	sfence  }
0xb7: {  	s30 =	sld [smem:$0x0];
	_ =	sdelay $0x2  }
0xb8: {  	s31 =	sshll.u32 s1, $0xD;
	s1 =	sshrl.u32 s1, $0x2  }
0xb9: {  	s3 =	sand.u32 $0x4000, s31;
	s1 =	sadd.s32 s1, s30  }
0xba: {  	s0 =	sor.u32 s3, s0;
	s1 =	sshll.u32 s1, $0x11  }
0xbb: {  	s0 =	sor.u32 s1, s0  }
0xbc: {  	s0 =	sadd.s32 $0x8F2B, s0  }
0xbd: {  	[sflag:s0] =	ssyncadd.remote.s32 $0x1  }
0xbe: {  	_ =	sfence.sel $0xFFFF  }
0xbf: {  	[dreg:$0x0] =	wrdreg $0xFFFFFFFF;
	(pc) =	sbr.abs _section_cstart, $3  }
0xc0: {  	[dreg:$0x1] =	wrdreg $0xFFFFFFFF  }
0xc1: {  	_ =	task.clear_ibuf [dreg:s6], $0x2FFFF;
	_ =	strace $0x9FFFFFFF  }
0xc2: {  	(tm) =	ssettm $0x7FFFFFFF  }
0xc3: {  	_ =	shalt  }
tec
execute0_lowered:
.L_overlay_start_1:
0x0: {  	(tag) =	ssettag $0x1  }
0x1: {  	s0 =	srdreg.scid;
	s6 =	rddreg [dreg:$0x0]  }
0x2: {  	s2 =	rddreg [dreg:$0x1];
	s5 =	sand.u32 $0x1, s0;
	s0 =	stileid.u32  }
0x3: {  	s3 =	simm.s32 $0x0;
	s14 =	simm.s32 $0x80;
	s7 =	smul.u32 $0x2800, s0  }
0x4: {  	s15 =	simm.s32 $0x1;
	s16 =	simm.s32 $0x0;
	s8 =	smul.u32 $0x28000, s5  }
0x5: {  	[smem:$0x7FF] =	sst s3;
	s1 =	sshll.u32 s5, $0x4;
	s10 =	smul.u32 $0x50000, s0  }
0x6: {  	s5 =	ssub.s32 $0x2, s5;
	s12 =	sshll.u32 s0, $0x6;
	s4 =	sor.u32 s0, s1  }
0x7: {  	s1 =	rddreg [dreg:$0x2];
	_ =	strace $0x80000047;
	s29 =	sshrl.u32 s5, $0x1  }
0x8: {  	s12 =	sor.u32 $0x1C02, s12;
	s4 =	smul.u32 $0x500, s4;
	s11 =	sadd.s32 s7, s6  }
0x9: {  	s7 =	sadd.s32 s7, s8;
	s30 =	sshrl.u32 s10, $0x2;
	s31 =	ssub.s32 s5, s29  }
0xa: {  	s10 =	simm.s32 $0x2;
	s7 =	sadd.s32 s7, s6;
	s13 =	sadd.s32 s30, s2  }
0xb: {  	s8 =	smax.u32 s31, $0x1;
	s9 =	sadd.s32 s4, s6;
	s4 =	sadd.s32 $0x41000, s6  }
0xc: {  	s6 =	sadd.s32 $0x19000, s11;
	s7 =	sadd.s32 $0x41800, s7;
	s11 =	simm.s32 $0x14000  }
0xd: {  	s13 =	sshrl.u32 s13, $0x3;
	s5 =	sadd.s32 $0x5000, s9;
	s9 =	simm.s32 $0x16800  }
.LBB2_1:
0xe: {  	[tilespmem:s9], [sflag:$0x2] =	stream.linear.gather [hbm4b:s4+s3], $0x4000, $0x38;
	[tilespmem:$0x1A800] =	vst v63  }
0xf: {  	_ =	swait.ge [sflag:s10], $0x4000  }
0x10: {  	[sflag:s10] =	ssyncset.done $0x0  }
0x11: {  	[sflag:s10] =	ssyncadd.s32 $0xFFFFC000  }
0x12: {  	[tilespmem:s11], [sflag:$0x2] =	stream.linear.gather [hbm4b:s5+s3], $0x2800, $0x38;
	[tilespmem:$0x1A800] =	vst v63  }
0x13: {  	_ =	swait.ge [sflag:s10], $0x2800  }
0x14: {  	[sflag:s10] =	ssyncset.done $0x0  }
0x15: {  	[sflag:s10] =	ssyncadd.s32 $0xFFFFD800  }
0x16: {  	[spmem:s13], [sflag:s12] =	dma.local [hbm:s6], $0x2800  }
0x17: {  	_ =	swait.ge [sflag:s10], $0x2800  }
0x18: {  	[sflag:s10] =	ssyncset.done $0x0  }
0x19: {  	[sflag:s10] =	ssyncadd.s32 $0xFFFFD800  }
0x1a: {  	s17 =	simm.s32 $0x14000;
	[bflag:$0x0] =	sbarrier.arrive $0xFFFF  }
0x1b: {  	[spmem:s2] =	stream.indirect.scatter.add.f32 [tilespmem:s9], [sflag:$0x1], $0x80, s17, s14, $0xb8;
	[tilespmem:$0x1A800] =	vst v63  }
0x1c: {  	s17 =	simm.s32 $0x200;
	_ =	swait.ge [sflag:s15], $0x4000  }
.LBB2_2:
0x1d: {  	s18 =	sshra.s32 s17, $0x2;
	[sflag:s15] =	ssyncset.done $0x0;
	p0 =	sne.s32 s17, $0x9E00  }
.Ltmp0:
0x1e: {  	s18 =	sadd.s32 $0x14000, s18;
	[sflag:s15] =	ssyncadd.s32 $0xFFFFC000;
	(pc) =	sbr.rel @p0 .LBB2_2-.Ltmp0, $3  }
0x1f: {  	[spmem:s2] =	stream.indirect.scatter.add.f32 [tilespmem:s9], [sflag:$0x1], $0x80, s18, s14, $0xb8;
	[tilespmem:$0x1A800] =	vst v63  }
0x20: {  	s17 =	sadd.s32 $0x200, s17;
	_ =	sdelay $0x1  }
0x21: {  	_ =	swait.ge [sflag:s15], $0x4000  }
0x22: {  	[sflag:s15] =	ssyncset.done $0x0;
	s16 =	sadd.s32 $0x1, s16  }
0x23: {  	[sflag:s15] =	ssyncadd.s32 $0xFFFFC000;
	p0 =	sne.s32 s16, s8  }
.Ltmp1:
0x24: {  	[bflag:$0x0] =	sbarrier.arrive $0xFFFF;
	(pc) =	sbr.rel @p0 .LBB2_1-.Ltmp1, $4  }
0x25: {  	[hbm:s7], [sflag:s12] =	dma.local [spmem:s13], $0x2800  }
0x26: {  	_ =	swait.ge [sflag:s10], $0x2800  }
0x27: {  	[sflag:s10] =	ssyncset.done $0x0  }
0x28: {  	[sflag:s10] =	ssyncadd.s32 $0xFFFFD800  }
0x29: {  	_ =	sfence.sel $0x180000  }
0x2a: {  	[bflag:$0x0] =	sbarrier.arrive $0xFFFF  }
0x2b: {  	p0 =	sne.s32 s0, $0x0;
	_ =	strace $0x90000047  }
0x2c: {  	s0 =	sadd.s32 @!p0 $0x100000, s1;
	[bflag:$0x2] =	sbarrier.arrive $0xFFFF  }
0x2d: {  	[sflag:s0] =	ssyncadd.tile.s32 @!p0 $0x1;
	_ =	shalt  }
.Lfunc_end2:
_tile_overlayer_lowered:
.L_overlay_start_2:
0x2e: {  	(tag) =	ssettag $0x2  }
0x2f: {  	s0 =	rddreg [dreg:$0x0];
	s2 =	stileid.u32  }
0x30: {  	s1 =	rddreg [dreg:$0x1];
	p0 =	sne.s32 s2, $0x0  }
0x31: {  	s3 =	rddreg [dreg:$0x2];
	[bflag:$0x3] =	sbarrier.arrive $0xFFFF;
	s2 =	simm.s32 @!p0 $0x1C02  }
0x32: {  	[timem:s3], [sflag:s2] =	dma.local @!p0 [hbm:s0], s1  }
0x33: {  	s0 =	simm.s32 @!p0 $0x2  }
0x34: {  	_ =	swait.ge @!p0 [sflag:s0], s1  }
0x35: {  	s1 =	ssub.s32 @!p0 $0x0, s1;
	[sflag:s0] =	ssyncset.done @!p0 $0x0  }
0x36: {  	[sflag:s0] =	ssyncadd.s32 @!p0 s1  }
0x37: {  	[bflag:$0x3] =	sbarrier.arrive $0xFFFF  }
0x38: {  	_ =	shalt  }

// kernel: kernel.13.cloned.1.call-start
scs
__scs_entry_jumppad:
0x0: {  	(pc) =	sbr.rel $0x88, $3  }
0x1: {  	(tag) =	ssettag $0x0;
	lr =	simm.s32 $0x1  }
0x2: {  	[smem:$0x3F96] =	sst lr;
	_ =	strace $0xD0000000  }
0x3: {  	_ = 	snop  }
0x4: {  	_ = 	snop  }
0x5: {  	_ = 	snop  }
0x6: {  	_ = 	snop  }
0x7: {  	_ = 	snop  }
__scs_overlays_trampoline_lowered:
0x8: {  	[smem:$0x3FA5] =	sst s0  }
0x9: {  	[smem:$0x3FA6] =	sst s1  }
0xa: {  	[smem:$0x3FA7] =	sst s2  }
0xb: {  	[smem:$0x3FA8] =	sst s3  }
0xc: {  	[smem:$0x3FA9] =	sst s4  }
0xd: {  	[smem:$0x3FAA] =	sst s5  }
0xe: {  	[smem:$0x3FAB] =	sst s6  }
0xf: {  	[smem:$0x3FAC] =	sst s7  }
0x10: {  	[smem:$0x3FAD] =	sst s8  }
0x11: {  	[smem:$0x3FAE] =	sst s9;
	s0 =	simm.s32 @!p0 $0x0  }
0x12: {  	s1 =	sld [smem:$0x3F94];
	s0 =	simm.s32 @p0 $0x1  }
0x13: {  	[smem:$0x3FAF] =	sst s0;
	s0 =	simm.s32 @!p1 $0x0  }
0x14: {  	s2 =	sld [smem:$0x3F93];
	s0 =	simm.s32 @p1 $0x1  }
0x15: {  	[smem:$0x3FB0] =	sst s0;
	s0 =	simm.s32 @!p2 $0x0  }
0x16: {  	s3 =	sld [smem:$0x3FDB];
	s0 =	simm.s32 @p2 $0x1  }
0x17: {  	s4 =	simm.s32 $0x1BF5;
	[smem:$0x3FB2] =	sst s0  }
0x18: {  	s0 =	sld [smem:$0x3F95];
	_ =	swait.ge [sflag:s4], $0x0  }
0x19: {  	s7 =	sld [smem:$0x3F96]  }
0x1a: {  	s8 =	sadd.s32 $0xFFFFE003, lr  }
0x1b: {  	s9 =	sadd.s32 $0xFFFFFEF7, lr;
	s5 =	simm.s32 $0xFFFFFFFF;
	p2 =	slt.u32 s8, $0xFFFFF086  }
0x1c: {  	p1 =	slt.u32 s9, $0xF7A;
	s5 =	simm.s32 @!p2 $0x0  }
0x1d: {  	s5 =	simm.s32 @p1 $0x1;
	p0 =	seq.s32 s7, s2  }
0x1e: {  	s7 =	smul.u32 @!p0 $0xF7A, s2;
	p2 =	seq.s32 @!p0 s5, $0x0  }
0x1f: {  	s9 =	smul.u32 $0xF7A, s1;
	s8 =	simm.s32 @!p0 $0x1BF5;
	p2 =	por !p2, p0  }
0x20: {  	[sflag:s8] =	ssyncset.s32 @!p0 $0xFFFFF086;
	s6 =	sadd.s32 @!p0 s3, s7;
	s7 =	simm.s32 @!p0 $0x108  }
0x21: {  	s3 =	sadd.s32 s3, s9;
	s6 =	sadd.s32 @!p0 $0x88, s6;
	s7 =	simm.s32 @p2 $0x1082  }
0x22: {  	[simem:s7], [sflag:s8] =	dma.local @!p0 [hbm:s6], $0xF7A  }
0x23: {  	s9 =	sor.u32 $0xD0000000, s2;
	s6 =	simm.s32 $0x108;
	_ =	swait.ge @!p0 [sflag:s8], $0x0  }
0x24: {  	s3 =	sadd.s32 $0x88, s3;
	s6 =	simm.s32 @!p1 $0x1082;
	[sflag:s4] =	ssyncset.s32 $0xFFFFF086  }
0x25: {  	[simem:s6], [sflag:s4] =	dma.local [hbm:s3], $0xF7A  }
0x26: {  	[smem:$0x3F96] =	sst s1;
	(tag) =	ssettag s2;
	_ =	strace s9  }
0x27: {  	s1 =	sld [smem:$0x3FA6]  }
0x28: {  	s2 =	sld [smem:$0x3FA7]  }
0x29: {  	s4 =	sld [smem:$0x3FA9]  }
0x2a: {  	p0 =	seq.s32 s5, $0x0;
	s5 =	sld [smem:$0x3FAA]  }
0x2b: {  	s6 =	sld [smem:$0x3FAB]  }
0x2c: {  	s7 =	sld [smem:$0x3FAC]  }
0x2d: {  	s3 =	simm.s32 $0x108;
	s8 =	sld [smem:$0x3FAD]  }
0x2e: {  	s3 =	simm.s32 @!p0 $0x1082;
	s9 =	sld [smem:$0x3FAE]  }
0x2f: {  	lr =	sadd.s32 s0, s3;
	s0 =	sld [smem:$0x3FA5]  }
0x30: {  	s3 =	sld [smem:$0x3FA8]  }
0x31: {  	[smem:$0x3FB1] =	sst s10  }
0x32: {  	s10 =	sld [smem:$0x3FAF];
	_ =	sdelay $0x3  }
0x33: {  	p0 =	seq.s32 s10, $0x1;
	s10 =	sld [smem:$0x3FB1];
	_ =	sdelay $0x3  }
0x34: {  	[smem:$0x3FB1] =	sst s10  }
0x35: {  	s10 =	sld [smem:$0x3FB0];
	_ =	sdelay $0x3  }
0x36: {  	p1 =	seq.s32 s10, $0x1;
	s10 =	sld [smem:$0x3FB1];
	_ =	sdelay $0x3  }
0x37: {  	[smem:$0x3FB1] =	sst s10  }
0x38: {  	s10 =	sld [smem:$0x3FB2]  }
0x39: {  	_ = 	snop;
	(pc) =	sbr.ind lr, $3  }
0x3a: {  	_ = 	snop  }
0x3b: {  	_ = 	snop  }
0x3c: {  	p2 =	seq.s32 s10, $0x1;
	s10 =	sld [smem:$0x3FB1]  }
0x3d: {  	_ =	shalt  }
0x3e: {  	_ =	shalt  }
0x3f: {  	_ =	shalt  }
0x40: {  	_ =	shalt  }
0x41: {  	_ =	shalt  }
0x42: {  	_ =	shalt  }
0x43: {  	_ =	shalt  }
0x44: {  	_ =	shalt  }
0x45: {  	_ =	shalt  }
0x46: {  	_ =	shalt  }
0x47: {  	_ =	shalt  }
0x48: {  	_ =	shalt  }
0x49: {  	_ =	shalt  }
0x4a: {  	_ =	shalt  }
0x4b: {  	_ =	shalt  }
0x4c: {  	_ =	shalt  }
0x4d: {  	_ =	shalt  }
0x4e: {  	_ =	shalt  }
0x4f: {  	_ =	shalt  }
0x50: {  	_ =	shalt  }
0x51: {  	_ =	shalt  }
0x52: {  	_ =	shalt  }
0x53: {  	_ =	shalt  }
0x54: {  	_ =	shalt  }
0x55: {  	_ =	shalt  }
0x56: {  	_ =	shalt  }
0x57: {  	_ =	shalt  }
0x58: {  	_ =	shalt  }
0x59: {  	_ =	shalt  }
0x5a: {  	_ =	shalt  }
0x5b: {  	_ =	shalt  }
0x5c: {  	_ =	shalt  }
0x5d: {  	_ =	shalt  }
0x5e: {  	_ =	shalt  }
0x5f: {  	_ =	shalt  }
0x60: {  	_ =	shalt  }
0x61: {  	_ =	shalt  }
0x62: {  	_ =	shalt  }
0x63: {  	_ =	shalt  }
0x64: {  	_ =	shalt  }
0x65: {  	_ =	shalt  }
0x66: {  	_ =	shalt  }
0x67: {  	_ =	shalt  }
0x68: {  	_ =	shalt  }
0x69: {  	_ =	shalt  }
0x6a: {  	_ =	shalt  }
0x6b: {  	_ =	shalt  }
0x6c: {  	_ =	shalt  }
0x6d: {  	_ =	shalt  }
0x6e: {  	_ =	shalt  }
0x6f: {  	_ =	shalt  }
0x70: {  	_ =	shalt  }
0x71: {  	_ =	shalt  }
0x72: {  	_ =	shalt  }
0x73: {  	_ =	shalt  }
0x74: {  	_ =	shalt  }
0x75: {  	_ =	shalt  }
0x76: {  	_ =	shalt  }
0x77: {  	_ =	shalt  }
0x78: {  	_ =	shalt  }
0x79: {  	_ =	shalt  }
0x7a: {  	_ =	shalt  }
0x7b: {  	_ =	shalt  }
0x7c: {  	_ =	shalt  }
0x7d: {  	_ =	shalt  }
0x7e: {  	_ =	shalt  }
0x7f: {  	_ =	shalt  }
0x80: {  	_ =	shalt  }
0x81: {  	_ =	shalt  }
0x82: {  	_ =	shalt  }
0x83: {  	_ =	shalt  }
0x84: {  	_ =	shalt  }
0x85: {  	_ =	shalt  }
0x86: {  	_ =	shalt  }
0x87: {  	_ =	shalt  }
.Lfunc_end0:
.L_simem_size_0:
called_computation.1_lowered:
.L_overlay_start_0:
0x88: {  	s2 =	sld [smem:$0x3FD9]  }
0x89: {  	s3 =	sld [smem:$0x3FFE];
	_ =	sdelay $0x1  }
0x8a: {  	s1 =	srdreg.scid  }
0x8b: {  	s0 =	sand.u32 $0x1, s1  }
0x8c: {  	s16 =	sshll.u32 s0, $0xA;
	s2 =	sadd.s32 s3, s2  }
0x8d: {  	s2 =	sadd.s32 s2, s16  }
0x8e: {  	[smem:$0x3FBD] =	sst s2  }
0x8f: {  	_ = 	snop  }
0x90: {  	(tm) =	ssettm $0x1  }
0x91: {  	s17 =	sld [smem:$0x3FFB];
	_ =	sdelay $0x3  }
0x92: {  	_ =	strace s17  }
0x93: {  	s2 =	sld [smem:$0x3FFC];
	_ =	sdelay $0x3  }
0x94: {  	_ =	strace s2  }
0x95: {  	s2 =	sld [smem:$0x3FFD];
	_ =	sdelay $0x3  }
0x96: {  	_ =	strace s2  }
0x97: {  	_ =	strace $0x8FFFFFFF  }
0x98: {  	s18 =	sld [smem:$0x3FDB];
	_ =	sdelay $0x1  }
0x99: {  	s19 =	simm.s32 $_scs_section_size  }
0x9a: {  	s4 =	simm.s32 $_size__tile_overlayer_lowered;
	s5 =	simm.s32 $_tile_overlayer_lowered  }
0x9b: {  	s22 =	simm.s32 $0x1BFF;
	s21 =	sshll.u32 s5, $0x1;
	s2 =	sadd.s32 s19, s18  }
0x9c: {  	s6 =	simm.s32 $0x0;
	s20 =	sshll.u32 s4, $0x1;
	s4 =	sadd.s32 s21, s2  }
0x9d: {  	[timem:s6], [sflag:s22] =	dma.local [hbm:s4], s20  }
0x9e: {  	_ =	swait.ge [sflag:s22], s20  }
0x9f: {  	s3 =	ssub.s32 $0x0, s20;
	[sflag:s22] =	ssyncset.done $0x0  }
0xa0: {  	[sflag:s22] =	ssyncadd.s32 s3;
	_ =	sdelay $0x1  }
0xa1: {  	s23 =	simm.s32 $0x1B8B  }
0xa2: {  	_ =	swait.ge [sflag:s23], $0x1  }
0xa3: {  	[sflag:s23] =	ssyncset.done $0x0  }
0xa4: {  	s25 =	simm.s32 $0x1B8E;
	s24 =	sld [smem:$0x3FFE];
	[sflag:s23] =	ssyncadd.s32 $0xFFFFFFFF  }
0xa5: {  	s26 =	simm.s32 $execute0_lowered;
	[smem:$0x3FD2] =	sst s25  }
0xa6: {  	s4 =	sshll.u32 s26, $0x1;
	_ =	strace $0x80000049;
	[dreg:$0x1] =	wrdreg $0xFFFFFFFF  }
0xa7: {  	s28 =	simm.s32 $_size_execute0_lowered;
	s2 =	sadd.s32 s2, s4;
	[dreg:$0x0] =	wrdreg $0x0  }
0xa8: {  	s4 =	sshll.u32 s28, $0x1;
	[dreg:$0x2] =	wrdreg s2  }
0xa9: {  	[dreg:$0x3] =	wrdreg s4  }
0xaa: {  	[dreg:$0x4] =	wrdreg $0xC0  }
0xab: {  	_ =	task [dreg:s6], $0x5FFFF  }
0xac: {  	[dreg:$0x1] =	wrdreg $0xFFFFFFFF  }
0xad: {  	[dreg:$0x0] =	wrdreg $0x60  }
0xae: {  	[dreg:$0x2] =	wrdreg s24  }
0xaf: {  	[dreg:$0x3] =	wrdreg $0x0  }
0xb0: {  	[dreg:$0x4] =	wrdreg $0x9  }
0xb1: {  	_ =	task.clear_ibuf [dreg:s6], $0x5FFFF;
	_ =	strace $0x90000049  }
0xb2: {  	s29 =	simm.s32 $0x9;
	_ =	strace $0x8000004B  }
0xb3: {  	_ =	swait.ge [sflag:s29], $0x1  }
0xb4: {  	[sflag:s29] =	ssyncadd.s32 $0xFFFFFFFF  }
0xb5: {  	_ =	strace $0x9000004B  }
0xb6: {  	_ =	sfence  }
0xb7: {  	s30 =	sld [smem:$0x0];
	_ =	sdelay $0x2  }
0xb8: {  	s31 =	sshll.u32 s1, $0xD;
	s1 =	sshrl.u32 s1, $0x2  }
0xb9: {  	s3 =	sand.u32 $0x4000, s31;
	s1 =	sadd.s32 s1, s30  }
0xba: {  	s0 =	sor.u32 s3, s0;
	s1 =	sshll.u32 s1, $0x11  }
0xbb: {  	s0 =	sor.u32 s1, s0  }
0xbc: {  	s0 =	sadd.s32 $0x8F2B, s0  }
0xbd: {  	[sflag:s0] =	ssyncadd.remote.s32 $0x1  }
0xbe: {  	_ =	sfence.sel $0xFFFF  }
0xbf: {  	[dreg:$0x0] =	wrdreg $0xFFFFFFFF;
	(pc) =	sbr.abs _section_cstart, $3  }
0xc0: {  	[dreg:$0x1] =	wrdreg $0xFFFFFFFF  }
0xc1: {  	_ =	task.clear_ibuf [dreg:s6], $0x2FFFF;
	_ =	strace $0x9FFFFFFF  }
0xc2: {  	(tm) =	ssettm $0x7FFFFFFF  }
0xc3: {  	_ =	shalt  }
tec
execute0_lowered:
.L_overlay_start_1:
0x0: {  	(tag) =	ssettag $0x1  }
0x1: {  	s0 =	rddreg [dreg:$0x0]  }
0x2: {  	s2 =	rddreg [dreg:$0x1];
	s14 =	stileid.u32  }
0x3: {  	s1 =	srdreg.scid;
	s3 =	simm.s32 $0x0;
	s31 =	simm.s32 $0x14100  }
0x4: {  	s30 =	simm.s32 $0x40;
	s7 =	smul.u32 $0x2800, s14;
	s1 =	sand.u32 $0x1, s1  }
0x5: {  	[smem:$0x7FF] =	sst s3;
	s4 =	sadd.s32 $0x41000, s0;
	s5 =	sadd.s32 $0x91800, s0  }
0x6: {  	s6 =	sadd.s32 $0xF000, s0;
	s25 =	sshll.u32 s14, $0xC;
	s8 =	smul.u32 $0x28000, s1  }
0x7: {  	_ =	strace $0x8000004A;
	s24 =	ssub.s32 $0x2, s1;
	p0 =	seq.s32 s1, $0x0  }
0x8: {  	s1 =	sshll.u32 s14, $0xE;
	s10 =	sor.u32 $0x40000, s25;
	s9 =	sadd.s32 s7, s0  }
0x9: {  	s11 =	sshrl.u32 s24, $0x1;
	s10 =	smov.u32 @p0 s1;
	s1 =	simm.s32 $0x14180  }
0xa: {  	s7 =	sadd.s32 s7, s8;
	s28 =	sshrl.u32 s10, $0x3;
	s9 =	sadd.s32 $0x19000, s9  }
0xb: {  	s26 =	ssub.s32 s24, s11;
	s29 =	sadd.s32 s5, s28;
	[dreg:$0x10] =	wrdreg s9  }
0xc: {  	s24 =	sshll.u32 s14, $0x6;
	s12 =	sadd.s32 s6, s28;
	[dreg:$0x5] =	wrdreg s29  }
0xd: {  	s13 =	sor.u32 $0x8, s28;
	s26 =	smax.u32 s26, $0x1;
	[dreg:$0x6] =	wrdreg s12  }
0xe: {  	s8 =	simm.s32 $0x14800;
	s12 =	sadd.s32 s5, s13;
	[dreg:$0x12] =	wrdreg s26  }
0xf: {  	s15 =	sor.u32 $0x10, s28;
	s11 =	sadd.s32 s6, s13;
	[dreg:$0x7] =	wrdreg s12  }
0x10: {  	s17 =	sor.u32 $0x18, s28;
	s16 =	sadd.s32 s5, s15;
	[dreg:$0x8] =	wrdreg s11  }
0x11: {  	s19 =	sor.u32 $0x20, s28;
	s18 =	sadd.s32 s5, s17;
	[dreg:$0x9] =	wrdreg s16  }
0x12: {  	s0 =	sadd.s32 s7, s0;
	s20 =	sadd.s32 s5, s19;
	[dreg:$0xb] =	wrdreg s18  }
0x13: {  	s28 =	sor.u32 $0x28, s28;
	s0 =	sadd.s32 $0x9B800, s0;
	[dreg:$0xd] =	wrdreg s20  }
0x14: {  	s7 =	simm.s32 $0x100;
	s29 =	sadd.s32 s5, s28;
	[dreg:$0x11] =	wrdreg s0  }
0x15: {  	s9 =	simm.s32 $0x2;
	s11 =	sadd.s32 s6, s15;
	[dreg:$0x13] =	wrdreg s29  }
0x16: {  	s7 =	simm.s32 @!p0 $0x40;
	s12 =	sadd.s32 s6, s17;
	[dreg:$0xa] =	wrdreg s11  }
0x17: {  	s13 =	smul.u32 $0x50000, s14;
	s23 =	sadd.s32 $0xFFFFFFFA, s7;
	[dreg:$0xc] =	wrdreg s12  }
0x18: {  	s25 =	sadd.s32 $0xFFFFFFFC, s7;
	s20 =	sor.u32 $0x1C04, s24;
	[dreg:$0x3] =	wrdreg s23  }
0x19: {  	s0 =	sadd.s32 s6, s28;
	s21 =	sshrl.u32 s13, $0x2;
	[dreg:$0x4] =	wrdreg s25  }
0x1a: {  	s11 =	sadd.s32 s6, s19;
	[dreg:$0x14] =	wrdreg s0;
	s25 =	sor.u32 $0x180, s10  }
0x1b: {  	s0 =	simm.s32 $0x4;
	[dreg:$0xe] =	wrdreg s11;
	s22 =	sadd.s32 s21, s2  }
0x1c: {  	s10 =	simm.s32 $0x3;
	s11 =	simm.s32 $0x0;
	[dreg:$0xf] =	wrdreg s22  }
.LBB2_1:
0x1d: {  	s12 =	rddreg [dreg:$0x5]  }
0x1e: {  	s22 =	rddreg [dreg:$0x6]  }
0x1f: {  	s14 =	simm.s32 $0x14000;
	s23 =	rddreg [dreg:$0x7]  }
0x20: {  	[tilespmem:s14], [sflag:$0x1] =	stream.linear.gather [hbm4b:s12+s3], $0x40, $0x38;
	[tilespmem:$0x1C800] =	vst v63  }
0x21: {  	s15 =	simm.s32 $0x14400;
	s24 =	rddreg [dreg:$0x8]  }
0x22: {  	[tilespmem:s15], [sflag:$0x1] =	stream.linear.gather [hbm4b:s22+s3], $0x40, $0x38;
	[tilespmem:$0x1C800] =	vst v63  }
0x23: {  	s16 =	simm.s32 $0x14080;
	s26 =	rddreg [dreg:$0x9]  }
0x24: {  	[tilespmem:s16], [sflag:$0x1] =	stream.linear.gather [hbm4b:s23+s3], $0x40, $0x38;
	[tilespmem:$0x1C800] =	vst v63  }
0x25: {  	s13 =	simm.s32 $0x14480;
	s28 =	rddreg [dreg:$0xa]  }
0x26: {  	[tilespmem:s13], [sflag:$0x1] =	stream.linear.gather [hbm4b:s24+s3], $0x40, $0x38;
	[tilespmem:$0x1C800] =	vst v63  }
0x27: {  	s17 =	rddreg [dreg:$0xb]  }
0x28: {  	[tilespmem:s31], [sflag:$0x1] =	stream.linear.gather [hbm4b:s26+s3], $0x40, $0x38;
	[tilespmem:$0x1C800] =	vst v63  }
0x29: {  	s29 =	simm.s32 $0x14500;
	s18 =	rddreg [dreg:$0xc]  }
0x2a: {  	[tilespmem:s29], [sflag:$0x1] =	stream.linear.gather [hbm4b:s28+s3], $0x40, $0x38;
	[tilespmem:$0x1C800] =	vst v63  }
0x2b: {  	s21 =	rddreg [dreg:$0xd]  }
0x2c: {  	[tilespmem:s1], [sflag:$0x1] =	stream.linear.gather [hbm4b:s17+s3], $0x40, $0x38;
	[tilespmem:$0x1C800] =	vst v63  }
0x2d: {  	s19 =	simm.s32 $0x14580;
	s23 =	rddreg [dreg:$0xe]  }
0x2e: {  	[tilespmem:s19], [sflag:$0x1] =	stream.linear.gather [hbm4b:s18+s3], $0x40, $0x38;
	[tilespmem:$0x1C800] =	vst v63  }
0x2f: {  	s22 =	simm.s32 $0x14200;
	s26 =	rddreg [dreg:$0xf]  }
0x30: {  	[tilespmem:s22], [sflag:$0x1] =	stream.linear.gather [hbm4b:s21+s3], $0x40, $0x38;
	[tilespmem:$0x1C800] =	vst v63  }
0x31: {  	s24 =	simm.s32 $0x14600;
	s12 =	sshrl.u32 s26, $0x3;
	s28 =	rddreg [dreg:$0x10]  }
0x32: {  	[tilespmem:s24], [sflag:$0x1] =	stream.linear.gather [hbm4b:s23+s3], $0x40, $0x38;
	[tilespmem:$0x1C800] =	vst v63  }
0x33: {  	[spmem:s12], [sflag:s20] =	dma.local [hbm:s28], $0x2800  }
0x34: {  	_ =	swait.ge [sflag:s0], $0x2800  }
0x35: {  	[sflag:s0] =	ssyncset.done $0x0  }
0x36: {  	[sflag:s0] =	ssyncadd.s32 $0xFFFFD800  }
0x37: {  	s29 =	simm.s32 $0x1;
	[bflag:$0x0] =	sbarrier.arrive $0xFFFF  }
0x38: {  	_ =	swait.ge [sflag:s29], $0x40  }
0x39: {  	[sflag:s29] =	ssyncset.done $0x0  }
0x3a: {  	[sflag:s29] =	ssyncadd.s32 $0xFFFFFFC0  }
0x3b: {  	_ =	swait.ge [sflag:s29], $0x40  }
0x3c: {  	[sflag:s29] =	ssyncset.done $0x0  }
0x3d: {  	[sflag:s29] =	ssyncadd.s32 $0xFFFFFFC0  }
0x3e: {  	[tilespmem:s8], [sflag:$0x2] =	stream.indirect.gather [hbm4b:s4+s30], $0x80, s14, s30, $0xb8;
	[tilespmem:$0x1C800] =	vst v63  }
0x3f: {  	_ =	swait.ge [sflag:s29], $0x40  }
0x40: {  	[sflag:s29] =	ssyncset.done $0x0  }
0x41: {  	[sflag:s29] =	ssyncadd.s32 $0xFFFFFFC0  }
0x42: {  	_ =	swait.ge [sflag:s29], $0x40  }
0x43: {  	[sflag:s29] =	ssyncset.done $0x0  }
0x44: {  	s17 =	simm.s32 $0x16800;
	[sflag:s29] =	ssyncadd.s32 $0xFFFFFFC0  }
0x45: {  	[tilespmem:s17], [sflag:$0x2] =	stream.indirect.gather [hbm4b:s4+s30], $0x80, s16, s30, $0xb8;
	[tilespmem:$0x1C800] =	vst v63  }
0x46: {  	_ =	swait.ge [sflag:s29], $0x40  }
0x47: {  	[sflag:s29] =	ssyncset.done $0x0  }
0x48: {  	[sflag:s29] =	ssyncadd.s32 $0xFFFFFFC0  }
0x49: {  	_ =	swait.ge [sflag:s29], $0x40  }
0x4a: {  	[sflag:s29] =	ssyncset.done $0x0  }
0x4b: {  	s18 =	simm.s32 $0x18800;
	[sflag:s29] =	ssyncadd.s32 $0xFFFFFFC0  }
0x4c: {  	[tilespmem:s18], [sflag:$0x2] =	stream.indirect.gather [hbm4b:s4+s30], $0x80, s31, s30, $0xb8;
	[tilespmem:$0x1C800] =	vst v63  }
0x4d: {  	_ =	swait.ge [sflag:s9], $0x2000  }
0x4e: {  	[sflag:s9] =	ssyncset.done $0x0  }
0x4f: {  	s21 =	simm.s32 $0x14280;
	s19 =	rddreg [dreg:$0x13];
	[sflag:s9] =	ssyncadd.s32 $0xFFFFE000  }
0x50: {  	[tilespmem:s21], [sflag:$0x1] =	stream.linear.gather [hbm4b:s19+s3], $0x40, $0x38;
	[tilespmem:$0x1C800] =	vst v63  }
0x51: {  	s23 =	simm.s32 $0x14680;
	s22 =	rddreg [dreg:$0x14]  }
0x52: {  	[tilespmem:s23], [sflag:$0x1] =	stream.linear.gather [hbm4b:s22+s3], $0x40, $0x38;
	[tilespmem:$0x1C800] =	vst v63  }
0x53: {  	_ =	swait.ge [sflag:s29], $0x40  }
0x54: {  	[sflag:s29] =	ssyncset.done $0x0  }
0x55: {  	[sflag:s29] =	ssyncadd.s32 $0xFFFFFFC0  }
0x56: {  	_ =	swait.ge [sflag:s29], $0x40  }
0x57: {  	[sflag:s29] =	ssyncset.done $0x0  }
0x58: {  	s24 =	simm.s32 $0x1A800;
	[sflag:s29] =	ssyncadd.s32 $0xFFFFFFC0  }
0x59: {  	[tilespmem:s24], [sflag:$0x2] =	stream.indirect.gather [hbm4b:s4+s30], $0x80, s1, s30, $0xb8;
	[tilespmem:$0x1C800] =	vst v63  }
0x5a: {  	_ = 	snop  }
0x5b: {  	[spmem:s2] =	stream.indirect.scatter.add.f32 [tilespmem:s8], [sflag:$0x3], $0x80, s15, s30, $0xb8;
	[tilespmem:$0x1C800] =	vst v63  }
0x5c: {  	_ =	swait.ge [sflag:s9], $0x2000  }
0x5d: {  	p1 =	sne.s32 s7, $0x2;
	s13 =	simm.s32 $0x2;
	[sflag:s9] =	ssyncset.done $0x0  }
0x5e: {  	s28 =	simm.s32 $0x8000;
	s14 =	simm.s32 $0xA00;
	[sflag:s9] =	ssyncadd.s32 $0xFFFFE000  }
0x5f: {  	s17 =	simm.s32 $0x300;
	s18 =	simm.s32 $0x20000;
	_ =	swait.ge [sflag:s10], $0x2000  }
0x60: {  	s19 =	simm.s32 $0x800;
	s29 =	simm.s32 $0x200;
	s26 =	rddreg [dreg:$0x3]  }
0x61: {  	s15 =	sadd.s32 $0x40, s25;
	[sflag:s10] =	ssyncset.done $0x0;
	s21 =	rddreg [dreg:$0x4]  }
0x62: {  	p2 =	slt.s32 s26, $0x1;
	[sflag:s10] =	ssyncadd.s32 $0xFFFFE000;
	p0 =	slt.s32 s21, $0x1  }
0x63: {  	s22 =	sand.u32 @!p2 $0x380, s17;
	s23 =	sshrl.u32 @!p2 s25, $0x3;
	s26 =	simm.s32 @!p2 $0x0  }
0x64: {  	s19 =	sand.u32 @!p0 $0xE00, s19;
	s16 =	sor.u32 @!p2 $0x14000, s22;
	s17 =	sadd.s32 @!p2 s5, s23  }
0x65: {  	s21 =	sor.u32 @!p2 $0x14400, s22;
	s22 =	sadd.s32 @!p2 s6, s23;
	s23 =	sand.u32 @!p0 $0x18000, s18  }
0x66: {  	[tilespmem:s16], [sflag:$0x1] =	stream.linear.gather @!p2 [hbm4b:s17+s26], $0x40, $0x38;
	[tilespmem:$0x1C800] =	vst v63  }
0x67: {  	s18 =	simm.s32 @!p0 $0x1;
	s16 =	simm.s32 $0x380;
	s17 =	simm.s32 $0x28000  }
0x68: {  	[tilespmem:s21], [sflag:$0x1] =	stream.linear.gather @!p2 [hbm4b:s22+s26], $0x40, $0x38;
	[tilespmem:$0x1C800] =	vst v63  }
.Ltmp0:
0x69: {  	s23 =	sshrl.u32 @!p0 s23, $0x2;
	_ =	swait.ge @!p0 [sflag:s18], $0x40;
	(pc) =	sbr.rel @!p1 .LBB2_3-.Ltmp0, $4  }
0x6a: {  	s21 =	sshrl.u32 @!p0 s19, $0x2;
	s19 =	sadd.s32 @!p0 $0x14800, s23;
	[sflag:s18] =	ssyncset.done @!p0 $0x0  }
0x6b: {  	s22 =	simm.s32 @!p0 $0x40;
	s26 =	sand.u32 $0xE00, s29;
	[sflag:s18] =	ssyncadd.s32 @!p0 $0xFFFFFFC0  }
0x6c: {  	s23 =	sand.u32 $0x18000, s28;
	s26 =	sshrl.u32 s26, $0x2;
	_ =	swait.ge @!p0 [sflag:s18], $0x40  }
0x6d: {  	s23 =	sshrl.u32 s23, $0x2;
	s26 =	sor.u32 $0x14400, s26;
	[sflag:s18] =	ssyncset.done @!p0 $0x0  }
.LBB2_2:
0x6e: {  	s21 =	sor.u32 @!p0 $0x14000, s21;
	[sflag:s18] =	ssyncadd.s32 @!p0 $0xFFFFFFC0  }
0x6f: {  	[tilespmem:s19], [sflag:$0x2] =	stream.indirect.gather @!p0 [hbm4b:s4+s22], $0x80, s21, s22, $0xb8;
	[tilespmem:$0x1C800] =	vst v63  }
0x70: {  	s23 =	sadd.s32 $0x14800, s23  }
0x71: {  	[spmem:s2] =	stream.indirect.scatter.add.f32 [tilespmem:s23], [sflag:$0x3], $0x80, s26, s30, $0xb8;
	[tilespmem:$0x1C800] =	vst v63  }
0x72: {  	s18 =	smov.u32 s13;
	s13 =	sadd.s32 $0x1, s13;
	_ =	swait.ge [sflag:s9], $0x2000  }
0x73: {  	s22 =	smov.u32 s14;
	p1 =	sne.s32 s7, s13;
	[sflag:s9] =	ssyncset.done $0x0  }
0x74: {  	s19 =	smov.u32 s15;
	s21 =	smov.u32 s16;
	[sflag:s9] =	ssyncadd.s32 $0xFFFFE000  }
0x75: {  	s14 =	sadd.s32 $0x200, s14;
	s15 =	sadd.s32 $0x40, s15;
	_ =	swait.ge [sflag:s10], $0x2000  }
0x76: {  	s16 =	sadd.s32 $0x80, s16;
	s23 =	smov.u32 s17;
	s24 =	rddreg [dreg:$0x3]  }
0x77: {  	s17 =	sadd.s32 $0x8000, s17;
	[sflag:s10] =	ssyncset.done $0x0;
	s28 =	rddreg [dreg:$0x4]  }
0x78: {  	[sflag:s10] =	ssyncadd.s32 $0xFFFFE000;
	p2 =	sgt.s32 s18, s24;
	p0 =	sgt.s32 s18, s28  }
0x79: {  	s21 =	sand.u32 @!p2 $0x380, s21;
	s19 =	sshrl.u32 @!p2 s19, $0x3;
	s26 =	simm.s32 @!p2 $0x0  }
0x7a: {  	s28 =	sand.u32 @!p0 $0xE00, s22;
	s18 =	simm.s32 @!p0 $0x1;
	s24 =	sor.u32 @!p2 $0x14000, s21  }
0x7b: {  	s29 =	sadd.s32 @!p2 s5, s19;
	s21 =	sor.u32 @!p2 $0x14400, s21;
	s19 =	sadd.s32 @!p2 s6, s19  }
0x7c: {  	[tilespmem:s24], [sflag:$0x1] =	stream.linear.gather @!p2 [hbm4b:s29+s26], $0x40, $0x38;
	[tilespmem:$0x1C800] =	vst v63  }
0x7d: {  	s24 =	sand.u32 @!p0 $0x18000, s23;
	s23 =	sadd.s32 $0xFFFE8000, s23;
	s29 =	sadd.s32 $0xFFFFFA00, s22  }
0x7e: {  	[tilespmem:s21], [sflag:$0x1] =	stream.linear.gather @!p2 [hbm4b:s19+s26], $0x40, $0x38;
	[tilespmem:$0x1C800] =	vst v63  }
.Ltmp1:
0x7f: {  	s22 =	simm.s32 @!p0 $0x40;
	_ =	swait.ge @!p0 [sflag:s18], $0x40;
	(pc) =	sbr.rel @p1 .LBB2_2-.Ltmp1, $4  }
0x80: {  	s24 =	sshrl.u32 @!p0 s24, $0x2;
	s23 =	sand.u32 $0x18000, s23;
	[sflag:s18] =	ssyncset.done @!p0 $0x0  }
0x81: {  	s19 =	sadd.s32 @!p0 $0x14800, s24;
	s24 =	sand.u32 $0xE00, s29;
	[sflag:s18] =	ssyncadd.s32 @!p0 $0xFFFFFFC0  }
0x82: {  	s21 =	sshrl.u32 @!p0 s28, $0x2;
	s24 =	sshrl.u32 s24, $0x2;
	_ =	swait.ge @!p0 [sflag:s18], $0x40  }
0x83: {  	s23 =	sshrl.u32 s23, $0x2;
	s26 =	sor.u32 $0x14400, s24;
	[sflag:s18] =	ssyncset.done @!p0 $0x0  }
.LBB2_3:
0x84: {  	s13 =	sor.u32 @!p0 $0x14000, s21;
	[sflag:s18] =	ssyncadd.s32 @!p0 $0xFFFFFFC0  }
0x85: {  	[tilespmem:s19], [sflag:$0x2] =	stream.indirect.gather @!p0 [hbm4b:s4+s22], $0x80, s13, s22, $0xb8;
	[tilespmem:$0x1C800] =	vst v63  }
0x86: {  	s24 =	sadd.s32 $0x14800, s23  }
0x87: {  	[spmem:s2] =	stream.indirect.scatter.add.f32 [tilespmem:s24], [sflag:$0x3], $0x80, s26, s30, $0xb8;
	[tilespmem:$0x1C800] =	vst v63  }
0x88: {  	_ =	swait.ge [sflag:s10], $0x2000  }
0x89: {  	[sflag:s10] =	ssyncset.done $0x0  }
0x8a: {  	[sflag:s10] =	ssyncadd.s32 $0xFFFFE000  }
0x8b: {  	[bflag:$0x0] =	sbarrier.arrive $0xFFFF  }
0x8c: {  	s28 =	rddreg [dreg:$0x11]  }
0x8d: {  	[hbm:s28], [sflag:s20] =	dma.local [spmem:s12], $0x2800  }
0x8e: {  	_ =	swait.ge [sflag:s0], $0x2800  }
0x8f: {  	s11 =	sadd.s32 $0x1, s11;
	s29 =	rddreg [dreg:$0x12]  }
0x90: {  	p0 =	sne.s32 s11, s29  }
.Ltmp2:
0x91: {  	_ = 	snop;
	(pc) =	sbr.rel @p0 .LBB2_1-.Ltmp2, $3  }
0x92: {  	_ =	sdelay $0x1  }
0x93: {  	[sflag:s0] =	ssyncset.done $0x0  }
0x94: {  	[sflag:s0] =	ssyncadd.s32 $0xFFFFD800  }
0x95: {  	_ =	sfence.sel $0x180000  }
0x96: {  	[bflag:$0x0] =	sbarrier.arrive $0xFFFF  }
0x97: {  	_ =	strace $0x9000004A  }
0x98: {  	s0 =	stileid.u32;
	[bflag:$0x2] =	sbarrier.arrive $0xFFFF  }
0x99: {  	p0 =	sne.s32 s0, $0x0;
	s0 =	rddreg [dreg:$0x2]  }
0x9a: {  	s0 =	sadd.s32 @!p0 $0x100000, s0  }
0x9b: {  	[sflag:s0] =	ssyncadd.tile.s32 @!p0 $0x1;
	_ =	shalt  }
.Lfunc_end2:
_tile_overlayer_lowered:
.L_overlay_start_2:
0x9c: {  	(tag) =	ssettag $0x2  }
0x9d: {  	s0 =	rddreg [dreg:$0x0];
	s2 =	stileid.u32  }
0x9e: {  	s1 =	rddreg [dreg:$0x1];
	p0 =	sne.s32 s2, $0x0  }
0x9f: {  	s3 =	rddreg [dreg:$0x2];
	[bflag:$0x3] =	sbarrier.arrive $0xFFFF;
	s2 =	simm.s32 @!p0 $0x1C04  }
0xa0: {  	[timem:s3], [sflag:s2] =	dma.local @!p0 [hbm:s0], s1  }
0xa1: {  	s0 =	simm.s32 @!p0 $0x4  }
0xa2: {  	_ =	swait.ge @!p0 [sflag:s0], s1  }
0xa3: {  	s1 =	ssub.s32 @!p0 $0x0, s1;
	[sflag:s0] =	ssyncset.done @!p0 $0x0  }
0xa4: {  	[sflag:s0] =	ssyncadd.s32 @!p0 s1  }
0xa5: {  	[bflag:$0x3] =	sbarrier.arrive $0xFFFF  }
0xa6: {  	_ =	shalt  }

// kernel: kernel.16.cloned.1.call-start
scs
__scs_entry_jumppad:
0x0: {  	(pc) =	sbr.rel $0x88, $3  }
0x1: {  	(tag) =	ssettag $0x0;
	lr =	simm.s32 $0x1  }
0x2: {  	[smem:$0x3F96] =	sst lr;
	_ =	strace $0xD0000000  }
0x3: {  	_ = 	snop  }
0x4: {  	_ = 	snop  }
0x5: {  	_ = 	snop  }
0x6: {  	_ = 	snop  }
0x7: {  	_ = 	snop  }
__scs_overlays_trampoline_lowered:
0x8: {  	[smem:$0x3FA5] =	sst s0  }
0x9: {  	[smem:$0x3FA6] =	sst s1  }
0xa: {  	[smem:$0x3FA7] =	sst s2  }
0xb: {  	[smem:$0x3FA8] =	sst s3  }
0xc: {  	[smem:$0x3FA9] =	sst s4  }
0xd: {  	[smem:$0x3FAA] =	sst s5  }
0xe: {  	[smem:$0x3FAB] =	sst s6  }
0xf: {  	[smem:$0x3FAC] =	sst s7  }
0x10: {  	[smem:$0x3FAD] =	sst s8  }
0x11: {  	[smem:$0x3FAE] =	sst s9;
	s0 =	simm.s32 @!p0 $0x0  }
0x12: {  	s1 =	sld [smem:$0x3F94];
	s0 =	simm.s32 @p0 $0x1  }
0x13: {  	[smem:$0x3FAF] =	sst s0;
	s0 =	simm.s32 @!p1 $0x0  }
0x14: {  	s2 =	sld [smem:$0x3F93];
	s0 =	simm.s32 @p1 $0x1  }
0x15: {  	[smem:$0x3FB0] =	sst s0;
	s0 =	simm.s32 @!p2 $0x0  }
0x16: {  	s3 =	sld [smem:$0x3FDB];
	s0 =	simm.s32 @p2 $0x1  }
0x17: {  	s4 =	simm.s32 $0x1BF5;
	[smem:$0x3FB2] =	sst s0  }
0x18: {  	s0 =	sld [smem:$0x3F95];
	_ =	swait.ge [sflag:s4], $0x0  }
0x19: {  	s7 =	sld [smem:$0x3F96]  }
0x1a: {  	s8 =	sadd.s32 $0xFFFFE003, lr  }
0x1b: {  	s9 =	sadd.s32 $0xFFFFFEF7, lr;
	s5 =	simm.s32 $0xFFFFFFFF;
	p2 =	slt.u32 s8, $0xFFFFF086  }
0x1c: {  	p1 =	slt.u32 s9, $0xF7A;
	s5 =	simm.s32 @!p2 $0x0  }
0x1d: {  	s5 =	simm.s32 @p1 $0x1;
	p0 =	seq.s32 s7, s2  }
0x1e: {  	s7 =	smul.u32 @!p0 $0xF7A, s2;
	p2 =	seq.s32 @!p0 s5, $0x0  }
0x1f: {  	s9 =	smul.u32 $0xF7A, s1;
	s8 =	simm.s32 @!p0 $0x1BF5;
	p2 =	por !p2, p0  }
0x20: {  	[sflag:s8] =	ssyncset.s32 @!p0 $0xFFFFF086;
	s6 =	sadd.s32 @!p0 s3, s7;
	s7 =	simm.s32 @!p0 $0x108  }
0x21: {  	s3 =	sadd.s32 s3, s9;
	s6 =	sadd.s32 @!p0 $0x88, s6;
	s7 =	simm.s32 @p2 $0x1082  }
0x22: {  	[simem:s7], [sflag:s8] =	dma.local @!p0 [hbm:s6], $0xF7A  }
0x23: {  	s9 =	sor.u32 $0xD0000000, s2;
	s6 =	simm.s32 $0x108;
	_ =	swait.ge @!p0 [sflag:s8], $0x0  }
0x24: {  	s3 =	sadd.s32 $0x88, s3;
	s6 =	simm.s32 @!p1 $0x1082;
	[sflag:s4] =	ssyncset.s32 $0xFFFFF086  }
0x25: {  	[simem:s6], [sflag:s4] =	dma.local [hbm:s3], $0xF7A  }
0x26: {  	[smem:$0x3F96] =	sst s1;
	(tag) =	ssettag s2;
	_ =	strace s9  }
0x27: {  	s1 =	sld [smem:$0x3FA6]  }
0x28: {  	s2 =	sld [smem:$0x3FA7]  }
0x29: {  	s4 =	sld [smem:$0x3FA9]  }
0x2a: {  	p0 =	seq.s32 s5, $0x0;
	s5 =	sld [smem:$0x3FAA]  }
0x2b: {  	s6 =	sld [smem:$0x3FAB]  }
0x2c: {  	s7 =	sld [smem:$0x3FAC]  }
0x2d: {  	s3 =	simm.s32 $0x108;
	s8 =	sld [smem:$0x3FAD]  }
0x2e: {  	s3 =	simm.s32 @!p0 $0x1082;
	s9 =	sld [smem:$0x3FAE]  }
0x2f: {  	lr =	sadd.s32 s0, s3;
	s0 =	sld [smem:$0x3FA5]  }
0x30: {  	s3 =	sld [smem:$0x3FA8]  }
0x31: {  	[smem:$0x3FB1] =	sst s10  }
0x32: {  	s10 =	sld [smem:$0x3FAF];
	_ =	sdelay $0x3  }
0x33: {  	p0 =	seq.s32 s10, $0x1;
	s10 =	sld [smem:$0x3FB1];
	_ =	sdelay $0x3  }
0x34: {  	[smem:$0x3FB1] =	sst s10  }
0x35: {  	s10 =	sld [smem:$0x3FB0];
	_ =	sdelay $0x3  }
0x36: {  	p1 =	seq.s32 s10, $0x1;
	s10 =	sld [smem:$0x3FB1];
	_ =	sdelay $0x3  }
0x37: {  	[smem:$0x3FB1] =	sst s10  }
0x38: {  	s10 =	sld [smem:$0x3FB2]  }
0x39: {  	_ = 	snop;
	(pc) =	sbr.ind lr, $3  }
0x3a: {  	_ = 	snop  }
0x3b: {  	_ = 	snop  }
0x3c: {  	p2 =	seq.s32 s10, $0x1;
	s10 =	sld [smem:$0x3FB1]  }
0x3d: {  	_ =	shalt  }
0x3e: {  	_ =	shalt  }
0x3f: {  	_ =	shalt  }
0x40: {  	_ =	shalt  }
0x41: {  	_ =	shalt  }
0x42: {  	_ =	shalt  }
0x43: {  	_ =	shalt  }
0x44: {  	_ =	shalt  }
0x45: {  	_ =	shalt  }
0x46: {  	_ =	shalt  }
0x47: {  	_ =	shalt  }
0x48: {  	_ =	shalt  }
0x49: {  	_ =	shalt  }
0x4a: {  	_ =	shalt  }
0x4b: {  	_ =	shalt  }
0x4c: {  	_ =	shalt  }
0x4d: {  	_ =	shalt  }
0x4e: {  	_ =	shalt  }
0x4f: {  	_ =	shalt  }
0x50: {  	_ =	shalt  }
0x51: {  	_ =	shalt  }
0x52: {  	_ =	shalt  }
0x53: {  	_ =	shalt  }
0x54: {  	_ =	shalt  }
0x55: {  	_ =	shalt  }
0x56: {  	_ =	shalt  }
0x57: {  	_ =	shalt  }
0x58: {  	_ =	shalt  }
0x59: {  	_ =	shalt  }
0x5a: {  	_ =	shalt  }
0x5b: {  	_ =	shalt  }
0x5c: {  	_ =	shalt  }
0x5d: {  	_ =	shalt  }
0x5e: {  	_ =	shalt  }
0x5f: {  	_ =	shalt  }
0x60: {  	_ =	shalt  }
0x61: {  	_ =	shalt  }
0x62: {  	_ =	shalt  }
0x63: {  	_ =	shalt  }
0x64: {  	_ =	shalt  }
0x65: {  	_ =	shalt  }
0x66: {  	_ =	shalt  }
0x67: {  	_ =	shalt  }
0x68: {  	_ =	shalt  }
0x69: {  	_ =	shalt  }
0x6a: {  	_ =	shalt  }
0x6b: {  	_ =	shalt  }
0x6c: {  	_ =	shalt  }
0x6d: {  	_ =	shalt  }
0x6e: {  	_ =	shalt  }
0x6f: {  	_ =	shalt  }
0x70: {  	_ =	shalt  }
0x71: {  	_ =	shalt  }
0x72: {  	_ =	shalt  }
0x73: {  	_ =	shalt  }
0x74: {  	_ =	shalt  }
0x75: {  	_ =	shalt  }
0x76: {  	_ =	shalt  }
0x77: {  	_ =	shalt  }
0x78: {  	_ =	shalt  }
0x79: {  	_ =	shalt  }
0x7a: {  	_ =	shalt  }
0x7b: {  	_ =	shalt  }
0x7c: {  	_ =	shalt  }
0x7d: {  	_ =	shalt  }
0x7e: {  	_ =	shalt  }
0x7f: {  	_ =	shalt  }
0x80: {  	_ =	shalt  }
0x81: {  	_ =	shalt  }
0x82: {  	_ =	shalt  }
0x83: {  	_ =	shalt  }
0x84: {  	_ =	shalt  }
0x85: {  	_ =	shalt  }
0x86: {  	_ =	shalt  }
0x87: {  	_ =	shalt  }
.Lfunc_end0:
.L_simem_size_0:
called_computation.2_lowered:
.L_overlay_start_0:
0x88: {  	s2 =	sld [smem:$0x3FD9]  }
0x89: {  	s3 =	sld [smem:$0x3FFE];
	_ =	sdelay $0x1  }
0x8a: {  	s1 =	srdreg.scid  }
0x8b: {  	s0 =	sand.u32 $0x1, s1  }
0x8c: {  	s16 =	sshll.u32 s0, $0xA;
	s2 =	sadd.s32 s3, s2  }
0x8d: {  	s2 =	sadd.s32 s2, s16  }
0x8e: {  	[smem:$0x3FBD] =	sst s2  }
0x8f: {  	_ = 	snop  }
0x90: {  	(tm) =	ssettm $0x1  }
0x91: {  	s17 =	sld [smem:$0x3FFB];
	_ =	sdelay $0x3  }
0x92: {  	_ =	strace s17  }
0x93: {  	s2 =	sld [smem:$0x3FFC];
	_ =	sdelay $0x3  }
0x94: {  	_ =	strace s2  }
0x95: {  	s2 =	sld [smem:$0x3FFD];
	_ =	sdelay $0x3  }
0x96: {  	_ =	strace s2  }
0x97: {  	_ =	strace $0x8FFFFFFF  }
0x98: {  	s18 =	sld [smem:$0x3FDB];
	_ =	sdelay $0x1  }
0x99: {  	s19 =	simm.s32 $_scs_section_size  }
0x9a: {  	s4 =	simm.s32 $_size__tile_overlayer_lowered;
	s5 =	simm.s32 $_tile_overlayer_lowered  }
0x9b: {  	s22 =	simm.s32 $0x1BFF;
	s21 =	sshll.u32 s5, $0x1;
	s2 =	sadd.s32 s19, s18  }
0x9c: {  	s6 =	simm.s32 $0x0;
	s20 =	sshll.u32 s4, $0x1;
	s4 =	sadd.s32 s21, s2  }
0x9d: {  	[timem:s6], [sflag:s22] =	dma.local [hbm:s4], s20  }
0x9e: {  	_ =	swait.ge [sflag:s22], s20  }
0x9f: {  	s3 =	ssub.s32 $0x0, s20;
	[sflag:s22] =	ssyncset.done $0x0  }
0xa0: {  	[sflag:s22] =	ssyncadd.s32 s3;
	_ =	sdelay $0x1  }
0xa1: {  	s23 =	simm.s32 $0x1B8B  }
0xa2: {  	_ =	swait.ge [sflag:s23], $0x1  }
0xa3: {  	[sflag:s23] =	ssyncset.done $0x0  }
0xa4: {  	s25 =	simm.s32 $0x1B8E;
	s24 =	sld [smem:$0x3FFE];
	[sflag:s23] =	ssyncadd.s32 $0xFFFFFFFF  }
0xa5: {  	s26 =	simm.s32 $execute0_lowered;
	[smem:$0x3FD2] =	sst s25  }
0xa6: {  	s4 =	sshll.u32 s26, $0x1;
	_ =	strace $0x8000004C;
	[dreg:$0x1] =	wrdreg $0xFFFFFFFF  }
0xa7: {  	s28 =	simm.s32 $_size_execute0_lowered;
	s2 =	sadd.s32 s2, s4;
	[dreg:$0x0] =	wrdreg $0x0  }
0xa8: {  	s4 =	sshll.u32 s28, $0x1;
	[dreg:$0x2] =	wrdreg s2  }
0xa9: {  	[dreg:$0x3] =	wrdreg s4  }
0xaa: {  	[dreg:$0x4] =	wrdreg $0xC0  }
0xab: {  	_ =	task [dreg:s6], $0x5FFFF  }
0xac: {  	[dreg:$0x1] =	wrdreg $0xFFFFFFFF  }
0xad: {  	[dreg:$0x0] =	wrdreg $0x60  }
0xae: {  	[dreg:$0x2] =	wrdreg s24  }
0xaf: {  	[dreg:$0x3] =	wrdreg $0x0  }
0xb0: {  	[dreg:$0x4] =	wrdreg $0x9  }
0xb1: {  	_ =	task.clear_ibuf [dreg:s6], $0x5FFFF;
	_ =	strace $0x9000004C  }
0xb2: {  	s29 =	simm.s32 $0x9;
	_ =	strace $0x8000004E  }
0xb3: {  	_ =	swait.ge [sflag:s29], $0x1  }
0xb4: {  	[sflag:s29] =	ssyncadd.s32 $0xFFFFFFFF  }
0xb5: {  	_ =	strace $0x9000004E  }
0xb6: {  	_ =	sfence  }
0xb7: {  	s30 =	sld [smem:$0x0];
	_ =	sdelay $0x2  }
0xb8: {  	s31 =	sshll.u32 s1, $0xD;
	s1 =	sshrl.u32 s1, $0x2  }
0xb9: {  	s3 =	sand.u32 $0x4000, s31;
	s1 =	sadd.s32 s1, s30  }
0xba: {  	s0 =	sor.u32 s3, s0;
	s1 =	sshll.u32 s1, $0x11  }
0xbb: {  	s0 =	sor.u32 s1, s0  }
0xbc: {  	s0 =	sadd.s32 $0x8F2B, s0  }
0xbd: {  	[sflag:s0] =	ssyncadd.remote.s32 $0x1  }
0xbe: {  	_ =	sfence.sel $0xFFFF  }
0xbf: {  	[dreg:$0x0] =	wrdreg $0xFFFFFFFF;
	(pc) =	sbr.abs _section_cstart, $3  }
0xc0: {  	[dreg:$0x1] =	wrdreg $0xFFFFFFFF  }
0xc1: {  	_ =	task.clear_ibuf [dreg:s6], $0x2FFFF;
	_ =	strace $0x9FFFFFFF  }
0xc2: {  	(tm) =	ssettm $0x7FFFFFFF  }
0xc3: {  	_ =	shalt  }
tec
execute0_lowered:
.L_overlay_start_1:
0x0: {  	(tag) =	ssettag $0x1  }
0x1: {  	s0 =	rddreg [dreg:$0x0]  }
0x2: {  	s2 =	rddreg [dreg:$0x1];
	s14 =	stileid.u32  }
0x3: {  	s1 =	srdreg.scid;
	s3 =	simm.s32 $0x0;
	s31 =	simm.s32 $0x14100  }
0x4: {  	s30 =	simm.s32 $0x40;
	s7 =	smul.u32 $0x2800, s14;
	s1 =	sand.u32 $0x1, s1  }
0x5: {  	[smem:$0x7FF] =	sst s3;
	s4 =	sadd.s32 $0x41000, s0;
	s5 =	sadd.s32 $0x91800, s0  }
0x6: {  	s6 =	sadd.s32 $0xF000, s0;
	s25 =	sshll.u32 s14, $0xC;
	s8 =	smul.u32 $0x28000, s1  }
0x7: {  	_ =	strace $0x8000004D;
	s24 =	ssub.s32 $0x2, s1;
	p0 =	seq.s32 s1, $0x0  }
0x8: {  	s1 =	sshll.u32 s14, $0xE;
	s10 =	sor.u32 $0x40000, s25;
	s9 =	sadd.s32 s7, s0  }
0x9: {  	s11 =	sshrl.u32 s24, $0x1;
	s10 =	smov.u32 @p0 s1;
	s1 =	simm.s32 $0x14180  }
0xa: {  	s7 =	sadd.s32 s7, s8;
	s28 =	sshrl.u32 s10, $0x3;
	s9 =	sadd.s32 $0x19000, s9  }
0xb: {  	s26 =	ssub.s32 s24, s11;
	s29 =	sadd.s32 s5, s28;
	[dreg:$0x10] =	wrdreg s9  }
0xc: {  	s24 =	sshll.u32 s14, $0x6;
	s12 =	sadd.s32 s6, s28;
	[dreg:$0x5] =	wrdreg s29  }
0xd: {  	s13 =	sor.u32 $0x8, s28;
	s26 =	smax.u32 s26, $0x1;
	[dreg:$0x6] =	wrdreg s12  }
0xe: {  	s8 =	simm.s32 $0x14800;
	s12 =	sadd.s32 s5, s13;
	[dreg:$0x12] =	wrdreg s26  }
0xf: {  	s15 =	sor.u32 $0x10, s28;
	s11 =	sadd.s32 s6, s13;
	[dreg:$0x7] =	wrdreg s12  }
0x10: {  	s17 =	sor.u32 $0x18, s28;
	s16 =	sadd.s32 s5, s15;
	[dreg:$0x8] =	wrdreg s11  }
0x11: {  	s19 =	sor.u32 $0x20, s28;
	s18 =	sadd.s32 s5, s17;
	[dreg:$0x9] =	wrdreg s16  }
0x12: {  	s0 =	sadd.s32 s7, s0;
	s20 =	sadd.s32 s5, s19;
	[dreg:$0xb] =	wrdreg s18  }
0x13: {  	s28 =	sor.u32 $0x28, s28;
	s0 =	sadd.s32 $0x9B800, s0;
	[dreg:$0xd] =	wrdreg s20  }
0x14: {  	s7 =	simm.s32 $0x100;
	s29 =	sadd.s32 s5, s28;
	[dreg:$0x11] =	wrdreg s0  }
0x15: {  	s9 =	simm.s32 $0x2;
	s11 =	sadd.s32 s6, s15;
	[dreg:$0x13] =	wrdreg s29  }
0x16: {  	s7 =	simm.s32 @!p0 $0x40;
	s12 =	sadd.s32 s6, s17;
	[dreg:$0xa] =	wrdreg s11  }
0x17: {  	s13 =	smul.u32 $0x50000, s14;
	s23 =	sadd.s32 $0xFFFFFFFA, s7;
	[dreg:$0xc] =	wrdreg s12  }
0x18: {  	s25 =	sadd.s32 $0xFFFFFFFC, s7;
	s20 =	sor.u32 $0x1C04, s24;
	[dreg:$0x3] =	wrdreg s23  }
0x19: {  	s0 =	sadd.s32 s6, s28;
	s21 =	sshrl.u32 s13, $0x2;
	[dreg:$0x4] =	wrdreg s25  }
0x1a: {  	s11 =	sadd.s32 s6, s19;
	[dreg:$0x14] =	wrdreg s0;
	s25 =	sor.u32 $0x180, s10  }
0x1b: {  	s0 =	simm.s32 $0x4;
	[dreg:$0xe] =	wrdreg s11;
	s22 =	sadd.s32 s21, s2  }
0x1c: {  	s10 =	simm.s32 $0x3;
	s11 =	simm.s32 $0x0;
	[dreg:$0xf] =	wrdreg s22  }
.LBB2_1:
0x1d: {  	s12 =	rddreg [dreg:$0x5]  }
0x1e: {  	s22 =	rddreg [dreg:$0x6]  }
0x1f: {  	s14 =	simm.s32 $0x14000;
	s23 =	rddreg [dreg:$0x7]  }
0x20: {  	[tilespmem:s14], [sflag:$0x1] =	stream.linear.gather [hbm4b:s12+s3], $0x40, $0x38;
	[tilespmem:$0x1C800] =	vst v63  }
0x21: {  	s15 =	simm.s32 $0x14400;
	s24 =	rddreg [dreg:$0x8]  }
0x22: {  	[tilespmem:s15], [sflag:$0x1] =	stream.linear.gather [hbm4b:s22+s3], $0x40, $0x38;
	[tilespmem:$0x1C800] =	vst v63  }
0x23: {  	s16 =	simm.s32 $0x14080;
	s26 =	rddreg [dreg:$0x9]  }
0x24: {  	[tilespmem:s16], [sflag:$0x1] =	stream.linear.gather [hbm4b:s23+s3], $0x40, $0x38;
	[tilespmem:$0x1C800] =	vst v63  }
0x25: {  	s13 =	simm.s32 $0x14480;
	s28 =	rddreg [dreg:$0xa]  }
0x26: {  	[tilespmem:s13], [sflag:$0x1] =	stream.linear.gather [hbm4b:s24+s3], $0x40, $0x38;
	[tilespmem:$0x1C800] =	vst v63  }
0x27: {  	s17 =	rddreg [dreg:$0xb]  }
0x28: {  	[tilespmem:s31], [sflag:$0x1] =	stream.linear.gather [hbm4b:s26+s3], $0x40, $0x38;
	[tilespmem:$0x1C800] =	vst v63  }
0x29: {  	s29 =	simm.s32 $0x14500;
	s18 =	rddreg [dreg:$0xc]  }
0x2a: {  	[tilespmem:s29], [sflag:$0x1] =	stream.linear.gather [hbm4b:s28+s3], $0x40, $0x38;
	[tilespmem:$0x1C800] =	vst v63  }
0x2b: {  	s21 =	rddreg [dreg:$0xd]  }
0x2c: {  	[tilespmem:s1], [sflag:$0x1] =	stream.linear.gather [hbm4b:s17+s3], $0x40, $0x38;
	[tilespmem:$0x1C800] =	vst v63  }
0x2d: {  	s19 =	simm.s32 $0x14580;
	s23 =	rddreg [dreg:$0xe]  }
0x2e: {  	[tilespmem:s19], [sflag:$0x1] =	stream.linear.gather [hbm4b:s18+s3], $0x40, $0x38;
	[tilespmem:$0x1C800] =	vst v63  }
0x2f: {  	s22 =	simm.s32 $0x14200;
	s26 =	rddreg [dreg:$0xf]  }
0x30: {  	[tilespmem:s22], [sflag:$0x1] =	stream.linear.gather [hbm4b:s21+s3], $0x40, $0x38;
	[tilespmem:$0x1C800] =	vst v63  }
0x31: {  	s24 =	simm.s32 $0x14600;
	s12 =	sshrl.u32 s26, $0x3;
	s28 =	rddreg [dreg:$0x10]  }
0x32: {  	[tilespmem:s24], [sflag:$0x1] =	stream.linear.gather [hbm4b:s23+s3], $0x40, $0x38;
	[tilespmem:$0x1C800] =	vst v63  }
0x33: {  	[spmem:s12], [sflag:s20] =	dma.local [hbm:s28], $0x2800  }
0x34: {  	_ =	swait.ge [sflag:s0], $0x2800  }
0x35: {  	[sflag:s0] =	ssyncset.done $0x0  }
0x36: {  	[sflag:s0] =	ssyncadd.s32 $0xFFFFD800  }
0x37: {  	s29 =	simm.s32 $0x1;
	[bflag:$0x0] =	sbarrier.arrive $0xFFFF  }
0x38: {  	_ =	swait.ge [sflag:s29], $0x40  }
0x39: {  	[sflag:s29] =	ssyncset.done $0x0  }
0x3a: {  	[sflag:s29] =	ssyncadd.s32 $0xFFFFFFC0  }
0x3b: {  	_ =	swait.ge [sflag:s29], $0x40  }
0x3c: {  	[sflag:s29] =	ssyncset.done $0x0  }
0x3d: {  	[sflag:s29] =	ssyncadd.s32 $0xFFFFFFC0  }
0x3e: {  	[tilespmem:s8], [sflag:$0x2] =	stream.indirect.gather [hbm4b:s4+s30], $0x80, s14, s30, $0xb8;
	[tilespmem:$0x1C800] =	vst v63  }
0x3f: {  	_ =	swait.ge [sflag:s29], $0x40  }
0x40: {  	[sflag:s29] =	ssyncset.done $0x0  }
0x41: {  	[sflag:s29] =	ssyncadd.s32 $0xFFFFFFC0  }
0x42: {  	_ =	swait.ge [sflag:s29], $0x40  }
0x43: {  	[sflag:s29] =	ssyncset.done $0x0  }
0x44: {  	s17 =	simm.s32 $0x16800;
	[sflag:s29] =	ssyncadd.s32 $0xFFFFFFC0  }
0x45: {  	[tilespmem:s17], [sflag:$0x2] =	stream.indirect.gather [hbm4b:s4+s30], $0x80, s16, s30, $0xb8;
	[tilespmem:$0x1C800] =	vst v63  }
0x46: {  	_ =	swait.ge [sflag:s29], $0x40  }
0x47: {  	[sflag:s29] =	ssyncset.done $0x0  }
0x48: {  	[sflag:s29] =	ssyncadd.s32 $0xFFFFFFC0  }
0x49: {  	_ =	swait.ge [sflag:s29], $0x40  }
0x4a: {  	[sflag:s29] =	ssyncset.done $0x0  }
0x4b: {  	s18 =	simm.s32 $0x18800;
	[sflag:s29] =	ssyncadd.s32 $0xFFFFFFC0  }
0x4c: {  	[tilespmem:s18], [sflag:$0x2] =	stream.indirect.gather [hbm4b:s4+s30], $0x80, s31, s30, $0xb8;
	[tilespmem:$0x1C800] =	vst v63  }
0x4d: {  	_ =	swait.ge [sflag:s9], $0x2000  }
0x4e: {  	[sflag:s9] =	ssyncset.done $0x0  }
0x4f: {  	s21 =	simm.s32 $0x14280;
	s19 =	rddreg [dreg:$0x13];
	[sflag:s9] =	ssyncadd.s32 $0xFFFFE000  }
0x50: {  	[tilespmem:s21], [sflag:$0x1] =	stream.linear.gather [hbm4b:s19+s3], $0x40, $0x38;
	[tilespmem:$0x1C800] =	vst v63  }
0x51: {  	s23 =	simm.s32 $0x14680;
	s22 =	rddreg [dreg:$0x14]  }
0x52: {  	[tilespmem:s23], [sflag:$0x1] =	stream.linear.gather [hbm4b:s22+s3], $0x40, $0x38;
	[tilespmem:$0x1C800] =	vst v63  }
0x53: {  	_ =	swait.ge [sflag:s29], $0x40  }
0x54: {  	[sflag:s29] =	ssyncset.done $0x0  }
0x55: {  	[sflag:s29] =	ssyncadd.s32 $0xFFFFFFC0  }
0x56: {  	_ =	swait.ge [sflag:s29], $0x40  }
0x57: {  	[sflag:s29] =	ssyncset.done $0x0  }
0x58: {  	s24 =	simm.s32 $0x1A800;
	[sflag:s29] =	ssyncadd.s32 $0xFFFFFFC0  }
0x59: {  	[tilespmem:s24], [sflag:$0x2] =	stream.indirect.gather [hbm4b:s4+s30], $0x80, s1, s30, $0xb8;
	[tilespmem:$0x1C800] =	vst v63  }
0x5a: {  	_ = 	snop  }
0x5b: {  	[spmem:s2] =	stream.indirect.scatter.add.f32 [tilespmem:s8], [sflag:$0x3], $0x80, s15, s30, $0xb8;
	[tilespmem:$0x1C800] =	vst v63  }
0x5c: {  	_ =	swait.ge [sflag:s9], $0x2000  }
0x5d: {  	p1 =	sne.s32 s7, $0x2;
	s13 =	simm.s32 $0x2;
	[sflag:s9] =	ssyncset.done $0x0  }
0x5e: {  	s28 =	simm.s32 $0x8000;
	s14 =	simm.s32 $0xA00;
	[sflag:s9] =	ssyncadd.s32 $0xFFFFE000  }
0x5f: {  	s17 =	simm.s32 $0x300;
	s18 =	simm.s32 $0x20000;
	_ =	swait.ge [sflag:s10], $0x2000  }
0x60: {  	s19 =	simm.s32 $0x800;
	s29 =	simm.s32 $0x200;
	s26 =	rddreg [dreg:$0x3]  }
0x61: {  	s15 =	sadd.s32 $0x40, s25;
	[sflag:s10] =	ssyncset.done $0x0;
	s21 =	rddreg [dreg:$0x4]  }
0x62: {  	p2 =	slt.s32 s26, $0x1;
	[sflag:s10] =	ssyncadd.s32 $0xFFFFE000;
	p0 =	slt.s32 s21, $0x1  }
0x63: {  	s22 =	sand.u32 @!p2 $0x380, s17;
	s23 =	sshrl.u32 @!p2 s25, $0x3;
	s26 =	simm.s32 @!p2 $0x0  }
0x64: {  	s19 =	sand.u32 @!p0 $0xE00, s19;
	s16 =	sor.u32 @!p2 $0x14000, s22;
	s17 =	sadd.s32 @!p2 s5, s23  }
0x65: {  	s21 =	sor.u32 @!p2 $0x14400, s22;
	s22 =	sadd.s32 @!p2 s6, s23;
	s23 =	sand.u32 @!p0 $0x18000, s18  }
0x66: {  	[tilespmem:s16], [sflag:$0x1] =	stream.linear.gather @!p2 [hbm4b:s17+s26], $0x40, $0x38;
	[tilespmem:$0x1C800] =	vst v63  }
0x67: {  	s18 =	simm.s32 @!p0 $0x1;
	s16 =	simm.s32 $0x380;
	s17 =	simm.s32 $0x28000  }
0x68: {  	[tilespmem:s21], [sflag:$0x1] =	stream.linear.gather @!p2 [hbm4b:s22+s26], $0x40, $0x38;
	[tilespmem:$0x1C800] =	vst v63  }
.Ltmp0:
0x69: {  	s23 =	sshrl.u32 @!p0 s23, $0x2;
	_ =	swait.ge @!p0 [sflag:s18], $0x40;
	(pc) =	sbr.rel @!p1 .LBB2_3-.Ltmp0, $4  }
0x6a: {  	s21 =	sshrl.u32 @!p0 s19, $0x2;
	s19 =	sadd.s32 @!p0 $0x14800, s23;
	[sflag:s18] =	ssyncset.done @!p0 $0x0  }
0x6b: {  	s22 =	simm.s32 @!p0 $0x40;
	s26 =	sand.u32 $0xE00, s29;
	[sflag:s18] =	ssyncadd.s32 @!p0 $0xFFFFFFC0  }
0x6c: {  	s23 =	sand.u32 $0x18000, s28;
	s26 =	sshrl.u32 s26, $0x2;
	_ =	swait.ge @!p0 [sflag:s18], $0x40  }
0x6d: {  	s23 =	sshrl.u32 s23, $0x2;
	s26 =	sor.u32 $0x14400, s26;
	[sflag:s18] =	ssyncset.done @!p0 $0x0  }
.LBB2_2:
0x6e: {  	s21 =	sor.u32 @!p0 $0x14000, s21;
	[sflag:s18] =	ssyncadd.s32 @!p0 $0xFFFFFFC0  }
0x6f: {  	[tilespmem:s19], [sflag:$0x2] =	stream.indirect.gather @!p0 [hbm4b:s4+s22], $0x80, s21, s22, $0xb8;
	[tilespmem:$0x1C800] =	vst v63  }
0x70: {  	s23 =	sadd.s32 $0x14800, s23  }
0x71: {  	[spmem:s2] =	stream.indirect.scatter.add.f32 [tilespmem:s23], [sflag:$0x3], $0x80, s26, s30, $0xb8;
	[tilespmem:$0x1C800] =	vst v63  }
0x72: {  	s18 =	smov.u32 s13;
	s13 =	sadd.s32 $0x1, s13;
	_ =	swait.ge [sflag:s9], $0x2000  }
0x73: {  	s22 =	smov.u32 s14;
	p1 =	sne.s32 s7, s13;
	[sflag:s9] =	ssyncset.done $0x0  }
0x74: {  	s19 =	smov.u32 s15;
	s21 =	smov.u32 s16;
	[sflag:s9] =	ssyncadd.s32 $0xFFFFE000  }
0x75: {  	s14 =	sadd.s32 $0x200, s14;
	s15 =	sadd.s32 $0x40, s15;
	_ =	swait.ge [sflag:s10], $0x2000  }
0x76: {  	s16 =	sadd.s32 $0x80, s16;
	s23 =	smov.u32 s17;
	s24 =	rddreg [dreg:$0x3]  }
0x77: {  	s17 =	sadd.s32 $0x8000, s17;
	[sflag:s10] =	ssyncset.done $0x0;
	s28 =	rddreg [dreg:$0x4]  }
0x78: {  	[sflag:s10] =	ssyncadd.s32 $0xFFFFE000;
	p2 =	sgt.s32 s18, s24;
	p0 =	sgt.s32 s18, s28  }
0x79: {  	s21 =	sand.u32 @!p2 $0x380, s21;
	s19 =	sshrl.u32 @!p2 s19, $0x3;
	s26 =	simm.s32 @!p2 $0x0  }
0x7a: {  	s28 =	sand.u32 @!p0 $0xE00, s22;
	s18 =	simm.s32 @!p0 $0x1;
	s24 =	sor.u32 @!p2 $0x14000, s21  }
0x7b: {  	s29 =	sadd.s32 @!p2 s5, s19;
	s21 =	sor.u32 @!p2 $0x14400, s21;
	s19 =	sadd.s32 @!p2 s6, s19  }
0x7c: {  	[tilespmem:s24], [sflag:$0x1] =	stream.linear.gather @!p2 [hbm4b:s29+s26], $0x40, $0x38;
	[tilespmem:$0x1C800] =	vst v63  }
0x7d: {  	s24 =	sand.u32 @!p0 $0x18000, s23;
	s23 =	sadd.s32 $0xFFFE8000, s23;
	s29 =	sadd.s32 $0xFFFFFA00, s22  }
0x7e: {  	[tilespmem:s21], [sflag:$0x1] =	stream.linear.gather @!p2 [hbm4b:s19+s26], $0x40, $0x38;
	[tilespmem:$0x1C800] =	vst v63  }
.Ltmp1:
0x7f: {  	s22 =	simm.s32 @!p0 $0x40;
	_ =	swait.ge @!p0 [sflag:s18], $0x40;
	(pc) =	sbr.rel @p1 .LBB2_2-.Ltmp1, $4  }
0x80: {  	s24 =	sshrl.u32 @!p0 s24, $0x2;
	s23 =	sand.u32 $0x18000, s23;
	[sflag:s18] =	ssyncset.done @!p0 $0x0  }
0x81: {  	s19 =	sadd.s32 @!p0 $0x14800, s24;
	s24 =	sand.u32 $0xE00, s29;
	[sflag:s18] =	ssyncadd.s32 @!p0 $0xFFFFFFC0  }
0x82: {  	s21 =	sshrl.u32 @!p0 s28, $0x2;
	s24 =	sshrl.u32 s24, $0x2;
	_ =	swait.ge @!p0 [sflag:s18], $0x40  }
0x83: {  	s23 =	sshrl.u32 s23, $0x2;
	s26 =	sor.u32 $0x14400, s24;
	[sflag:s18] =	ssyncset.done @!p0 $0x0  }
.LBB2_3:
0x84: {  	s13 =	sor.u32 @!p0 $0x14000, s21;
	[sflag:s18] =	ssyncadd.s32 @!p0 $0xFFFFFFC0  }
0x85: {  	[tilespmem:s19], [sflag:$0x2] =	stream.indirect.gather @!p0 [hbm4b:s4+s22], $0x80, s13, s22, $0xb8;
	[tilespmem:$0x1C800] =	vst v63  }
0x86: {  	s24 =	sadd.s32 $0x14800, s23  }
0x87: {  	[spmem:s2] =	stream.indirect.scatter.add.f32 [tilespmem:s24], [sflag:$0x3], $0x80, s26, s30, $0xb8;
	[tilespmem:$0x1C800] =	vst v63  }
0x88: {  	_ =	swait.ge [sflag:s10], $0x2000  }
0x89: {  	[sflag:s10] =	ssyncset.done $0x0  }
0x8a: {  	[sflag:s10] =	ssyncadd.s32 $0xFFFFE000  }
0x8b: {  	[bflag:$0x0] =	sbarrier.arrive $0xFFFF  }
0x8c: {  	s28 =	rddreg [dreg:$0x11]  }
0x8d: {  	[hbm:s28], [sflag:s20] =	dma.local [spmem:s12], $0x2800  }
0x8e: {  	_ =	swait.ge [sflag:s0], $0x2800  }
0x8f: {  	s11 =	sadd.s32 $0x1, s11;
	s29 =	rddreg [dreg:$0x12]  }
0x90: {  	p0 =	sne.s32 s11, s29  }
.Ltmp2:
0x91: {  	_ = 	snop;
	(pc) =	sbr.rel @p0 .LBB2_1-.Ltmp2, $3  }
0x92: {  	_ =	sdelay $0x1  }
0x93: {  	[sflag:s0] =	ssyncset.done $0x0  }
0x94: {  	[sflag:s0] =	ssyncadd.s32 $0xFFFFD800  }
0x95: {  	_ =	sfence.sel $0x180000  }
0x96: {  	[bflag:$0x0] =	sbarrier.arrive $0xFFFF  }
0x97: {  	_ =	strace $0x9000004D  }
0x98: {  	s0 =	stileid.u32;
	[bflag:$0x2] =	sbarrier.arrive $0xFFFF  }
0x99: {  	p0 =	sne.s32 s0, $0x0;
	s0 =	rddreg [dreg:$0x2]  }
0x9a: {  	s0 =	sadd.s32 @!p0 $0x100000, s0  }
0x9b: {  	[sflag:s0] =	ssyncadd.tile.s32 @!p0 $0x1;
	_ =	shalt  }
.Lfunc_end2:
_tile_overlayer_lowered:
.L_overlay_start_2:
0x9c: {  	(tag) =	ssettag $0x2  }
0x9d: {  	s0 =	rddreg [dreg:$0x0];
	s2 =	stileid.u32  }
0x9e: {  	s1 =	rddreg [dreg:$0x1];
	p0 =	sne.s32 s2, $0x0  }
0x9f: {  	s3 =	rddreg [dreg:$0x2];
	[bflag:$0x3] =	sbarrier.arrive $0xFFFF;
	s2 =	simm.s32 @!p0 $0x1C04  }
0xa0: {  	[timem:s3], [sflag:s2] =	dma.local @!p0 [hbm:s0], s1  }
0xa1: {  	s0 =	simm.s32 @!p0 $0x4  }
0xa2: {  	_ =	swait.ge @!p0 [sflag:s0], s1  }
0xa3: {  	s1 =	ssub.s32 @!p0 $0x0, s1;
	[sflag:s0] =	ssyncset.done @!p0 $0x0  }
0xa4: {  	[sflag:s0] =	ssyncadd.s32 @!p0 s1  }
0xa5: {  	[bflag:$0x3] =	sbarrier.arrive $0xFFFF  }
0xa6: {  	_ =	shalt  }

// kernel: kernel.19.cloned.1.call-start
scs
__scs_entry_jumppad:
0x0: {  	(pc) =	sbr.rel $0x88, $3  }
0x1: {  	(tag) =	ssettag $0x0;
	lr =	simm.s32 $0x1  }
0x2: {  	[smem:$0x3F96] =	sst lr;
	_ =	strace $0xD0000000  }
0x3: {  	_ = 	snop  }
0x4: {  	_ = 	snop  }
0x5: {  	_ = 	snop  }
0x6: {  	_ = 	snop  }
0x7: {  	_ = 	snop  }
__scs_overlays_trampoline_lowered:
0x8: {  	[smem:$0x3FA5] =	sst s0  }
0x9: {  	[smem:$0x3FA6] =	sst s1  }
0xa: {  	[smem:$0x3FA7] =	sst s2  }
0xb: {  	[smem:$0x3FA8] =	sst s3  }
0xc: {  	[smem:$0x3FA9] =	sst s4  }
0xd: {  	[smem:$0x3FAA] =	sst s5  }
0xe: {  	[smem:$0x3FAB] =	sst s6  }
0xf: {  	[smem:$0x3FAC] =	sst s7  }
0x10: {  	[smem:$0x3FAD] =	sst s8  }
0x11: {  	[smem:$0x3FAE] =	sst s9;
	s0 =	simm.s32 @!p0 $0x0  }
0x12: {  	s1 =	sld [smem:$0x3F94];
	s0 =	simm.s32 @p0 $0x1  }
0x13: {  	[smem:$0x3FAF] =	sst s0;
	s0 =	simm.s32 @!p1 $0x0  }
0x14: {  	s2 =	sld [smem:$0x3F93];
	s0 =	simm.s32 @p1 $0x1  }
0x15: {  	[smem:$0x3FB0] =	sst s0;
	s0 =	simm.s32 @!p2 $0x0  }
0x16: {  	s3 =	sld [smem:$0x3FDB];
	s0 =	simm.s32 @p2 $0x1  }
0x17: {  	s4 =	simm.s32 $0x1BF5;
	[smem:$0x3FB2] =	sst s0  }
0x18: {  	s0 =	sld [smem:$0x3F95];
	_ =	swait.ge [sflag:s4], $0x0  }
0x19: {  	s7 =	sld [smem:$0x3F96]  }
0x1a: {  	s8 =	sadd.s32 $0xFFFFE003, lr  }
0x1b: {  	s9 =	sadd.s32 $0xFFFFFEF7, lr;
	s5 =	simm.s32 $0xFFFFFFFF;
	p2 =	slt.u32 s8, $0xFFFFF086  }
0x1c: {  	p1 =	slt.u32 s9, $0xF7A;
	s5 =	simm.s32 @!p2 $0x0  }
0x1d: {  	s5 =	simm.s32 @p1 $0x1;
	p0 =	seq.s32 s7, s2  }
0x1e: {  	s7 =	smul.u32 @!p0 $0xF7A, s2;
	p2 =	seq.s32 @!p0 s5, $0x0  }
0x1f: {  	s9 =	smul.u32 $0xF7A, s1;
	s8 =	simm.s32 @!p0 $0x1BF5;
	p2 =	por !p2, p0  }
0x20: {  	[sflag:s8] =	ssyncset.s32 @!p0 $0xFFFFF086;
	s6 =	sadd.s32 @!p0 s3, s7;
	s7 =	simm.s32 @!p0 $0x108  }
0x21: {  	s3 =	sadd.s32 s3, s9;
	s6 =	sadd.s32 @!p0 $0x88, s6;
	s7 =	simm.s32 @p2 $0x1082  }
0x22: {  	[simem:s7], [sflag:s8] =	dma.local @!p0 [hbm:s6], $0xF7A  }
0x23: {  	s9 =	sor.u32 $0xD0000000, s2;
	s6 =	simm.s32 $0x108;
	_ =	swait.ge @!p0 [sflag:s8], $0x0  }
0x24: {  	s3 =	sadd.s32 $0x88, s3;
	s6 =	simm.s32 @!p1 $0x1082;
	[sflag:s4] =	ssyncset.s32 $0xFFFFF086  }
0x25: {  	[simem:s6], [sflag:s4] =	dma.local [hbm:s3], $0xF7A  }
0x26: {  	[smem:$0x3F96] =	sst s1;
	(tag) =	ssettag s2;
	_ =	strace s9  }
0x27: {  	s1 =	sld [smem:$0x3FA6]  }
0x28: {  	s2 =	sld [smem:$0x3FA7]  }
0x29: {  	s4 =	sld [smem:$0x3FA9]  }
0x2a: {  	p0 =	seq.s32 s5, $0x0;
	s5 =	sld [smem:$0x3FAA]  }
0x2b: {  	s6 =	sld [smem:$0x3FAB]  }
0x2c: {  	s7 =	sld [smem:$0x3FAC]  }
0x2d: {  	s3 =	simm.s32 $0x108;
	s8 =	sld [smem:$0x3FAD]  }
0x2e: {  	s3 =	simm.s32 @!p0 $0x1082;
	s9 =	sld [smem:$0x3FAE]  }
0x2f: {  	lr =	sadd.s32 s0, s3;
	s0 =	sld [smem:$0x3FA5]  }
0x30: {  	s3 =	sld [smem:$0x3FA8]  }
0x31: {  	[smem:$0x3FB1] =	sst s10  }
0x32: {  	s10 =	sld [smem:$0x3FAF];
	_ =	sdelay $0x3  }
0x33: {  	p0 =	seq.s32 s10, $0x1;
	s10 =	sld [smem:$0x3FB1];
	_ =	sdelay $0x3  }
0x34: {  	[smem:$0x3FB1] =	sst s10  }
0x35: {  	s10 =	sld [smem:$0x3FB0];
	_ =	sdelay $0x3  }
0x36: {  	p1 =	seq.s32 s10, $0x1;
	s10 =	sld [smem:$0x3FB1];
	_ =	sdelay $0x3  }
0x37: {  	[smem:$0x3FB1] =	sst s10  }
0x38: {  	s10 =	sld [smem:$0x3FB2]  }
0x39: {  	_ = 	snop;
	(pc) =	sbr.ind lr, $3  }
0x3a: {  	_ = 	snop  }
0x3b: {  	_ = 	snop  }
0x3c: {  	p2 =	seq.s32 s10, $0x1;
	s10 =	sld [smem:$0x3FB1]  }
0x3d: {  	_ =	shalt  }
0x3e: {  	_ =	shalt  }
0x3f: {  	_ =	shalt  }
0x40: {  	_ =	shalt  }
0x41: {  	_ =	shalt  }
0x42: {  	_ =	shalt  }
0x43: {  	_ =	shalt  }
0x44: {  	_ =	shalt  }
0x45: {  	_ =	shalt  }
0x46: {  	_ =	shalt  }
0x47: {  	_ =	shalt  }
0x48: {  	_ =	shalt  }
0x49: {  	_ =	shalt  }
0x4a: {  	_ =	shalt  }
0x4b: {  	_ =	shalt  }
0x4c: {  	_ =	shalt  }
0x4d: {  	_ =	shalt  }
0x4e: {  	_ =	shalt  }
0x4f: {  	_ =	shalt  }
0x50: {  	_ =	shalt  }
0x51: {  	_ =	shalt  }
0x52: {  	_ =	shalt  }
0x53: {  	_ =	shalt  }
0x54: {  	_ =	shalt  }
0x55: {  	_ =	shalt  }
0x56: {  	_ =	shalt  }
0x57: {  	_ =	shalt  }
0x58: {  	_ =	shalt  }
0x59: {  	_ =	shalt  }
0x5a: {  	_ =	shalt  }
0x5b: {  	_ =	shalt  }
0x5c: {  	_ =	shalt  }
0x5d: {  	_ =	shalt  }
0x5e: {  	_ =	shalt  }
0x5f: {  	_ =	shalt  }
0x60: {  	_ =	shalt  }
0x61: {  	_ =	shalt  }
0x62: {  	_ =	shalt  }
0x63: {  	_ =	shalt  }
0x64: {  	_ =	shalt  }
0x65: {  	_ =	shalt  }
0x66: {  	_ =	shalt  }
0x67: {  	_ =	shalt  }
0x68: {  	_ =	shalt  }
0x69: {  	_ =	shalt  }
0x6a: {  	_ =	shalt  }
0x6b: {  	_ =	shalt  }
0x6c: {  	_ =	shalt  }
0x6d: {  	_ =	shalt  }
0x6e: {  	_ =	shalt  }
0x6f: {  	_ =	shalt  }
0x70: {  	_ =	shalt  }
0x71: {  	_ =	shalt  }
0x72: {  	_ =	shalt  }
0x73: {  	_ =	shalt  }
0x74: {  	_ =	shalt  }
0x75: {  	_ =	shalt  }
0x76: {  	_ =	shalt  }
0x77: {  	_ =	shalt  }
0x78: {  	_ =	shalt  }
0x79: {  	_ =	shalt  }
0x7a: {  	_ =	shalt  }
0x7b: {  	_ =	shalt  }
0x7c: {  	_ =	shalt  }
0x7d: {  	_ =	shalt  }
0x7e: {  	_ =	shalt  }
0x7f: {  	_ =	shalt  }
0x80: {  	_ =	shalt  }
0x81: {  	_ =	shalt  }
0x82: {  	_ =	shalt  }
0x83: {  	_ =	shalt  }
0x84: {  	_ =	shalt  }
0x85: {  	_ =	shalt  }
0x86: {  	_ =	shalt  }
0x87: {  	_ =	shalt  }
.Lfunc_end0:
.L_simem_size_0:
called_computation.3_lowered:
.L_overlay_start_0:
0x88: {  	s2 =	sld [smem:$0x3FD9]  }
0x89: {  	s3 =	sld [smem:$0x3FFE];
	_ =	sdelay $0x1  }
0x8a: {  	s1 =	srdreg.scid  }
0x8b: {  	s0 =	sand.u32 $0x1, s1  }
0x8c: {  	s16 =	sshll.u32 s0, $0xA;
	s2 =	sadd.s32 s3, s2  }
0x8d: {  	s2 =	sadd.s32 s2, s16  }
0x8e: {  	[smem:$0x3FBD] =	sst s2  }
0x8f: {  	_ = 	snop  }
0x90: {  	(tm) =	ssettm $0x1  }
0x91: {  	s17 =	sld [smem:$0x3FFB];
	_ =	sdelay $0x3  }
0x92: {  	_ =	strace s17  }
0x93: {  	s2 =	sld [smem:$0x3FFC];
	_ =	sdelay $0x3  }
0x94: {  	_ =	strace s2  }
0x95: {  	s2 =	sld [smem:$0x3FFD];
	_ =	sdelay $0x3  }
0x96: {  	_ =	strace s2  }
0x97: {  	_ =	strace $0x8FFFFFFF  }
0x98: {  	s18 =	sld [smem:$0x3FDB];
	_ =	sdelay $0x1  }
0x99: {  	s19 =	simm.s32 $_scs_section_size  }
0x9a: {  	s4 =	simm.s32 $_size__tile_overlayer_lowered;
	s5 =	simm.s32 $_tile_overlayer_lowered  }
0x9b: {  	s22 =	simm.s32 $0x1BFF;
	s21 =	sshll.u32 s5, $0x1;
	s2 =	sadd.s32 s19, s18  }
0x9c: {  	s6 =	simm.s32 $0x0;
	s20 =	sshll.u32 s4, $0x1;
	s4 =	sadd.s32 s21, s2  }
0x9d: {  	[timem:s6], [sflag:s22] =	dma.local [hbm:s4], s20  }
0x9e: {  	_ =	swait.ge [sflag:s22], s20  }
0x9f: {  	s3 =	ssub.s32 $0x0, s20;
	[sflag:s22] =	ssyncset.done $0x0  }
0xa0: {  	[sflag:s22] =	ssyncadd.s32 s3;
	_ =	sdelay $0x1  }
0xa1: {  	s23 =	simm.s32 $0x1B8B  }
0xa2: {  	_ =	swait.ge [sflag:s23], $0x1  }
0xa3: {  	[sflag:s23] =	ssyncset.done $0x0  }
0xa4: {  	s25 =	simm.s32 $0x1B8E;
	s24 =	sld [smem:$0x3FFE];
	[sflag:s23] =	ssyncadd.s32 $0xFFFFFFFF  }
0xa5: {  	s26 =	simm.s32 $execute0_lowered;
	[smem:$0x3FD2] =	sst s25  }
0xa6: {  	s4 =	sshll.u32 s26, $0x1;
	_ =	strace $0x8000004F;
	[dreg:$0x1] =	wrdreg $0xFFFFFFFF  }
0xa7: {  	s28 =	simm.s32 $_size_execute0_lowered;
	s2 =	sadd.s32 s2, s4;
	[dreg:$0x0] =	wrdreg $0x0  }
0xa8: {  	s4 =	sshll.u32 s28, $0x1;
	[dreg:$0x2] =	wrdreg s2  }
0xa9: {  	[dreg:$0x3] =	wrdreg s4  }
0xaa: {  	[dreg:$0x4] =	wrdreg $0xC0  }
0xab: {  	_ =	task [dreg:s6], $0x5FFFF  }
0xac: {  	[dreg:$0x1] =	wrdreg $0xFFFFFFFF  }
0xad: {  	[dreg:$0x0] =	wrdreg $0x60  }
0xae: {  	[dreg:$0x2] =	wrdreg s24  }
0xaf: {  	[dreg:$0x3] =	wrdreg $0x0  }
0xb0: {  	[dreg:$0x4] =	wrdreg $0x9  }
0xb1: {  	_ =	task.clear_ibuf [dreg:s6], $0x5FFFF;
	_ =	strace $0x9000004F  }
0xb2: {  	s29 =	simm.s32 $0x9;
	_ =	strace $0x80000051  }
0xb3: {  	_ =	swait.ge [sflag:s29], $0x1  }
0xb4: {  	[sflag:s29] =	ssyncadd.s32 $0xFFFFFFFF  }
0xb5: {  	_ =	strace $0x90000051  }
0xb6: {  	_ =	sfence  }
0xb7: {  	s30 =	sld [smem:$0x0];
	_ =	sdelay $0x2  }
0xb8: {  	s31 =	sshll.u32 s1, $0xD;
	s1 =	sshrl.u32 s1, $0x2  }
0xb9: {  	s3 =	sand.u32 $0x4000, s31;
	s1 =	sadd.s32 s1, s30  }
0xba: {  	s0 =	sor.u32 s3, s0;
	s1 =	sshll.u32 s1, $0x11  }
0xbb: {  	s0 =	sor.u32 s1, s0  }
0xbc: {  	s0 =	sadd.s32 $0x8F2B, s0  }
0xbd: {  	[sflag:s0] =	ssyncadd.remote.s32 $0x1  }
0xbe: {  	_ =	sfence.sel $0xFFFF  }
0xbf: {  	[dreg:$0x0] =	wrdreg $0xFFFFFFFF;
	(pc) =	sbr.abs _section_cstart, $3  }
0xc0: {  	[dreg:$0x1] =	wrdreg $0xFFFFFFFF  }
0xc1: {  	_ =	task.clear_ibuf [dreg:s6], $0x2FFFF;
	_ =	strace $0x9FFFFFFF  }
0xc2: {  	(tm) =	ssettm $0x7FFFFFFF  }
0xc3: {  	_ =	shalt  }
tec
execute0_lowered:
.L_overlay_start_1:
0x0: {  	(tag) =	ssettag $0x1  }
0x1: {  	s0 =	rddreg [dreg:$0x0]  }
0x2: {  	s2 =	rddreg [dreg:$0x1];
	s14 =	stileid.u32  }
0x3: {  	s1 =	srdreg.scid;
	s3 =	simm.s32 $0x0;
	s31 =	simm.s32 $0x14100  }
0x4: {  	s30 =	simm.s32 $0x40;
	s7 =	smul.u32 $0x2800, s14;
	s1 =	sand.u32 $0x1, s1  }
0x5: {  	[smem:$0x7FF] =	sst s3;
	s4 =	sadd.s32 $0x41000, s0;
	s5 =	sadd.s32 $0x91800, s0  }
0x6: {  	s6 =	sadd.s32 $0xF000, s0;
	s25 =	sshll.u32 s14, $0xC;
	s8 =	smul.u32 $0x28000, s1  }
0x7: {  	_ =	strace $0x80000050;
	s24 =	ssub.s32 $0x2, s1;
	p0 =	seq.s32 s1, $0x0  }
0x8: {  	s1 =	sshll.u32 s14, $0xE;
	s10 =	sor.u32 $0x40000, s25;
	s9 =	sadd.s32 s7, s0  }
0x9: {  	s11 =	sshrl.u32 s24, $0x1;
	s10 =	smov.u32 @p0 s1;
	s1 =	simm.s32 $0x14180  }
0xa: {  	s7 =	sadd.s32 s7, s8;
	s28 =	sshrl.u32 s10, $0x3;
	s9 =	sadd.s32 $0x19000, s9  }
0xb: {  	s26 =	ssub.s32 s24, s11;
	s29 =	sadd.s32 s5, s28;
	[dreg:$0x10] =	wrdreg s9  }
0xc: {  	s24 =	sshll.u32 s14, $0x6;
	s12 =	sadd.s32 s6, s28;
	[dreg:$0x5] =	wrdreg s29  }
0xd: {  	s13 =	sor.u32 $0x8, s28;
	s26 =	smax.u32 s26, $0x1;
	[dreg:$0x6] =	wrdreg s12  }
0xe: {  	s8 =	simm.s32 $0x14800;
	s12 =	sadd.s32 s5, s13;
	[dreg:$0x12] =	wrdreg s26  }
0xf: {  	s15 =	sor.u32 $0x10, s28;
	s11 =	sadd.s32 s6, s13;
	[dreg:$0x7] =	wrdreg s12  }
0x10: {  	s17 =	sor.u32 $0x18, s28;
	s16 =	sadd.s32 s5, s15;
	[dreg:$0x8] =	wrdreg s11  }
0x11: {  	s19 =	sor.u32 $0x20, s28;
	s18 =	sadd.s32 s5, s17;
	[dreg:$0x9] =	wrdreg s16  }
0x12: {  	s0 =	sadd.s32 s7, s0;
	s20 =	sadd.s32 s5, s19;
	[dreg:$0xb] =	wrdreg s18  }
0x13: {  	s28 =	sor.u32 $0x28, s28;
	s0 =	sadd.s32 $0x9B800, s0;
	[dreg:$0xd] =	wrdreg s20  }
0x14: {  	s7 =	simm.s32 $0x100;
	s29 =	sadd.s32 s5, s28;
	[dreg:$0x11] =	wrdreg s0  }
0x15: {  	s9 =	simm.s32 $0x2;
	s11 =	sadd.s32 s6, s15;
	[dreg:$0x13] =	wrdreg s29  }
0x16: {  	s7 =	simm.s32 @!p0 $0x40;
	s12 =	sadd.s32 s6, s17;
	[dreg:$0xa] =	wrdreg s11  }
0x17: {  	s13 =	smul.u32 $0x50000, s14;
	s23 =	sadd.s32 $0xFFFFFFFA, s7;
	[dreg:$0xc] =	wrdreg s12  }
0x18: {  	s25 =	sadd.s32 $0xFFFFFFFC, s7;
	s20 =	sor.u32 $0x1C04, s24;
	[dreg:$0x3] =	wrdreg s23  }
0x19: {  	s0 =	sadd.s32 s6, s28;
	s21 =	sshrl.u32 s13, $0x2;
	[dreg:$0x4] =	wrdreg s25  }
0x1a: {  	s11 =	sadd.s32 s6, s19;
	[dreg:$0x14] =	wrdreg s0;
	s25 =	sor.u32 $0x180, s10  }
0x1b: {  	s0 =	simm.s32 $0x4;
	[dreg:$0xe] =	wrdreg s11;
	s22 =	sadd.s32 s21, s2  }
0x1c: {  	s10 =	simm.s32 $0x3;
	s11 =	simm.s32 $0x0;
	[dreg:$0xf] =	wrdreg s22  }
.LBB2_1:
0x1d: {  	s12 =	rddreg [dreg:$0x5]  }
0x1e: {  	s22 =	rddreg [dreg:$0x6]  }
0x1f: {  	s14 =	simm.s32 $0x14000;
	s23 =	rddreg [dreg:$0x7]  }
0x20: {  	[tilespmem:s14], [sflag:$0x1] =	stream.linear.gather [hbm4b:s12+s3], $0x40, $0x38;
	[tilespmem:$0x1C800] =	vst v63  }
0x21: {  	s15 =	simm.s32 $0x14400;
	s24 =	rddreg [dreg:$0x8]  }
0x22: {  	[tilespmem:s15], [sflag:$0x1] =	stream.linear.gather [hbm4b:s22+s3], $0x40, $0x38;
	[tilespmem:$0x1C800] =	vst v63  }
0x23: {  	s16 =	simm.s32 $0x14080;
	s26 =	rddreg [dreg:$0x9]  }
0x24: {  	[tilespmem:s16], [sflag:$0x1] =	stream.linear.gather [hbm4b:s23+s3], $0x40, $0x38;
	[tilespmem:$0x1C800] =	vst v63  }
0x25: {  	s13 =	simm.s32 $0x14480;
	s28 =	rddreg [dreg:$0xa]  }
0x26: {  	[tilespmem:s13], [sflag:$0x1] =	stream.linear.gather [hbm4b:s24+s3], $0x40, $0x38;
	[tilespmem:$0x1C800] =	vst v63  }
0x27: {  	s17 =	rddreg [dreg:$0xb]  }
0x28: {  	[tilespmem:s31], [sflag:$0x1] =	stream.linear.gather [hbm4b:s26+s3], $0x40, $0x38;
	[tilespmem:$0x1C800] =	vst v63  }
0x29: {  	s29 =	simm.s32 $0x14500;
	s18 =	rddreg [dreg:$0xc]  }
0x2a: {  	[tilespmem:s29], [sflag:$0x1] =	stream.linear.gather [hbm4b:s28+s3], $0x40, $0x38;
	[tilespmem:$0x1C800] =	vst v63  }
0x2b: {  	s21 =	rddreg [dreg:$0xd]  }
0x2c: {  	[tilespmem:s1], [sflag:$0x1] =	stream.linear.gather [hbm4b:s17+s3], $0x40, $0x38;
	[tilespmem:$0x1C800] =	vst v63  }
0x2d: {  	s19 =	simm.s32 $0x14580;
	s23 =	rddreg [dreg:$0xe]  }
0x2e: {  	[tilespmem:s19], [sflag:$0x1] =	stream.linear.gather [hbm4b:s18+s3], $0x40, $0x38;
	[tilespmem:$0x1C800] =	vst v63  }
0x2f: {  	s22 =	simm.s32 $0x14200;
	s26 =	rddreg [dreg:$0xf]  }
0x30: {  	[tilespmem:s22], [sflag:$0x1] =	stream.linear.gather [hbm4b:s21+s3], $0x40, $0x38;
	[tilespmem:$0x1C800] =	vst v63  }
0x31: {  	s24 =	simm.s32 $0x14600;
	s12 =	sshrl.u32 s26, $0x3;
	s28 =	rddreg [dreg:$0x10]  }
0x32: {  	[tilespmem:s24], [sflag:$0x1] =	stream.linear.gather [hbm4b:s23+s3], $0x40, $0x38;
	[tilespmem:$0x1C800] =	vst v63  }
0x33: {  	[spmem:s12], [sflag:s20] =	dma.local [hbm:s28], $0x2800  }
0x34: {  	_ =	swait.ge [sflag:s0], $0x2800  }
0x35: {  	[sflag:s0] =	ssyncset.done $0x0  }
0x36: {  	[sflag:s0] =	ssyncadd.s32 $0xFFFFD800  }
0x37: {  	s29 =	simm.s32 $0x1;
	[bflag:$0x0] =	sbarrier.arrive $0xFFFF  }
0x38: {  	_ =	swait.ge [sflag:s29], $0x40  }
0x39: {  	[sflag:s29] =	ssyncset.done $0x0  }
0x3a: {  	[sflag:s29] =	ssyncadd.s32 $0xFFFFFFC0  }
0x3b: {  	_ =	swait.ge [sflag:s29], $0x40  }
0x3c: {  	[sflag:s29] =	ssyncset.done $0x0  }
0x3d: {  	[sflag:s29] =	ssyncadd.s32 $0xFFFFFFC0  }
0x3e: {  	[tilespmem:s8], [sflag:$0x2] =	stream.indirect.gather [hbm4b:s4+s30], $0x80, s14, s30, $0xb8;
	[tilespmem:$0x1C800] =	vst v63  }
0x3f: {  	_ =	swait.ge [sflag:s29], $0x40  }
0x40: {  	[sflag:s29] =	ssyncset.done $0x0  }
0x41: {  	[sflag:s29] =	ssyncadd.s32 $0xFFFFFFC0  }
0x42: {  	_ =	swait.ge [sflag:s29], $0x40  }
0x43: {  	[sflag:s29] =	ssyncset.done $0x0  }
0x44: {  	s17 =	simm.s32 $0x16800;
	[sflag:s29] =	ssyncadd.s32 $0xFFFFFFC0  }
0x45: {  	[tilespmem:s17], [sflag:$0x2] =	stream.indirect.gather [hbm4b:s4+s30], $0x80, s16, s30, $0xb8;
	[tilespmem:$0x1C800] =	vst v63  }
0x46: {  	_ =	swait.ge [sflag:s29], $0x40  }
0x47: {  	[sflag:s29] =	ssyncset.done $0x0  }
0x48: {  	[sflag:s29] =	ssyncadd.s32 $0xFFFFFFC0  }
0x49: {  	_ =	swait.ge [sflag:s29], $0x40  }
0x4a: {  	[sflag:s29] =	ssyncset.done $0x0  }
0x4b: {  	s18 =	simm.s32 $0x18800;
	[sflag:s29] =	ssyncadd.s32 $0xFFFFFFC0  }
0x4c: {  	[tilespmem:s18], [sflag:$0x2] =	stream.indirect.gather [hbm4b:s4+s30], $0x80, s31, s30, $0xb8;
	[tilespmem:$0x1C800] =	vst v63  }
0x4d: {  	_ =	swait.ge [sflag:s9], $0x2000  }
0x4e: {  	[sflag:s9] =	ssyncset.done $0x0  }
0x4f: {  	s21 =	simm.s32 $0x14280;
	s19 =	rddreg [dreg:$0x13];
	[sflag:s9] =	ssyncadd.s32 $0xFFFFE000  }
0x50: {  	[tilespmem:s21], [sflag:$0x1] =	stream.linear.gather [hbm4b:s19+s3], $0x40, $0x38;
	[tilespmem:$0x1C800] =	vst v63  }
0x51: {  	s23 =	simm.s32 $0x14680;
	s22 =	rddreg [dreg:$0x14]  }
0x52: {  	[tilespmem:s23], [sflag:$0x1] =	stream.linear.gather [hbm4b:s22+s3], $0x40, $0x38;
	[tilespmem:$0x1C800] =	vst v63  }
0x53: {  	_ =	swait.ge [sflag:s29], $0x40  }
0x54: {  	[sflag:s29] =	ssyncset.done $0x0  }
0x55: {  	[sflag:s29] =	ssyncadd.s32 $0xFFFFFFC0  }
0x56: {  	_ =	swait.ge [sflag:s29], $0x40  }
0x57: {  	[sflag:s29] =	ssyncset.done $0x0  }
0x58: {  	s24 =	simm.s32 $0x1A800;
	[sflag:s29] =	ssyncadd.s32 $0xFFFFFFC0  }
0x59: {  	[tilespmem:s24], [sflag:$0x2] =	stream.indirect.gather [hbm4b:s4+s30], $0x80, s1, s30, $0xb8;
	[tilespmem:$0x1C800] =	vst v63  }
0x5a: {  	_ = 	snop  }
0x5b: {  	[spmem:s2] =	stream.indirect.scatter.add.f32 [tilespmem:s8], [sflag:$0x3], $0x80, s15, s30, $0xb8;
	[tilespmem:$0x1C800] =	vst v63  }
0x5c: {  	_ =	swait.ge [sflag:s9], $0x2000  }
0x5d: {  	p1 =	sne.s32 s7, $0x2;
	s13 =	simm.s32 $0x2;
	[sflag:s9] =	ssyncset.done $0x0  }
0x5e: {  	s28 =	simm.s32 $0x8000;
	s14 =	simm.s32 $0xA00;
	[sflag:s9] =	ssyncadd.s32 $0xFFFFE000  }
0x5f: {  	s17 =	simm.s32 $0x300;
	s18 =	simm.s32 $0x20000;
	_ =	swait.ge [sflag:s10], $0x2000  }
0x60: {  	s19 =	simm.s32 $0x800;
	s29 =	simm.s32 $0x200;
	s26 =	rddreg [dreg:$0x3]  }
0x61: {  	s15 =	sadd.s32 $0x40, s25;
	[sflag:s10] =	ssyncset.done $0x0;
	s21 =	rddreg [dreg:$0x4]  }
0x62: {  	p2 =	slt.s32 s26, $0x1;
	[sflag:s10] =	ssyncadd.s32 $0xFFFFE000;
	p0 =	slt.s32 s21, $0x1  }
0x63: {  	s22 =	sand.u32 @!p2 $0x380, s17;
	s23 =	sshrl.u32 @!p2 s25, $0x3;
	s26 =	simm.s32 @!p2 $0x0  }
0x64: {  	s19 =	sand.u32 @!p0 $0xE00, s19;
	s16 =	sor.u32 @!p2 $0x14000, s22;
	s17 =	sadd.s32 @!p2 s5, s23  }
0x65: {  	s21 =	sor.u32 @!p2 $0x14400, s22;
	s22 =	sadd.s32 @!p2 s6, s23;
	s23 =	sand.u32 @!p0 $0x18000, s18  }
0x66: {  	[tilespmem:s16], [sflag:$0x1] =	stream.linear.gather @!p2 [hbm4b:s17+s26], $0x40, $0x38;
	[tilespmem:$0x1C800] =	vst v63  }
0x67: {  	s18 =	simm.s32 @!p0 $0x1;
	s16 =	simm.s32 $0x380;
	s17 =	simm.s32 $0x28000  }
0x68: {  	[tilespmem:s21], [sflag:$0x1] =	stream.linear.gather @!p2 [hbm4b:s22+s26], $0x40, $0x38;
	[tilespmem:$0x1C800] =	vst v63  }
.Ltmp0:
0x69: {  	s23 =	sshrl.u32 @!p0 s23, $0x2;
	_ =	swait.ge @!p0 [sflag:s18], $0x40;
	(pc) =	sbr.rel @!p1 .LBB2_3-.Ltmp0, $4  }
0x6a: {  	s21 =	sshrl.u32 @!p0 s19, $0x2;
	s19 =	sadd.s32 @!p0 $0x14800, s23;
	[sflag:s18] =	ssyncset.done @!p0 $0x0  }
0x6b: {  	s22 =	simm.s32 @!p0 $0x40;
	s26 =	sand.u32 $0xE00, s29;
	[sflag:s18] =	ssyncadd.s32 @!p0 $0xFFFFFFC0  }
0x6c: {  	s23 =	sand.u32 $0x18000, s28;
	s26 =	sshrl.u32 s26, $0x2;
	_ =	swait.ge @!p0 [sflag:s18], $0x40  }
0x6d: {  	s23 =	sshrl.u32 s23, $0x2;
	s26 =	sor.u32 $0x14400, s26;
	[sflag:s18] =	ssyncset.done @!p0 $0x0  }
.LBB2_2:
0x6e: {  	s21 =	sor.u32 @!p0 $0x14000, s21;
	[sflag:s18] =	ssyncadd.s32 @!p0 $0xFFFFFFC0  }
0x6f: {  	[tilespmem:s19], [sflag:$0x2] =	stream.indirect.gather @!p0 [hbm4b:s4+s22], $0x80, s21, s22, $0xb8;
	[tilespmem:$0x1C800] =	vst v63  }
0x70: {  	s23 =	sadd.s32 $0x14800, s23  }
0x71: {  	[spmem:s2] =	stream.indirect.scatter.add.f32 [tilespmem:s23], [sflag:$0x3], $0x80, s26, s30, $0xb8;
	[tilespmem:$0x1C800] =	vst v63  }
0x72: {  	s18 =	smov.u32 s13;
	s13 =	sadd.s32 $0x1, s13;
	_ =	swait.ge [sflag:s9], $0x2000  }
0x73: {  	s22 =	smov.u32 s14;
	p1 =	sne.s32 s7, s13;
	[sflag:s9] =	ssyncset.done $0x0  }
0x74: {  	s19 =	smov.u32 s15;
	s21 =	smov.u32 s16;
	[sflag:s9] =	ssyncadd.s32 $0xFFFFE000  }
0x75: {  	s14 =	sadd.s32 $0x200, s14;
	s15 =	sadd.s32 $0x40, s15;
	_ =	swait.ge [sflag:s10], $0x2000  }
0x76: {  	s16 =	sadd.s32 $0x80, s16;
	s23 =	smov.u32 s17;
	s24 =	rddreg [dreg:$0x3]  }
0x77: {  	s17 =	sadd.s32 $0x8000, s17;
	[sflag:s10] =	ssyncset.done $0x0;
	s28 =	rddreg [dreg:$0x4]  }
0x78: {  	[sflag:s10] =	ssyncadd.s32 $0xFFFFE000;
	p2 =	sgt.s32 s18, s24;
	p0 =	sgt.s32 s18, s28  }
0x79: {  	s21 =	sand.u32 @!p2 $0x380, s21;
	s19 =	sshrl.u32 @!p2 s19, $0x3;
	s26 =	simm.s32 @!p2 $0x0  }
0x7a: {  	s28 =	sand.u32 @!p0 $0xE00, s22;
	s18 =	simm.s32 @!p0 $0x1;
	s24 =	sor.u32 @!p2 $0x14000, s21  }
0x7b: {  	s29 =	sadd.s32 @!p2 s5, s19;
	s21 =	sor.u32 @!p2 $0x14400, s21;
	s19 =	sadd.s32 @!p2 s6, s19  }
0x7c: {  	[tilespmem:s24], [sflag:$0x1] =	stream.linear.gather @!p2 [hbm4b:s29+s26], $0x40, $0x38;
	[tilespmem:$0x1C800] =	vst v63  }
0x7d: {  	s24 =	sand.u32 @!p0 $0x18000, s23;
	s23 =	sadd.s32 $0xFFFE8000, s23;
	s29 =	sadd.s32 $0xFFFFFA00, s22  }
0x7e: {  	[tilespmem:s21], [sflag:$0x1] =	stream.linear.gather @!p2 [hbm4b:s19+s26], $0x40, $0x38;
	[tilespmem:$0x1C800] =	vst v63  }
.Ltmp1:
0x7f: {  	s22 =	simm.s32 @!p0 $0x40;
	_ =	swait.ge @!p0 [sflag:s18], $0x40;
	(pc) =	sbr.rel @p1 .LBB2_2-.Ltmp1, $4  }
0x80: {  	s24 =	sshrl.u32 @!p0 s24, $0x2;
	s23 =	sand.u32 $0x18000, s23;
	[sflag:s18] =	ssyncset.done @!p0 $0x0  }
0x81: {  	s19 =	sadd.s32 @!p0 $0x14800, s24;
	s24 =	sand.u32 $0xE00, s29;
	[sflag:s18] =	ssyncadd.s32 @!p0 $0xFFFFFFC0  }
0x82: {  	s21 =	sshrl.u32 @!p0 s28, $0x2;
	s24 =	sshrl.u32 s24, $0x2;
	_ =	swait.ge @!p0 [sflag:s18], $0x40  }
0x83: {  	s23 =	sshrl.u32 s23, $0x2;
	s26 =	sor.u32 $0x14400, s24;
	[sflag:s18] =	ssyncset.done @!p0 $0x0  }
.LBB2_3:
0x84: {  	s13 =	sor.u32 @!p0 $0x14000, s21;
	[sflag:s18] =	ssyncadd.s32 @!p0 $0xFFFFFFC0  }
0x85: {  	[tilespmem:s19], [sflag:$0x2] =	stream.indirect.gather @!p0 [hbm4b:s4+s22], $0x80, s13, s22, $0xb8;
	[tilespmem:$0x1C800] =	vst v63  }
0x86: {  	s24 =	sadd.s32 $0x14800, s23  }
0x87: {  	[spmem:s2] =	stream.indirect.scatter.add.f32 [tilespmem:s24], [sflag:$0x3], $0x80, s26, s30, $0xb8;
	[tilespmem:$0x1C800] =	vst v63  }
0x88: {  	_ =	swait.ge [sflag:s10], $0x2000  }
0x89: {  	[sflag:s10] =	ssyncset.done $0x0  }
0x8a: {  	[sflag:s10] =	ssyncadd.s32 $0xFFFFE000  }
0x8b: {  	[bflag:$0x0] =	sbarrier.arrive $0xFFFF  }
0x8c: {  	s28 =	rddreg [dreg:$0x11]  }
0x8d: {  	[hbm:s28], [sflag:s20] =	dma.local [spmem:s12], $0x2800  }
0x8e: {  	_ =	swait.ge [sflag:s0], $0x2800  }
0x8f: {  	s11 =	sadd.s32 $0x1, s11;
	s29 =	rddreg [dreg:$0x12]  }
0x90: {  	p0 =	sne.s32 s11, s29  }
.Ltmp2:
0x91: {  	_ = 	snop;
	(pc) =	sbr.rel @p0 .LBB2_1-.Ltmp2, $3  }
0x92: {  	_ =	sdelay $0x1  }
0x93: {  	[sflag:s0] =	ssyncset.done $0x0  }
0x94: {  	[sflag:s0] =	ssyncadd.s32 $0xFFFFD800  }
0x95: {  	_ =	sfence.sel $0x180000  }
0x96: {  	[bflag:$0x0] =	sbarrier.arrive $0xFFFF  }
0x97: {  	_ =	strace $0x90000050  }
0x98: {  	s0 =	stileid.u32;
	[bflag:$0x2] =	sbarrier.arrive $0xFFFF  }
0x99: {  	p0 =	sne.s32 s0, $0x0;
	s0 =	rddreg [dreg:$0x2]  }
0x9a: {  	s0 =	sadd.s32 @!p0 $0x100000, s0  }
0x9b: {  	[sflag:s0] =	ssyncadd.tile.s32 @!p0 $0x1;
	_ =	shalt  }
.Lfunc_end2:
_tile_overlayer_lowered:
.L_overlay_start_2:
0x9c: {  	(tag) =	ssettag $0x2  }
0x9d: {  	s0 =	rddreg [dreg:$0x0];
	s2 =	stileid.u32  }
0x9e: {  	s1 =	rddreg [dreg:$0x1];
	p0 =	sne.s32 s2, $0x0  }
0x9f: {  	s3 =	rddreg [dreg:$0x2];
	[bflag:$0x3] =	sbarrier.arrive $0xFFFF;
	s2 =	simm.s32 @!p0 $0x1C04  }
0xa0: {  	[timem:s3], [sflag:s2] =	dma.local @!p0 [hbm:s0], s1  }
0xa1: {  	s0 =	simm.s32 @!p0 $0x4  }
0xa2: {  	_ =	swait.ge @!p0 [sflag:s0], s1  }
0xa3: {  	s1 =	ssub.s32 @!p0 $0x0, s1;
	[sflag:s0] =	ssyncset.done @!p0 $0x0  }
0xa4: {  	[sflag:s0] =	ssyncadd.s32 @!p0 s1  }
0xa5: {  	[bflag:$0x3] =	sbarrier.arrive $0xFFFF  }
0xa6: {  	_ =	shalt  }

</sc_bundles>
